<compile_context>
chip_gen: v7x
topology: tpu7x:2x2x1
jax: 0.10.2.dev20260603
libtpu: 0.0.44.dev20260713+nightly
codegen_flags: <defaults>
</compile_context>

<pallas_src>
import functools

import jax
import jax.numpy as jnp
from jax import lax
from jax.experimental import pallas as pl
from jax.experimental.pallas import tpu as pltpu
from jax.experimental.pallas import tpu_sc as plsc

VOCAB = 1000000
D = 64
B = 16384
NUM_NS = 5

NC = 2
NS = 16
NW = NC * NS
B_PER_W = B // NW
CB = 128
NCHUNK = B_PER_W // CB
L = 16
BG = CB // L
OUT_PER_GROUP = L * NUM_NS


def _w2v_body(inp_hbm, tar_hbm, u_hbm, v_hbm, out_hbm,
              idx_u, idx_v, u_rows, v_rows, buf, out_c, sem):
    wid = lax.axis_index("s") * NC + lax.axis_index("c")
    base_b = wid * B_PER_W

    pltpu.sync_copy(inp_hbm.at[pl.ds(base_b, B_PER_W)], idx_u)
    pltpu.sync_copy(tar_hbm.at[pl.ds(base_b * NUM_NS, B_PER_W * NUM_NS)], idx_v)

    iota = lax.iota(jnp.int32, L)

    @pl.loop(0, NCHUNK)
    def _chunk(c):
        cb = c * CB
        cps = [pltpu.async_copy(u_hbm.at[idx_u.at[pl.ds(cb, CB)]], u_rows, sem)]
        for g in range(NUM_NS):
            cps.append(pltpu.async_copy(
                v_hbm.at[idx_v.at[pl.ds(cb * NUM_NS + g * CB, CB)]],
                v_rows.at[pl.ds(g * CB, CB)], sem))
        for cp in cps:
            cp.wait()

        @pl.loop(0, BG)
        def _group(bg):
            for bl in range(L):
                b = bg * L + bl
                u_parts = [u_rows[b, pl.ds(p * L, L)] for p in range(4)]
                for j in range(NUM_NS):
                    r = b * NUM_NS + j
                    t = u_parts[0] * v_rows[r, pl.ds(0, L)]
                    for p in range(1, 4):
                        t = t + u_parts[p] * v_rows[r, pl.ds(p * L, L)]
                    buf[pl.ds((bl * NUM_NS + j) * L, L)] = t
            for og in range(NUM_NS):
                base_idx = iota * L + og * (L * L)
                acc = plsc.load_gather(buf, [base_idx])
                for l in range(1, L):
                    acc = acc + plsc.load_gather(buf, [base_idx + l])
                out_c[pl.ds(bg * OUT_PER_GROUP + og * L, L)] = acc

        pltpu.sync_copy(
            out_c,
            out_hbm.at[pl.ds((base_b + c * CB) * NUM_NS, CB * NUM_NS)])


@jax.jit
def _w2v(inp_flat, tar_flat, U, V):
    mesh = plsc.VectorSubcoreMesh(core_axis_name="c", subcore_axis_name="s")
    k = functools.partial(
        pl.kernel,
        out_type=jax.ShapeDtypeStruct((B * NUM_NS,), jnp.float32),
        mesh=mesh,
        scratch_types=[
            pltpu.VMEM((B_PER_W,), jnp.int32),
            pltpu.VMEM((B_PER_W * NUM_NS,), jnp.int32),
            pltpu.VMEM((CB, D), jnp.float32),
            pltpu.VMEM((CB * NUM_NS, D), jnp.float32),
            pltpu.VMEM((OUT_PER_GROUP * L,), jnp.float32),
            pltpu.VMEM((CB * NUM_NS,), jnp.float32),
            pltpu.SemaphoreType.DMA,
        ],
        compiler_params=pltpu.CompilerParams(
            needs_layout_passes=False, use_tc_tiling_on_sc=False),
    )(_w2v_body)
    return k(inp_flat, tar_flat, U, V)


TP_BC = 32768
TP_H = TP_BC // 2
TP_GRID = -(-VOCAB // TP_BC)
TP_ROWS = TP_GRID * TP_H
VPAD = TP_ROWS * 2


def _tp_body(x_ref, o_ref):
    eye = jnp.eye(D, dtype=jnp.float32)
    o_ref[:, 0:D] = jax.lax.dot_general(
        x_ref[:, 0:TP_H], eye, (((0,), (0,)), ((), ())),
        preferred_element_type=jnp.float32)
    o_ref[:, D:2 * D] = jax.lax.dot_general(
        x_ref[:, TP_H:TP_BC], eye, (((0,), (0,)), ((), ())),
        preferred_element_type=jnp.float32)


def _tc_transpose(xt):
    w = pl.pallas_call(
        _tp_body,
        grid=(TP_GRID,),
        in_specs=[pl.BlockSpec((D, TP_BC), lambda i: (0, i))],
        out_specs=pl.BlockSpec((TP_H, 2 * D), lambda i: (i, 0)),
        out_shape=jax.ShapeDtypeStruct((TP_ROWS, 2 * D), jnp.float32),
    )(xt)
    return w.reshape(VPAD, D)


def _permute_idx(v):
    i = v // TP_BC
    r = v - i * TP_BC
    h = r // TP_H
    m = r - h * TP_H
    return i * TP_BC + 2 * m + h


def kernel(inp, tar, U, V):
    inp_flat = _permute_idx(inp.reshape(-1).astype(jnp.int32))
    tar_flat = _permute_idx(tar.reshape(-1).astype(jnp.int32))
    u_rm = _tc_transpose(jnp.swapaxes(U, 0, 1))
    v_rm = _tc_transpose(jnp.swapaxes(V, 0, 1))
    out_flat = _w2v(inp_flat, tar_flat, u_rm, v_rm)
    return out_flat.reshape(B, NUM_NS)

# --- scband reference (transcript-rebuilt; emitter-appended) ---
"""Pipeline reference for scband-word2-vec-39530878992454 (READ-ONLY COPY).

The authoritative reference and input builder live on the scoring server;
editing this copy changes nothing except your own understanding.
"""

import jax, jax.numpy as jnp
import numpy as np

VOCAB = 1000000
D_MODEL = 64
BATCH = 16384
NUM_NS = 5

def setup_inputs(seed: int = 0) -> dict:
    key = jax.random.key(seed)
    k1, k2, k3, k4 = jax.random.split(key, 4)
    inp = jax.random.randint(k1, (BATCH, 1), 0, VOCAB, dtype=jnp.int64) if jax.config.jax_enable_x64 else jax.random.randint(k1, (BATCH, 1), 0, VOCAB).astype(jnp.int32)
    tar = jax.random.randint(k2, (BATCH, NUM_NS), 0, VOCAB, dtype=jnp.int64) if jax.config.jax_enable_x64 else jax.random.randint(k2, (BATCH, NUM_NS), 0, VOCAB).astype(jnp.int32)
    U = jax.random.normal(k3, (VOCAB, D_MODEL), dtype=jnp.float32) * 0.05
    V = jax.random.normal(k4, (VOCAB, D_MODEL), dtype=jnp.float32) * 0.05
    return {"inp": inp, "tar": tar, "U": U, "V": V}

def reference(inp, tar, U, V):
    # inp: [B, 1] -> squeeze -> [B]; tar: [B, num_ns]
    inp_sq = jnp.squeeze(inp)
    u = jnp.take(U, inp_sq, axis=0)        # [B, d]
    v = jnp.take(V, tar, axis=0)           # [B, num_ns, d]
    # use_act=False, so no tanh
    logits = jnp.einsum('ik,ijk->ij', u, v)  # [B, num_ns]
    return logits

if __name__ == "__main__":
    import jax
    _d = setup_inputs()
    print(jax.jit(kernel)(*tuple(_d.values())))

</pallas_src>

<mosaic_0001>
#map = affine_map<(d0, d1) -> (0)>
#map1 = affine_map<(d0, d1) -> (0, 0)>
module attributes {stable_mosaic.version = 14 : i64} {
  func.func @_w2v_body(%arg0: i32, %arg1: i32, %arg2: memref<16384xi32, #tpu.memory_space<hbm>>, %arg3: memref<81920xi32, #tpu.memory_space<hbm>>, %arg4: memref<1015808x64xf32, #tpu.memory_space<hbm>>, %arg5: memref<1015808x64xf32, #tpu.memory_space<hbm>>, %arg6: memref<81920xf32, #tpu.memory_space<hbm>>, %arg7: memref<512xi32, #tpu.memory_space<vmem>>, %arg8: memref<2560xi32, #tpu.memory_space<vmem>>, %arg9: memref<128x64xf32, #tpu.memory_space<vmem>>, %arg10: memref<640x64xf32, #tpu.memory_space<vmem>>, %arg11: memref<1280xf32, #tpu.memory_space<vmem>>, %arg12: memref<640xf32, #tpu.memory_space<vmem>>, %arg13: memref<!tpu.dma_semaphore, #tpu.memory_space<semaphore_mem>>) attributes {dimension_semantics = [#tpu.dimension_semantics<core_parallel>, #tpu.dimension_semantics<subcore_parallel>], iteration_bounds = array<i64: 2, 16>, scalar_prefetch = 0 : i64, scratch_operands = 7 : i64, tpu.core_type = #tpu.core_type<sc_vector_subcore>, window_params = [{transform_indices = #map}, {transform_indices = #map}, {transform_indices = #map1}, {transform_indices = #map1}, {transform_indices = #map}]} {
    %mul3A = arith.constant 2 : i32
    %mul3A_0 = arith.muli %arg1, %mul3A : i32
    %add3A = arith.addi %mul3A_0, %arg0 : i32
    %mul3A_1 = arith.constant 512 : i32
    %mul3A_2 = arith.muli %add3A, %mul3A_1 : i32
    "tpu.region"() ({
      %run_scoped3A = tpu.sem_alloc : memref<!tpu.dma_semaphore, #tpu.memory_space<semaphore_mem>>
      %dma_start3A = tpu.memref_slice %arg2[%mul3A_2] : memref<16384xi32, #tpu.memory_space<hbm>> -> memref<512xi32, #tpu.memory_space<hbm>>
      %dma_start3A_9 = tpu.memref_slice %arg2[%mul3A_2] : memref<16384xi32, #tpu.memory_space<hbm>> -> memref<512xi32, #tpu.memory_space<hbm>>
      tpu.enqueue_dma source(%dma_start3A_9 : memref<512xi32, #tpu.memory_space<hbm>>) target(%arg7 : memref<512xi32, #tpu.memory_space<vmem>>) target_semaphore(%run_scoped3A : memref<!tpu.dma_semaphore, #tpu.memory_space<semaphore_mem>>)
      %dma_wait3A = tpu.memref_slice %arg2[%mul3A_2] : memref<16384xi32, #tpu.memory_space<hbm>> -> memref<512xi32, #tpu.memory_space<hbm>>
      %dma_wait3A_10 = tpu.memref_slice %arg2[%mul3A_2] : memref<16384xi32, #tpu.memory_space<hbm>> -> memref<512xi32, #tpu.memory_space<hbm>>
      tpu.wait_dma2 semaphore(%run_scoped3A : memref<!tpu.dma_semaphore, #tpu.memory_space<semaphore_mem>>) src(%dma_wait3A_10 : memref<512xi32, #tpu.memory_space<hbm>>) dst(%arg7 : memref<512xi32, #tpu.memory_space<vmem>>)
      tpu.yield
    }) : () -> ()
    %mul3A_3 = arith.constant 5 : i32
    %mul3A_4 = arith.muli %mul3A_2, %mul3A_3 : i32
    "tpu.region"() ({
      %run_scoped3A = tpu.sem_alloc : memref<!tpu.dma_semaphore, #tpu.memory_space<semaphore_mem>>
      %dma_start3A = tpu.memref_slice %arg3[%mul3A_4] : memref<81920xi32, #tpu.memory_space<hbm>> -> memref<2560xi32, #tpu.memory_space<hbm>>
      %dma_start3A_9 = tpu.memref_slice %arg3[%mul3A_4] : memref<81920xi32, #tpu.memory_space<hbm>> -> memref<2560xi32, #tpu.memory_space<hbm>>
      tpu.enqueue_dma source(%dma_start3A_9 : memref<2560xi32, #tpu.memory_space<hbm>>) target(%arg8 : memref<2560xi32, #tpu.memory_space<vmem>>) target_semaphore(%run_scoped3A : memref<!tpu.dma_semaphore, #tpu.memory_space<semaphore_mem>>)
      %dma_wait3A = tpu.memref_slice %arg3[%mul3A_4] : memref<81920xi32, #tpu.memory_space<hbm>> -> memref<2560xi32, #tpu.memory_space<hbm>>
      %dma_wait3A_10 = tpu.memref_slice %arg3[%mul3A_4] : memref<81920xi32, #tpu.memory_space<hbm>> -> memref<2560xi32, #tpu.memory_space<hbm>>
      tpu.wait_dma2 semaphore(%run_scoped3A : memref<!tpu.dma_semaphore, #tpu.memory_space<semaphore_mem>>) src(%dma_wait3A_10 : memref<2560xi32, #tpu.memory_space<hbm>>) dst(%arg8 : memref<2560xi32, #tpu.memory_space<vmem>>)
      tpu.yield
    }) : () -> ()
    %iota3A = tpu.iota {dimensions = array<i32: 0>} : vector<16xi32>
    %scan3A = arith.constant 0 : i32
    %scan3A_5 = arith.constant 4 : i32
    %scan3A_6 = arith.addi %scan3A, %scan3A_5 : i32
    %scan3A_7 = arith.constant 1 : i32
    scf.for %scan3A_9 = %scan3A to %scan3A_6 step %scan3A_7  : i32 {
      %mul3A_10 = arith.constant 1 : i32
      %mul3A_11 = arith.muli %scan3A_9, %mul3A_10 : i32
      %add3A_12 = arith.constant 0 : i32
      %add3A_13 = arith.addi %add3A_12, %mul3A_11 : i32
      %mul3A_14 = arith.constant 128 : i32
      %mul3A_15 = arith.muli %add3A_13, %mul3A_14 : i32
      %dma_start3A = tpu.memref_slice %arg7[%mul3A_15] : memref<512xi32, #tpu.memory_space<vmem>> -> memref<128xi32, #tpu.memory_space<vmem>>
      %dma_start3A_16 = arith.constant 0 : i32
      %dma_start3A_17 = arith.constant 0 : i32
      %dma_start3A_18 = tpu.memref_slice %arg4[%dma_start3A_16, %dma_start3A_17] : memref<1015808x64xf32, #tpu.memory_space<hbm>> -> memref<1015808x64xf32, #tpu.memory_space<hbm>>
      tpu.enqueue_indirect_dma source(%dma_start3A_18 : memref<1015808x64xf32, #tpu.memory_space<hbm>>) target(%arg9 : memref<128x64xf32, #tpu.memory_space<vmem>>) offsets(%dma_start3A : memref<128xi32, #tpu.memory_space<vmem>>) semaphore(%arg13 : memref<!tpu.dma_semaphore, #tpu.memory_space<semaphore_mem>>)
      %mul3A_19 = arith.constant 5 : i32
      %mul3A_20 = arith.muli %mul3A_15, %mul3A_19 : i32
      %add3A_21 = arith.constant 0 : i32
      %add3A_22 = arith.addi %mul3A_20, %add3A_21 : i32
      %dma_start3A_23 = arith.constant 0 : i32
      %dma_start3A_24 = arith.constant 0 : i32
      %dma_start3A_25 = tpu.memref_slice %arg10[%dma_start3A_23, %dma_start3A_24] : memref<640x64xf32, #tpu.memory_space<vmem>> -> memref<128x64xf32, #tpu.memory_space<vmem>>
      %dma_start3A_26 = tpu.memref_slice %arg8[%add3A_22] : memref<2560xi32, #tpu.memory_space<vmem>> -> memref<128xi32, #tpu.memory_space<vmem>>
      %dma_start3A_27 = arith.constant 0 : i32
      %dma_start3A_28 = arith.constant 0 : i32
      %dma_start3A_29 = tpu.memref_slice %arg5[%dma_start3A_27, %dma_start3A_28] : memref<1015808x64xf32, #tpu.memory_space<hbm>> -> memref<1015808x64xf32, #tpu.memory_space<hbm>>
      tpu.enqueue_indirect_dma source(%dma_start3A_29 : memref<1015808x64xf32, #tpu.memory_space<hbm>>) target(%dma_start3A_25 : memref<128x64xf32, #tpu.memory_space<vmem>>) offsets(%dma_start3A_26 : memref<128xi32, #tpu.memory_space<vmem>>) semaphore(%arg13 : memref<!tpu.dma_semaphore, #tpu.memory_space<semaphore_mem>>)
      %mul3A_30 = arith.constant 5 : i32
      %mul3A_31 = arith.muli %mul3A_15, %mul3A_30 : i32
      %add3A_32 = arith.constant 128 : i32
      %add3A_33 = arith.addi %mul3A_31, %add3A_32 : i32
      %dma_start3A_34 = arith.constant 128 : i32
      %dma_start3A_35 = arith.constant 0 : i32
      %dma_start3A_36 = tpu.memref_slice %arg10[%dma_start3A_34, %dma_start3A_35] : memref<640x64xf32, #tpu.memory_space<vmem>> -> memref<128x64xf32, #tpu.memory_space<vmem>>
      %dma_start3A_37 = tpu.memref_slice %arg8[%add3A_33] : memref<2560xi32, #tpu.memory_space<vmem>> -> memref<128xi32, #tpu.memory_space<vmem>>
      %dma_start3A_38 = arith.constant 0 : i32
      %dma_start3A_39 = arith.constant 0 : i32
      %dma_start3A_40 = tpu.memref_slice %arg5[%dma_start3A_38, %dma_start3A_39] : memref<1015808x64xf32, #tpu.memory_space<hbm>> -> memref<1015808x64xf32, #tpu.memory_space<hbm>>
      tpu.enqueue_indirect_dma source(%dma_start3A_40 : memref<1015808x64xf32, #tpu.memory_space<hbm>>) target(%dma_start3A_36 : memref<128x64xf32, #tpu.memory_space<vmem>>) offsets(%dma_start3A_37 : memref<128xi32, #tpu.memory_space<vmem>>) semaphore(%arg13 : memref<!tpu.dma_semaphore, #tpu.memory_space<semaphore_mem>>)
      %mul3A_41 = arith.constant 5 : i32
      %mul3A_42 = arith.muli %mul3A_15, %mul3A_41 : i32
      %add3A_43 = arith.constant 256 : i32
      %add3A_44 = arith.addi %mul3A_42, %add3A_43 : i32
      %dma_start3A_45 = arith.constant 256 : i32
      %dma_start3A_46 = arith.constant 0 : i32
      %dma_start3A_47 = tpu.memref_slice %arg10[%dma_start3A_45, %dma_start3A_46] : memref<640x64xf32, #tpu.memory_space<vmem>> -> memref<128x64xf32, #tpu.memory_space<vmem>>
      %dma_start3A_48 = tpu.memref_slice %arg8[%add3A_44] : memref<2560xi32, #tpu.memory_space<vmem>> -> memref<128xi32, #tpu.memory_space<vmem>>
      %dma_start3A_49 = arith.constant 0 : i32
      %dma_start3A_50 = arith.constant 0 : i32
      %dma_start3A_51 = tpu.memref_slice %arg5[%dma_start3A_49, %dma_start3A_50] : memref<1015808x64xf32, #tpu.memory_space<hbm>> -> memref<1015808x64xf32, #tpu.memory_space<hbm>>
      tpu.enqueue_indirect_dma source(%dma_start3A_51 : memref<1015808x64xf32, #tpu.memory_space<hbm>>) target(%dma_start3A_47 : memref<128x64xf32, #tpu.memory_space<vmem>>) offsets(%dma_start3A_48 : memref<128xi32, #tpu.memory_space<vmem>>) semaphore(%arg13 : memref<!tpu.dma_semaphore, #tpu.memory_space<semaphore_mem>>)
      %mul3A_52 = arith.constant 5 : i32
      %mul3A_53 = arith.muli %mul3A_15, %mul3A_52 : i32
      %add3A_54 = arith.constant 384 : i32
      %add3A_55 = arith.addi %mul3A_53, %add3A_54 : i32
      %dma_start3A_56 = arith.constant 384 : i32
      %dma_start3A_57 = arith.constant 0 : i32
      %dma_start3A_58 = tpu.memref_slice %arg10[%dma_start3A_56, %dma_start3A_57] : memref<640x64xf32, #tpu.memory_space<vmem>> -> memref<128x64xf32, #tpu.memory_space<vmem>>
      %dma_start3A_59 = tpu.memref_slice %arg8[%add3A_55] : memref<2560xi32, #tpu.memory_space<vmem>> -> memref<128xi32, #tpu.memory_space<vmem>>
      %dma_start3A_60 = arith.constant 0 : i32
      %dma_start3A_61 = arith.constant 0 : i32
      %dma_start3A_62 = tpu.memref_slice %arg5[%dma_start3A_60, %dma_start3A_61] : memref<1015808x64xf32, #tpu.memory_space<hbm>> -> memref<1015808x64xf32, #tpu.memory_space<hbm>>
      tpu.enqueue_indirect_dma source(%dma_start3A_62 : memref<1015808x64xf32, #tpu.memory_space<hbm>>) target(%dma_start3A_58 : memref<128x64xf32, #tpu.memory_space<vmem>>) offsets(%dma_start3A_59 : memref<128xi32, #tpu.memory_space<vmem>>) semaphore(%arg13 : memref<!tpu.dma_semaphore, #tpu.memory_space<semaphore_mem>>)
      %mul3A_63 = arith.constant 5 : i32
      %mul3A_64 = arith.muli %mul3A_15, %mul3A_63 : i32
      %add3A_65 = arith.constant 512 : i32
      %add3A_66 = arith.addi %mul3A_64, %add3A_65 : i32
      %dma_start3A_67 = arith.constant 512 : i32
      %dma_start3A_68 = arith.constant 0 : i32
      %dma_start3A_69 = tpu.memref_slice %arg10[%dma_start3A_67, %dma_start3A_68] : memref<640x64xf32, #tpu.memory_space<vmem>> -> memref<128x64xf32, #tpu.memory_space<vmem>>
      %dma_start3A_70 = tpu.memref_slice %arg8[%add3A_66] : memref<2560xi32, #tpu.memory_space<vmem>> -> memref<128xi32, #tpu.memory_space<vmem>>
      %dma_start3A_71 = arith.constant 0 : i32
      %dma_start3A_72 = arith.constant 0 : i32
      %dma_start3A_73 = tpu.memref_slice %arg5[%dma_start3A_71, %dma_start3A_72] : memref<1015808x64xf32, #tpu.memory_space<hbm>> -> memref<1015808x64xf32, #tpu.memory_space<hbm>>
      tpu.enqueue_indirect_dma source(%dma_start3A_73 : memref<1015808x64xf32, #tpu.memory_space<hbm>>) target(%dma_start3A_69 : memref<128x64xf32, #tpu.memory_space<vmem>>) offsets(%dma_start3A_70 : memref<128xi32, #tpu.memory_space<vmem>>) semaphore(%arg13 : memref<!tpu.dma_semaphore, #tpu.memory_space<semaphore_mem>>)
      %dma_wait3A = tpu.memref_slice %arg7[%mul3A_15] : memref<512xi32, #tpu.memory_space<vmem>> -> memref<128xi32, #tpu.memory_space<vmem>>
      %dma_wait3A_74 = arith.constant 0 : i32
      %dma_wait3A_75 = arith.constant 0 : i32
      %dma_wait3A_76 = tpu.memref_slice %arg4[%dma_wait3A_74, %dma_wait3A_75] : memref<1015808x64xf32, #tpu.memory_space<hbm>> -> memref<1015808x64xf32, #tpu.memory_space<hbm>>
      tpu.wait_indirect_dma semaphore(%arg13 : memref<!tpu.dma_semaphore, #tpu.memory_space<semaphore_mem>>) src(%dma_wait3A_76 : memref<1015808x64xf32, #tpu.memory_space<hbm>>) dst(%arg9 : memref<128x64xf32, #tpu.memory_space<vmem>>)
      %dma_wait3A_77 = arith.constant 0 : i32
      %dma_wait3A_78 = arith.constant 0 : i32
      %dma_wait3A_79 = tpu.memref_slice %arg10[%dma_wait3A_77, %dma_wait3A_78] : memref<640x64xf32, #tpu.memory_space<vmem>> -> memref<128x64xf32, #tpu.memory_space<vmem>>
      %dma_wait3A_80 = tpu.memref_slice %arg8[%add3A_22] : memref<2560xi32, #tpu.memory_space<vmem>> -> memref<128xi32, #tpu.memory_space<vmem>>
      %dma_wait3A_81 = arith.constant 0 : i32
      %dma_wait3A_82 = arith.constant 0 : i32
      %dma_wait3A_83 = tpu.memref_slice %arg5[%dma_wait3A_81, %dma_wait3A_82] : memref<1015808x64xf32, #tpu.memory_space<hbm>> -> memref<1015808x64xf32, #tpu.memory_space<hbm>>
      tpu.wait_indirect_dma semaphore(%arg13 : memref<!tpu.dma_semaphore, #tpu.memory_space<semaphore_mem>>) src(%dma_wait3A_83 : memref<1015808x64xf32, #tpu.memory_space<hbm>>) dst(%dma_wait3A_79 : memref<128x64xf32, #tpu.memory_space<vmem>>)
      %dma_wait3A_84 = arith.constant 128 : i32
      %dma_wait3A_85 = arith.constant 0 : i32
      %dma_wait3A_86 = tpu.memref_slice %arg10[%dma_wait3A_84, %dma_wait3A_85] : memref<640x64xf32, #tpu.memory_space<vmem>> -> memref<128x64xf32, #tpu.memory_space<vmem>>
      %dma_wait3A_87 = tpu.memref_slice %arg8[%add3A_33] : memref<2560xi32, #tpu.memory_space<vmem>> -> memref<128xi32, #tpu.memory_space<vmem>>
      %dma_wait3A_88 = arith.constant 0 : i32
      %dma_wait3A_89 = arith.constant 0 : i32
      %dma_wait3A_90 = tpu.memref_slice %arg5[%dma_wait3A_88, %dma_wait3A_89] : memref<1015808x64xf32, #tpu.memory_space<hbm>> -> memref<1015808x64xf32, #tpu.memory_space<hbm>>
      tpu.wait_indirect_dma semaphore(%arg13 : memref<!tpu.dma_semaphore, #tpu.memory_space<semaphore_mem>>) src(%dma_wait3A_90 : memref<1015808x64xf32, #tpu.memory_space<hbm>>) dst(%dma_wait3A_86 : memref<128x64xf32, #tpu.memory_space<vmem>>)
      %dma_wait3A_91 = arith.constant 256 : i32
      %dma_wait3A_92 = arith.constant 0 : i32
      %dma_wait3A_93 = tpu.memref_slice %arg10[%dma_wait3A_91, %dma_wait3A_92] : memref<640x64xf32, #tpu.memory_space<vmem>> -> memref<128x64xf32, #tpu.memory_space<vmem>>
      %dma_wait3A_94 = tpu.memref_slice %arg8[%add3A_44] : memref<2560xi32, #tpu.memory_space<vmem>> -> memref<128xi32, #tpu.memory_space<vmem>>
      %dma_wait3A_95 = arith.constant 0 : i32
      %dma_wait3A_96 = arith.constant 0 : i32
      %dma_wait3A_97 = tpu.memref_slice %arg5[%dma_wait3A_95, %dma_wait3A_96] : memref<1015808x64xf32, #tpu.memory_space<hbm>> -> memref<1015808x64xf32, #tpu.memory_space<hbm>>
      tpu.wait_indirect_dma semaphore(%arg13 : memref<!tpu.dma_semaphore, #tpu.memory_space<semaphore_mem>>) src(%dma_wait3A_97 : memref<1015808x64xf32, #tpu.memory_space<hbm>>) dst(%dma_wait3A_93 : memref<128x64xf32, #tpu.memory_space<vmem>>)
      %dma_wait3A_98 = arith.constant 384 : i32
      %dma_wait3A_99 = arith.constant 0 : i32
      %dma_wait3A_100 = tpu.memref_slice %arg10[%dma_wait3A_98, %dma_wait3A_99] : memref<640x64xf32, #tpu.memory_space<vmem>> -> memref<128x64xf32, #tpu.memory_space<vmem>>
      %dma_wait3A_101 = tpu.memref_slice %arg8[%add3A_55] : memref<2560xi32, #tpu.memory_space<vmem>> -> memref<128xi32, #tpu.memory_space<vmem>>
      %dma_wait3A_102 = arith.constant 0 : i32
      %dma_wait3A_103 = arith.constant 0 : i32
      %dma_wait3A_104 = tpu.memref_slice %arg5[%dma_wait3A_102, %dma_wait3A_103] : memref<1015808x64xf32, #tpu.memory_space<hbm>> -> memref<1015808x64xf32, #tpu.memory_space<hbm>>
      tpu.wait_indirect_dma semaphore(%arg13 : memref<!tpu.dma_semaphore, #tpu.memory_space<semaphore_mem>>) src(%dma_wait3A_104 : memref<1015808x64xf32, #tpu.memory_space<hbm>>) dst(%dma_wait3A_100 : memref<128x64xf32, #tpu.memory_space<vmem>>)
      %dma_wait3A_105 = arith.constant 512 : i32
      %dma_wait3A_106 = arith.constant 0 : i32
      %dma_wait3A_107 = tpu.memref_slice %arg10[%dma_wait3A_105, %dma_wait3A_106] : memref<640x64xf32, #tpu.memory_space<vmem>> -> memref<128x64xf32, #tpu.memory_space<vmem>>
      %dma_wait3A_108 = tpu.memref_slice %arg8[%add3A_66] : memref<2560xi32, #tpu.memory_space<vmem>> -> memref<128xi32, #tpu.memory_space<vmem>>
      %dma_wait3A_109 = arith.constant 0 : i32
      %dma_wait3A_110 = arith.constant 0 : i32
      %dma_wait3A_111 = tpu.memref_slice %arg5[%dma_wait3A_109, %dma_wait3A_110] : memref<1015808x64xf32, #tpu.memory_space<hbm>> -> memref<1015808x64xf32, #tpu.memory_space<hbm>>
      tpu.wait_indirect_dma semaphore(%arg13 : memref<!tpu.dma_semaphore, #tpu.memory_space<semaphore_mem>>) src(%dma_wait3A_111 : memref<1015808x64xf32, #tpu.memory_space<hbm>>) dst(%dma_wait3A_107 : memref<128x64xf32, #tpu.memory_space<vmem>>)
      %scan3A_112 = arith.constant 0 : i32
      %scan3A_113 = arith.constant 8 : i32
      %scan3A_114 = arith.addi %scan3A_112, %scan3A_113 : i32
      %scan3A_115 = arith.constant 1 : i32
      scf.for %scan3A_122 = %scan3A_112 to %scan3A_114 step %scan3A_115  : i32 {
        %mul3A_123 = arith.constant 1 : i32
        %mul3A_124 = arith.muli %scan3A_122, %mul3A_123 : i32
        %add3A_125 = arith.constant 0 : i32
        %add3A_126 = arith.addi %add3A_125, %mul3A_124 : i32
        %mul3A_127 = arith.constant 16 : i32
        %mul3A_128 = arith.muli %add3A_126, %mul3A_127 : i32
        %add3A_129 = arith.constant 0 : i32
        %add3A_130 = arith.addi %mul3A_128, %add3A_129 : i32
        %get3A = arith.index_cast %add3A_130 : i32 to index
        %get3A_131 = arith.constant 0 : index
        %get3A_132 = tpu.vector_load %arg9[%get3A, %get3A_131] {strides = array<i32>} : memref<128x64xf32, #tpu.memory_space<vmem>>, vector<16xf32>,
        %get3A_133 = arith.index_cast %add3A_130 : i32 to index
        %get3A_134 = arith.constant 16 : index
        %get3A_135 = tpu.vector_load %arg9[%get3A_133, %get3A_134] {strides = array<i32>} : memref<128x64xf32, #tpu.memory_space<vmem>>, vector<16xf32>,
        %get3A_136 = arith.index_cast %add3A_130 : i32 to index
        %get3A_137 = arith.constant 32 : index
        %get3A_138 = tpu.vector_load %arg9[%get3A_136, %get3A_137] {strides = array<i32>} : memref<128x64xf32, #tpu.memory_space<vmem>>, vector<16xf32>,
        %get3A_139 = arith.index_cast %add3A_130 : i32 to index
        %get3A_140 = arith.constant 48 : index
        %get3A_141 = tpu.vector_load %arg9[%get3A_139, %get3A_140] {strides = array<i32>} : memref<128x64xf32, #tpu.memory_space<vmem>>, vector<16xf32>,
        %mul3A_142 = arith.constant 5 : i32
        %mul3A_143 = arith.muli %add3A_130, %mul3A_142 : i32
        %add3A_144 = arith.constant 0 : i32
        %add3A_145 = arith.addi %mul3A_143, %add3A_144 : i32
        %get3A_146 = arith.index_cast %add3A_145 : i32 to index
        %get3A_147 = arith.constant 0 : index
        %get3A_148 = tpu.vector_load %arg10[%get3A_146, %get3A_147] {strides = array<i32>} : memref<640x64xf32, #tpu.memory_space<vmem>>, vector<16xf32>,
        %mul3A_149 = arith.mulf %get3A_132, %get3A_148 : vector<16xf32>
        %get3A_150 = arith.index_cast %add3A_145 : i32 to index
        %get3A_151 = arith.constant 16 : index
        %get3A_152 = tpu.vector_load %arg10[%get3A_150, %get3A_151] {strides = array<i32>} : memref<640x64xf32, #tpu.memory_space<vmem>>, vector<16xf32>,
        %mul3A_153 = arith.mulf %get3A_135, %get3A_152 : vector<16xf32>
        %add3A_154 = arith.addf %mul3A_149, %mul3A_153 : vector<16xf32>
        %get3A_155 = arith.index_cast %add3A_145 : i32 to index
        %get3A_156 = arith.constant 32 : index
        %get3A_157 = tpu.vector_load %arg10[%get3A_155, %get3A_156] {strides = array<i32>} : memref<640x64xf32, #tpu.memory_space<vmem>>, vector<16xf32>,
        %mul3A_158 = arith.mulf %get3A_138, %get3A_157 : vector<16xf32>
        %add3A_159 = arith.addf %add3A_154, %mul3A_158 : vector<16xf32>
        %get3A_160 = arith.index_cast %add3A_145 : i32 to index
        %get3A_161 = arith.constant 48 : index
        %get3A_162 = tpu.vector_load %arg10[%get3A_160, %get3A_161] {strides = array<i32>} : memref<640x64xf32, #tpu.memory_space<vmem>>, vector<16xf32>,
        %mul3A_163 = arith.mulf %get3A_141, %get3A_162 : vector<16xf32>
        %add3A_164 = arith.addf %add3A_159, %mul3A_163 : vector<16xf32>
        %swap3A = arith.constant 0 : index
        %swap3A_165 = tpu.vector_load %arg11[%swap3A] {strides = array<i32>} : memref<1280xf32, #tpu.memory_space<vmem>>, vector<16xf32>,
        tpu.vector_store %arg11[%swap3A], %add3A_164 {strides = array<i32>} : memref<1280xf32, #tpu.memory_space<vmem>>, vector<16xf32>,
        %mul3A_166 = arith.constant 5 : i32
        %mul3A_167 = arith.muli %add3A_130, %mul3A_166 : i32
        %add3A_168 = arith.constant 1 : i32
        %add3A_169 = arith.addi %mul3A_167, %add3A_168 : i32
        %get3A_170 = arith.index_cast %add3A_169 : i32 to index
        %get3A_171 = arith.constant 0 : index
        %get3A_172 = tpu.vector_load %arg10[%get3A_170, %get3A_171] {strides = array<i32>} : memref<640x64xf32, #tpu.memory_space<vmem>>, vector<16xf32>,
        %mul3A_173 = arith.mulf %get3A_132, %get3A_172 : vector<16xf32>
        %get3A_174 = arith.index_cast %add3A_169 : i32 to index
        %get3A_175 = arith.constant 16 : index
        %get3A_176 = tpu.vector_load %arg10[%get3A_174, %get3A_175] {strides = array<i32>} : memref<640x64xf32, #tpu.memory_space<vmem>>, vector<16xf32>,
        %mul3A_177 = arith.mulf %get3A_135, %get3A_176 : vector<16xf32>
        %add3A_178 = arith.addf %mul3A_173, %mul3A_177 : vector<16xf32>
        %get3A_179 = arith.index_cast %add3A_169 : i32 to index
        %get3A_180 = arith.constant 32 : index
        %get3A_181 = tpu.vector_load %arg10[%get3A_179, %get3A_180] {strides = array<i32>} : memref<640x64xf32, #tpu.memory_space<vmem>>, vector<16xf32>,
        %mul3A_182 = arith.mulf %get3A_138, %get3A_181 : vector<16xf32>
        %add3A_183 = arith.addf %add3A_178, %mul3A_182 : vector<16xf32>
        %get3A_184 = arith.index_cast %add3A_169 : i32 to index
        %get3A_185 = arith.constant 48 : index
        %get3A_186 = tpu.vector_load %arg10[%get3A_184, %get3A_185] {strides = array<i32>} : memref<640x64xf32, #tpu.memory_space<vmem>>, vector<16xf32>,
        %mul3A_187 = arith.mulf %get3A_141, %get3A_186 : vector<16xf32>
        %add3A_188 = arith.addf %add3A_183, %mul3A_187 : vector<16xf32>
        %swap3A_189 = arith.constant 16 : index
        %swap3A_190 = tpu.vector_load %arg11[%swap3A_189] {strides = array<i32>} : memref<1280xf32, #tpu.memory_space<vmem>>, vector<16xf32>,
        tpu.vector_store %arg11[%swap3A_189], %add3A_188 {strides = array<i32>} : memref<1280xf32, #tpu.memory_space<vmem>>, vector<16xf32>,
        %mul3A_191 = arith.constant 5 : i32
        %mul3A_192 = arith.muli %add3A_130, %mul3A_191 : i32
        %add3A_193 = arith.constant 2 : i32
        %add3A_194 = arith.addi %mul3A_192, %add3A_193 : i32
        %get3A_195 = arith.index_cast %add3A_194 : i32 to index
        %get3A_196 = arith.constant 0 : index
        %get3A_197 = tpu.vector_load %arg10[%get3A_195, %get3A_196] {strides = array<i32>} : memref<640x64xf32, #tpu.memory_space<vmem>>, vector<16xf32>,
        %mul3A_198 = arith.mulf %get3A_132, %get3A_197 : vector<16xf32>
        %get3A_199 = arith.index_cast %add3A_194 : i32 to index
        %get3A_200 = arith.constant 16 : index
        %get3A_201 = tpu.vector_load %arg10[%get3A_199, %get3A_200] {strides = array<i32>} : memref<640x64xf32, #tpu.memory_space<vmem>>, vector<16xf32>,
        %mul3A_202 = arith.mulf %get3A_135, %get3A_201 : vector<16xf32>
        %add3A_203 = arith.addf %mul3A_198, %mul3A_202 : vector<16xf32>
        %get3A_204 = arith.index_cast %add3A_194 : i32 to index
        %get3A_205 = arith.constant 32 : index
        %get3A_206 = tpu.vector_load %arg10[%get3A_204, %get3A_205] {strides = array<i32>} : memref<640x64xf32, #tpu.memory_space<vmem>>, vector<16xf32>,
        %mul3A_207 = arith.mulf %get3A_138, %get3A_206 : vector<16xf32>
        %add3A_208 = arith.addf %add3A_203, %mul3A_207 : vector<16xf32>
        %get3A_209 = arith.index_cast %add3A_194 : i32 to index
        %get3A_210 = arith.constant 48 : index
        %get3A_211 = tpu.vector_load %arg10[%get3A_209, %get3A_210] {strides = array<i32>} : memref<640x64xf32, #tpu.memory_space<vmem>>, vector<16xf32>,
        %mul3A_212 = arith.mulf %get3A_141, %get3A_211 : vector<16xf32>
        %add3A_213 = arith.addf %add3A_208, %mul3A_212 : vector<16xf32>
        %swap3A_214 = arith.constant 32 : index
        %swap3A_215 = tpu.vector_load %arg11[%swap3A_214] {strides = array<i32>} : memref<1280xf32, #tpu.memory_space<vmem>>, vector<16xf32>,
        tpu.vector_store %arg11[%swap3A_214], %add3A_213 {strides = array<i32>} : memref<1280xf32, #tpu.memory_space<vmem>>, vector<16xf32>,
        %mul3A_216 = arith.constant 5 : i32
        %mul3A_217 = arith.muli %add3A_130, %mul3A_216 : i32
        %add3A_218 = arith.constant 3 : i32
        %add3A_219 = arith.addi %mul3A_217, %add3A_218 : i32
        %get3A_220 = arith.index_cast %add3A_219 : i32 to index
        %get3A_221 = arith.constant 0 : index
        %get3A_222 = tpu.vector_load %arg10[%get3A_220, %get3A_221] {strides = array<i32>} : memref<640x64xf32, #tpu.memory_space<vmem>>, vector<16xf32>,
        %mul3A_223 = arith.mulf %get3A_132, %get3A_222 : vector<16xf32>
        %get3A_224 = arith.index_cast %add3A_219 : i32 to index
        %get3A_225 = arith.constant 16 : index
        %get3A_226 = tpu.vector_load %arg10[%get3A_224, %get3A_225] {strides = array<i32>} : memref<640x64xf32, #tpu.memory_space<vmem>>, vector<16xf32>,
        %mul3A_227 = arith.mulf %get3A_135, %get3A_226 : vector<16xf32>
        %add3A_228 = arith.addf %mul3A_223, %mul3A_227 : vector<16xf32>
        %get3A_229 = arith.index_cast %add3A_219 : i32 to index
        %get3A_230 = arith.constant 32 : index
        %get3A_231 = tpu.vector_load %arg10[%get3A_229, %get3A_230] {strides = array<i32>} : memref<640x64xf32, #tpu.memory_space<vmem>>, vector<16xf32>,
        %mul3A_232 = arith.mulf %get3A_138, %get3A_231 : vector<16xf32>
        %add3A_233 = arith.addf %add3A_228, %mul3A_232 : vector<16xf32>
        %get3A_234 = arith.index_cast %add3A_219 : i32 to index
        %get3A_235 = arith.constant 48 : index
        %get3A_236 = tpu.vector_load %arg10[%get3A_234, %get3A_235] {strides = array<i32>} : memref<640x64xf32, #tpu.memory_space<vmem>>, vector<16xf32>,
        %mul3A_237 = arith.mulf %get3A_141, %get3A_236 : vector<16xf32>
        %add3A_238 = arith.addf %add3A_233, %mul3A_237 : vector<16xf32>
        %swap3A_239 = arith.constant 48 : index
        %swap3A_240 = tpu.vector_load %arg11[%swap3A_239] {strides = array<i32>} : memref<1280xf32, #tpu.memory_space<vmem>>, vector<16xf32>,
        tpu.vector_store %arg11[%swap3A_239], %add3A_238 {strides = array<i32>} : memref<1280xf32, #tpu.memory_space<vmem>>, vector<16xf32>,
        %mul3A_241 = arith.constant 5 : i32
        %mul3A_242 = arith.muli %add3A_130, %mul3A_241 : i32
        %add3A_243 = arith.constant 4 : i32
        %add3A_244 = arith.addi %mul3A_242, %add3A_243 : i32
        %get3A_245 = arith.index_cast %add3A_244 : i32 to index
        %get3A_246 = arith.constant 0 : index
        %get3A_247 = tpu.vector_load %arg10[%get3A_245, %get3A_246] {strides = array<i32>} : memref<640x64xf32, #tpu.memory_space<vmem>>, vector<16xf32>,
        %mul3A_248 = arith.mulf %get3A_132, %get3A_247 : vector<16xf32>
        %get3A_249 = arith.index_cast %add3A_244 : i32 to index
        %get3A_250 = arith.constant 16 : index
        %get3A_251 = tpu.vector_load %arg10[%get3A_249, %get3A_250] {strides = array<i32>} : memref<640x64xf32, #tpu.memory_space<vmem>>, vector<16xf32>,
        %mul3A_252 = arith.mulf %get3A_135, %get3A_251 : vector<16xf32>
        %add3A_253 = arith.addf %mul3A_248, %mul3A_252 : vector<16xf32>
        %get3A_254 = arith.index_cast %add3A_244 : i32 to index
        %get3A_255 = arith.constant 32 : index
        %get3A_256 = tpu.vector_load %arg10[%get3A_254, %get3A_255] {strides = array<i32>} : memref<640x64xf32, #tpu.memory_space<vmem>>, vector<16xf32>,
        %mul3A_257 = arith.mulf %get3A_138, %get3A_256 : vector<16xf32>
        %add3A_258 = arith.addf %add3A_253, %mul3A_257 : vector<16xf32>
        %get3A_259 = arith.index_cast %add3A_244 : i32 to index
        %get3A_260 = arith.constant 48 : index
        %get3A_261 = tpu.vector_load %arg10[%get3A_259, %get3A_260] {strides = array<i32>} : memref<640x64xf32, #tpu.memory_space<vmem>>, vector<16xf32>,
        %mul3A_262 = arith.mulf %get3A_141, %get3A_261 : vector<16xf32>
        %add3A_263 = arith.addf %add3A_258, %mul3A_262 : vector<16xf32>
        %swap3A_264 = arith.constant 64 : index
        %swap3A_265 = tpu.vector_load %arg11[%swap3A_264] {strides = array<i32>} : memref<1280xf32, #tpu.memory_space<vmem>>, vector<16xf32>,
        tpu.vector_store %arg11[%swap3A_264], %add3A_263 {strides = array<i32>} : memref<1280xf32, #tpu.memory_space<vmem>>, vector<16xf32>,
        %mul3A_266 = arith.constant 16 : i32
        %mul3A_267 = arith.muli %add3A_126, %mul3A_266 : i32
        %add3A_268 = arith.constant 1 : i32
        %add3A_269 = arith.addi %mul3A_267, %add3A_268 : i32
        %get3A_270 = arith.index_cast %add3A_269 : i32 to index
        %get3A_271 = arith.constant 0 : index
        %get3A_272 = tpu.vector_load %arg9[%get3A_270, %get3A_271] {strides = array<i32>} : memref<128x64xf32, #tpu.memory_space<vmem>>, vector<16xf32>,
        %get3A_273 = arith.index_cast %add3A_269 : i32 to index
        %get3A_274 = arith.constant 16 : index
        %get3A_275 = tpu.vector_load %arg9[%get3A_273, %get3A_274] {strides = array<i32>} : memref<128x64xf32, #tpu.memory_space<vmem>>, vector<16xf32>,
        %get3A_276 = arith.index_cast %add3A_269 : i32 to index
        %get3A_277 = arith.constant 32 : index
        %get3A_278 = tpu.vector_load %arg9[%get3A_276, %get3A_277] {strides = array<i32>} : memref<128x64xf32, #tpu.memory_space<vmem>>, vector<16xf32>,
        %get3A_279 = arith.index_cast %add3A_269 : i32 to index
        %get3A_280 = arith.constant 48 : index
        %get3A_281 = tpu.vector_load %arg9[%get3A_279, %get3A_280] {strides = array<i32>} : memref<128x64xf32, #tpu.memory_space<vmem>>, vector<16xf32>,
        %mul3A_282 = arith.constant 5 : i32
        %mul3A_283 = arith.muli %add3A_269, %mul3A_282 : i32
        %add3A_284 = arith.constant 0 : i32
        %add3A_285 = arith.addi %mul3A_283, %add3A_284 : i32
        %get3A_286 = arith.index_cast %add3A_285 : i32 to index
        %get3A_287 = arith.constant 0 : index
        %get3A_288 = tpu.vector_load %arg10[%get3A_286, %get3A_287] {strides = array<i32>} : memref<640x64xf32, #tpu.memory_space<vmem>>, vector<16xf32>,
        %mul3A_289 = arith.mulf %get3A_272, %get3A_288 : vector<16xf32>
        %get3A_290 = arith.index_cast %add3A_285 : i32 to index
        %get3A_291 = arith.constant 16 : index
        %get3A_292 = tpu.vector_load %arg10[%get3A_290, %get3A_291] {strides = array<i32>} : memref<640x64xf32, #tpu.memory_space<vmem>>, vector<16xf32>,
        %mul3A_293 = arith.mulf %get3A_275, %get3A_292 : vector<16xf32>
        %add3A_294 = arith.addf %mul3A_289, %mul3A_293 : vector<16xf32>
        %get3A_295 = arith.index_cast %add3A_285 : i32 to index
        %get3A_296 = arith.constant 32 : index
        %get3A_297 = tpu.vector_load %arg10[%get3A_295, %get3A_296] {strides = array<i32>} : memref<640x64xf32, #tpu.memory_space<vmem>>, vector<16xf32>,
        %mul3A_298 = arith.mulf %get3A_278, %get3A_297 : vector<16xf32>
        %add3A_299 = arith.addf %add3A_294, %mul3A_298 : vector<16xf32>
        %get3A_300 = arith.index_cast %add3A_285 : i32 to index
        %get3A_301 = arith.constant 48 : index
        %get3A_302 = tpu.vector_load %arg10[%get3A_300, %get3A_301] {strides = array<i32>} : memref<640x64xf32, #tpu.memory_space<vmem>>, vector<16xf32>,
        %mul3A_303 = arith.mulf %get3A_281, %get3A_302 : vector<16xf32>
        %add3A_304 = arith.addf %add3A_299, %mul3A_303 : vector<16xf32>
        %swap3A_305 = arith.constant 80 : index
        %swap3A_306 = tpu.vector_load %arg11[%swap3A_305] {strides = array<i32>} : memref<1280xf32, #tpu.memory_space<vmem>>, vector<16xf32>,
        tpu.vector_store %arg11[%swap3A_305], %add3A_304 {strides = array<i32>} : memref<1280xf32, #tpu.memory_space<vmem>>, vector<16xf32>,
        %mul3A_307 = arith.constant 5 : i32
        %mul3A_308 = arith.muli %add3A_269, %mul3A_307 : i32
        %add3A_309 = arith.constant 1 : i32
        %add3A_310 = arith.addi %mul3A_308, %add3A_309 : i32
        %get3A_311 = arith.index_cast %add3A_310 : i32 to index
        %get3A_312 = arith.constant 0 : index
        %get3A_313 = tpu.vector_load %arg10[%get3A_311, %get3A_312] {strides = array<i32>} : memref<640x64xf32, #tpu.memory_space<vmem>>, vector<16xf32>,
        %mul3A_314 = arith.mulf %get3A_272, %get3A_313 : vector<16xf32>
        %get3A_315 = arith.index_cast %add3A_310 : i32 to index
        %get3A_316 = arith.constant 16 : index
        %get3A_317 = tpu.vector_load %arg10[%get3A_315, %get3A_316] {strides = array<i32>} : memref<640x64xf32, #tpu.memory_space<vmem>>, vector<16xf32>,
        %mul3A_318 = arith.mulf %get3A_275, %get3A_317 : vector<16xf32>
        %add3A_319 = arith.addf %mul3A_314, %mul3A_318 : vector<16xf32>
        %get3A_320 = arith.index_cast %add3A_310 : i32 to index
        %get3A_321 = arith.constant 32 : index
        %get3A_322 = tpu.vector_load %arg10[%get3A_320, %get3A_321] {strides = array<i32>} : memref<640x64xf32, #tpu.memory_space<vmem>>, vector<16xf32>,
        %mul3A_323 = arith.mulf %get3A_278, %get3A_322 : vector<16xf32>
        %add3A_324 = arith.addf %add3A_319, %mul3A_323 : vector<16xf32>
        %get3A_325 = arith.index_cast %add3A_310 : i32 to index
        %get3A_326 = arith.constant 48 : index
        %get3A_327 = tpu.vector_load %arg10[%get3A_325, %get3A_326] {strides = array<i32>} : memref<640x64xf32, #tpu.memory_space<vmem>>, vector<16xf32>,
        %mul3A_328 = arith.mulf %get3A_281, %get3A_327 : vector<16xf32>
        %add3A_329 = arith.addf %add3A_324, %mul3A_328 : vector<16xf32>
        %swap3A_330 = arith.constant 96 : index
        %swap3A_331 = tpu.vector_load %arg11[%swap3A_330] {strides = array<i32>} : memref<1280xf32, #tpu.memory_space<vmem>>, vector<16xf32>,
        tpu.vector_store %arg11[%swap3A_330], %add3A_329 {strides = array<i32>} : memref<1280xf32, #tpu.memory_space<vmem>>, vector<16xf32>,
        %mul3A_332 = arith.constant 5 : i32
        %mul3A_333 = arith.muli %add3A_269, %mul3A_332 : i32
        %add3A_334 = arith.constant 2 : i32
        %add3A_335 = arith.addi %mul3A_333, %add3A_334 : i32
        %get3A_336 = arith.index_cast %add3A_335 : i32 to index
        %get3A_337 = arith.constant 0 : index
        %get3A_338 = tpu.vector_load %arg10[%get3A_336, %get3A_337] {strides = array<i32>} : memref<640x64xf32, #tpu.memory_space<vmem>>, vector<16xf32>,
        %mul3A_339 = arith.mulf %get3A_272, %get3A_338 : vector<16xf32>
        %get3A_340 = arith.index_cast %add3A_335 : i32 to index
        %get3A_341 = arith.constant 16 : index
        %get3A_342 = tpu.vector_load %arg10[%get3A_340, %get3A_341] {strides = array<i32>} : memref<640x64xf32, #tpu.memory_space<vmem>>, vector<16xf32>,
        %mul3A_343 = arith.mulf %get3A_275, %get3A_342 : vector<16xf32>
        %add3A_344 = arith.addf %mul3A_339, %mul3A_343 : vector<16xf32>
        %get3A_345 = arith.index_cast %add3A_335 : i32 to index
        %get3A_346 = arith.constant 32 : index
        %get3A_347 = tpu.vector_load %arg10[%get3A_345, %get3A_346] {strides = array<i32>} : memref<640x64xf32, #tpu.memory_space<vmem>>, vector<16xf32>,
        %mul3A_348 = arith.mulf %get3A_278, %get3A_347 : vector<16xf32>
        %add3A_349 = arith.addf %add3A_344, %mul3A_348 : vector<16xf32>
        %get3A_350 = arith.index_cast %add3A_335 : i32 to index
        %get3A_351 = arith.constant 48 : index
        %get3A_352 = tpu.vector_load %arg10[%get3A_350, %get3A_351] {strides = array<i32>} : memref<640x64xf32, #tpu.memory_space<vmem>>, vector<16xf32>,
        %mul3A_353 = arith.mulf %get3A_281, %get3A_352 : vector<16xf32>
        %add3A_354 = arith.addf %add3A_349, %mul3A_353 : vector<16xf32>
        %swap3A_355 = arith.constant 112 : index
        %swap3A_356 = tpu.vector_load %arg11[%swap3A_355] {strides = array<i32>} : memref<1280xf32, #tpu.memory_space<vmem>>, vector<16xf32>,
        tpu.vector_store %arg11[%swap3A_355], %add3A_354 {strides = array<i32>} : memref<1280xf32, #tpu.memory_space<vmem>>, vector<16xf32>,
        %mul3A_357 = arith.constant 5 : i32
        %mul3A_358 = arith.muli %add3A_269, %mul3A_357 : i32
        %add3A_359 = arith.constant 3 : i32
        %add3A_360 = arith.addi %mul3A_358, %add3A_359 : i32
        %get3A_361 = arith.index_cast %add3A_360 : i32 to index
        %get3A_362 = arith.constant 0 : index
        %get3A_363 = tpu.vector_load %arg10[%get3A_361, %get3A_362] {strides = array<i32>} : memref<640x64xf32, #tpu.memory_space<vmem>>, vector<16xf32>,
        %mul3A_364 = arith.mulf %get3A_272, %get3A_363 : vector<16xf32>
        %get3A_365 = arith.index_cast %add3A_360 : i32 to index
        %get3A_366 = arith.constant 16 : index
        %get3A_367 = tpu.vector_load %arg10[%get3A_365, %get3A_366] {strides = array<i32>} : memref<640x64xf32, #tpu.memory_space<vmem>>, vector<16xf32>,
        %mul3A_368 = arith.mulf %get3A_275, %get3A_367 : vector<16xf32>
        %add3A_369 = arith.addf %mul3A_364, %mul3A_368 : vector<16xf32>
        %get3A_370 = arith.index_cast %add3A_360 : i32 to index
        %get3A_371 = arith.constant 32 : index
        %get3A_372 = tpu.vector_load %arg10[%get3A_370, %get3A_371] {strides = array<i32>} : memref<640x64xf32, #tpu.memory_space<vmem>>, vector<16xf32>,
        %mul3A_373 = arith.mulf %get3A_278, %get3A_372 : vector<16xf32>
        %add3A_374 = arith.addf %add3A_369, %mul3A_373 : vector<16xf32>
        %get3A_375 = arith.index_cast %add3A_360 : i32 to index
        %get3A_376 = arith.constant 48 : index
        %get3A_377 = tpu.vector_load %arg10[%get3A_375, %get3A_376] {strides = array<i32>} : memref<640x64xf32, #tpu.memory_space<vmem>>, vector<16xf32>,
        %mul3A_378 = arith.mulf %get3A_281, %get3A_377 : vector<16xf32>
        %add3A_379 = arith.addf %add3A_374, %mul3A_378 : vector<16xf32>
        %swap3A_380 = arith.constant 128 : index
        %swap3A_381 = tpu.vector_load %arg11[%swap3A_380] {strides = array<i32>} : memref<1280xf32, #tpu.memory_space<vmem>>, vector<16xf32>,
        tpu.vector_store %arg11[%swap3A_380], %add3A_379 {strides = array<i32>} : memref<1280xf32, #tpu.memory_space<vmem>>, vector<16xf32>,
        %mul3A_382 = arith.constant 5 : i32
        %mul3A_383 = arith.muli %add3A_269, %mul3A_382 : i32
        %add3A_384 = arith.constant 4 : i32
        %add3A_385 = arith.addi %mul3A_383, %add3A_384 : i32
        %get3A_386 = arith.index_cast %add3A_385 : i32 to index
        %get3A_387 = arith.constant 0 : index
        %get3A_388 = tpu.vector_load %arg10[%get3A_386, %get3A_387] {strides = array<i32>} : memref<640x64xf32, #tpu.memory_space<vmem>>, vector<16xf32>,
        %mul3A_389 = arith.mulf %get3A_272, %get3A_388 : vector<16xf32>
        %get3A_390 = arith.index_cast %add3A_385 : i32 to index
        %get3A_391 = arith.constant 16 : index
        %get3A_392 = tpu.vector_load %arg10[%get3A_390, %get3A_391] {strides = array<i32>} : memref<640x64xf32, #tpu.memory_space<vmem>>, vector<16xf32>,
        %mul3A_393 = arith.mulf %get3A_275, %get3A_392 : vector<16xf32>
        %add3A_394 = arith.addf %mul3A_389, %mul3A_393 : vector<16xf32>
        %get3A_395 = arith.index_cast %add3A_385 : i32 to index
        %get3A_396 = arith.constant 32 : index
        %get3A_397 = tpu.vector_load %arg10[%get3A_395, %get3A_396] {strides = array<i32>} : memref<640x64xf32, #tpu.memory_space<vmem>>, vector<16xf32>,
        %mul3A_398 = arith.mulf %get3A_278, %get3A_397 : vector<16xf32>
        %add3A_399 = arith.addf %add3A_394, %mul3A_398 : vector<16xf32>
        %get3A_400 = arith.index_cast %add3A_385 : i32 to index
        %get3A_401 = arith.constant 48 : index
        %get3A_402 = tpu.vector_load %arg10[%get3A_400, %get3A_401] {strides = array<i32>} : memref<640x64xf32, #tpu.memory_space<vmem>>, vector<16xf32>,
        %mul3A_403 = arith.mulf %get3A_281, %get3A_402 : vector<16xf32>
        %add3A_404 = arith.addf %add3A_399, %mul3A_403 : vector<16xf32>
        %swap3A_405 = arith.constant 144 : index
        %swap3A_406 = tpu.vector_load %arg11[%swap3A_405] {strides = array<i32>} : memref<1280xf32, #tpu.memory_space<vmem>>, vector<16xf32>,
        tpu.vector_store %arg11[%swap3A_405], %add3A_404 {strides = array<i32>} : memref<1280xf32, #tpu.memory_space<vmem>>, vector<16xf32>,
        %mul3A_407 = arith.constant 16 : i32
        %mul3A_408 = arith.muli %add3A_126, %mul3A_407 : i32
        %add3A_409 = arith.constant 2 : i32
        %add3A_410 = arith.addi %mul3A_408, %add3A_409 : i32
        %get3A_411 = arith.index_cast %add3A_410 : i32 to index
        %get3A_412 = arith.constant 0 : index
        %get3A_413 = tpu.vector_load %arg9[%get3A_411, %get3A_412] {strides = array<i32>} : memref<128x64xf32, #tpu.memory_space<vmem>>, vector<16xf32>,
        %get3A_414 = arith.index_cast %add3A_410 : i32 to index
        %get3A_415 = arith.constant 16 : index
        %get3A_416 = tpu.vector_load %arg9[%get3A_414, %get3A_415] {strides = array<i32>} : memref<128x64xf32, #tpu.memory_space<vmem>>, vector<16xf32>,
        %get3A_417 = arith.index_cast %add3A_410 : i32 to index
        %get3A_418 = arith.constant 32 : index
        %get3A_419 = tpu.vector_load %arg9[%get3A_417, %get3A_418] {strides = array<i32>} : memref<128x64xf32, #tpu.memory_space<vmem>>, vector<16xf32>,
        %get3A_420 = arith.index_cast %add3A_410 : i32 to index
        %get3A_421 = arith.constant 48 : index
        %get3A_422 = tpu.vector_load %arg9[%get3A_420, %get3A_421] {strides = array<i32>} : memref<128x64xf32, #tpu.memory_space<vmem>>, vector<16xf32>,
        %mul3A_423 = arith.constant 5 : i32
        %mul3A_424 = arith.muli %add3A_410, %mul3A_423 : i32
        %add3A_425 = arith.constant 0 : i32
        %add3A_426 = arith.addi %mul3A_424, %add3A_425 : i32
        %get3A_427 = arith.index_cast %add3A_426 : i32 to index
        %get3A_428 = arith.constant 0 : index
        %get3A_429 = tpu.vector_load %arg10[%get3A_427, %get3A_428] {strides = array<i32>} : memref<640x64xf32, #tpu.memory_space<vmem>>, vector<16xf32>,
        %mul3A_430 = arith.mulf %get3A_413, %get3A_429 : vector<16xf32>
        %get3A_431 = arith.index_cast %add3A_426 : i32 to index
        %get3A_432 = arith.constant 16 : index
        %get3A_433 = tpu.vector_load %arg10[%get3A_431, %get3A_432] {strides = array<i32>} : memref<640x64xf32, #tpu.memory_space<vmem>>, vector<16xf32>,
        %mul3A_434 = arith.mulf %get3A_416, %get3A_433 : vector<16xf32>
        %add3A_435 = arith.addf %mul3A_430, %mul3A_434 : vector<16xf32>
        %get3A_436 = arith.index_cast %add3A_426 : i32 to index
        %get3A_437 = arith.constant 32 : index
        %get3A_438 = tpu.vector_load %arg10[%get3A_436, %get3A_437] {strides = array<i32>} : memref<640x64xf32, #tpu.memory_space<vmem>>, vector<16xf32>,
        %mul3A_439 = arith.mulf %get3A_419, %get3A_438 : vector<16xf32>
        %add3A_440 = arith.addf %add3A_435, %mul3A_439 : vector<16xf32>
        %get3A_441 = arith.index_cast %add3A_426 : i32 to index
        %get3A_442 = arith.constant 48 : index
        %get3A_443 = tpu.vector_load %arg10[%get3A_441, %get3A_442] {strides = array<i32>} : memref<640x64xf32, #tpu.memory_space<vmem>>, vector<16xf32>,
        %mul3A_444 = arith.mulf %get3A_422, %get3A_443 : vector<16xf32>
        %add3A_445 = arith.addf %add3A_440, %mul3A_444 : vector<16xf32>
        %swap3A_446 = arith.constant 160 : index
        %swap3A_447 = tpu.vector_load %arg11[%swap3A_446] {strides = array<i32>} : memref<1280xf32, #tpu.memory_space<vmem>>, vector<16xf32>,
        tpu.vector_store %arg11[%swap3A_446], %add3A_445 {strides = array<i32>} : memref<1280xf32, #tpu.memory_space<vmem>>, vector<16xf32>,
        %mul3A_448 = arith.constant 5 : i32
        %mul3A_449 = arith.muli %add3A_410, %mul3A_448 : i32
        %add3A_450 = arith.constant 1 : i32
        %add3A_451 = arith.addi %mul3A_449, %add3A_450 : i32
        %get3A_452 = arith.index_cast %add3A_451 : i32 to index
        %get3A_453 = arith.constant 0 : index
        %get3A_454 = tpu.vector_load %arg10[%get3A_452, %get3A_453] {strides = array<i32>} : memref<640x64xf32, #tpu.memory_space<vmem>>, vector<16xf32>,
        %mul3A_455 = arith.mulf %get3A_413, %get3A_454 : vector<16xf32>
        %get3A_456 = arith.index_cast %add3A_451 : i32 to index
        %get3A_457 = arith.constant 16 : index
        %get3A_458 = tpu.vector_load %arg10[%get3A_456, %get3A_457] {strides = array<i32>} : memref<640x64xf32, #tpu.memory_space<vmem>>, vector<16xf32>,
        %mul3A_459 = arith.mulf %get3A_416, %get3A_458 : vector<16xf32>
        %add3A_460 = arith.addf %mul3A_455, %mul3A_459 : vector<16xf32>
        %get3A_461 = arith.index_cast %add3A_451 : i32 to index
        %get3A_462 = arith.constant 32 : index
        %get3A_463 = tpu.vector_load %arg10[%get3A_461, %get3A_462] {strides = array<i32>} : memref<640x64xf32, #tpu.memory_space<vmem>>, vector<16xf32>,
        %mul3A_464 = arith.mulf %get3A_419, %get3A_463 : vector<16xf32>
        %add3A_465 = arith.addf %add3A_460, %mul3A_464 : vector<16xf32>
        %get3A_466 = arith.index_cast %add3A_451 : i32 to index
        %get3A_467 = arith.constant 48 : index
        %get3A_468 = tpu.vector_load %arg10[%get3A_466, %get3A_467] {strides = array<i32>} : memref<640x64xf32, #tpu.memory_space<vmem>>, vector<16xf32>,
        %mul3A_469 = arith.mulf %get3A_422, %get3A_468 : vector<16xf32>
        %add3A_470 = arith.addf %add3A_465, %mul3A_469 : vector<16xf32>
        %swap3A_471 = arith.constant 176 : index
        %swap3A_472 = tpu.vector_load %arg11[%swap3A_471] {strides = array<i32>} : memref<1280xf32, #tpu.memory_space<vmem>>, vector<16xf32>,
        tpu.vector_store %arg11[%swap3A_471], %add3A_470 {strides = array<i32>} : memref<1280xf32, #tpu.memory_space<vmem>>, vector<16xf32>,
        %mul3A_473 = arith.constant 5 : i32
        %mul3A_474 = arith.muli %add3A_410, %mul3A_473 : i32
        %add3A_475 = arith.constant 2 : i32
        %add3A_476 = arith.addi %mul3A_474, %add3A_475 : i32
        %get3A_477 = arith.index_cast %add3A_476 : i32 to index
        %get3A_478 = arith.constant 0 : index
        %get3A_479 = tpu.vector_load %arg10[%get3A_477, %get3A_478] {strides = array<i32>} : memref<640x64xf32, #tpu.memory_space<vmem>>, vector<16xf32>,
        %mul3A_480 = arith.mulf %get3A_413, %get3A_479 : vector<16xf32>
        %get3A_481 = arith.index_cast %add3A_476 : i32 to index
        %get3A_482 = arith.constant 16 : index
        %get3A_483 = tpu.vector_load %arg10[%get3A_481, %get3A_482] {strides = array<i32>} : memref<640x64xf32, #tpu.memory_space<vmem>>, vector<16xf32>,
        %mul3A_484 = arith.mulf %get3A_416, %get3A_483 : vector<16xf32>
        %add3A_485 = arith.addf %mul3A_480, %mul3A_484 : vector<16xf32>
        %get3A_486 = arith.index_cast %add3A_476 : i32 to index
        %get3A_487 = arith.constant 32 : index
        %get3A_488 = tpu.vector_load %arg10[%get3A_486, %get3A_487] {strides = array<i32>} : memref<640x64xf32, #tpu.memory_space<vmem>>, vector<16xf32>,
        %mul3A_489 = arith.mulf %get3A_419, %get3A_488 : vector<16xf32>
        %add3A_490 = arith.addf %add3A_485, %mul3A_489 : vector<16xf32>
        %get3A_491 = arith.index_cast %add3A_476 : i32 to index
        %get3A_492 = arith.constant 48 : index
        %get3A_493 = tpu.vector_load %arg10[%get3A_491, %get3A_492] {strides = array<i32>} : memref<640x64xf32, #tpu.memory_space<vmem>>, vector<16xf32>,
        %mul3A_494 = arith.mulf %get3A_422, %get3A_493 : vector<16xf32>
        %add3A_495 = arith.addf %add3A_490, %mul3A_494 : vector<16xf32>
        %swap3A_496 = arith.constant 192 : index
        %swap3A_497 = tpu.vector_load %arg11[%swap3A_496] {strides = array<i32>} : memref<1280xf32, #tpu.memory_space<vmem>>, vector<16xf32>,
        tpu.vector_store %arg11[%swap3A_496], %add3A_495 {strides = array<i32>} : memref<1280xf32, #tpu.memory_space<vmem>>, vector<16xf32>,
        %mul3A_498 = arith.constant 5 : i32
        %mul3A_499 = arith.muli %add3A_410, %mul3A_498 : i32
        %add3A_500 = arith.constant 3 : i32
        %add3A_501 = arith.addi %mul3A_499, %add3A_500 : i32
        %get3A_502 = arith.index_cast %add3A_501 : i32 to index
        %get3A_503 = arith.constant 0 : index
        %get3A_504 = tpu.vector_load %arg10[%get3A_502, %get3A_503] {strides = array<i32>} : memref<640x64xf32, #tpu.memory_space<vmem>>, vector<16xf32>,
        %mul3A_505 = arith.mulf %get3A_413, %get3A_504 : vector<16xf32>
        %get3A_506 = arith.index_cast %add3A_501 : i32 to index
        %get3A_507 = arith.constant 16 : index
        %get3A_508 = tpu.vector_load %arg10[%get3A_506, %get3A_507] {strides = array<i32>} : memref<640x64xf32, #tpu.memory_space<vmem>>, vector<16xf32>,
        %mul3A_509 = arith.mulf %get3A_416, %get3A_508 : vector<16xf32>
        %add3A_510 = arith.addf %mul3A_505, %mul3A_509 : vector<16xf32>
        %get3A_511 = arith.index_cast %add3A_501 : i32 to index
        %get3A_512 = arith.constant 32 : index
        %get3A_513 = tpu.vector_load %arg10[%get3A_511, %get3A_512] {strides = array<i32>} : memref<640x64xf32, #tpu.memory_space<vmem>>, vector<16xf32>,
        %mul3A_514 = arith.mulf %get3A_419, %get3A_513 : vector<16xf32>
        %add3A_515 = arith.addf %add3A_510, %mul3A_514 : vector<16xf32>
        %get3A_516 = arith.index_cast %add3A_501 : i32 to index
        %get3A_517 = arith.constant 48 : index
        %get3A_518 = tpu.vector_load %arg10[%get3A_516, %get3A_517] {strides = array<i32>} : memref<640x64xf32, #tpu.memory_space<vmem>>, vector<16xf32>,
        %mul3A_519 = arith.mulf %get3A_422, %get3A_518 : vector<16xf32>
        %add3A_520 = arith.addf %add3A_515, %mul3A_519 : vector<16xf32>
        %swap3A_521 = arith.constant 208 : index
        %swap3A_522 = tpu.vector_load %arg11[%swap3A_521] {strides = array<i32>} : memref<1280xf32, #tpu.memory_space<vmem>>, vector<16xf32>,
        tpu.vector_store %arg11[%swap3A_521], %add3A_520 {strides = array<i32>} : memref<1280xf32, #tpu.memory_space<vmem>>, vector<16xf32>,
        %mul3A_523 = arith.constant 5 : i32
        %mul3A_524 = arith.muli %add3A_410, %mul3A_523 : i32
        %add3A_525 = arith.constant 4 : i32
        %add3A_526 = arith.addi %mul3A_524, %add3A_525 : i32
        %get3A_527 = arith.index_cast %add3A_526 : i32 to index
        %get3A_528 = arith.constant 0 : index
        %get3A_529 = tpu.vector_load %arg10[%get3A_527, %get3A_528] {strides = array<i32>} : memref<640x64xf32, #tpu.memory_space<vmem>>, vector<16xf32>,
        %mul3A_530 = arith.mulf %get3A_413, %get3A_529 : vector<16xf32>
        %get3A_531 = arith.index_cast %add3A_526 : i32 to index
        %get3A_532 = arith.constant 16 : index
        %get3A_533 = tpu.vector_load %arg10[%get3A_531, %get3A_532] {strides = array<i32>} : memref<640x64xf32, #tpu.memory_space<vmem>>, vector<16xf32>,
        %mul3A_534 = arith.mulf %get3A_416, %get3A_533 : vector<16xf32>
        %add3A_535 = arith.addf %mul3A_530, %mul3A_534 : vector<16xf32>
        %get3A_536 = arith.index_cast %add3A_526 : i32 to index
        %get3A_537 = arith.constant 32 : index
        %get3A_538 = tpu.vector_load %arg10[%get3A_536, %get3A_537] {strides = array<i32>} : memref<640x64xf32, #tpu.memory_space<vmem>>, vector<16xf32>,
        %mul3A_539 = arith.mulf %get3A_419, %get3A_538 : vector<16xf32>
        %add3A_540 = arith.addf %add3A_535, %mul3A_539 : vector<16xf32>
        %get3A_541 = arith.index_cast %add3A_526 : i32 to index
        %get3A_542 = arith.constant 48 : index
        %get3A_543 = tpu.vector_load %arg10[%get3A_541, %get3A_542] {strides = array<i32>} : memref<640x64xf32, #tpu.memory_space<vmem>>, vector<16xf32>,
        %mul3A_544 = arith.mulf %get3A_422, %get3A_543 : vector<16xf32>
        %add3A_545 = arith.addf %add3A_540, %mul3A_544 : vector<16xf32>
        %swap3A_546 = arith.constant 224 : index
        %swap3A_547 = tpu.vector_load %arg11[%swap3A_546] {strides = array<i32>} : memref<1280xf32, #tpu.memory_space<vmem>>, vector<16xf32>,
        tpu.vector_store %arg11[%swap3A_546], %add3A_545 {strides = array<i32>} : memref<1280xf32, #tpu.memory_space<vmem>>, vector<16xf32>,
        %mul3A_548 = arith.constant 16 : i32
        %mul3A_549 = arith.muli %add3A_126, %mul3A_548 : i32
        %add3A_550 = arith.constant 3 : i32
        %add3A_551 = arith.addi %mul3A_549, %add3A_550 : i32
        %get3A_552 = arith.index_cast %add3A_551 : i32 to index
        %get3A_553 = arith.constant 0 : index
        %get3A_554 = tpu.vector_load %arg9[%get3A_552, %get3A_553] {strides = array<i32>} : memref<128x64xf32, #tpu.memory_space<vmem>>, vector<16xf32>,
        %get3A_555 = arith.index_cast %add3A_551 : i32 to index
        %get3A_556 = arith.constant 16 : index
        %get3A_557 = tpu.vector_load %arg9[%get3A_555, %get3A_556] {strides = array<i32>} : memref<128x64xf32, #tpu.memory_space<vmem>>, vector<16xf32>,
        %get3A_558 = arith.index_cast %add3A_551 : i32 to index
        %get3A_559 = arith.constant 32 : index
        %get3A_560 = tpu.vector_load %arg9[%get3A_558, %get3A_559] {strides = array<i32>} : memref<128x64xf32, #tpu.memory_space<vmem>>, vector<16xf32>,
        %get3A_561 = arith.index_cast %add3A_551 : i32 to index
        %get3A_562 = arith.constant 48 : index
        %get3A_563 = tpu.vector_load %arg9[%get3A_561, %get3A_562] {strides = array<i32>} : memref<128x64xf32, #tpu.memory_space<vmem>>, vector<16xf32>,
        %mul3A_564 = arith.constant 5 : i32
        %mul3A_565 = arith.muli %add3A_551, %mul3A_564 : i32
        %add3A_566 = arith.constant 0 : i32
        %add3A_567 = arith.addi %mul3A_565, %add3A_566 : i32
        %get3A_568 = arith.index_cast %add3A_567 : i32 to index
        %get3A_569 = arith.constant 0 : index
        %get3A_570 = tpu.vector_load %arg10[%get3A_568, %get3A_569] {strides = array<i32>} : memref<640x64xf32, #tpu.memory_space<vmem>>, vector<16xf32>,
        %mul3A_571 = arith.mulf %get3A_554, %get3A_570 : vector<16xf32>
        %get3A_572 = arith.index_cast %add3A_567 : i32 to index
        %get3A_573 = arith.constant 16 : index
        %get3A_574 = tpu.vector_load %arg10[%get3A_572, %get3A_573] {strides = array<i32>} : memref<640x64xf32, #tpu.memory_space<vmem>>, vector<16xf32>,
        %mul3A_575 = arith.mulf %get3A_557, %get3A_574 : vector<16xf32>
        %add3A_576 = arith.addf %mul3A_571, %mul3A_575 : vector<16xf32>
        %get3A_577 = arith.index_cast %add3A_567 : i32 to index
        %get3A_578 = arith.constant 32 : index
        %get3A_579 = tpu.vector_load %arg10[%get3A_577, %get3A_578] {strides = array<i32>} : memref<640x64xf32, #tpu.memory_space<vmem>>, vector<16xf32>,
        %mul3A_580 = arith.mulf %get3A_560, %get3A_579 : vector<16xf32>
        %add3A_581 = arith.addf %add3A_576, %mul3A_580 : vector<16xf32>
        %get3A_582 = arith.index_cast %add3A_567 : i32 to index
        %get3A_583 = arith.constant 48 : index
        %get3A_584 = tpu.vector_load %arg10[%get3A_582, %get3A_583] {strides = array<i32>} : memref<640x64xf32, #tpu.memory_space<vmem>>, vector<16xf32>,
        %mul3A_585 = arith.mulf %get3A_563, %get3A_584 : vector<16xf32>
        %add3A_586 = arith.addf %add3A_581, %mul3A_585 : vector<16xf32>
        %swap3A_587 = arith.constant 240 : index
        %swap3A_588 = tpu.vector_load %arg11[%swap3A_587] {strides = array<i32>} : memref<1280xf32, #tpu.memory_space<vmem>>, vector<16xf32>,
        tpu.vector_store %arg11[%swap3A_587], %add3A_586 {strides = array<i32>} : memref<1280xf32, #tpu.memory_space<vmem>>, vector<16xf32>,
        %mul3A_589 = arith.constant 5 : i32
        %mul3A_590 = arith.muli %add3A_551, %mul3A_589 : i32
        %add3A_591 = arith.constant 1 : i32
        %add3A_592 = arith.addi %mul3A_590, %add3A_591 : i32
        %get3A_593 = arith.index_cast %add3A_592 : i32 to index
        %get3A_594 = arith.constant 0 : index
        %get3A_595 = tpu.vector_load %arg10[%get3A_593, %get3A_594] {strides = array<i32>} : memref<640x64xf32, #tpu.memory_space<vmem>>, vector<16xf32>,
        %mul3A_596 = arith.mulf %get3A_554, %get3A_595 : vector<16xf32>
        %get3A_597 = arith.index_cast %add3A_592 : i32 to index
        %get3A_598 = arith.constant 16 : index
        %get3A_599 = tpu.vector_load %arg10[%get3A_597, %get3A_598] {strides = array<i32>} : memref<640x64xf32, #tpu.memory_space<vmem>>, vector<16xf32>,
        %mul3A_600 = arith.mulf %get3A_557, %get3A_599 : vector<16xf32>
        %add3A_601 = arith.addf %mul3A_596, %mul3A_600 : vector<16xf32>
        %get3A_602 = arith.index_cast %add3A_592 : i32 to index
        %get3A_603 = arith.constant 32 : index
        %get3A_604 = tpu.vector_load %arg10[%get3A_602, %get3A_603] {strides = array<i32>} : memref<640x64xf32, #tpu.memory_space<vmem>>, vector<16xf32>,
        %mul3A_605 = arith.mulf %get3A_560, %get3A_604 : vector<16xf32>
        %add3A_606 = arith.addf %add3A_601, %mul3A_605 : vector<16xf32>
        %get3A_607 = arith.index_cast %add3A_592 : i32 to index
        %get3A_608 = arith.constant 48 : index
        %get3A_609 = tpu.vector_load %arg10[%get3A_607, %get3A_608] {strides = array<i32>} : memref<640x64xf32, #tpu.memory_space<vmem>>, vector<16xf32>,
        %mul3A_610 = arith.mulf %get3A_563, %get3A_609 : vector<16xf32>
        %add3A_611 = arith.addf %add3A_606, %mul3A_610 : vector<16xf32>
        %swap3A_612 = arith.constant 256 : index
        %swap3A_613 = tpu.vector_load %arg11[%swap3A_612] {strides = array<i32>} : memref<1280xf32, #tpu.memory_space<vmem>>, vector<16xf32>,
        tpu.vector_store %arg11[%swap3A_612], %add3A_611 {strides = array<i32>} : memref<1280xf32, #tpu.memory_space<vmem>>, vector<16xf32>,
        %mul3A_614 = arith.constant 5 : i32
        %mul3A_615 = arith.muli %add3A_551, %mul3A_614 : i32
        %add3A_616 = arith.constant 2 : i32
        %add3A_617 = arith.addi %mul3A_615, %add3A_616 : i32
        %get3A_618 = arith.index_cast %add3A_617 : i32 to index
        %get3A_619 = arith.constant 0 : index
        %get3A_620 = tpu.vector_load %arg10[%get3A_618, %get3A_619] {strides = array<i32>} : memref<640x64xf32, #tpu.memory_space<vmem>>, vector<16xf32>,
        %mul3A_621 = arith.mulf %get3A_554, %get3A_620 : vector<16xf32>
        %get3A_622 = arith.index_cast %add3A_617 : i32 to index
        %get3A_623 = arith.constant 16 : index
        %get3A_624 = tpu.vector_load %arg10[%get3A_622, %get3A_623] {strides = array<i32>} : memref<640x64xf32, #tpu.memory_space<vmem>>, vector<16xf32>,
        %mul3A_625 = arith.mulf %get3A_557, %get3A_624 : vector<16xf32>
        %add3A_626 = arith.addf %mul3A_621, %mul3A_625 : vector<16xf32>
        %get3A_627 = arith.index_cast %add3A_617 : i32 to index
        %get3A_628 = arith.constant 32 : index
        %get3A_629 = tpu.vector_load %arg10[%get3A_627, %get3A_628] {strides = array<i32>} : memref<640x64xf32, #tpu.memory_space<vmem>>, vector<16xf32>,
        %mul3A_630 = arith.mulf %get3A_560, %get3A_629 : vector<16xf32>
        %add3A_631 = arith.addf %add3A_626, %mul3A_630 : vector<16xf32>
        %get3A_632 = arith.index_cast %add3A_617 : i32 to index
        %get3A_633 = arith.constant 48 : index
        %get3A_634 = tpu.vector_load %arg10[%get3A_632, %get3A_633] {strides = array<i32>} : memref<640x64xf32, #tpu.memory_space<vmem>>, vector<16xf32>,
        %mul3A_635 = arith.mulf %get3A_563, %get3A_634 : vector<16xf32>
        %add3A_636 = arith.addf %add3A_631, %mul3A_635 : vector<16xf32>
        %swap3A_637 = arith.constant 272 : index
        %swap3A_638 = tpu.vector_load %arg11[%swap3A_637] {strides = array<i32>} : memref<1280xf32, #tpu.memory_space<vmem>>, vector<16xf32>,
        tpu.vector_store %arg11[%swap3A_637], %add3A_636 {strides = array<i32>} : memref<1280xf32, #tpu.memory_space<vmem>>, vector<16xf32>,
        %mul3A_639 = arith.constant 5 : i32
        %mul3A_640 = arith.muli %add3A_551, %mul3A_639 : i32
        %add3A_641 = arith.constant 3 : i32
        %add3A_642 = arith.addi %mul3A_640, %add3A_641 : i32
        %get3A_643 = arith.index_cast %add3A_642 : i32 to index
        %get3A_644 = arith.constant 0 : index
        %get3A_645 = tpu.vector_load %arg10[%get3A_643, %get3A_644] {strides = array<i32>} : memref<640x64xf32, #tpu.memory_space<vmem>>, vector<16xf32>,
        %mul3A_646 = arith.mulf %get3A_554, %get3A_645 : vector<16xf32>
        %get3A_647 = arith.index_cast %add3A_642 : i32 to index
        %get3A_648 = arith.constant 16 : index
        %get3A_649 = tpu.vector_load %arg10[%get3A_647, %get3A_648] {strides = array<i32>} : memref<640x64xf32, #tpu.memory_space<vmem>>, vector<16xf32>,
        %mul3A_650 = arith.mulf %get3A_557, %get3A_649 : vector<16xf32>
        %add3A_651 = arith.addf %mul3A_646, %mul3A_650 : vector<16xf32>
        %get3A_652 = arith.index_cast %add3A_642 : i32 to index
        %get3A_653 = arith.constant 32 : index
        %get3A_654 = tpu.vector_load %arg10[%get3A_652, %get3A_653] {strides = array<i32>} : memref<640x64xf32, #tpu.memory_space<vmem>>, vector<16xf32>,
        %mul3A_655 = arith.mulf %get3A_560, %get3A_654 : vector<16xf32>
        %add3A_656 = arith.addf %add3A_651, %mul3A_655 : vector<16xf32>
        %get3A_657 = arith.index_cast %add3A_642 : i32 to index
        %get3A_658 = arith.constant 48 : index
        %get3A_659 = tpu.vector_load %arg10[%get3A_657, %get3A_658] {strides = array<i32>} : memref<640x64xf32, #tpu.memory_space<vmem>>, vector<16xf32>,
        %mul3A_660 = arith.mulf %get3A_563, %get3A_659 : vector<16xf32>
        %add3A_661 = arith.addf %add3A_656, %mul3A_660 : vector<16xf32>
        %swap3A_662 = arith.constant 288 : index
        %swap3A_663 = tpu.vector_load %arg11[%swap3A_662] {strides = array<i32>} : memref<1280xf32, #tpu.memory_space<vmem>>, vector<16xf32>,
        tpu.vector_store %arg11[%swap3A_662], %add3A_661 {strides = array<i32>} : memref<1280xf32, #tpu.memory_space<vmem>>, vector<16xf32>,
        %mul3A_664 = arith.constant 5 : i32
        %mul3A_665 = arith.muli %add3A_551, %mul3A_664 : i32
        %add3A_666 = arith.constant 4 : i32
        %add3A_667 = arith.addi %mul3A_665, %add3A_666 : i32
        %get3A_668 = arith.index_cast %add3A_667 : i32 to index
        %get3A_669 = arith.constant 0 : index
        %get3A_670 = tpu.vector_load %arg10[%get3A_668, %get3A_669] {strides = array<i32>} : memref<640x64xf32, #tpu.memory_space<vmem>>, vector<16xf32>,
        %mul3A_671 = arith.mulf %get3A_554, %get3A_670 : vector<16xf32>
        %get3A_672 = arith.index_cast %add3A_667 : i32 to index
        %get3A_673 = arith.constant 16 : index
        %get3A_674 = tpu.vector_load %arg10[%get3A_672, %get3A_673] {strides = array<i32>} : memref<640x64xf32, #tpu.memory_space<vmem>>, vector<16xf32>,
        %mul3A_675 = arith.mulf %get3A_557, %get3A_674 : vector<16xf32>
        %add3A_676 = arith.addf %mul3A_671, %mul3A_675 : vector<16xf32>
        %get3A_677 = arith.index_cast %add3A_667 : i32 to index
        %get3A_678 = arith.constant 32 : index
        %get3A_679 = tpu.vector_load %arg10[%get3A_677, %get3A_678] {strides = array<i32>} : memref<640x64xf32, #tpu.memory_space<vmem>>, vector<16xf32>,
        %mul3A_680 = arith.mulf %get3A_560, %get3A_679 : vector<16xf32>
        %add3A_681 = arith.addf %add3A_676, %mul3A_680 : vector<16xf32>
        %get3A_682 = arith.index_cast %add3A_667 : i32 to index
        %get3A_683 = arith.constant 48 : index
        %get3A_684 = tpu.vector_load %arg10[%get3A_682, %get3A_683] {strides = array<i32>} : memref<640x64xf32, #tpu.memory_space<vmem>>, vector<16xf32>,
        %mul3A_685 = arith.mulf %get3A_563, %get3A_684 : vector<16xf32>
        %add3A_686 = arith.addf %add3A_681, %mul3A_685 : vector<16xf32>
        %swap3A_687 = arith.constant 304 : index
        %swap3A_688 = tpu.vector_load %arg11[%swap3A_687] {strides = array<i32>} : memref<1280xf32, #tpu.memory_space<vmem>>, vector<16xf32>,
        tpu.vector_store %arg11[%swap3A_687], %add3A_686 {strides = array<i32>} : memref<1280xf32, #tpu.memory_space<vmem>>, vector<16xf32>,
        %mul3A_689 = arith.constant 16 : i32
        %mul3A_690 = arith.muli %add3A_126, %mul3A_689 : i32
        %add3A_691 = arith.constant 4 : i32
        %add3A_692 = arith.addi %mul3A_690, %add3A_691 : i32
        %get3A_693 = arith.index_cast %add3A_692 : i32 to index
        %get3A_694 = arith.constant 0 : index
        %get3A_695 = tpu.vector_load %arg9[%get3A_693, %get3A_694] {strides = array<i32>} : memref<128x64xf32, #tpu.memory_space<vmem>>, vector<16xf32>,
        %get3A_696 = arith.index_cast %add3A_692 : i32 to index
        %get3A_697 = arith.constant 16 : index
        %get3A_698 = tpu.vector_load %arg9[%get3A_696, %get3A_697] {strides = array<i32>} : memref<128x64xf32, #tpu.memory_space<vmem>>, vector<16xf32>,
        %get3A_699 = arith.index_cast %add3A_692 : i32 to index
        %get3A_700 = arith.constant 32 : index
        %get3A_701 = tpu.vector_load %arg9[%get3A_699, %get3A_700] {strides = array<i32>} : memref<128x64xf32, #tpu.memory_space<vmem>>, vector<16xf32>,
        %get3A_702 = arith.index_cast %add3A_692 : i32 to index
        %get3A_703 = arith.constant 48 : index
        %get3A_704 = tpu.vector_load %arg9[%get3A_702, %get3A_703] {strides = array<i32>} : memref<128x64xf32, #tpu.memory_space<vmem>>, vector<16xf32>,
        %mul3A_705 = arith.constant 5 : i32
        %mul3A_706 = arith.muli %add3A_692, %mul3A_705 : i32
        %add3A_707 = arith.constant 0 : i32
        %add3A_708 = arith.addi %mul3A_706, %add3A_707 : i32
        %get3A_709 = arith.index_cast %add3A_708 : i32 to index
        %get3A_710 = arith.constant 0 : index
        %get3A_711 = tpu.vector_load %arg10[%get3A_709, %get3A_710] {strides = array<i32>} : memref<640x64xf32, #tpu.memory_space<vmem>>, vector<16xf32>,
        %mul3A_712 = arith.mulf %get3A_695, %get3A_711 : vector<16xf32>
        %get3A_713 = arith.index_cast %add3A_708 : i32 to index
        %get3A_714 = arith.constant 16 : index
        %get3A_715 = tpu.vector_load %arg10[%get3A_713, %get3A_714] {strides = array<i32>} : memref<640x64xf32, #tpu.memory_space<vmem>>, vector<16xf32>,
        %mul3A_716 = arith.mulf %get3A_698, %get3A_715 : vector<16xf32>
        %add3A_717 = arith.addf %mul3A_712, %mul3A_716 : vector<16xf32>
        %get3A_718 = arith.index_cast %add3A_708 : i32 to index
        %get3A_719 = arith.constant 32 : index
        %get3A_720 = tpu.vector_load %arg10[%get3A_718, %get3A_719] {strides = array<i32>} : memref<640x64xf32, #tpu.memory_space<vmem>>, vector<16xf32>,
        %mul3A_721 = arith.mulf %get3A_701, %get3A_720 : vector<16xf32>
        %add3A_722 = arith.addf %add3A_717, %mul3A_721 : vector<16xf32>
        %get3A_723 = arith.index_cast %add3A_708 : i32 to index
        %get3A_724 = arith.constant 48 : index
        %get3A_725 = tpu.vector_load %arg10[%get3A_723, %get3A_724] {strides = array<i32>} : memref<640x64xf32, #tpu.memory_space<vmem>>, vector<16xf32>,
        %mul3A_726 = arith.mulf %get3A_704, %get3A_725 : vector<16xf32>
        %add3A_727 = arith.addf %add3A_722, %mul3A_726 : vector<16xf32>
        %swap3A_728 = arith.constant 320 : index
        %swap3A_729 = tpu.vector_load %arg11[%swap3A_728] {strides = array<i32>} : memref<1280xf32, #tpu.memory_space<vmem>>, vector<16xf32>,
        tpu.vector_store %arg11[%swap3A_728], %add3A_727 {strides = array<i32>} : memref<1280xf32, #tpu.memory_space<vmem>>, vector<16xf32>,
        %mul3A_730 = arith.constant 5 : i32
        %mul3A_731 = arith.muli %add3A_692, %mul3A_730 : i32
        %add3A_732 = arith.constant 1 : i32
        %add3A_733 = arith.addi %mul3A_731, %add3A_732 : i32
        %get3A_734 = arith.index_cast %add3A_733 : i32 to index
        %get3A_735 = arith.constant 0 : index
        %get3A_736 = tpu.vector_load %arg10[%get3A_734, %get3A_735] {strides = array<i32>} : memref<640x64xf32, #tpu.memory_space<vmem>>, vector<16xf32>,
        %mul3A_737 = arith.mulf %get3A_695, %get3A_736 : vector<16xf32>
        %get3A_738 = arith.index_cast %add3A_733 : i32 to index
        %get3A_739 = arith.constant 16 : index
        %get3A_740 = tpu.vector_load %arg10[%get3A_738, %get3A_739] {strides = array<i32>} : memref<640x64xf32, #tpu.memory_space<vmem>>, vector<16xf32>,
        %mul3A_741 = arith.mulf %get3A_698, %get3A_740 : vector<16xf32>
        %add3A_742 = arith.addf %mul3A_737, %mul3A_741 : vector<16xf32>
        %get3A_743 = arith.index_cast %add3A_733 : i32 to index
        %get3A_744 = arith.constant 32 : index
        %get3A_745 = tpu.vector_load %arg10[%get3A_743, %get3A_744] {strides = array<i32>} : memref<640x64xf32, #tpu.memory_space<vmem>>, vector<16xf32>,
        %mul3A_746 = arith.mulf %get3A_701, %get3A_745 : vector<16xf32>
        %add3A_747 = arith.addf %add3A_742, %mul3A_746 : vector<16xf32>
        %get3A_748 = arith.index_cast %add3A_733 : i32 to index
        %get3A_749 = arith.constant 48 : index
        %get3A_750 = tpu.vector_load %arg10[%get3A_748, %get3A_749] {strides = array<i32>} : memref<640x64xf32, #tpu.memory_space<vmem>>, vector<16xf32>,
        %mul3A_751 = arith.mulf %get3A_704, %get3A_750 : vector<16xf32>
        %add3A_752 = arith.addf %add3A_747, %mul3A_751 : vector<16xf32>
        %swap3A_753 = arith.constant 336 : index
        %swap3A_754 = tpu.vector_load %arg11[%swap3A_753] {strides = array<i32>} : memref<1280xf32, #tpu.memory_space<vmem>>, vector<16xf32>,
        tpu.vector_store %arg11[%swap3A_753], %add3A_752 {strides = array<i32>} : memref<1280xf32, #tpu.memory_space<vmem>>, vector<16xf32>,
        %mul3A_755 = arith.constant 5 : i32
        %mul3A_756 = arith.muli %add3A_692, %mul3A_755 : i32
        %add3A_757 = arith.constant 2 : i32
        %add3A_758 = arith.addi %mul3A_756, %add3A_757 : i32
        %get3A_759 = arith.index_cast %add3A_758 : i32 to index
        %get3A_760 = arith.constant 0 : index
        %get3A_761 = tpu.vector_load %arg10[%get3A_759, %get3A_760] {strides = array<i32>} : memref<640x64xf32, #tpu.memory_space<vmem>>, vector<16xf32>,
        %mul3A_762 = arith.mulf %get3A_695, %get3A_761 : vector<16xf32>
        %get3A_763 = arith.index_cast %add3A_758 : i32 to index
        %get3A_764 = arith.constant 16 : index
        %get3A_765 = tpu.vector_load %arg10[%get3A_763, %get3A_764] {strides = array<i32>} : memref<640x64xf32, #tpu.memory_space<vmem>>, vector<16xf32>,
        %mul3A_766 = arith.mulf %get3A_698, %get3A_765 : vector<16xf32>
        %add3A_767 = arith.addf %mul3A_762, %mul3A_766 : vector<16xf32>
        %get3A_768 = arith.index_cast %add3A_758 : i32 to index
        %get3A_769 = arith.constant 32 : index
        %get3A_770 = tpu.vector_load %arg10[%get3A_768, %get3A_769] {strides = array<i32>} : memref<640x64xf32, #tpu.memory_space<vmem>>, vector<16xf32>,
        %mul3A_771 = arith.mulf %get3A_701, %get3A_770 : vector<16xf32>
        %add3A_772 = arith.addf %add3A_767, %mul3A_771 : vector<16xf32>
        %get3A_773 = arith.index_cast %add3A_758 : i32 to index
        %get3A_774 = arith.constant 48 : index
        %get3A_775 = tpu.vector_load %arg10[%get3A_773, %get3A_774] {strides = array<i32>} : memref<640x64xf32, #tpu.memory_space<vmem>>, vector<16xf32>,
        %mul3A_776 = arith.mulf %get3A_704, %get3A_775 : vector<16xf32>
        %add3A_777 = arith.addf %add3A_772, %mul3A_776 : vector<16xf32>
        %swap3A_778 = arith.constant 352 : index
        %swap3A_779 = tpu.vector_load %arg11[%swap3A_778] {strides = array<i32>} : memref<1280xf32, #tpu.memory_space<vmem>>, vector<16xf32>,
        tpu.vector_store %arg11[%swap3A_778], %add3A_777 {strides = array<i32>} : memref<1280xf32, #tpu.memory_space<vmem>>, vector<16xf32>,
        %mul3A_780 = arith.constant 5 : i32
        %mul3A_781 = arith.muli %add3A_692, %mul3A_780 : i32
        %add3A_782 = arith.constant 3 : i32
        %add3A_783 = arith.addi %mul3A_781, %add3A_782 : i32
        %get3A_784 = arith.index_cast %add3A_783 : i32 to index
        %get3A_785 = arith.constant 0 : index
        %get3A_786 = tpu.vector_load %arg10[%get3A_784, %get3A_785] {strides = array<i32>} : memref<640x64xf32, #tpu.memory_space<vmem>>, vector<16xf32>,
        %mul3A_787 = arith.mulf %get3A_695, %get3A_786 : vector<16xf32>
        %get3A_788 = arith.index_cast %add3A_783 : i32 to index
        %get3A_789 = arith.constant 16 : index
        %get3A_790 = tpu.vector_load %arg10[%get3A_788, %get3A_789] {strides = array<i32>} : memref<640x64xf32, #tpu.memory_space<vmem>>, vector<16xf32>,
        %mul3A_791 = arith.mulf %get3A_698, %get3A_790 : vector<16xf32>
        %add3A_792 = arith.addf %mul3A_787, %mul3A_791 : vector<16xf32>
        %get3A_793 = arith.index_cast %add3A_783 : i32 to index
        %get3A_794 = arith.constant 32 : index
        %get3A_795 = tpu.vector_load %arg10[%get3A_793, %get3A_794] {strides = array<i32>} : memref<640x64xf32, #tpu.memory_space<vmem>>, vector<16xf32>,
        %mul3A_796 = arith.mulf %get3A_701, %get3A_795 : vector<16xf32>
        %add3A_797 = arith.addf %add3A_792, %mul3A_796 : vector<16xf32>
        %get3A_798 = arith.index_cast %add3A_783 : i32 to index
        %get3A_799 = arith.constant 48 : index
        %get3A_800 = tpu.vector_load %arg10[%get3A_798, %get3A_799] {strides = array<i32>} : memref<640x64xf32, #tpu.memory_space<vmem>>, vector<16xf32>,
        %mul3A_801 = arith.mulf %get3A_704, %get3A_800 : vector<16xf32>
        %add3A_802 = arith.addf %add3A_797, %mul3A_801 : vector<16xf32>
        %swap3A_803 = arith.constant 368 : index
        %swap3A_804 = tpu.vector_load %arg11[%swap3A_803] {strides = array<i32>} : memref<1280xf32, #tpu.memory_space<vmem>>, vector<16xf32>,
        tpu.vector_store %arg11[%swap3A_803], %add3A_802 {strides = array<i32>} : memref<1280xf32, #tpu.memory_space<vmem>>, vector<16xf32>,
        %mul3A_805 = arith.constant 5 : i32
        %mul3A_806 = arith.muli %add3A_692, %mul3A_805 : i32
        %add3A_807 = arith.constant 4 : i32
        %add3A_808 = arith.addi %mul3A_806, %add3A_807 : i32
        %get3A_809 = arith.index_cast %add3A_808 : i32 to index
        %get3A_810 = arith.constant 0 : index
        %get3A_811 = tpu.vector_load %arg10[%get3A_809, %get3A_810] {strides = array<i32>} : memref<640x64xf32, #tpu.memory_space<vmem>>, vector<16xf32>,
        %mul3A_812 = arith.mulf %get3A_695, %get3A_811 : vector<16xf32>
        %get3A_813 = arith.index_cast %add3A_808 : i32 to index
        %get3A_814 = arith.constant 16 : index
        %get3A_815 = tpu.vector_load %arg10[%get3A_813, %get3A_814] {strides = array<i32>} : memref<640x64xf32, #tpu.memory_space<vmem>>, vector<16xf32>,
        %mul3A_816 = arith.mulf %get3A_698, %get3A_815 : vector<16xf32>
        %add3A_817 = arith.addf %mul3A_812, %mul3A_816 : vector<16xf32>
        %get3A_818 = arith.index_cast %add3A_808 : i32 to index
        %get3A_819 = arith.constant 32 : index
        %get3A_820 = tpu.vector_load %arg10[%get3A_818, %get3A_819] {strides = array<i32>} : memref<640x64xf32, #tpu.memory_space<vmem>>, vector<16xf32>,
        %mul3A_821 = arith.mulf %get3A_701, %get3A_820 : vector<16xf32>
        %add3A_822 = arith.addf %add3A_817, %mul3A_821 : vector<16xf32>
        %get3A_823 = arith.index_cast %add3A_808 : i32 to index
        %get3A_824 = arith.constant 48 : index
        %get3A_825 = tpu.vector_load %arg10[%get3A_823, %get3A_824] {strides = array<i32>} : memref<640x64xf32, #tpu.memory_space<vmem>>, vector<16xf32>,
        %mul3A_826 = arith.mulf %get3A_704, %get3A_825 : vector<16xf32>
        %add3A_827 = arith.addf %add3A_822, %mul3A_826 : vector<16xf32>
        %swap3A_828 = arith.constant 384 : index
        %swap3A_829 = tpu.vector_load %arg11[%swap3A_828] {strides = array<i32>} : memref<1280xf32, #tpu.memory_space<vmem>>, vector<16xf32>,
        tpu.vector_store %arg11[%swap3A_828], %add3A_827 {strides = array<i32>} : memref<1280xf32, #tpu.memory_space<vmem>>, vector<16xf32>,
        %mul3A_830 = arith.constant 16 : i32
        %mul3A_831 = arith.muli %add3A_126, %mul3A_830 : i32
        %add3A_832 = arith.constant 5 : i32
        %add3A_833 = arith.addi %mul3A_831, %add3A_832 : i32
        %get3A_834 = arith.index_cast %add3A_833 : i32 to index
        %get3A_835 = arith.constant 0 : index
        %get3A_836 = tpu.vector_load %arg9[%get3A_834, %get3A_835] {strides = array<i32>} : memref<128x64xf32, #tpu.memory_space<vmem>>, vector<16xf32>,
        %get3A_837 = arith.index_cast %add3A_833 : i32 to index
        %get3A_838 = arith.constant 16 : index
        %get3A_839 = tpu.vector_load %arg9[%get3A_837, %get3A_838] {strides = array<i32>} : memref<128x64xf32, #tpu.memory_space<vmem>>, vector<16xf32>,
        %get3A_840 = arith.index_cast %add3A_833 : i32 to index
        %get3A_841 = arith.constant 32 : index
        %get3A_842 = tpu.vector_load %arg9[%get3A_840, %get3A_841] {strides = array<i32>} : memref<128x64xf32, #tpu.memory_space<vmem>>, vector<16xf32>,
        %get3A_843 = arith.index_cast %add3A_833 : i32 to index
        %get3A_844 = arith.constant 48 : index
        %get3A_845 = tpu.vector_load %arg9[%get3A_843, %get3A_844] {strides = array<i32>} : memref<128x64xf32, #tpu.memory_space<vmem>>, vector<16xf32>,
        %mul3A_846 = arith.constant 5 : i32
        %mul3A_847 = arith.muli %add3A_833, %mul3A_846 : i32
        %add3A_848 = arith.constant 0 : i32
        %add3A_849 = arith.addi %mul3A_847, %add3A_848 : i32
        %get3A_850 = arith.index_cast %add3A_849 : i32 to index
        %get3A_851 = arith.constant 0 : index
        %get3A_852 = tpu.vector_load %arg10[%get3A_850, %get3A_851] {strides = array<i32>} : memref<640x64xf32, #tpu.memory_space<vmem>>, vector<16xf32>,
        %mul3A_853 = arith.mulf %get3A_836, %get3A_852 : vector<16xf32>
        %get3A_854 = arith.index_cast %add3A_849 : i32 to index
        %get3A_855 = arith.constant 16 : index
        %get3A_856 = tpu.vector_load %arg10[%get3A_854, %get3A_855] {strides = array<i32>} : memref<640x64xf32, #tpu.memory_space<vmem>>, vector<16xf32>,
        %mul3A_857 = arith.mulf %get3A_839, %get3A_856 : vector<16xf32>
        %add3A_858 = arith.addf %mul3A_853, %mul3A_857 : vector<16xf32>
        %get3A_859 = arith.index_cast %add3A_849 : i32 to index
        %get3A_860 = arith.constant 32 : index
        %get3A_861 = tpu.vector_load %arg10[%get3A_859, %get3A_860] {strides = array<i32>} : memref<640x64xf32, #tpu.memory_space<vmem>>, vector<16xf32>,
        %mul3A_862 = arith.mulf %get3A_842, %get3A_861 : vector<16xf32>
        %add3A_863 = arith.addf %add3A_858, %mul3A_862 : vector<16xf32>
        %get3A_864 = arith.index_cast %add3A_849 : i32 to index
        %get3A_865 = arith.constant 48 : index
        %get3A_866 = tpu.vector_load %arg10[%get3A_864, %get3A_865] {strides = array<i32>} : memref<640x64xf32, #tpu.memory_space<vmem>>, vector<16xf32>,
        %mul3A_867 = arith.mulf %get3A_845, %get3A_866 : vector<16xf32>
        %add3A_868 = arith.addf %add3A_863, %mul3A_867 : vector<16xf32>
        %swap3A_869 = arith.constant 400 : index
        %swap3A_870 = tpu.vector_load %arg11[%swap3A_869] {strides = array<i32>} : memref<1280xf32, #tpu.memory_space<vmem>>, vector<16xf32>,
        tpu.vector_store %arg11[%swap3A_869], %add3A_868 {strides = array<i32>} : memref<1280xf32, #tpu.memory_space<vmem>>, vector<16xf32>,
        %mul3A_871 = arith.constant 5 : i32
        %mul3A_872 = arith.muli %add3A_833, %mul3A_871 : i32
        %add3A_873 = arith.constant 1 : i32
        %add3A_874 = arith.addi %mul3A_872, %add3A_873 : i32
        %get3A_875 = arith.index_cast %add3A_874 : i32 to index
        %get3A_876 = arith.constant 0 : index
        %get3A_877 = tpu.vector_load %arg10[%get3A_875, %get3A_876] {strides = array<i32>} : memref<640x64xf32, #tpu.memory_space<vmem>>, vector<16xf32>,
        %mul3A_878 = arith.mulf %get3A_836, %get3A_877 : vector<16xf32>
        %get3A_879 = arith.index_cast %add3A_874 : i32 to index
        %get3A_880 = arith.constant 16 : index
        %get3A_881 = tpu.vector_load %arg10[%get3A_879, %get3A_880] {strides = array<i32>} : memref<640x64xf32, #tpu.memory_space<vmem>>, vector<16xf32>,
        %mul3A_882 = arith.mulf %get3A_839, %get3A_881 : vector<16xf32>
        %add3A_883 = arith.addf %mul3A_878, %mul3A_882 : vector<16xf32>
        %get3A_884 = arith.index_cast %add3A_874 : i32 to index
        %get3A_885 = arith.constant 32 : index
        %get3A_886 = tpu.vector_load %arg10[%get3A_884, %get3A_885] {strides = array<i32>} : memref<640x64xf32, #tpu.memory_space<vmem>>, vector<16xf32>,
        %mul3A_887 = arith.mulf %get3A_842, %get3A_886 : vector<16xf32>
        %add3A_888 = arith.addf %add3A_883, %mul3A_887 : vector<16xf32>
        %get3A_889 = arith.index_cast %add3A_874 : i32 to index
        %get3A_890 = arith.constant 48 : index
        %get3A_891 = tpu.vector_load %arg10[%get3A_889, %get3A_890] {strides = array<i32>} : memref<640x64xf32, #tpu.memory_space<vmem>>, vector<16xf32>,
        %mul3A_892 = arith.mulf %get3A_845, %get3A_891 : vector<16xf32>
        %add3A_893 = arith.addf %add3A_888, %mul3A_892 : vector<16xf32>
        %swap3A_894 = arith.constant 416 : index
        %swap3A_895 = tpu.vector_load %arg11[%swap3A_894] {strides = array<i32>} : memref<1280xf32, #tpu.memory_space<vmem>>, vector<16xf32>,
        tpu.vector_store %arg11[%swap3A_894], %add3A_893 {strides = array<i32>} : memref<1280xf32, #tpu.memory_space<vmem>>, vector<16xf32>,
        %mul3A_896 = arith.constant 5 : i32
        %mul3A_897 = arith.muli %add3A_833, %mul3A_896 : i32
        %add3A_898 = arith.constant 2 : i32
        %add3A_899 = arith.addi %mul3A_897, %add3A_898 : i32
        %get3A_900 = arith.index_cast %add3A_899 : i32 to index
        %get3A_901 = arith.constant 0 : index
        %get3A_902 = tpu.vector_load %arg10[%get3A_900, %get3A_901] {strides = array<i32>} : memref<640x64xf32, #tpu.memory_space<vmem>>, vector<16xf32>,
        %mul3A_903 = arith.mulf %get3A_836, %get3A_902 : vector<16xf32>
        %get3A_904 = arith.index_cast %add3A_899 : i32 to index
        %get3A_905 = arith.constant 16 : index
        %get3A_906 = tpu.vector_load %arg10[%get3A_904, %get3A_905] {strides = array<i32>} : memref<640x64xf32, #tpu.memory_space<vmem>>, vector<16xf32>,
        %mul3A_907 = arith.mulf %get3A_839, %get3A_906 : vector<16xf32>
        %add3A_908 = arith.addf %mul3A_903, %mul3A_907 : vector<16xf32>
        %get3A_909 = arith.index_cast %add3A_899 : i32 to index
        %get3A_910 = arith.constant 32 : index
        %get3A_911 = tpu.vector_load %arg10[%get3A_909, %get3A_910] {strides = array<i32>} : memref<640x64xf32, #tpu.memory_space<vmem>>, vector<16xf32>,
        %mul3A_912 = arith.mulf %get3A_842, %get3A_911 : vector<16xf32>
        %add3A_913 = arith.addf %add3A_908, %mul3A_912 : vector<16xf32>
        %get3A_914 = arith.index_cast %add3A_899 : i32 to index
        %get3A_915 = arith.constant 48 : index
        %get3A_916 = tpu.vector_load %arg10[%get3A_914, %get3A_915] {strides = array<i32>} : memref<640x64xf32, #tpu.memory_space<vmem>>, vector<16xf32>,
        %mul3A_917 = arith.mulf %get3A_845, %get3A_916 : vector<16xf32>
        %add3A_918 = arith.addf %add3A_913, %mul3A_917 : vector<16xf32>
        %swap3A_919 = arith.constant 432 : index
        %swap3A_920 = tpu.vector_load %arg11[%swap3A_919] {strides = array<i32>} : memref<1280xf32, #tpu.memory_space<vmem>>, vector<16xf32>,
        tpu.vector_store %arg11[%swap3A_919], %add3A_918 {strides = array<i32>} : memref<1280xf32, #tpu.memory_space<vmem>>, vector<16xf32>,
        %mul3A_921 = arith.constant 5 : i32
        %mul3A_922 = arith.muli %add3A_833, %mul3A_921 : i32
        %add3A_923 = arith.constant 3 : i32
        %add3A_924 = arith.addi %mul3A_922, %add3A_923 : i32
        %get3A_925 = arith.index_cast %add3A_924 : i32 to index
        %get3A_926 = arith.constant 0 : index
        %get3A_927 = tpu.vector_load %arg10[%get3A_925, %get3A_926] {strides = array<i32>} : memref<640x64xf32, #tpu.memory_space<vmem>>, vector<16xf32>,
        %mul3A_928 = arith.mulf %get3A_836, %get3A_927 : vector<16xf32>
        %get3A_929 = arith.index_cast %add3A_924 : i32 to index
        %get3A_930 = arith.constant 16 : index
        %get3A_931 = tpu.vector_load %arg10[%get3A_929, %get3A_930] {strides = array<i32>} : memref<640x64xf32, #tpu.memory_space<vmem>>, vector<16xf32>,
        %mul3A_932 = arith.mulf %get3A_839, %get3A_931 : vector<16xf32>
        %add3A_933 = arith.addf %mul3A_928, %mul3A_932 : vector<16xf32>
        %get3A_934 = arith.index_cast %add3A_924 : i32 to index
        %get3A_935 = arith.constant 32 : index
        %get3A_936 = tpu.vector_load %arg10[%get3A_934, %get3A_935] {strides = array<i32>} : memref<640x64xf32, #tpu.memory_space<vmem>>, vector<16xf32>,
        %mul3A_937 = arith.mulf %get3A_842, %get3A_936 : vector<16xf32>
        %add3A_938 = arith.addf %add3A_933, %mul3A_937 : vector<16xf32>
        %get3A_939 = arith.index_cast %add3A_924 : i32 to index
        %get3A_940 = arith.constant 48 : index
        %get3A_941 = tpu.vector_load %arg10[%get3A_939, %get3A_940] {strides = array<i32>} : memref<640x64xf32, #tpu.memory_space<vmem>>, vector<16xf32>,
        %mul3A_942 = arith.mulf %get3A_845, %get3A_941 : vector<16xf32>
        %add3A_943 = arith.addf %add3A_938, %mul3A_942 : vector<16xf32>
        %swap3A_944 = arith.constant 448 : index
        %swap3A_945 = tpu.vector_load %arg11[%swap3A_944] {strides = array<i32>} : memref<1280xf32, #tpu.memory_space<vmem>>, vector<16xf32>,
        tpu.vector_store %arg11[%swap3A_944], %add3A_943 {strides = array<i32>} : memref<1280xf32, #tpu.memory_space<vmem>>, vector<16xf32>,
        %mul3A_946 = arith.constant 5 : i32
        %mul3A_947 = arith.muli %add3A_833, %mul3A_946 : i32
        %add3A_948 = arith.constant 4 : i32
        %add3A_949 = arith.addi %mul3A_947, %add3A_948 : i32
        %get3A_950 = arith.index_cast %add3A_949 : i32 to index
        %get3A_951 = arith.constant 0 : index
        %get3A_952 = tpu.vector_load %arg10[%get3A_950, %get3A_951] {strides = array<i32>} : memref<640x64xf32, #tpu.memory_space<vmem>>, vector<16xf32>,
        %mul3A_953 = arith.mulf %get3A_836, %get3A_952 : vector<16xf32>
        %get3A_954 = arith.index_cast %add3A_949 : i32 to index
        %get3A_955 = arith.constant 16 : index
        %get3A_956 = tpu.vector_load %arg10[%get3A_954, %get3A_955] {strides = array<i32>} : memref<640x64xf32, #tpu.memory_space<vmem>>, vector<16xf32>,
        %mul3A_957 = arith.mulf %get3A_839, %get3A_956 : vector<16xf32>
        %add3A_958 = arith.addf %mul3A_953, %mul3A_957 : vector<16xf32>
        %get3A_959 = arith.index_cast %add3A_949 : i32 to index
        %get3A_960 = arith.constant 32 : index
        %get3A_961 = tpu.vector_load %arg10[%get3A_959, %get3A_960] {strides = array<i32>} : memref<640x64xf32, #tpu.memory_space<vmem>>, vector<16xf32>,
        %mul3A_962 = arith.mulf %get3A_842, %get3A_961 : vector<16xf32>
        %add3A_963 = arith.addf %add3A_958, %mul3A_962 : vector<16xf32>
        %get3A_964 = arith.index_cast %add3A_949 : i32 to index
        %get3A_965 = arith.constant 48 : index
        %get3A_966 = tpu.vector_load %arg10[%get3A_964, %get3A_965] {strides = array<i32>} : memref<640x64xf32, #tpu.memory_space<vmem>>, vector<16xf32>,
        %mul3A_967 = arith.mulf %get3A_845, %get3A_966 : vector<16xf32>
        %add3A_968 = arith.addf %add3A_963, %mul3A_967 : vector<16xf32>
        %swap3A_969 = arith.constant 464 : index
        %swap3A_970 = tpu.vector_load %arg11[%swap3A_969] {strides = array<i32>} : memref<1280xf32, #tpu.memory_space<vmem>>, vector<16xf32>,
        tpu.vector_store %arg11[%swap3A_969], %add3A_968 {strides = array<i32>} : memref<1280xf32, #tpu.memory_space<vmem>>, vector<16xf32>,
        %mul3A_971 = arith.constant 16 : i32
        %mul3A_972 = arith.muli %add3A_126, %mul3A_971 : i32
        %add3A_973 = arith.constant 6 : i32
        %add3A_974 = arith.addi %mul3A_972, %add3A_973 : i32
        %get3A_975 = arith.index_cast %add3A_974 : i32 to index
        %get3A_976 = arith.constant 0 : index
        %get3A_977 = tpu.vector_load %arg9[%get3A_975, %get3A_976] {strides = array<i32>} : memref<128x64xf32, #tpu.memory_space<vmem>>, vector<16xf32>,
        %get3A_978 = arith.index_cast %add3A_974 : i32 to index
        %get3A_979 = arith.constant 16 : index
        %get3A_980 = tpu.vector_load %arg9[%get3A_978, %get3A_979] {strides = array<i32>} : memref<128x64xf32, #tpu.memory_space<vmem>>, vector<16xf32>,
        %get3A_981 = arith.index_cast %add3A_974 : i32 to index
        %get3A_982 = arith.constant 32 : index
        %get3A_983 = tpu.vector_load %arg9[%get3A_981, %get3A_982] {strides = array<i32>} : memref<128x64xf32, #tpu.memory_space<vmem>>, vector<16xf32>,
        %get3A_984 = arith.index_cast %add3A_974 : i32 to index
        %get3A_985 = arith.constant 48 : index
        %get3A_986 = tpu.vector_load %arg9[%get3A_984, %get3A_985] {strides = array<i32>} : memref<128x64xf32, #tpu.memory_space<vmem>>, vector<16xf32>,
        %mul3A_987 = arith.constant 5 : i32
        %mul3A_988 = arith.muli %add3A_974, %mul3A_987 : i32
        %add3A_989 = arith.constant 0 : i32
        %add3A_990 = arith.addi %mul3A_988, %add3A_989 : i32
        %get3A_991 = arith.index_cast %add3A_990 : i32 to index
        %get3A_992 = arith.constant 0 : index
        %get3A_993 = tpu.vector_load %arg10[%get3A_991, %get3A_992] {strides = array<i32>} : memref<640x64xf32, #tpu.memory_space<vmem>>, vector<16xf32>,
        %mul3A_994 = arith.mulf %get3A_977, %get3A_993 : vector<16xf32>
        %get3A_995 = arith.index_cast %add3A_990 : i32 to index
        %get3A_996 = arith.constant 16 : index
        %get3A_997 = tpu.vector_load %arg10[%get3A_995, %get3A_996] {strides = array<i32>} : memref<640x64xf32, #tpu.memory_space<vmem>>, vector<16xf32>,
        %mul3A_998 = arith.mulf %get3A_980, %get3A_997 : vector<16xf32>
        %add3A_999 = arith.addf %mul3A_994, %mul3A_998 : vector<16xf32>
        %get3A_1000 = arith.index_cast %add3A_990 : i32 to index
        %get3A_1001 = arith.constant 32 : index
        %get3A_1002 = tpu.vector_load %arg10[%get3A_1000, %get3A_1001] {strides = array<i32>} : memref<640x64xf32, #tpu.memory_space<vmem>>, vector<16xf32>,
        %mul3A_1003 = arith.mulf %get3A_983, %get3A_1002 : vector<16xf32>
        %add3A_1004 = arith.addf %add3A_999, %mul3A_1003 : vector<16xf32>
        %get3A_1005 = arith.index_cast %add3A_990 : i32 to index
        %get3A_1006 = arith.constant 48 : index
        %get3A_1007 = tpu.vector_load %arg10[%get3A_1005, %get3A_1006] {strides = array<i32>} : memref<640x64xf32, #tpu.memory_space<vmem>>, vector<16xf32>,
        %mul3A_1008 = arith.mulf %get3A_986, %get3A_1007 : vector<16xf32>
        %add3A_1009 = arith.addf %add3A_1004, %mul3A_1008 : vector<16xf32>
        %swap3A_1010 = arith.constant 480 : index
        %swap3A_1011 = tpu.vector_load %arg11[%swap3A_1010] {strides = array<i32>} : memref<1280xf32, #tpu.memory_space<vmem>>, vector<16xf32>,
        tpu.vector_store %arg11[%swap3A_1010], %add3A_1009 {strides = array<i32>} : memref<1280xf32, #tpu.memory_space<vmem>>, vector<16xf32>,
        %mul3A_1012 = arith.constant 5 : i32
        %mul3A_1013 = arith.muli %add3A_974, %mul3A_1012 : i32
        %add3A_1014 = arith.constant 1 : i32
        %add3A_1015 = arith.addi %mul3A_1013, %add3A_1014 : i32
        %get3A_1016 = arith.index_cast %add3A_1015 : i32 to index
        %get3A_1017 = arith.constant 0 : index
        %get3A_1018 = tpu.vector_load %arg10[%get3A_1016, %get3A_1017] {strides = array<i32>} : memref<640x64xf32, #tpu.memory_space<vmem>>, vector<16xf32>,
        %mul3A_1019 = arith.mulf %get3A_977, %get3A_1018 : vector<16xf32>
        %get3A_1020 = arith.index_cast %add3A_1015 : i32 to index
        %get3A_1021 = arith.constant 16 : index
        %get3A_1022 = tpu.vector_load %arg10[%get3A_1020, %get3A_1021] {strides = array<i32>} : memref<640x64xf32, #tpu.memory_space<vmem>>, vector<16xf32>,
        %mul3A_1023 = arith.mulf %get3A_980, %get3A_1022 : vector<16xf32>
        %add3A_1024 = arith.addf %mul3A_1019, %mul3A_1023 : vector<16xf32>
        %get3A_1025 = arith.index_cast %add3A_1015 : i32 to index
        %get3A_1026 = arith.constant 32 : index
        %get3A_1027 = tpu.vector_load %arg10[%get3A_1025, %get3A_1026] {strides = array<i32>} : memref<640x64xf32, #tpu.memory_space<vmem>>, vector<16xf32>,
        %mul3A_1028 = arith.mulf %get3A_983, %get3A_1027 : vector<16xf32>
        %add3A_1029 = arith.addf %add3A_1024, %mul3A_1028 : vector<16xf32>
        %get3A_1030 = arith.index_cast %add3A_1015 : i32 to index
        %get3A_1031 = arith.constant 48 : index
        %get3A_1032 = tpu.vector_load %arg10[%get3A_1030, %get3A_1031] {strides = array<i32>} : memref<640x64xf32, #tpu.memory_space<vmem>>, vector<16xf32>,
        %mul3A_1033 = arith.mulf %get3A_986, %get3A_1032 : vector<16xf32>
        %add3A_1034 = arith.addf %add3A_1029, %mul3A_1033 : vector<16xf32>
        %swap3A_1035 = arith.constant 496 : index
        %swap3A_1036 = tpu.vector_load %arg11[%swap3A_1035] {strides = array<i32>} : memref<1280xf32, #tpu.memory_space<vmem>>, vector<16xf32>,
        tpu.vector_store %arg11[%swap3A_1035], %add3A_1034 {strides = array<i32>} : memref<1280xf32, #tpu.memory_space<vmem>>, vector<16xf32>,
        %mul3A_1037 = arith.constant 5 : i32
        %mul3A_1038 = arith.muli %add3A_974, %mul3A_1037 : i32
        %add3A_1039 = arith.constant 2 : i32
        %add3A_1040 = arith.addi %mul3A_1038, %add3A_1039 : i32
        %get3A_1041 = arith.index_cast %add3A_1040 : i32 to index
        %get3A_1042 = arith.constant 0 : index
        %get3A_1043 = tpu.vector_load %arg10[%get3A_1041, %get3A_1042] {strides = array<i32>} : memref<640x64xf32, #tpu.memory_space<vmem>>, vector<16xf32>,
        %mul3A_1044 = arith.mulf %get3A_977, %get3A_1043 : vector<16xf32>
        %get3A_1045 = arith.index_cast %add3A_1040 : i32 to index
        %get3A_1046 = arith.constant 16 : index
        %get3A_1047 = tpu.vector_load %arg10[%get3A_1045, %get3A_1046] {strides = array<i32>} : memref<640x64xf32, #tpu.memory_space<vmem>>, vector<16xf32>,
        %mul3A_1048 = arith.mulf %get3A_980, %get3A_1047 : vector<16xf32>
        %add3A_1049 = arith.addf %mul3A_1044, %mul3A_1048 : vector<16xf32>
        %get3A_1050 = arith.index_cast %add3A_1040 : i32 to index
        %get3A_1051 = arith.constant 32 : index
        %get3A_1052 = tpu.vector_load %arg10[%get3A_1050, %get3A_1051] {strides = array<i32>} : memref<640x64xf32, #tpu.memory_space<vmem>>, vector<16xf32>,
        %mul3A_1053 = arith.mulf %get3A_983, %get3A_1052 : vector<16xf32>
        %add3A_1054 = arith.addf %add3A_1049, %mul3A_1053 : vector<16xf32>
        %get3A_1055 = arith.index_cast %add3A_1040 : i32 to index
        %get3A_1056 = arith.constant 48 : index
        %get3A_1057 = tpu.vector_load %arg10[%get3A_1055, %get3A_1056] {strides = array<i32>} : memref<640x64xf32, #tpu.memory_space<vmem>>, vector<16xf32>,
        %mul3A_1058 = arith.mulf %get3A_986, %get3A_1057 : vector<16xf32>
        %add3A_1059 = arith.addf %add3A_1054, %mul3A_1058 : vector<16xf32>
        %swap3A_1060 = arith.constant 512 : index
        %swap3A_1061 = tpu.vector_load %arg11[%swap3A_1060] {strides = array<i32>} : memref<1280xf32, #tpu.memory_space<vmem>>, vector<16xf32>,
        tpu.vector_store %arg11[%swap3A_1060], %add3A_1059 {strides = array<i32>} : memref<1280xf32, #tpu.memory_space<vmem>>, vector<16xf32>,
        %mul3A_1062 = arith.constant 5 : i32
        %mul3A_1063 = arith.muli %add3A_974, %mul3A_1062 : i32
        %add3A_1064 = arith.constant 3 : i32
        %add3A_1065 = arith.addi %mul3A_1063, %add3A_1064 : i32
        %get3A_1066 = arith.index_cast %add3A_1065 : i32 to index
        %get3A_1067 = arith.constant 0 : index
        %get3A_1068 = tpu.vector_load %arg10[%get3A_1066, %get3A_1067] {strides = array<i32>} : memref<640x64xf32, #tpu.memory_space<vmem>>, vector<16xf32>,
        %mul3A_1069 = arith.mulf %get3A_977, %get3A_1068 : vector<16xf32>
        %get3A_1070 = arith.index_cast %add3A_1065 : i32 to index
        %get3A_1071 = arith.constant 16 : index
        %get3A_1072 = tpu.vector_load %arg10[%get3A_1070, %get3A_1071] {strides = array<i32>} : memref<640x64xf32, #tpu.memory_space<vmem>>, vector<16xf32>,
        %mul3A_1073 = arith.mulf %get3A_980, %get3A_1072 : vector<16xf32>
        %add3A_1074 = arith.addf %mul3A_1069, %mul3A_1073 : vector<16xf32>
        %get3A_1075 = arith.index_cast %add3A_1065 : i32 to index
        %get3A_1076 = arith.constant 32 : index
        %get3A_1077 = tpu.vector_load %arg10[%get3A_1075, %get3A_1076] {strides = array<i32>} : memref<640x64xf32, #tpu.memory_space<vmem>>, vector<16xf32>,
        %mul3A_1078 = arith.mulf %get3A_983, %get3A_1077 : vector<16xf32>
        %add3A_1079 = arith.addf %add3A_1074, %mul3A_1078 : vector<16xf32>
        %get3A_1080 = arith.index_cast %add3A_1065 : i32 to index
        %get3A_1081 = arith.constant 48 : index
        %get3A_1082 = tpu.vector_load %arg10[%get3A_1080, %get3A_1081] {strides = array<i32>} : memref<640x64xf32, #tpu.memory_space<vmem>>, vector<16xf32>,
        %mul3A_1083 = arith.mulf %get3A_986, %get3A_1082 : vector<16xf32>
        %add3A_1084 = arith.addf %add3A_1079, %mul3A_1083 : vector<16xf32>
        %swap3A_1085 = arith.constant 528 : index
        %swap3A_1086 = tpu.vector_load %arg11[%swap3A_1085] {strides = array<i32>} : memref<1280xf32, #tpu.memory_space<vmem>>, vector<16xf32>,
        tpu.vector_store %arg11[%swap3A_1085], %add3A_1084 {strides = array<i32>} : memref<1280xf32, #tpu.memory_space<vmem>>, vector<16xf32>,
        %mul3A_1087 = arith.constant 5 : i32
        %mul3A_1088 = arith.muli %add3A_974, %mul3A_1087 : i32
        %add3A_1089 = arith.constant 4 : i32
        %add3A_1090 = arith.addi %mul3A_1088, %add3A_1089 : i32
        %get3A_1091 = arith.index_cast %add3A_1090 : i32 to index
        %get3A_1092 = arith.constant 0 : index
        %get3A_1093 = tpu.vector_load %arg10[%get3A_1091, %get3A_1092] {strides = array<i32>} : memref<640x64xf32, #tpu.memory_space<vmem>>, vector<16xf32>,
        %mul3A_1094 = arith.mulf %get3A_977, %get3A_1093 : vector<16xf32>
        %get3A_1095 = arith.index_cast %add3A_1090 : i32 to index
        %get3A_1096 = arith.constant 16 : index
        %get3A_1097 = tpu.vector_load %arg10[%get3A_1095, %get3A_1096] {strides = array<i32>} : memref<640x64xf32, #tpu.memory_space<vmem>>, vector<16xf32>,
        %mul3A_1098 = arith.mulf %get3A_980, %get3A_1097 : vector<16xf32>
        %add3A_1099 = arith.addf %mul3A_1094, %mul3A_1098 : vector<16xf32>
        %get3A_1100 = arith.index_cast %add3A_1090 : i32 to index
        %get3A_1101 = arith.constant 32 : index
        %get3A_1102 = tpu.vector_load %arg10[%get3A_1100, %get3A_1101] {strides = array<i32>} : memref<640x64xf32, #tpu.memory_space<vmem>>, vector<16xf32>,
        %mul3A_1103 = arith.mulf %get3A_983, %get3A_1102 : vector<16xf32>
        %add3A_1104 = arith.addf %add3A_1099, %mul3A_1103 : vector<16xf32>
        %get3A_1105 = arith.index_cast %add3A_1090 : i32 to index
        %get3A_1106 = arith.constant 48 : index
        %get3A_1107 = tpu.vector_load %arg10[%get3A_1105, %get3A_1106] {strides = array<i32>} : memref<640x64xf32, #tpu.memory_space<vmem>>, vector<16xf32>,
        %mul3A_1108 = arith.mulf %get3A_986, %get3A_1107 : vector<16xf32>
        %add3A_1109 = arith.addf %add3A_1104, %mul3A_1108 : vector<16xf32>
        %swap3A_1110 = arith.constant 544 : index
        %swap3A_1111 = tpu.vector_load %arg11[%swap3A_1110] {strides = array<i32>} : memref<1280xf32, #tpu.memory_space<vmem>>, vector<16xf32>,
        tpu.vector_store %arg11[%swap3A_1110], %add3A_1109 {strides = array<i32>} : memref<1280xf32, #tpu.memory_space<vmem>>, vector<16xf32>,
        %mul3A_1112 = arith.constant 16 : i32
        %mul3A_1113 = arith.muli %add3A_126, %mul3A_1112 : i32
        %add3A_1114 = arith.constant 7 : i32
        %add3A_1115 = arith.addi %mul3A_1113, %add3A_1114 : i32
        %get3A_1116 = arith.index_cast %add3A_1115 : i32 to index
        %get3A_1117 = arith.constant 0 : index
        %get3A_1118 = tpu.vector_load %arg9[%get3A_1116, %get3A_1117] {strides = array<i32>} : memref<128x64xf32, #tpu.memory_space<vmem>>, vector<16xf32>,
        %get3A_1119 = arith.index_cast %add3A_1115 : i32 to index
        %get3A_1120 = arith.constant 16 : index
        %get3A_1121 = tpu.vector_load %arg9[%get3A_1119, %get3A_1120] {strides = array<i32>} : memref<128x64xf32, #tpu.memory_space<vmem>>, vector<16xf32>,
        %get3A_1122 = arith.index_cast %add3A_1115 : i32 to index
        %get3A_1123 = arith.constant 32 : index
        %get3A_1124 = tpu.vector_load %arg9[%get3A_1122, %get3A_1123] {strides = array<i32>} : memref<128x64xf32, #tpu.memory_space<vmem>>, vector<16xf32>,
        %get3A_1125 = arith.index_cast %add3A_1115 : i32 to index
        %get3A_1126 = arith.constant 48 : index
        %get3A_1127 = tpu.vector_load %arg9[%get3A_1125, %get3A_1126] {strides = array<i32>} : memref<128x64xf32, #tpu.memory_space<vmem>>, vector<16xf32>,
        %mul3A_1128 = arith.constant 5 : i32
        %mul3A_1129 = arith.muli %add3A_1115, %mul3A_1128 : i32
        %add3A_1130 = arith.constant 0 : i32
        %add3A_1131 = arith.addi %mul3A_1129, %add3A_1130 : i32
        %get3A_1132 = arith.index_cast %add3A_1131 : i32 to index
        %get3A_1133 = arith.constant 0 : index
        %get3A_1134 = tpu.vector_load %arg10[%get3A_1132, %get3A_1133] {strides = array<i32>} : memref<640x64xf32, #tpu.memory_space<vmem>>, vector<16xf32>,
        %mul3A_1135 = arith.mulf %get3A_1118, %get3A_1134 : vector<16xf32>
        %get3A_1136 = arith.index_cast %add3A_1131 : i32 to index
        %get3A_1137 = arith.constant 16 : index
        %get3A_1138 = tpu.vector_load %arg10[%get3A_1136, %get3A_1137] {strides = array<i32>} : memref<640x64xf32, #tpu.memory_space<vmem>>, vector<16xf32>,
        %mul3A_1139 = arith.mulf %get3A_1121, %get3A_1138 : vector<16xf32>
        %add3A_1140 = arith.addf %mul3A_1135, %mul3A_1139 : vector<16xf32>
        %get3A_1141 = arith.index_cast %add3A_1131 : i32 to index
        %get3A_1142 = arith.constant 32 : index
        %get3A_1143 = tpu.vector_load %arg10[%get3A_1141, %get3A_1142] {strides = array<i32>} : memref<640x64xf32, #tpu.memory_space<vmem>>, vector<16xf32>,
        %mul3A_1144 = arith.mulf %get3A_1124, %get3A_1143 : vector<16xf32>
        %add3A_1145 = arith.addf %add3A_1140, %mul3A_1144 : vector<16xf32>
        %get3A_1146 = arith.index_cast %add3A_1131 : i32 to index
        %get3A_1147 = arith.constant 48 : index
        %get3A_1148 = tpu.vector_load %arg10[%get3A_1146, %get3A_1147] {strides = array<i32>} : memref<640x64xf32, #tpu.memory_space<vmem>>, vector<16xf32>,
        %mul3A_1149 = arith.mulf %get3A_1127, %get3A_1148 : vector<16xf32>
        %add3A_1150 = arith.addf %add3A_1145, %mul3A_1149 : vector<16xf32>
        %swap3A_1151 = arith.constant 560 : index
        %swap3A_1152 = tpu.vector_load %arg11[%swap3A_1151] {strides = array<i32>} : memref<1280xf32, #tpu.memory_space<vmem>>, vector<16xf32>,
        tpu.vector_store %arg11[%swap3A_1151], %add3A_1150 {strides = array<i32>} : memref<1280xf32, #tpu.memory_space<vmem>>, vector<16xf32>,
        %mul3A_1153 = arith.constant 5 : i32
        %mul3A_1154 = arith.muli %add3A_1115, %mul3A_1153 : i32
        %add3A_1155 = arith.constant 1 : i32
        %add3A_1156 = arith.addi %mul3A_1154, %add3A_1155 : i32
        %get3A_1157 = arith.index_cast %add3A_1156 : i32 to index
        %get3A_1158 = arith.constant 0 : index
        %get3A_1159 = tpu.vector_load %arg10[%get3A_1157, %get3A_1158] {strides = array<i32>} : memref<640x64xf32, #tpu.memory_space<vmem>>, vector<16xf32>,
        %mul3A_1160 = arith.mulf %get3A_1118, %get3A_1159 : vector<16xf32>
        %get3A_1161 = arith.index_cast %add3A_1156 : i32 to index
        %get3A_1162 = arith.constant 16 : index
        %get3A_1163 = tpu.vector_load %arg10[%get3A_1161, %get3A_1162] {strides = array<i32>} : memref<640x64xf32, #tpu.memory_space<vmem>>, vector<16xf32>,
        %mul3A_1164 = arith.mulf %get3A_1121, %get3A_1163 : vector<16xf32>
        %add3A_1165 = arith.addf %mul3A_1160, %mul3A_1164 : vector<16xf32>
        %get3A_1166 = arith.index_cast %add3A_1156 : i32 to index
        %get3A_1167 = arith.constant 32 : index
        %get3A_1168 = tpu.vector_load %arg10[%get3A_1166, %get3A_1167] {strides = array<i32>} : memref<640x64xf32, #tpu.memory_space<vmem>>, vector<16xf32>,
        %mul3A_1169 = arith.mulf %get3A_1124, %get3A_1168 : vector<16xf32>
        %add3A_1170 = arith.addf %add3A_1165, %mul3A_1169 : vector<16xf32>
        %get3A_1171 = arith.index_cast %add3A_1156 : i32 to index
        %get3A_1172 = arith.constant 48 : index
        %get3A_1173 = tpu.vector_load %arg10[%get3A_1171, %get3A_1172] {strides = array<i32>} : memref<640x64xf32, #tpu.memory_space<vmem>>, vector<16xf32>,
        %mul3A_1174 = arith.mulf %get3A_1127, %get3A_1173 : vector<16xf32>
        %add3A_1175 = arith.addf %add3A_1170, %mul3A_1174 : vector<16xf32>
        %swap3A_1176 = arith.constant 576 : index
        %swap3A_1177 = tpu.vector_load %arg11[%swap3A_1176] {strides = array<i32>} : memref<1280xf32, #tpu.memory_space<vmem>>, vector<16xf32>,
        tpu.vector_store %arg11[%swap3A_1176], %add3A_1175 {strides = array<i32>} : memref<1280xf32, #tpu.memory_space<vmem>>, vector<16xf32>,
        %mul3A_1178 = arith.constant 5 : i32
        %mul3A_1179 = arith.muli %add3A_1115, %mul3A_1178 : i32
        %add3A_1180 = arith.constant 2 : i32
        %add3A_1181 = arith.addi %mul3A_1179, %add3A_1180 : i32
        %get3A_1182 = arith.index_cast %add3A_1181 : i32 to index
        %get3A_1183 = arith.constant 0 : index
        %get3A_1184 = tpu.vector_load %arg10[%get3A_1182, %get3A_1183] {strides = array<i32>} : memref<640x64xf32, #tpu.memory_space<vmem>>, vector<16xf32>,
        %mul3A_1185 = arith.mulf %get3A_1118, %get3A_1184 : vector<16xf32>
        %get3A_1186 = arith.index_cast %add3A_1181 : i32 to index
        %get3A_1187 = arith.constant 16 : index
        %get3A_1188 = tpu.vector_load %arg10[%get3A_1186, %get3A_1187] {strides = array<i32>} : memref<640x64xf32, #tpu.memory_space<vmem>>, vector<16xf32>,
        %mul3A_1189 = arith.mulf %get3A_1121, %get3A_1188 : vector<16xf32>
        %add3A_1190 = arith.addf %mul3A_1185, %mul3A_1189 : vector<16xf32>
        %get3A_1191 = arith.index_cast %add3A_1181 : i32 to index
        %get3A_1192 = arith.constant 32 : index
        %get3A_1193 = tpu.vector_load %arg10[%get3A_1191, %get3A_1192] {strides = array<i32>} : memref<640x64xf32, #tpu.memory_space<vmem>>, vector<16xf32>,
        %mul3A_1194 = arith.mulf %get3A_1124, %get3A_1193 : vector<16xf32>
        %add3A_1195 = arith.addf %add3A_1190, %mul3A_1194 : vector<16xf32>
        %get3A_1196 = arith.index_cast %add3A_1181 : i32 to index
        %get3A_1197 = arith.constant 48 : index
        %get3A_1198 = tpu.vector_load %arg10[%get3A_1196, %get3A_1197] {strides = array<i32>} : memref<640x64xf32, #tpu.memory_space<vmem>>, vector<16xf32>,
        %mul3A_1199 = arith.mulf %get3A_1127, %get3A_1198 : vector<16xf32>
        %add3A_1200 = arith.addf %add3A_1195, %mul3A_1199 : vector<16xf32>
        %swap3A_1201 = arith.constant 592 : index
        %swap3A_1202 = tpu.vector_load %arg11[%swap3A_1201] {strides = array<i32>} : memref<1280xf32, #tpu.memory_space<vmem>>, vector<16xf32>,
        tpu.vector_store %arg11[%swap3A_1201], %add3A_1200 {strides = array<i32>} : memref<1280xf32, #tpu.memory_space<vmem>>, vector<16xf32>,
        %mul3A_1203 = arith.constant 5 : i32
        %mul3A_1204 = arith.muli %add3A_1115, %mul3A_1203 : i32
        %add3A_1205 = arith.constant 3 : i32
        %add3A_1206 = arith.addi %mul3A_1204, %add3A_1205 : i32
        %get3A_1207 = arith.index_cast %add3A_1206 : i32 to index
        %get3A_1208 = arith.constant 0 : index
        %get3A_1209 = tpu.vector_load %arg10[%get3A_1207, %get3A_1208] {strides = array<i32>} : memref<640x64xf32, #tpu.memory_space<vmem>>, vector<16xf32>,
        %mul3A_1210 = arith.mulf %get3A_1118, %get3A_1209 : vector<16xf32>
        %get3A_1211 = arith.index_cast %add3A_1206 : i32 to index
        %get3A_1212 = arith.constant 16 : index
        %get3A_1213 = tpu.vector_load %arg10[%get3A_1211, %get3A_1212] {strides = array<i32>} : memref<640x64xf32, #tpu.memory_space<vmem>>, vector<16xf32>,
        %mul3A_1214 = arith.mulf %get3A_1121, %get3A_1213 : vector<16xf32>
        %add3A_1215 = arith.addf %mul3A_1210, %mul3A_1214 : vector<16xf32>
        %get3A_1216 = arith.index_cast %add3A_1206 : i32 to index
        %get3A_1217 = arith.constant 32 : index
        %get3A_1218 = tpu.vector_load %arg10[%get3A_1216, %get3A_1217] {strides = array<i32>} : memref<640x64xf32, #tpu.memory_space<vmem>>, vector<16xf32>,
        %mul3A_1219 = arith.mulf %get3A_1124, %get3A_1218 : vector<16xf32>
        %add3A_1220 = arith.addf %add3A_1215, %mul3A_1219 : vector<16xf32>
        %get3A_1221 = arith.index_cast %add3A_1206 : i32 to index
        %get3A_1222 = arith.constant 48 : index
        %get3A_1223 = tpu.vector_load %arg10[%get3A_1221, %get3A_1222] {strides = array<i32>} : memref<640x64xf32, #tpu.memory_space<vmem>>, vector<16xf32>,
        %mul3A_1224 = arith.mulf %get3A_1127, %get3A_1223 : vector<16xf32>
        %add3A_1225 = arith.addf %add3A_1220, %mul3A_1224 : vector<16xf32>
        %swap3A_1226 = arith.constant 608 : index
        %swap3A_1227 = tpu.vector_load %arg11[%swap3A_1226] {strides = array<i32>} : memref<1280xf32, #tpu.memory_space<vmem>>, vector<16xf32>,
        tpu.vector_store %arg11[%swap3A_1226], %add3A_1225 {strides = array<i32>} : memref<1280xf32, #tpu.memory_space<vmem>>, vector<16xf32>,
        %mul3A_1228 = arith.constant 5 : i32
        %mul3A_1229 = arith.muli %add3A_1115, %mul3A_1228 : i32
        %add3A_1230 = arith.constant 4 : i32
        %add3A_1231 = arith.addi %mul3A_1229, %add3A_1230 : i32
        %get3A_1232 = arith.index_cast %add3A_1231 : i32 to index
        %get3A_1233 = arith.constant 0 : index
        %get3A_1234 = tpu.vector_load %arg10[%get3A_1232, %get3A_1233] {strides = array<i32>} : memref<640x64xf32, #tpu.memory_space<vmem>>, vector<16xf32>,
        %mul3A_1235 = arith.mulf %get3A_1118, %get3A_1234 : vector<16xf32>
        %get3A_1236 = arith.index_cast %add3A_1231 : i32 to index
        %get3A_1237 = arith.constant 16 : index
        %get3A_1238 = tpu.vector_load %arg10[%get3A_1236, %get3A_1237] {strides = array<i32>} : memref<640x64xf32, #tpu.memory_space<vmem>>, vector<16xf32>,
        %mul3A_1239 = arith.mulf %get3A_1121, %get3A_1238 : vector<16xf32>
        %add3A_1240 = arith.addf %mul3A_1235, %mul3A_1239 : vector<16xf32>
        %get3A_1241 = arith.index_cast %add3A_1231 : i32 to index
        %get3A_1242 = arith.constant 32 : index
        %get3A_1243 = tpu.vector_load %arg10[%get3A_1241, %get3A_1242] {strides = array<i32>} : memref<640x64xf32, #tpu.memory_space<vmem>>, vector<16xf32>,
        %mul3A_1244 = arith.mulf %get3A_1124, %get3A_1243 : vector<16xf32>
        %add3A_1245 = arith.addf %add3A_1240, %mul3A_1244 : vector<16xf32>
        %get3A_1246 = arith.index_cast %add3A_1231 : i32 to index
        %get3A_1247 = arith.constant 48 : index
        %get3A_1248 = tpu.vector_load %arg10[%get3A_1246, %get3A_1247] {strides = array<i32>} : memref<640x64xf32, #tpu.memory_space<vmem>>, vector<16xf32>,
        %mul3A_1249 = arith.mulf %get3A_1127, %get3A_1248 : vector<16xf32>
        %add3A_1250 = arith.addf %add3A_1245, %mul3A_1249 : vector<16xf32>
        %swap3A_1251 = arith.constant 624 : index
        %swap3A_1252 = tpu.vector_load %arg11[%swap3A_1251] {strides = array<i32>} : memref<1280xf32, #tpu.memory_space<vmem>>, vector<16xf32>,
        tpu.vector_store %arg11[%swap3A_1251], %add3A_1250 {strides = array<i32>} : memref<1280xf32, #tpu.memory_space<vmem>>, vector<16xf32>,
        %mul3A_1253 = arith.constant 16 : i32
        %mul3A_1254 = arith.muli %add3A_126, %mul3A_1253 : i32
        %add3A_1255 = arith.constant 8 : i32
        %add3A_1256 = arith.addi %mul3A_1254, %add3A_1255 : i32
        %get3A_1257 = arith.index_cast %add3A_1256 : i32 to index
        %get3A_1258 = arith.constant 0 : index
        %get3A_1259 = tpu.vector_load %arg9[%get3A_1257, %get3A_1258] {strides = array<i32>} : memref<128x64xf32, #tpu.memory_space<vmem>>, vector<16xf32>,
        %get3A_1260 = arith.index_cast %add3A_1256 : i32 to index
        %get3A_1261 = arith.constant 16 : index
        %get3A_1262 = tpu.vector_load %arg9[%get3A_1260, %get3A_1261] {strides = array<i32>} : memref<128x64xf32, #tpu.memory_space<vmem>>, vector<16xf32>,
        %get3A_1263 = arith.index_cast %add3A_1256 : i32 to index
        %get3A_1264 = arith.constant 32 : index
        %get3A_1265 = tpu.vector_load %arg9[%get3A_1263, %get3A_1264] {strides = array<i32>} : memref<128x64xf32, #tpu.memory_space<vmem>>, vector<16xf32>,
        %get3A_1266 = arith.index_cast %add3A_1256 : i32 to index
        %get3A_1267 = arith.constant 48 : index
        %get3A_1268 = tpu.vector_load %arg9[%get3A_1266, %get3A_1267] {strides = array<i32>} : memref<128x64xf32, #tpu.memory_space<vmem>>, vector<16xf32>,
        %mul3A_1269 = arith.constant 5 : i32
        %mul3A_1270 = arith.muli %add3A_1256, %mul3A_1269 : i32
        %add3A_1271 = arith.constant 0 : i32
        %add3A_1272 = arith.addi %mul3A_1270, %add3A_1271 : i32
        %get3A_1273 = arith.index_cast %add3A_1272 : i32 to index
        %get3A_1274 = arith.constant 0 : index
        %get3A_1275 = tpu.vector_load %arg10[%get3A_1273, %get3A_1274] {strides = array<i32>} : memref<640x64xf32, #tpu.memory_space<vmem>>, vector<16xf32>,
        %mul3A_1276 = arith.mulf %get3A_1259, %get3A_1275 : vector<16xf32>
        %get3A_1277 = arith.index_cast %add3A_1272 : i32 to index
        %get3A_1278 = arith.constant 16 : index
        %get3A_1279 = tpu.vector_load %arg10[%get3A_1277, %get3A_1278] {strides = array<i32>} : memref<640x64xf32, #tpu.memory_space<vmem>>, vector<16xf32>,
        %mul3A_1280 = arith.mulf %get3A_1262, %get3A_1279 : vector<16xf32>
        %add3A_1281 = arith.addf %mul3A_1276, %mul3A_1280 : vector<16xf32>
        %get3A_1282 = arith.index_cast %add3A_1272 : i32 to index
        %get3A_1283 = arith.constant 32 : index
        %get3A_1284 = tpu.vector_load %arg10[%get3A_1282, %get3A_1283] {strides = array<i32>} : memref<640x64xf32, #tpu.memory_space<vmem>>, vector<16xf32>,
        %mul3A_1285 = arith.mulf %get3A_1265, %get3A_1284 : vector<16xf32>
        %add3A_1286 = arith.addf %add3A_1281, %mul3A_1285 : vector<16xf32>
        %get3A_1287 = arith.index_cast %add3A_1272 : i32 to index
        %get3A_1288 = arith.constant 48 : index
        %get3A_1289 = tpu.vector_load %arg10[%get3A_1287, %get3A_1288] {strides = array<i32>} : memref<640x64xf32, #tpu.memory_space<vmem>>, vector<16xf32>,
        %mul3A_1290 = arith.mulf %get3A_1268, %get3A_1289 : vector<16xf32>
        %add3A_1291 = arith.addf %add3A_1286, %mul3A_1290 : vector<16xf32>
        %swap3A_1292 = arith.constant 640 : index
        %swap3A_1293 = tpu.vector_load %arg11[%swap3A_1292] {strides = array<i32>} : memref<1280xf32, #tpu.memory_space<vmem>>, vector<16xf32>,
        tpu.vector_store %arg11[%swap3A_1292], %add3A_1291 {strides = array<i32>} : memref<1280xf32, #tpu.memory_space<vmem>>, vector<16xf32>,
        %mul3A_1294 = arith.constant 5 : i32
        %mul3A_1295 = arith.muli %add3A_1256, %mul3A_1294 : i32
        %add3A_1296 = arith.constant 1 : i32
        %add3A_1297 = arith.addi %mul3A_1295, %add3A_1296 : i32
        %get3A_1298 = arith.index_cast %add3A_1297 : i32 to index
        %get3A_1299 = arith.constant 0 : index
        %get3A_1300 = tpu.vector_load %arg10[%get3A_1298, %get3A_1299] {strides = array<i32>} : memref<640x64xf32, #tpu.memory_space<vmem>>, vector<16xf32>,
        %mul3A_1301 = arith.mulf %get3A_1259, %get3A_1300 : vector<16xf32>
        %get3A_1302 = arith.index_cast %add3A_1297 : i32 to index
        %get3A_1303 = arith.constant 16 : index
        %get3A_1304 = tpu.vector_load %arg10[%get3A_1302, %get3A_1303] {strides = array<i32>} : memref<640x64xf32, #tpu.memory_space<vmem>>, vector<16xf32>,
        %mul3A_1305 = arith.mulf %get3A_1262, %get3A_1304 : vector<16xf32>
        %add3A_1306 = arith.addf %mul3A_1301, %mul3A_1305 : vector<16xf32>
        %get3A_1307 = arith.index_cast %add3A_1297 : i32 to index
        %get3A_1308 = arith.constant 32 : index
        %get3A_1309 = tpu.vector_load %arg10[%get3A_1307, %get3A_1308] {strides = array<i32>} : memref<640x64xf32, #tpu.memory_space<vmem>>, vector<16xf32>,
        %mul3A_1310 = arith.mulf %get3A_1265, %get3A_1309 : vector<16xf32>
        %add3A_1311 = arith.addf %add3A_1306, %mul3A_1310 : vector<16xf32>
        %get3A_1312 = arith.index_cast %add3A_1297 : i32 to index
        %get3A_1313 = arith.constant 48 : index
        %get3A_1314 = tpu.vector_load %arg10[%get3A_1312, %get3A_1313] {strides = array<i32>} : memref<640x64xf32, #tpu.memory_space<vmem>>, vector<16xf32>,
        %mul3A_1315 = arith.mulf %get3A_1268, %get3A_1314 : vector<16xf32>
        %add3A_1316 = arith.addf %add3A_1311, %mul3A_1315 : vector<16xf32>
        %swap3A_1317 = arith.constant 656 : index
        %swap3A_1318 = tpu.vector_load %arg11[%swap3A_1317] {strides = array<i32>} : memref<1280xf32, #tpu.memory_space<vmem>>, vector<16xf32>,
        tpu.vector_store %arg11[%swap3A_1317], %add3A_1316 {strides = array<i32>} : memref<1280xf32, #tpu.memory_space<vmem>>, vector<16xf32>,
        %mul3A_1319 = arith.constant 5 : i32
        %mul3A_1320 = arith.muli %add3A_1256, %mul3A_1319 : i32
        %add3A_1321 = arith.constant 2 : i32
        %add3A_1322 = arith.addi %mul3A_1320, %add3A_1321 : i32
        %get3A_1323 = arith.index_cast %add3A_1322 : i32 to index
        %get3A_1324 = arith.constant 0 : index
        %get3A_1325 = tpu.vector_load %arg10[%get3A_1323, %get3A_1324] {strides = array<i32>} : memref<640x64xf32, #tpu.memory_space<vmem>>, vector<16xf32>,
        %mul3A_1326 = arith.mulf %get3A_1259, %get3A_1325 : vector<16xf32>
        %get3A_1327 = arith.index_cast %add3A_1322 : i32 to index
        %get3A_1328 = arith.constant 16 : index
        %get3A_1329 = tpu.vector_load %arg10[%get3A_1327, %get3A_1328] {strides = array<i32>} : memref<640x64xf32, #tpu.memory_space<vmem>>, vector<16xf32>,
        %mul3A_1330 = arith.mulf %get3A_1262, %get3A_1329 : vector<16xf32>
        %add3A_1331 = arith.addf %mul3A_1326, %mul3A_1330 : vector<16xf32>
        %get3A_1332 = arith.index_cast %add3A_1322 : i32 to index
        %get3A_1333 = arith.constant 32 : index
        %get3A_1334 = tpu.vector_load %arg10[%get3A_1332, %get3A_1333] {strides = array<i32>} : memref<640x64xf32, #tpu.memory_space<vmem>>, vector<16xf32>,
        %mul3A_1335 = arith.mulf %get3A_1265, %get3A_1334 : vector<16xf32>
        %add3A_1336 = arith.addf %add3A_1331, %mul3A_1335 : vector<16xf32>
        %get3A_1337 = arith.index_cast %add3A_1322 : i32 to index
        %get3A_1338 = arith.constant 48 : index
        %get3A_1339 = tpu.vector_load %arg10[%get3A_1337, %get3A_1338] {strides = array<i32>} : memref<640x64xf32, #tpu.memory_space<vmem>>, vector<16xf32>,
        %mul3A_1340 = arith.mulf %get3A_1268, %get3A_1339 : vector<16xf32>
        %add3A_1341 = arith.addf %add3A_1336, %mul3A_1340 : vector<16xf32>
        %swap3A_1342 = arith.constant 672 : index
        %swap3A_1343 = tpu.vector_load %arg11[%swap3A_1342] {strides = array<i32>} : memref<1280xf32, #tpu.memory_space<vmem>>, vector<16xf32>,
        tpu.vector_store %arg11[%swap3A_1342], %add3A_1341 {strides = array<i32>} : memref<1280xf32, #tpu.memory_space<vmem>>, vector<16xf32>,
        %mul3A_1344 = arith.constant 5 : i32
        %mul3A_1345 = arith.muli %add3A_1256, %mul3A_1344 : i32
        %add3A_1346 = arith.constant 3 : i32
        %add3A_1347 = arith.addi %mul3A_1345, %add3A_1346 : i32
        %get3A_1348 = arith.index_cast %add3A_1347 : i32 to index
        %get3A_1349 = arith.constant 0 : index
        %get3A_1350 = tpu.vector_load %arg10[%get3A_1348, %get3A_1349] {strides = array<i32>} : memref<640x64xf32, #tpu.memory_space<vmem>>, vector<16xf32>,
        %mul3A_1351 = arith.mulf %get3A_1259, %get3A_1350 : vector<16xf32>
        %get3A_1352 = arith.index_cast %add3A_1347 : i32 to index
        %get3A_1353 = arith.constant 16 : index
        %get3A_1354 = tpu.vector_load %arg10[%get3A_1352, %get3A_1353] {strides = array<i32>} : memref<640x64xf32, #tpu.memory_space<vmem>>, vector<16xf32>,
        %mul3A_1355 = arith.mulf %get3A_1262, %get3A_1354 : vector<16xf32>
        %add3A_1356 = arith.addf %mul3A_1351, %mul3A_1355 : vector<16xf32>
        %get3A_1357 = arith.index_cast %add3A_1347 : i32 to index
        %get3A_1358 = arith.constant 32 : index
        %get3A_1359 = tpu.vector_load %arg10[%get3A_1357, %get3A_1358] {strides = array<i32>} : memref<640x64xf32, #tpu.memory_space<vmem>>, vector<16xf32>,
        %mul3A_1360 = arith.mulf %get3A_1265, %get3A_1359 : vector<16xf32>
        %add3A_1361 = arith.addf %add3A_1356, %mul3A_1360 : vector<16xf32>
        %get3A_1362 = arith.index_cast %add3A_1347 : i32 to index
        %get3A_1363 = arith.constant 48 : index
        %get3A_1364 = tpu.vector_load %arg10[%get3A_1362, %get3A_1363] {strides = array<i32>} : memref<640x64xf32, #tpu.memory_space<vmem>>, vector<16xf32>,
        %mul3A_1365 = arith.mulf %get3A_1268, %get3A_1364 : vector<16xf32>
        %add3A_1366 = arith.addf %add3A_1361, %mul3A_1365 : vector<16xf32>
        %swap3A_1367 = arith.constant 688 : index
        %swap3A_1368 = tpu.vector_load %arg11[%swap3A_1367] {strides = array<i32>} : memref<1280xf32, #tpu.memory_space<vmem>>, vector<16xf32>,
        tpu.vector_store %arg11[%swap3A_1367], %add3A_1366 {strides = array<i32>} : memref<1280xf32, #tpu.memory_space<vmem>>, vector<16xf32>,
        %mul3A_1369 = arith.constant 5 : i32
        %mul3A_1370 = arith.muli %add3A_1256, %mul3A_1369 : i32
        %add3A_1371 = arith.constant 4 : i32
        %add3A_1372 = arith.addi %mul3A_1370, %add3A_1371 : i32
        %get3A_1373 = arith.index_cast %add3A_1372 : i32 to index
        %get3A_1374 = arith.constant 0 : index
        %get3A_1375 = tpu.vector_load %arg10[%get3A_1373, %get3A_1374] {strides = array<i32>} : memref<640x64xf32, #tpu.memory_space<vmem>>, vector<16xf32>,
        %mul3A_1376 = arith.mulf %get3A_1259, %get3A_1375 : vector<16xf32>
        %get3A_1377 = arith.index_cast %add3A_1372 : i32 to index
        %get3A_1378 = arith.constant 16 : index
        %get3A_1379 = tpu.vector_load %arg10[%get3A_1377, %get3A_1378] {strides = array<i32>} : memref<640x64xf32, #tpu.memory_space<vmem>>, vector<16xf32>,
        %mul3A_1380 = arith.mulf %get3A_1262, %get3A_1379 : vector<16xf32>
        %add3A_1381 = arith.addf %mul3A_1376, %mul3A_1380 : vector<16xf32>
        %get3A_1382 = arith.index_cast %add3A_1372 : i32 to index
        %get3A_1383 = arith.constant 32 : index
        %get3A_1384 = tpu.vector_load %arg10[%get3A_1382, %get3A_1383] {strides = array<i32>} : memref<640x64xf32, #tpu.memory_space<vmem>>, vector<16xf32>,
        %mul3A_1385 = arith.mulf %get3A_1265, %get3A_1384 : vector<16xf32>
        %add3A_1386 = arith.addf %add3A_1381, %mul3A_1385 : vector<16xf32>
        %get3A_1387 = arith.index_cast %add3A_1372 : i32 to index
        %get3A_1388 = arith.constant 48 : index
        %get3A_1389 = tpu.vector_load %arg10[%get3A_1387, %get3A_1388] {strides = array<i32>} : memref<640x64xf32, #tpu.memory_space<vmem>>, vector<16xf32>,
        %mul3A_1390 = arith.mulf %get3A_1268, %get3A_1389 : vector<16xf32>
        %add3A_1391 = arith.addf %add3A_1386, %mul3A_1390 : vector<16xf32>
        %swap3A_1392 = arith.constant 704 : index
        %swap3A_1393 = tpu.vector_load %arg11[%swap3A_1392] {strides = array<i32>} : memref<1280xf32, #tpu.memory_space<vmem>>, vector<16xf32>,
        tpu.vector_store %arg11[%swap3A_1392], %add3A_1391 {strides = array<i32>} : memref<1280xf32, #tpu.memory_space<vmem>>, vector<16xf32>,
        %mul3A_1394 = arith.constant 16 : i32
        %mul3A_1395 = arith.muli %add3A_126, %mul3A_1394 : i32
        %add3A_1396 = arith.constant 9 : i32
        %add3A_1397 = arith.addi %mul3A_1395, %add3A_1396 : i32
        %get3A_1398 = arith.index_cast %add3A_1397 : i32 to index
        %get3A_1399 = arith.constant 0 : index
        %get3A_1400 = tpu.vector_load %arg9[%get3A_1398, %get3A_1399] {strides = array<i32>} : memref<128x64xf32, #tpu.memory_space<vmem>>, vector<16xf32>,
        %get3A_1401 = arith.index_cast %add3A_1397 : i32 to index
        %get3A_1402 = arith.constant 16 : index
        %get3A_1403 = tpu.vector_load %arg9[%get3A_1401, %get3A_1402] {strides = array<i32>} : memref<128x64xf32, #tpu.memory_space<vmem>>, vector<16xf32>,
        %get3A_1404 = arith.index_cast %add3A_1397 : i32 to index
        %get3A_1405 = arith.constant 32 : index
        %get3A_1406 = tpu.vector_load %arg9[%get3A_1404, %get3A_1405] {strides = array<i32>} : memref<128x64xf32, #tpu.memory_space<vmem>>, vector<16xf32>,
        %get3A_1407 = arith.index_cast %add3A_1397 : i32 to index
        %get3A_1408 = arith.constant 48 : index
        %get3A_1409 = tpu.vector_load %arg9[%get3A_1407, %get3A_1408] {strides = array<i32>} : memref<128x64xf32, #tpu.memory_space<vmem>>, vector<16xf32>,
        %mul3A_1410 = arith.constant 5 : i32
        %mul3A_1411 = arith.muli %add3A_1397, %mul3A_1410 : i32
        %add3A_1412 = arith.constant 0 : i32
        %add3A_1413 = arith.addi %mul3A_1411, %add3A_1412 : i32
        %get3A_1414 = arith.index_cast %add3A_1413 : i32 to index
        %get3A_1415 = arith.constant 0 : index
        %get3A_1416 = tpu.vector_load %arg10[%get3A_1414, %get3A_1415] {strides = array<i32>} : memref<640x64xf32, #tpu.memory_space<vmem>>, vector<16xf32>,
        %mul3A_1417 = arith.mulf %get3A_1400, %get3A_1416 : vector<16xf32>
        %get3A_1418 = arith.index_cast %add3A_1413 : i32 to index
        %get3A_1419 = arith.constant 16 : index
        %get3A_1420 = tpu.vector_load %arg10[%get3A_1418, %get3A_1419] {strides = array<i32>} : memref<640x64xf32, #tpu.memory_space<vmem>>, vector<16xf32>,
        %mul3A_1421 = arith.mulf %get3A_1403, %get3A_1420 : vector<16xf32>
        %add3A_1422 = arith.addf %mul3A_1417, %mul3A_1421 : vector<16xf32>
        %get3A_1423 = arith.index_cast %add3A_1413 : i32 to index
        %get3A_1424 = arith.constant 32 : index
        %get3A_1425 = tpu.vector_load %arg10[%get3A_1423, %get3A_1424] {strides = array<i32>} : memref<640x64xf32, #tpu.memory_space<vmem>>, vector<16xf32>,
        %mul3A_1426 = arith.mulf %get3A_1406, %get3A_1425 : vector<16xf32>
        %add3A_1427 = arith.addf %add3A_1422, %mul3A_1426 : vector<16xf32>
        %get3A_1428 = arith.index_cast %add3A_1413 : i32 to index
        %get3A_1429 = arith.constant 48 : index
        %get3A_1430 = tpu.vector_load %arg10[%get3A_1428, %get3A_1429] {strides = array<i32>} : memref<640x64xf32, #tpu.memory_space<vmem>>, vector<16xf32>,
        %mul3A_1431 = arith.mulf %get3A_1409, %get3A_1430 : vector<16xf32>
        %add3A_1432 = arith.addf %add3A_1427, %mul3A_1431 : vector<16xf32>
        %swap3A_1433 = arith.constant 720 : index
        %swap3A_1434 = tpu.vector_load %arg11[%swap3A_1433] {strides = array<i32>} : memref<1280xf32, #tpu.memory_space<vmem>>, vector<16xf32>,
        tpu.vector_store %arg11[%swap3A_1433], %add3A_1432 {strides = array<i32>} : memref<1280xf32, #tpu.memory_space<vmem>>, vector<16xf32>,
        %mul3A_1435 = arith.constant 5 : i32
        %mul3A_1436 = arith.muli %add3A_1397, %mul3A_1435 : i32
        %add3A_1437 = arith.constant 1 : i32
        %add3A_1438 = arith.addi %mul3A_1436, %add3A_1437 : i32
        %get3A_1439 = arith.index_cast %add3A_1438 : i32 to index
        %get3A_1440 = arith.constant 0 : index
        %get3A_1441 = tpu.vector_load %arg10[%get3A_1439, %get3A_1440] {strides = array<i32>} : memref<640x64xf32, #tpu.memory_space<vmem>>, vector<16xf32>,
        %mul3A_1442 = arith.mulf %get3A_1400, %get3A_1441 : vector<16xf32>
        %get3A_1443 = arith.index_cast %add3A_1438 : i32 to index
        %get3A_1444 = arith.constant 16 : index
        %get3A_1445 = tpu.vector_load %arg10[%get3A_1443, %get3A_1444] {strides = array<i32>} : memref<640x64xf32, #tpu.memory_space<vmem>>, vector<16xf32>,
        %mul3A_1446 = arith.mulf %get3A_1403, %get3A_1445 : vector<16xf32>
        %add3A_1447 = arith.addf %mul3A_1442, %mul3A_1446 : vector<16xf32>
        %get3A_1448 = arith.index_cast %add3A_1438 : i32 to index
        %get3A_1449 = arith.constant 32 : index
        %get3A_1450 = tpu.vector_load %arg10[%get3A_1448, %get3A_1449] {strides = array<i32>} : memref<640x64xf32, #tpu.memory_space<vmem>>, vector<16xf32>,
        %mul3A_1451 = arith.mulf %get3A_1406, %get3A_1450 : vector<16xf32>
        %add3A_1452 = arith.addf %add3A_1447, %mul3A_1451 : vector<16xf32>
        %get3A_1453 = arith.index_cast %add3A_1438 : i32 to index
        %get3A_1454 = arith.constant 48 : index
        %get3A_1455 = tpu.vector_load %arg10[%get3A_1453, %get3A_1454] {strides = array<i32>} : memref<640x64xf32, #tpu.memory_space<vmem>>, vector<16xf32>,
        %mul3A_1456 = arith.mulf %get3A_1409, %get3A_1455 : vector<16xf32>
        %add3A_1457 = arith.addf %add3A_1452, %mul3A_1456 : vector<16xf32>
        %swap3A_1458 = arith.constant 736 : index
        %swap3A_1459 = tpu.vector_load %arg11[%swap3A_1458] {strides = array<i32>} : memref<1280xf32, #tpu.memory_space<vmem>>, vector<16xf32>,
        tpu.vector_store %arg11[%swap3A_1458], %add3A_1457 {strides = array<i32>} : memref<1280xf32, #tpu.memory_space<vmem>>, vector<16xf32>,
        %mul3A_1460 = arith.constant 5 : i32
        %mul3A_1461 = arith.muli %add3A_1397, %mul3A_1460 : i32
        %add3A_1462 = arith.constant 2 : i32
        %add3A_1463 = arith.addi %mul3A_1461, %add3A_1462 : i32
        %get3A_1464 = arith.index_cast %add3A_1463 : i32 to index
        %get3A_1465 = arith.constant 0 : index
        %get3A_1466 = tpu.vector_load %arg10[%get3A_1464, %get3A_1465] {strides = array<i32>} : memref<640x64xf32, #tpu.memory_space<vmem>>, vector<16xf32>,
        %mul3A_1467 = arith.mulf %get3A_1400, %get3A_1466 : vector<16xf32>
        %get3A_1468 = arith.index_cast %add3A_1463 : i32 to index
        %get3A_1469 = arith.constant 16 : index
        %get3A_1470 = tpu.vector_load %arg10[%get3A_1468, %get3A_1469] {strides = array<i32>} : memref<640x64xf32, #tpu.memory_space<vmem>>, vector<16xf32>,
        %mul3A_1471 = arith.mulf %get3A_1403, %get3A_1470 : vector<16xf32>
        %add3A_1472 = arith.addf %mul3A_1467, %mul3A_1471 : vector<16xf32>
        %get3A_1473 = arith.index_cast %add3A_1463 : i32 to index
        %get3A_1474 = arith.constant 32 : index
        %get3A_1475 = tpu.vector_load %arg10[%get3A_1473, %get3A_1474] {strides = array<i32>} : memref<640x64xf32, #tpu.memory_space<vmem>>, vector<16xf32>,
        %mul3A_1476 = arith.mulf %get3A_1406, %get3A_1475 : vector<16xf32>
        %add3A_1477 = arith.addf %add3A_1472, %mul3A_1476 : vector<16xf32>
        %get3A_1478 = arith.index_cast %add3A_1463 : i32 to index
        %get3A_1479 = arith.constant 48 : index
        %get3A_1480 = tpu.vector_load %arg10[%get3A_1478, %get3A_1479] {strides = array<i32>} : memref<640x64xf32, #tpu.memory_space<vmem>>, vector<16xf32>,
        %mul3A_1481 = arith.mulf %get3A_1409, %get3A_1480 : vector<16xf32>
        %add3A_1482 = arith.addf %add3A_1477, %mul3A_1481 : vector<16xf32>
        %swap3A_1483 = arith.constant 752 : index
        %swap3A_1484 = tpu.vector_load %arg11[%swap3A_1483] {strides = array<i32>} : memref<1280xf32, #tpu.memory_space<vmem>>, vector<16xf32>,
        tpu.vector_store %arg11[%swap3A_1483], %add3A_1482 {strides = array<i32>} : memref<1280xf32, #tpu.memory_space<vmem>>, vector<16xf32>,
        %mul3A_1485 = arith.constant 5 : i32
        %mul3A_1486 = arith.muli %add3A_1397, %mul3A_1485 : i32
        %add3A_1487 = arith.constant 3 : i32
        %add3A_1488 = arith.addi %mul3A_1486, %add3A_1487 : i32
        %get3A_1489 = arith.index_cast %add3A_1488 : i32 to index
        %get3A_1490 = arith.constant 0 : index
        %get3A_1491 = tpu.vector_load %arg10[%get3A_1489, %get3A_1490] {strides = array<i32>} : memref<640x64xf32, #tpu.memory_space<vmem>>, vector<16xf32>,
        %mul3A_1492 = arith.mulf %get3A_1400, %get3A_1491 : vector<16xf32>
        %get3A_1493 = arith.index_cast %add3A_1488 : i32 to index
        %get3A_1494 = arith.constant 16 : index
        %get3A_1495 = tpu.vector_load %arg10[%get3A_1493, %get3A_1494] {strides = array<i32>} : memref<640x64xf32, #tpu.memory_space<vmem>>, vector<16xf32>,
        %mul3A_1496 = arith.mulf %get3A_1403, %get3A_1495 : vector<16xf32>
        %add3A_1497 = arith.addf %mul3A_1492, %mul3A_1496 : vector<16xf32>
        %get3A_1498 = arith.index_cast %add3A_1488 : i32 to index
        %get3A_1499 = arith.constant 32 : index
        %get3A_1500 = tpu.vector_load %arg10[%get3A_1498, %get3A_1499] {strides = array<i32>} : memref<640x64xf32, #tpu.memory_space<vmem>>, vector<16xf32>,
        %mul3A_1501 = arith.mulf %get3A_1406, %get3A_1500 : vector<16xf32>
        %add3A_1502 = arith.addf %add3A_1497, %mul3A_1501 : vector<16xf32>
        %get3A_1503 = arith.index_cast %add3A_1488 : i32 to index
        %get3A_1504 = arith.constant 48 : index
        %get3A_1505 = tpu.vector_load %arg10[%get3A_1503, %get3A_1504] {strides = array<i32>} : memref<640x64xf32, #tpu.memory_space<vmem>>, vector<16xf32>,
        %mul3A_1506 = arith.mulf %get3A_1409, %get3A_1505 : vector<16xf32>
        %add3A_1507 = arith.addf %add3A_1502, %mul3A_1506 : vector<16xf32>
        %swap3A_1508 = arith.constant 768 : index
        %swap3A_1509 = tpu.vector_load %arg11[%swap3A_1508] {strides = array<i32>} : memref<1280xf32, #tpu.memory_space<vmem>>, vector<16xf32>,
        tpu.vector_store %arg11[%swap3A_1508], %add3A_1507 {strides = array<i32>} : memref<1280xf32, #tpu.memory_space<vmem>>, vector<16xf32>,
        %mul3A_1510 = arith.constant 5 : i32
        %mul3A_1511 = arith.muli %add3A_1397, %mul3A_1510 : i32
        %add3A_1512 = arith.constant 4 : i32
        %add3A_1513 = arith.addi %mul3A_1511, %add3A_1512 : i32
        %get3A_1514 = arith.index_cast %add3A_1513 : i32 to index
        %get3A_1515 = arith.constant 0 : index
        %get3A_1516 = tpu.vector_load %arg10[%get3A_1514, %get3A_1515] {strides = array<i32>} : memref<640x64xf32, #tpu.memory_space<vmem>>, vector<16xf32>,
        %mul3A_1517 = arith.mulf %get3A_1400, %get3A_1516 : vector<16xf32>
        %get3A_1518 = arith.index_cast %add3A_1513 : i32 to index
        %get3A_1519 = arith.constant 16 : index
        %get3A_1520 = tpu.vector_load %arg10[%get3A_1518, %get3A_1519] {strides = array<i32>} : memref<640x64xf32, #tpu.memory_space<vmem>>, vector<16xf32>,
        %mul3A_1521 = arith.mulf %get3A_1403, %get3A_1520 : vector<16xf32>
        %add3A_1522 = arith.addf %mul3A_1517, %mul3A_1521 : vector<16xf32>
        %get3A_1523 = arith.index_cast %add3A_1513 : i32 to index
        %get3A_1524 = arith.constant 32 : index
        %get3A_1525 = tpu.vector_load %arg10[%get3A_1523, %get3A_1524] {strides = array<i32>} : memref<640x64xf32, #tpu.memory_space<vmem>>, vector<16xf32>,
        %mul3A_1526 = arith.mulf %get3A_1406, %get3A_1525 : vector<16xf32>
        %add3A_1527 = arith.addf %add3A_1522, %mul3A_1526 : vector<16xf32>
        %get3A_1528 = arith.index_cast %add3A_1513 : i32 to index
        %get3A_1529 = arith.constant 48 : index
        %get3A_1530 = tpu.vector_load %arg10[%get3A_1528, %get3A_1529] {strides = array<i32>} : memref<640x64xf32, #tpu.memory_space<vmem>>, vector<16xf32>,
        %mul3A_1531 = arith.mulf %get3A_1409, %get3A_1530 : vector<16xf32>
        %add3A_1532 = arith.addf %add3A_1527, %mul3A_1531 : vector<16xf32>
        %swap3A_1533 = arith.constant 784 : index
        %swap3A_1534 = tpu.vector_load %arg11[%swap3A_1533] {strides = array<i32>} : memref<1280xf32, #tpu.memory_space<vmem>>, vector<16xf32>,
        tpu.vector_store %arg11[%swap3A_1533], %add3A_1532 {strides = array<i32>} : memref<1280xf32, #tpu.memory_space<vmem>>, vector<16xf32>,
        %mul3A_1535 = arith.constant 16 : i32
        %mul3A_1536 = arith.muli %add3A_126, %mul3A_1535 : i32
        %add3A_1537 = arith.constant 10 : i32
        %add3A_1538 = arith.addi %mul3A_1536, %add3A_1537 : i32
        %get3A_1539 = arith.index_cast %add3A_1538 : i32 to index
        %get3A_1540 = arith.constant 0 : index
        %get3A_1541 = tpu.vector_load %arg9[%get3A_1539, %get3A_1540] {strides = array<i32>} : memref<128x64xf32, #tpu.memory_space<vmem>>, vector<16xf32>,
        %get3A_1542 = arith.index_cast %add3A_1538 : i32 to index
        %get3A_1543 = arith.constant 16 : index
        %get3A_1544 = tpu.vector_load %arg9[%get3A_1542, %get3A_1543] {strides = array<i32>} : memref<128x64xf32, #tpu.memory_space<vmem>>, vector<16xf32>,
        %get3A_1545 = arith.index_cast %add3A_1538 : i32 to index
        %get3A_1546 = arith.constant 32 : index
        %get3A_1547 = tpu.vector_load %arg9[%get3A_1545, %get3A_1546] {strides = array<i32>} : memref<128x64xf32, #tpu.memory_space<vmem>>, vector<16xf32>,
        %get3A_1548 = arith.index_cast %add3A_1538 : i32 to index
        %get3A_1549 = arith.constant 48 : index
        %get3A_1550 = tpu.vector_load %arg9[%get3A_1548, %get3A_1549] {strides = array<i32>} : memref<128x64xf32, #tpu.memory_space<vmem>>, vector<16xf32>,
        %mul3A_1551 = arith.constant 5 : i32
        %mul3A_1552 = arith.muli %add3A_1538, %mul3A_1551 : i32
        %add3A_1553 = arith.constant 0 : i32
        %add3A_1554 = arith.addi %mul3A_1552, %add3A_1553 : i32
        %get3A_1555 = arith.index_cast %add3A_1554 : i32 to index
        %get3A_1556 = arith.constant 0 : index
        %get3A_1557 = tpu.vector_load %arg10[%get3A_1555, %get3A_1556] {strides = array<i32>} : memref<640x64xf32, #tpu.memory_space<vmem>>, vector<16xf32>,
        %mul3A_1558 = arith.mulf %get3A_1541, %get3A_1557 : vector<16xf32>
        %get3A_1559 = arith.index_cast %add3A_1554 : i32 to index
        %get3A_1560 = arith.constant 16 : index
        %get3A_1561 = tpu.vector_load %arg10[%get3A_1559, %get3A_1560] {strides = array<i32>} : memref<640x64xf32, #tpu.memory_space<vmem>>, vector<16xf32>,
        %mul3A_1562 = arith.mulf %get3A_1544, %get3A_1561 : vector<16xf32>
        %add3A_1563 = arith.addf %mul3A_1558, %mul3A_1562 : vector<16xf32>
        %get3A_1564 = arith.index_cast %add3A_1554 : i32 to index
        %get3A_1565 = arith.constant 32 : index
        %get3A_1566 = tpu.vector_load %arg10[%get3A_1564, %get3A_1565] {strides = array<i32>} : memref<640x64xf32, #tpu.memory_space<vmem>>, vector<16xf32>,
        %mul3A_1567 = arith.mulf %get3A_1547, %get3A_1566 : vector<16xf32>
        %add3A_1568 = arith.addf %add3A_1563, %mul3A_1567 : vector<16xf32>
        %get3A_1569 = arith.index_cast %add3A_1554 : i32 to index
        %get3A_1570 = arith.constant 48 : index
        %get3A_1571 = tpu.vector_load %arg10[%get3A_1569, %get3A_1570] {strides = array<i32>} : memref<640x64xf32, #tpu.memory_space<vmem>>, vector<16xf32>,
        %mul3A_1572 = arith.mulf %get3A_1550, %get3A_1571 : vector<16xf32>
        %add3A_1573 = arith.addf %add3A_1568, %mul3A_1572 : vector<16xf32>
        %swap3A_1574 = arith.constant 800 : index
        %swap3A_1575 = tpu.vector_load %arg11[%swap3A_1574] {strides = array<i32>} : memref<1280xf32, #tpu.memory_space<vmem>>, vector<16xf32>,
        tpu.vector_store %arg11[%swap3A_1574], %add3A_1573 {strides = array<i32>} : memref<1280xf32, #tpu.memory_space<vmem>>, vector<16xf32>,
        %mul3A_1576 = arith.constant 5 : i32
        %mul3A_1577 = arith.muli %add3A_1538, %mul3A_1576 : i32
        %add3A_1578 = arith.constant 1 : i32
        %add3A_1579 = arith.addi %mul3A_1577, %add3A_1578 : i32
        %get3A_1580 = arith.index_cast %add3A_1579 : i32 to index
        %get3A_1581 = arith.constant 0 : index
        %get3A_1582 = tpu.vector_load %arg10[%get3A_1580, %get3A_1581] {strides = array<i32>} : memref<640x64xf32, #tpu.memory_space<vmem>>, vector<16xf32>,
        %mul3A_1583 = arith.mulf %get3A_1541, %get3A_1582 : vector<16xf32>
        %get3A_1584 = arith.index_cast %add3A_1579 : i32 to index
        %get3A_1585 = arith.constant 16 : index
        %get3A_1586 = tpu.vector_load %arg10[%get3A_1584, %get3A_1585] {strides = array<i32>} : memref<640x64xf32, #tpu.memory_space<vmem>>, vector<16xf32>,
        %mul3A_1587 = arith.mulf %get3A_1544, %get3A_1586 : vector<16xf32>
        %add3A_1588 = arith.addf %mul3A_1583, %mul3A_1587 : vector<16xf32>
        %get3A_1589 = arith.index_cast %add3A_1579 : i32 to index
        %get3A_1590 = arith.constant 32 : index
        %get3A_1591 = tpu.vector_load %arg10[%get3A_1589, %get3A_1590] {strides = array<i32>} : memref<640x64xf32, #tpu.memory_space<vmem>>, vector<16xf32>,
        %mul3A_1592 = arith.mulf %get3A_1547, %get3A_1591 : vector<16xf32>
        %add3A_1593 = arith.addf %add3A_1588, %mul3A_1592 : vector<16xf32>
        %get3A_1594 = arith.index_cast %add3A_1579 : i32 to index
        %get3A_1595 = arith.constant 48 : index
        %get3A_1596 = tpu.vector_load %arg10[%get3A_1594, %get3A_1595] {strides = array<i32>} : memref<640x64xf32, #tpu.memory_space<vmem>>, vector<16xf32>,
        %mul3A_1597 = arith.mulf %get3A_1550, %get3A_1596 : vector<16xf32>
        %add3A_1598 = arith.addf %add3A_1593, %mul3A_1597 : vector<16xf32>
        %swap3A_1599 = arith.constant 816 : index
        %swap3A_1600 = tpu.vector_load %arg11[%swap3A_1599] {strides = array<i32>} : memref<1280xf32, #tpu.memory_space<vmem>>, vector<16xf32>,
        tpu.vector_store %arg11[%swap3A_1599], %add3A_1598 {strides = array<i32>} : memref<1280xf32, #tpu.memory_space<vmem>>, vector<16xf32>,
        %mul3A_1601 = arith.constant 5 : i32
        %mul3A_1602 = arith.muli %add3A_1538, %mul3A_1601 : i32
        %add3A_1603 = arith.constant 2 : i32
        %add3A_1604 = arith.addi %mul3A_1602, %add3A_1603 : i32
        %get3A_1605 = arith.index_cast %add3A_1604 : i32 to index
        %get3A_1606 = arith.constant 0 : index
        %get3A_1607 = tpu.vector_load %arg10[%get3A_1605, %get3A_1606] {strides = array<i32>} : memref<640x64xf32, #tpu.memory_space<vmem>>, vector<16xf32>,
        %mul3A_1608 = arith.mulf %get3A_1541, %get3A_1607 : vector<16xf32>
        %get3A_1609 = arith.index_cast %add3A_1604 : i32 to index
        %get3A_1610 = arith.constant 16 : index
        %get3A_1611 = tpu.vector_load %arg10[%get3A_1609, %get3A_1610] {strides = array<i32>} : memref<640x64xf32, #tpu.memory_space<vmem>>, vector<16xf32>,
        %mul3A_1612 = arith.mulf %get3A_1544, %get3A_1611 : vector<16xf32>
        %add3A_1613 = arith.addf %mul3A_1608, %mul3A_1612 : vector<16xf32>
        %get3A_1614 = arith.index_cast %add3A_1604 : i32 to index
        %get3A_1615 = arith.constant 32 : index
        %get3A_1616 = tpu.vector_load %arg10[%get3A_1614, %get3A_1615] {strides = array<i32>} : memref<640x64xf32, #tpu.memory_space<vmem>>, vector<16xf32>,
        %mul3A_1617 = arith.mulf %get3A_1547, %get3A_1616 : vector<16xf32>
        %add3A_1618 = arith.addf %add3A_1613, %mul3A_1617 : vector<16xf32>
        %get3A_1619 = arith.index_cast %add3A_1604 : i32 to index
        %get3A_1620 = arith.constant 48 : index
        %get3A_1621 = tpu.vector_load %arg10[%get3A_1619, %get3A_1620] {strides = array<i32>} : memref<640x64xf32, #tpu.memory_space<vmem>>, vector<16xf32>,
        %mul3A_1622 = arith.mulf %get3A_1550, %get3A_1621 : vector<16xf32>
        %add3A_1623 = arith.addf %add3A_1618, %mul3A_1622 : vector<16xf32>
        %swap3A_1624 = arith.constant 832 : index
        %swap3A_1625 = tpu.vector_load %arg11[%swap3A_1624] {strides = array<i32>} : memref<1280xf32, #tpu.memory_space<vmem>>, vector<16xf32>,
        tpu.vector_store %arg11[%swap3A_1624], %add3A_1623 {strides = array<i32>} : memref<1280xf32, #tpu.memory_space<vmem>>, vector<16xf32>,
        %mul3A_1626 = arith.constant 5 : i32
        %mul3A_1627 = arith.muli %add3A_1538, %mul3A_1626 : i32
        %add3A_1628 = arith.constant 3 : i32
        %add3A_1629 = arith.addi %mul3A_1627, %add3A_1628 : i32
        %get3A_1630 = arith.index_cast %add3A_1629 : i32 to index
        %get3A_1631 = arith.constant 0 : index
        %get3A_1632 = tpu.vector_load %arg10[%get3A_1630, %get3A_1631] {strides = array<i32>} : memref<640x64xf32, #tpu.memory_space<vmem>>, vector<16xf32>,
        %mul3A_1633 = arith.mulf %get3A_1541, %get3A_1632 : vector<16xf32>
        %get3A_1634 = arith.index_cast %add3A_1629 : i32 to index
        %get3A_1635 = arith.constant 16 : index
        %get3A_1636 = tpu.vector_load %arg10[%get3A_1634, %get3A_1635] {strides = array<i32>} : memref<640x64xf32, #tpu.memory_space<vmem>>, vector<16xf32>,
        %mul3A_1637 = arith.mulf %get3A_1544, %get3A_1636 : vector<16xf32>
        %add3A_1638 = arith.addf %mul3A_1633, %mul3A_1637 : vector<16xf32>
        %get3A_1639 = arith.index_cast %add3A_1629 : i32 to index
        %get3A_1640 = arith.constant 32 : index
        %get3A_1641 = tpu.vector_load %arg10[%get3A_1639, %get3A_1640] {strides = array<i32>} : memref<640x64xf32, #tpu.memory_space<vmem>>, vector<16xf32>,
        %mul3A_1642 = arith.mulf %get3A_1547, %get3A_1641 : vector<16xf32>
        %add3A_1643 = arith.addf %add3A_1638, %mul3A_1642 : vector<16xf32>
        %get3A_1644 = arith.index_cast %add3A_1629 : i32 to index
        %get3A_1645 = arith.constant 48 : index
        %get3A_1646 = tpu.vector_load %arg10[%get3A_1644, %get3A_1645] {strides = array<i32>} : memref<640x64xf32, #tpu.memory_space<vmem>>, vector<16xf32>,
        %mul3A_1647 = arith.mulf %get3A_1550, %get3A_1646 : vector<16xf32>
        %add3A_1648 = arith.addf %add3A_1643, %mul3A_1647 : vector<16xf32>
        %swap3A_1649 = arith.constant 848 : index
        %swap3A_1650 = tpu.vector_load %arg11[%swap3A_1649] {strides = array<i32>} : memref<1280xf32, #tpu.memory_space<vmem>>, vector<16xf32>,
        tpu.vector_store %arg11[%swap3A_1649], %add3A_1648 {strides = array<i32>} : memref<1280xf32, #tpu.memory_space<vmem>>, vector<16xf32>,
        %mul3A_1651 = arith.constant 5 : i32
        %mul3A_1652 = arith.muli %add3A_1538, %mul3A_1651 : i32
        %add3A_1653 = arith.constant 4 : i32
        %add3A_1654 = arith.addi %mul3A_1652, %add3A_1653 : i32
        %get3A_1655 = arith.index_cast %add3A_1654 : i32 to index
        %get3A_1656 = arith.constant 0 : index
        %get3A_1657 = tpu.vector_load %arg10[%get3A_1655, %get3A_1656] {strides = array<i32>} : memref<640x64xf32, #tpu.memory_space<vmem>>, vector<16xf32>,
        %mul3A_1658 = arith.mulf %get3A_1541, %get3A_1657 : vector<16xf32>
        %get3A_1659 = arith.index_cast %add3A_1654 : i32 to index
        %get3A_1660 = arith.constant 16 : index
        %get3A_1661 = tpu.vector_load %arg10[%get3A_1659, %get3A_1660] {strides = array<i32>} : memref<640x64xf32, #tpu.memory_space<vmem>>, vector<16xf32>,
        %mul3A_1662 = arith.mulf %get3A_1544, %get3A_1661 : vector<16xf32>
        %add3A_1663 = arith.addf %mul3A_1658, %mul3A_1662 : vector<16xf32>
        %get3A_1664 = arith.index_cast %add3A_1654 : i32 to index
        %get3A_1665 = arith.constant 32 : index
        %get3A_1666 = tpu.vector_load %arg10[%get3A_1664, %get3A_1665] {strides = array<i32>} : memref<640x64xf32, #tpu.memory_space<vmem>>, vector<16xf32>,
        %mul3A_1667 = arith.mulf %get3A_1547, %get3A_1666 : vector<16xf32>
        %add3A_1668 = arith.addf %add3A_1663, %mul3A_1667 : vector<16xf32>
        %get3A_1669 = arith.index_cast %add3A_1654 : i32 to index
        %get3A_1670 = arith.constant 48 : index
        %get3A_1671 = tpu.vector_load %arg10[%get3A_1669, %get3A_1670] {strides = array<i32>} : memref<640x64xf32, #tpu.memory_space<vmem>>, vector<16xf32>,
        %mul3A_1672 = arith.mulf %get3A_1550, %get3A_1671 : vector<16xf32>
        %add3A_1673 = arith.addf %add3A_1668, %mul3A_1672 : vector<16xf32>
        %swap3A_1674 = arith.constant 864 : index
        %swap3A_1675 = tpu.vector_load %arg11[%swap3A_1674] {strides = array<i32>} : memref<1280xf32, #tpu.memory_space<vmem>>, vector<16xf32>,
        tpu.vector_store %arg11[%swap3A_1674], %add3A_1673 {strides = array<i32>} : memref<1280xf32, #tpu.memory_space<vmem>>, vector<16xf32>,
        %mul3A_1676 = arith.constant 16 : i32
        %mul3A_1677 = arith.muli %add3A_126, %mul3A_1676 : i32
        %add3A_1678 = arith.constant 11 : i32
        %add3A_1679 = arith.addi %mul3A_1677, %add3A_1678 : i32
        %get3A_1680 = arith.index_cast %add3A_1679 : i32 to index
        %get3A_1681 = arith.constant 0 : index
        %get3A_1682 = tpu.vector_load %arg9[%get3A_1680, %get3A_1681] {strides = array<i32>} : memref<128x64xf32, #tpu.memory_space<vmem>>, vector<16xf32>,
        %get3A_1683 = arith.index_cast %add3A_1679 : i32 to index
        %get3A_1684 = arith.constant 16 : index
        %get3A_1685 = tpu.vector_load %arg9[%get3A_1683, %get3A_1684] {strides = array<i32>} : memref<128x64xf32, #tpu.memory_space<vmem>>, vector<16xf32>,
        %get3A_1686 = arith.index_cast %add3A_1679 : i32 to index
        %get3A_1687 = arith.constant 32 : index
        %get3A_1688 = tpu.vector_load %arg9[%get3A_1686, %get3A_1687] {strides = array<i32>} : memref<128x64xf32, #tpu.memory_space<vmem>>, vector<16xf32>,
        %get3A_1689 = arith.index_cast %add3A_1679 : i32 to index
        %get3A_1690 = arith.constant 48 : index
        %get3A_1691 = tpu.vector_load %arg9[%get3A_1689, %get3A_1690] {strides = array<i32>} : memref<128x64xf32, #tpu.memory_space<vmem>>, vector<16xf32>,
        %mul3A_1692 = arith.constant 5 : i32
        %mul3A_1693 = arith.muli %add3A_1679, %mul3A_1692 : i32
        %add3A_1694 = arith.constant 0 : i32
        %add3A_1695 = arith.addi %mul3A_1693, %add3A_1694 : i32
        %get3A_1696 = arith.index_cast %add3A_1695 : i32 to index
        %get3A_1697 = arith.constant 0 : index
        %get3A_1698 = tpu.vector_load %arg10[%get3A_1696, %get3A_1697] {strides = array<i32>} : memref<640x64xf32, #tpu.memory_space<vmem>>, vector<16xf32>,
        %mul3A_1699 = arith.mulf %get3A_1682, %get3A_1698 : vector<16xf32>
        %get3A_1700 = arith.index_cast %add3A_1695 : i32 to index
        %get3A_1701 = arith.constant 16 : index
        %get3A_1702 = tpu.vector_load %arg10[%get3A_1700, %get3A_1701] {strides = array<i32>} : memref<640x64xf32, #tpu.memory_space<vmem>>, vector<16xf32>,
        %mul3A_1703 = arith.mulf %get3A_1685, %get3A_1702 : vector<16xf32>
        %add3A_1704 = arith.addf %mul3A_1699, %mul3A_1703 : vector<16xf32>
        %get3A_1705 = arith.index_cast %add3A_1695 : i32 to index
        %get3A_1706 = arith.constant 32 : index
        %get3A_1707 = tpu.vector_load %arg10[%get3A_1705, %get3A_1706] {strides = array<i32>} : memref<640x64xf32, #tpu.memory_space<vmem>>, vector<16xf32>,
        %mul3A_1708 = arith.mulf %get3A_1688, %get3A_1707 : vector<16xf32>
        %add3A_1709 = arith.addf %add3A_1704, %mul3A_1708 : vector<16xf32>
        %get3A_1710 = arith.index_cast %add3A_1695 : i32 to index
        %get3A_1711 = arith.constant 48 : index
        %get3A_1712 = tpu.vector_load %arg10[%get3A_1710, %get3A_1711] {strides = array<i32>} : memref<640x64xf32, #tpu.memory_space<vmem>>, vector<16xf32>,
        %mul3A_1713 = arith.mulf %get3A_1691, %get3A_1712 : vector<16xf32>
        %add3A_1714 = arith.addf %add3A_1709, %mul3A_1713 : vector<16xf32>
        %swap3A_1715 = arith.constant 880 : index
        %swap3A_1716 = tpu.vector_load %arg11[%swap3A_1715] {strides = array<i32>} : memref<1280xf32, #tpu.memory_space<vmem>>, vector<16xf32>,
        tpu.vector_store %arg11[%swap3A_1715], %add3A_1714 {strides = array<i32>} : memref<1280xf32, #tpu.memory_space<vmem>>, vector<16xf32>,
        %mul3A_1717 = arith.constant 5 : i32
        %mul3A_1718 = arith.muli %add3A_1679, %mul3A_1717 : i32
        %add3A_1719 = arith.constant 1 : i32
        %add3A_1720 = arith.addi %mul3A_1718, %add3A_1719 : i32
        %get3A_1721 = arith.index_cast %add3A_1720 : i32 to index
        %get3A_1722 = arith.constant 0 : index
        %get3A_1723 = tpu.vector_load %arg10[%get3A_1721, %get3A_1722] {strides = array<i32>} : memref<640x64xf32, #tpu.memory_space<vmem>>, vector<16xf32>,
        %mul3A_1724 = arith.mulf %get3A_1682, %get3A_1723 : vector<16xf32>
        %get3A_1725 = arith.index_cast %add3A_1720 : i32 to index
        %get3A_1726 = arith.constant 16 : index
        %get3A_1727 = tpu.vector_load %arg10[%get3A_1725, %get3A_1726] {strides = array<i32>} : memref<640x64xf32, #tpu.memory_space<vmem>>, vector<16xf32>,
        %mul3A_1728 = arith.mulf %get3A_1685, %get3A_1727 : vector<16xf32>
        %add3A_1729 = arith.addf %mul3A_1724, %mul3A_1728 : vector<16xf32>
        %get3A_1730 = arith.index_cast %add3A_1720 : i32 to index
        %get3A_1731 = arith.constant 32 : index
        %get3A_1732 = tpu.vector_load %arg10[%get3A_1730, %get3A_1731] {strides = array<i32>} : memref<640x64xf32, #tpu.memory_space<vmem>>, vector<16xf32>,
        %mul3A_1733 = arith.mulf %get3A_1688, %get3A_1732 : vector<16xf32>
        %add3A_1734 = arith.addf %add3A_1729, %mul3A_1733 : vector<16xf32>
        %get3A_1735 = arith.index_cast %add3A_1720 : i32 to index
        %get3A_1736 = arith.constant 48 : index
        %get3A_1737 = tpu.vector_load %arg10[%get3A_1735, %get3A_1736] {strides = array<i32>} : memref<640x64xf32, #tpu.memory_space<vmem>>, vector<16xf32>,
        %mul3A_1738 = arith.mulf %get3A_1691, %get3A_1737 : vector<16xf32>
        %add3A_1739 = arith.addf %add3A_1734, %mul3A_1738 : vector<16xf32>
        %swap3A_1740 = arith.constant 896 : index
        %swap3A_1741 = tpu.vector_load %arg11[%swap3A_1740] {strides = array<i32>} : memref<1280xf32, #tpu.memory_space<vmem>>, vector<16xf32>,
        tpu.vector_store %arg11[%swap3A_1740], %add3A_1739 {strides = array<i32>} : memref<1280xf32, #tpu.memory_space<vmem>>, vector<16xf32>,
        %mul3A_1742 = arith.constant 5 : i32
        %mul3A_1743 = arith.muli %add3A_1679, %mul3A_1742 : i32
        %add3A_1744 = arith.constant 2 : i32
        %add3A_1745 = arith.addi %mul3A_1743, %add3A_1744 : i32
        %get3A_1746 = arith.index_cast %add3A_1745 : i32 to index
        %get3A_1747 = arith.constant 0 : index
        %get3A_1748 = tpu.vector_load %arg10[%get3A_1746, %get3A_1747] {strides = array<i32>} : memref<640x64xf32, #tpu.memory_space<vmem>>, vector<16xf32>,
        %mul3A_1749 = arith.mulf %get3A_1682, %get3A_1748 : vector<16xf32>
        %get3A_1750 = arith.index_cast %add3A_1745 : i32 to index
        %get3A_1751 = arith.constant 16 : index
        %get3A_1752 = tpu.vector_load %arg10[%get3A_1750, %get3A_1751] {strides = array<i32>} : memref<640x64xf32, #tpu.memory_space<vmem>>, vector<16xf32>,
        %mul3A_1753 = arith.mulf %get3A_1685, %get3A_1752 : vector<16xf32>
        %add3A_1754 = arith.addf %mul3A_1749, %mul3A_1753 : vector<16xf32>
        %get3A_1755 = arith.index_cast %add3A_1745 : i32 to index
        %get3A_1756 = arith.constant 32 : index
        %get3A_1757 = tpu.vector_load %arg10[%get3A_1755, %get3A_1756] {strides = array<i32>} : memref<640x64xf32, #tpu.memory_space<vmem>>, vector<16xf32>,
        %mul3A_1758 = arith.mulf %get3A_1688, %get3A_1757 : vector<16xf32>
        %add3A_1759 = arith.addf %add3A_1754, %mul3A_1758 : vector<16xf32>
        %get3A_1760 = arith.index_cast %add3A_1745 : i32 to index
        %get3A_1761 = arith.constant 48 : index
        %get3A_1762 = tpu.vector_load %arg10[%get3A_1760, %get3A_1761] {strides = array<i32>} : memref<640x64xf32, #tpu.memory_space<vmem>>, vector<16xf32>,
        %mul3A_1763 = arith.mulf %get3A_1691, %get3A_1762 : vector<16xf32>
        %add3A_1764 = arith.addf %add3A_1759, %mul3A_1763 : vector<16xf32>
        %swap3A_1765 = arith.constant 912 : index
        %swap3A_1766 = tpu.vector_load %arg11[%swap3A_1765] {strides = array<i32>} : memref<1280xf32, #tpu.memory_space<vmem>>, vector<16xf32>,
        tpu.vector_store %arg11[%swap3A_1765], %add3A_1764 {strides = array<i32>} : memref<1280xf32, #tpu.memory_space<vmem>>, vector<16xf32>,
        %mul3A_1767 = arith.constant 5 : i32
        %mul3A_1768 = arith.muli %add3A_1679, %mul3A_1767 : i32
        %add3A_1769 = arith.constant 3 : i32
        %add3A_1770 = arith.addi %mul3A_1768, %add3A_1769 : i32
        %get3A_1771 = arith.index_cast %add3A_1770 : i32 to index
        %get3A_1772 = arith.constant 0 : index
        %get3A_1773 = tpu.vector_load %arg10[%get3A_1771, %get3A_1772] {strides = array<i32>} : memref<640x64xf32, #tpu.memory_space<vmem>>, vector<16xf32>,
        %mul3A_1774 = arith.mulf %get3A_1682, %get3A_1773 : vector<16xf32>
        %get3A_1775 = arith.index_cast %add3A_1770 : i32 to index
        %get3A_1776 = arith.constant 16 : index
        %get3A_1777 = tpu.vector_load %arg10[%get3A_1775, %get3A_1776] {strides = array<i32>} : memref<640x64xf32, #tpu.memory_space<vmem>>, vector<16xf32>,
        %mul3A_1778 = arith.mulf %get3A_1685, %get3A_1777 : vector<16xf32>
        %add3A_1779 = arith.addf %mul3A_1774, %mul3A_1778 : vector<16xf32>
        %get3A_1780 = arith.index_cast %add3A_1770 : i32 to index
        %get3A_1781 = arith.constant 32 : index
        %get3A_1782 = tpu.vector_load %arg10[%get3A_1780, %get3A_1781] {strides = array<i32>} : memref<640x64xf32, #tpu.memory_space<vmem>>, vector<16xf32>,
        %mul3A_1783 = arith.mulf %get3A_1688, %get3A_1782 : vector<16xf32>
        %add3A_1784 = arith.addf %add3A_1779, %mul3A_1783 : vector<16xf32>
        %get3A_1785 = arith.index_cast %add3A_1770 : i32 to index
        %get3A_1786 = arith.constant 48 : index
        %get3A_1787 = tpu.vector_load %arg10[%get3A_1785, %get3A_1786] {strides = array<i32>} : memref<640x64xf32, #tpu.memory_space<vmem>>, vector<16xf32>,
        %mul3A_1788 = arith.mulf %get3A_1691, %get3A_1787 : vector<16xf32>
        %add3A_1789 = arith.addf %add3A_1784, %mul3A_1788 : vector<16xf32>
        %swap3A_1790 = arith.constant 928 : index
        %swap3A_1791 = tpu.vector_load %arg11[%swap3A_1790] {strides = array<i32>} : memref<1280xf32, #tpu.memory_space<vmem>>, vector<16xf32>,
        tpu.vector_store %arg11[%swap3A_1790], %add3A_1789 {strides = array<i32>} : memref<1280xf32, #tpu.memory_space<vmem>>, vector<16xf32>,
        %mul3A_1792 = arith.constant 5 : i32
        %mul3A_1793 = arith.muli %add3A_1679, %mul3A_1792 : i32
        %add3A_1794 = arith.constant 4 : i32
        %add3A_1795 = arith.addi %mul3A_1793, %add3A_1794 : i32
        %get3A_1796 = arith.index_cast %add3A_1795 : i32 to index
        %get3A_1797 = arith.constant 0 : index
        %get3A_1798 = tpu.vector_load %arg10[%get3A_1796, %get3A_1797] {strides = array<i32>} : memref<640x64xf32, #tpu.memory_space<vmem>>, vector<16xf32>,
        %mul3A_1799 = arith.mulf %get3A_1682, %get3A_1798 : vector<16xf32>
        %get3A_1800 = arith.index_cast %add3A_1795 : i32 to index
        %get3A_1801 = arith.constant 16 : index
        %get3A_1802 = tpu.vector_load %arg10[%get3A_1800, %get3A_1801] {strides = array<i32>} : memref<640x64xf32, #tpu.memory_space<vmem>>, vector<16xf32>,
        %mul3A_1803 = arith.mulf %get3A_1685, %get3A_1802 : vector<16xf32>
        %add3A_1804 = arith.addf %mul3A_1799, %mul3A_1803 : vector<16xf32>
        %get3A_1805 = arith.index_cast %add3A_1795 : i32 to index
        %get3A_1806 = arith.constant 32 : index
        %get3A_1807 = tpu.vector_load %arg10[%get3A_1805, %get3A_1806] {strides = array<i32>} : memref<640x64xf32, #tpu.memory_space<vmem>>, vector<16xf32>,
        %mul3A_1808 = arith.mulf %get3A_1688, %get3A_1807 : vector<16xf32>
        %add3A_1809 = arith.addf %add3A_1804, %mul3A_1808 : vector<16xf32>
        %get3A_1810 = arith.index_cast %add3A_1795 : i32 to index
        %get3A_1811 = arith.constant 48 : index
        %get3A_1812 = tpu.vector_load %arg10[%get3A_1810, %get3A_1811] {strides = array<i32>} : memref<640x64xf32, #tpu.memory_space<vmem>>, vector<16xf32>,
        %mul3A_1813 = arith.mulf %get3A_1691, %get3A_1812 : vector<16xf32>
        %add3A_1814 = arith.addf %add3A_1809, %mul3A_1813 : vector<16xf32>
        %swap3A_1815 = arith.constant 944 : index
        %swap3A_1816 = tpu.vector_load %arg11[%swap3A_1815] {strides = array<i32>} : memref<1280xf32, #tpu.memory_space<vmem>>, vector<16xf32>,
        tpu.vector_store %arg11[%swap3A_1815], %add3A_1814 {strides = array<i32>} : memref<1280xf32, #tpu.memory_space<vmem>>, vector<16xf32>,
        %mul3A_1817 = arith.constant 16 : i32
        %mul3A_1818 = arith.muli %add3A_126, %mul3A_1817 : i32
        %add3A_1819 = arith.constant 12 : i32
        %add3A_1820 = arith.addi %mul3A_1818, %add3A_1819 : i32
        %get3A_1821 = arith.index_cast %add3A_1820 : i32 to index
        %get3A_1822 = arith.constant 0 : index
        %get3A_1823 = tpu.vector_load %arg9[%get3A_1821, %get3A_1822] {strides = array<i32>} : memref<128x64xf32, #tpu.memory_space<vmem>>, vector<16xf32>,
        %get3A_1824 = arith.index_cast %add3A_1820 : i32 to index
        %get3A_1825 = arith.constant 16 : index
        %get3A_1826 = tpu.vector_load %arg9[%get3A_1824, %get3A_1825] {strides = array<i32>} : memref<128x64xf32, #tpu.memory_space<vmem>>, vector<16xf32>,
        %get3A_1827 = arith.index_cast %add3A_1820 : i32 to index
        %get3A_1828 = arith.constant 32 : index
        %get3A_1829 = tpu.vector_load %arg9[%get3A_1827, %get3A_1828] {strides = array<i32>} : memref<128x64xf32, #tpu.memory_space<vmem>>, vector<16xf32>,
        %get3A_1830 = arith.index_cast %add3A_1820 : i32 to index
        %get3A_1831 = arith.constant 48 : index
        %get3A_1832 = tpu.vector_load %arg9[%get3A_1830, %get3A_1831] {strides = array<i32>} : memref<128x64xf32, #tpu.memory_space<vmem>>, vector<16xf32>,
        %mul3A_1833 = arith.constant 5 : i32
        %mul3A_1834 = arith.muli %add3A_1820, %mul3A_1833 : i32
        %add3A_1835 = arith.constant 0 : i32
        %add3A_1836 = arith.addi %mul3A_1834, %add3A_1835 : i32
        %get3A_1837 = arith.index_cast %add3A_1836 : i32 to index
        %get3A_1838 = arith.constant 0 : index
        %get3A_1839 = tpu.vector_load %arg10[%get3A_1837, %get3A_1838] {strides = array<i32>} : memref<640x64xf32, #tpu.memory_space<vmem>>, vector<16xf32>,
        %mul3A_1840 = arith.mulf %get3A_1823, %get3A_1839 : vector<16xf32>
        %get3A_1841 = arith.index_cast %add3A_1836 : i32 to index
        %get3A_1842 = arith.constant 16 : index
        %get3A_1843 = tpu.vector_load %arg10[%get3A_1841, %get3A_1842] {strides = array<i32>} : memref<640x64xf32, #tpu.memory_space<vmem>>, vector<16xf32>,
        %mul3A_1844 = arith.mulf %get3A_1826, %get3A_1843 : vector<16xf32>
        %add3A_1845 = arith.addf %mul3A_1840, %mul3A_1844 : vector<16xf32>
        %get3A_1846 = arith.index_cast %add3A_1836 : i32 to index
        %get3A_1847 = arith.constant 32 : index
        %get3A_1848 = tpu.vector_load %arg10[%get3A_1846, %get3A_1847] {strides = array<i32>} : memref<640x64xf32, #tpu.memory_space<vmem>>, vector<16xf32>,
        %mul3A_1849 = arith.mulf %get3A_1829, %get3A_1848 : vector<16xf32>
        %add3A_1850 = arith.addf %add3A_1845, %mul3A_1849 : vector<16xf32>
        %get3A_1851 = arith.index_cast %add3A_1836 : i32 to index
        %get3A_1852 = arith.constant 48 : index
        %get3A_1853 = tpu.vector_load %arg10[%get3A_1851, %get3A_1852] {strides = array<i32>} : memref<640x64xf32, #tpu.memory_space<vmem>>, vector<16xf32>,
        %mul3A_1854 = arith.mulf %get3A_1832, %get3A_1853 : vector<16xf32>
        %add3A_1855 = arith.addf %add3A_1850, %mul3A_1854 : vector<16xf32>
        %swap3A_1856 = arith.constant 960 : index
        %swap3A_1857 = tpu.vector_load %arg11[%swap3A_1856] {strides = array<i32>} : memref<1280xf32, #tpu.memory_space<vmem>>, vector<16xf32>,
        tpu.vector_store %arg11[%swap3A_1856], %add3A_1855 {strides = array<i32>} : memref<1280xf32, #tpu.memory_space<vmem>>, vector<16xf32>,
        %mul3A_1858 = arith.constant 5 : i32
        %mul3A_1859 = arith.muli %add3A_1820, %mul3A_1858 : i32
        %add3A_1860 = arith.constant 1 : i32
        %add3A_1861 = arith.addi %mul3A_1859, %add3A_1860 : i32
        %get3A_1862 = arith.index_cast %add3A_1861 : i32 to index
        %get3A_1863 = arith.constant 0 : index
        %get3A_1864 = tpu.vector_load %arg10[%get3A_1862, %get3A_1863] {strides = array<i32>} : memref<640x64xf32, #tpu.memory_space<vmem>>, vector<16xf32>,
        %mul3A_1865 = arith.mulf %get3A_1823, %get3A_1864 : vector<16xf32>
        %get3A_1866 = arith.index_cast %add3A_1861 : i32 to index
        %get3A_1867 = arith.constant 16 : index
        %get3A_1868 = tpu.vector_load %arg10[%get3A_1866, %get3A_1867] {strides = array<i32>} : memref<640x64xf32, #tpu.memory_space<vmem>>, vector<16xf32>,
        %mul3A_1869 = arith.mulf %get3A_1826, %get3A_1868 : vector<16xf32>
        %add3A_1870 = arith.addf %mul3A_1865, %mul3A_1869 : vector<16xf32>
        %get3A_1871 = arith.index_cast %add3A_1861 : i32 to index
        %get3A_1872 = arith.constant 32 : index
        %get3A_1873 = tpu.vector_load %arg10[%get3A_1871, %get3A_1872] {strides = array<i32>} : memref<640x64xf32, #tpu.memory_space<vmem>>, vector<16xf32>,
        %mul3A_1874 = arith.mulf %get3A_1829, %get3A_1873 : vector<16xf32>
        %add3A_1875 = arith.addf %add3A_1870, %mul3A_1874 : vector<16xf32>
        %get3A_1876 = arith.index_cast %add3A_1861 : i32 to index
        %get3A_1877 = arith.constant 48 : index
        %get3A_1878 = tpu.vector_load %arg10[%get3A_1876, %get3A_1877] {strides = array<i32>} : memref<640x64xf32, #tpu.memory_space<vmem>>, vector<16xf32>,
        %mul3A_1879 = arith.mulf %get3A_1832, %get3A_1878 : vector<16xf32>
        %add3A_1880 = arith.addf %add3A_1875, %mul3A_1879 : vector<16xf32>
        %swap3A_1881 = arith.constant 976 : index
        %swap3A_1882 = tpu.vector_load %arg11[%swap3A_1881] {strides = array<i32>} : memref<1280xf32, #tpu.memory_space<vmem>>, vector<16xf32>,
        tpu.vector_store %arg11[%swap3A_1881], %add3A_1880 {strides = array<i32>} : memref<1280xf32, #tpu.memory_space<vmem>>, vector<16xf32>,
        %mul3A_1883 = arith.constant 5 : i32
        %mul3A_1884 = arith.muli %add3A_1820, %mul3A_1883 : i32
        %add3A_1885 = arith.constant 2 : i32
        %add3A_1886 = arith.addi %mul3A_1884, %add3A_1885 : i32
        %get3A_1887 = arith.index_cast %add3A_1886 : i32 to index
        %get3A_1888 = arith.constant 0 : index
        %get3A_1889 = tpu.vector_load %arg10[%get3A_1887, %get3A_1888] {strides = array<i32>} : memref<640x64xf32, #tpu.memory_space<vmem>>, vector<16xf32>,
        %mul3A_1890 = arith.mulf %get3A_1823, %get3A_1889 : vector<16xf32>
        %get3A_1891 = arith.index_cast %add3A_1886 : i32 to index
        %get3A_1892 = arith.constant 16 : index
        %get3A_1893 = tpu.vector_load %arg10[%get3A_1891, %get3A_1892] {strides = array<i32>} : memref<640x64xf32, #tpu.memory_space<vmem>>, vector<16xf32>,
        %mul3A_1894 = arith.mulf %get3A_1826, %get3A_1893 : vector<16xf32>
        %add3A_1895 = arith.addf %mul3A_1890, %mul3A_1894 : vector<16xf32>
        %get3A_1896 = arith.index_cast %add3A_1886 : i32 to index
        %get3A_1897 = arith.constant 32 : index
        %get3A_1898 = tpu.vector_load %arg10[%get3A_1896, %get3A_1897] {strides = array<i32>} : memref<640x64xf32, #tpu.memory_space<vmem>>, vector<16xf32>,
        %mul3A_1899 = arith.mulf %get3A_1829, %get3A_1898 : vector<16xf32>
        %add3A_1900 = arith.addf %add3A_1895, %mul3A_1899 : vector<16xf32>
        %get3A_1901 = arith.index_cast %add3A_1886 : i32 to index
        %get3A_1902 = arith.constant 48 : index
        %get3A_1903 = tpu.vector_load %arg10[%get3A_1901, %get3A_1902] {strides = array<i32>} : memref<640x64xf32, #tpu.memory_space<vmem>>, vector<16xf32>,
        %mul3A_1904 = arith.mulf %get3A_1832, %get3A_1903 : vector<16xf32>
        %add3A_1905 = arith.addf %add3A_1900, %mul3A_1904 : vector<16xf32>
        %swap3A_1906 = arith.constant 992 : index
        %swap3A_1907 = tpu.vector_load %arg11[%swap3A_1906] {strides = array<i32>} : memref<1280xf32, #tpu.memory_space<vmem>>, vector<16xf32>,
        tpu.vector_store %arg11[%swap3A_1906], %add3A_1905 {strides = array<i32>} : memref<1280xf32, #tpu.memory_space<vmem>>, vector<16xf32>,
        %mul3A_1908 = arith.constant 5 : i32
        %mul3A_1909 = arith.muli %add3A_1820, %mul3A_1908 : i32
        %add3A_1910 = arith.constant 3 : i32
        %add3A_1911 = arith.addi %mul3A_1909, %add3A_1910 : i32
        %get3A_1912 = arith.index_cast %add3A_1911 : i32 to index
        %get3A_1913 = arith.constant 0 : index
        %get3A_1914 = tpu.vector_load %arg10[%get3A_1912, %get3A_1913] {strides = array<i32>} : memref<640x64xf32, #tpu.memory_space<vmem>>, vector<16xf32>,
        %mul3A_1915 = arith.mulf %get3A_1823, %get3A_1914 : vector<16xf32>
        %get3A_1916 = arith.index_cast %add3A_1911 : i32 to index
        %get3A_1917 = arith.constant 16 : index
        %get3A_1918 = tpu.vector_load %arg10[%get3A_1916, %get3A_1917] {strides = array<i32>} : memref<640x64xf32, #tpu.memory_space<vmem>>, vector<16xf32>,
        %mul3A_1919 = arith.mulf %get3A_1826, %get3A_1918 : vector<16xf32>
        %add3A_1920 = arith.addf %mul3A_1915, %mul3A_1919 : vector<16xf32>
        %get3A_1921 = arith.index_cast %add3A_1911 : i32 to index
        %get3A_1922 = arith.constant 32 : index
        %get3A_1923 = tpu.vector_load %arg10[%get3A_1921, %get3A_1922] {strides = array<i32>} : memref<640x64xf32, #tpu.memory_space<vmem>>, vector<16xf32>,
        %mul3A_1924 = arith.mulf %get3A_1829, %get3A_1923 : vector<16xf32>
        %add3A_1925 = arith.addf %add3A_1920, %mul3A_1924 : vector<16xf32>
        %get3A_1926 = arith.index_cast %add3A_1911 : i32 to index
        %get3A_1927 = arith.constant 48 : index
        %get3A_1928 = tpu.vector_load %arg10[%get3A_1926, %get3A_1927] {strides = array<i32>} : memref<640x64xf32, #tpu.memory_space<vmem>>, vector<16xf32>,
        %mul3A_1929 = arith.mulf %get3A_1832, %get3A_1928 : vector<16xf32>
        %add3A_1930 = arith.addf %add3A_1925, %mul3A_1929 : vector<16xf32>
        %swap3A_1931 = arith.constant 1008 : index
        %swap3A_1932 = tpu.vector_load %arg11[%swap3A_1931] {strides = array<i32>} : memref<1280xf32, #tpu.memory_space<vmem>>, vector<16xf32>,
        tpu.vector_store %arg11[%swap3A_1931], %add3A_1930 {strides = array<i32>} : memref<1280xf32, #tpu.memory_space<vmem>>, vector<16xf32>,
        %mul3A_1933 = arith.constant 5 : i32
        %mul3A_1934 = arith.muli %add3A_1820, %mul3A_1933 : i32
        %add3A_1935 = arith.constant 4 : i32
        %add3A_1936 = arith.addi %mul3A_1934, %add3A_1935 : i32
        %get3A_1937 = arith.index_cast %add3A_1936 : i32 to index
        %get3A_1938 = arith.constant 0 : index
        %get3A_1939 = tpu.vector_load %arg10[%get3A_1937, %get3A_1938] {strides = array<i32>} : memref<640x64xf32, #tpu.memory_space<vmem>>, vector<16xf32>,
        %mul3A_1940 = arith.mulf %get3A_1823, %get3A_1939 : vector<16xf32>
        %get3A_1941 = arith.index_cast %add3A_1936 : i32 to index
        %get3A_1942 = arith.constant 16 : index
        %get3A_1943 = tpu.vector_load %arg10[%get3A_1941, %get3A_1942] {strides = array<i32>} : memref<640x64xf32, #tpu.memory_space<vmem>>, vector<16xf32>,
        %mul3A_1944 = arith.mulf %get3A_1826, %get3A_1943 : vector<16xf32>
        %add3A_1945 = arith.addf %mul3A_1940, %mul3A_1944 : vector<16xf32>
        %get3A_1946 = arith.index_cast %add3A_1936 : i32 to index
        %get3A_1947 = arith.constant 32 : index
        %get3A_1948 = tpu.vector_load %arg10[%get3A_1946, %get3A_1947] {strides = array<i32>} : memref<640x64xf32, #tpu.memory_space<vmem>>, vector<16xf32>,
        %mul3A_1949 = arith.mulf %get3A_1829, %get3A_1948 : vector<16xf32>
        %add3A_1950 = arith.addf %add3A_1945, %mul3A_1949 : vector<16xf32>
        %get3A_1951 = arith.index_cast %add3A_1936 : i32 to index
        %get3A_1952 = arith.constant 48 : index
        %get3A_1953 = tpu.vector_load %arg10[%get3A_1951, %get3A_1952] {strides = array<i32>} : memref<640x64xf32, #tpu.memory_space<vmem>>, vector<16xf32>,
        %mul3A_1954 = arith.mulf %get3A_1832, %get3A_1953 : vector<16xf32>
        %add3A_1955 = arith.addf %add3A_1950, %mul3A_1954 : vector<16xf32>
        %swap3A_1956 = arith.constant 1024 : index
        %swap3A_1957 = tpu.vector_load %arg11[%swap3A_1956] {strides = array<i32>} : memref<1280xf32, #tpu.memory_space<vmem>>, vector<16xf32>,
        tpu.vector_store %arg11[%swap3A_1956], %add3A_1955 {strides = array<i32>} : memref<1280xf32, #tpu.memory_space<vmem>>, vector<16xf32>,
        %mul3A_1958 = arith.constant 16 : i32
        %mul3A_1959 = arith.muli %add3A_126, %mul3A_1958 : i32
        %add3A_1960 = arith.constant 13 : i32
        %add3A_1961 = arith.addi %mul3A_1959, %add3A_1960 : i32
        %get3A_1962 = arith.index_cast %add3A_1961 : i32 to index
        %get3A_1963 = arith.constant 0 : index
        %get3A_1964 = tpu.vector_load %arg9[%get3A_1962, %get3A_1963] {strides = array<i32>} : memref<128x64xf32, #tpu.memory_space<vmem>>, vector<16xf32>,
        %get3A_1965 = arith.index_cast %add3A_1961 : i32 to index
        %get3A_1966 = arith.constant 16 : index
        %get3A_1967 = tpu.vector_load %arg9[%get3A_1965, %get3A_1966] {strides = array<i32>} : memref<128x64xf32, #tpu.memory_space<vmem>>, vector<16xf32>,
        %get3A_1968 = arith.index_cast %add3A_1961 : i32 to index
        %get3A_1969 = arith.constant 32 : index
        %get3A_1970 = tpu.vector_load %arg9[%get3A_1968, %get3A_1969] {strides = array<i32>} : memref<128x64xf32, #tpu.memory_space<vmem>>, vector<16xf32>,
        %get3A_1971 = arith.index_cast %add3A_1961 : i32 to index
        %get3A_1972 = arith.constant 48 : index
        %get3A_1973 = tpu.vector_load %arg9[%get3A_1971, %get3A_1972] {strides = array<i32>} : memref<128x64xf32, #tpu.memory_space<vmem>>, vector<16xf32>,
        %mul3A_1974 = arith.constant 5 : i32
        %mul3A_1975 = arith.muli %add3A_1961, %mul3A_1974 : i32
        %add3A_1976 = arith.constant 0 : i32
        %add3A_1977 = arith.addi %mul3A_1975, %add3A_1976 : i32
        %get3A_1978 = arith.index_cast %add3A_1977 : i32 to index
        %get3A_1979 = arith.constant 0 : index
        %get3A_1980 = tpu.vector_load %arg10[%get3A_1978, %get3A_1979] {strides = array<i32>} : memref<640x64xf32, #tpu.memory_space<vmem>>, vector<16xf32>,
        %mul3A_1981 = arith.mulf %get3A_1964, %get3A_1980 : vector<16xf32>
        %get3A_1982 = arith.index_cast %add3A_1977 : i32 to index
        %get3A_1983 = arith.constant 16 : index
        %get3A_1984 = tpu.vector_load %arg10[%get3A_1982, %get3A_1983] {strides = array<i32>} : memref<640x64xf32, #tpu.memory_space<vmem>>, vector<16xf32>,
        %mul3A_1985 = arith.mulf %get3A_1967, %get3A_1984 : vector<16xf32>
        %add3A_1986 = arith.addf %mul3A_1981, %mul3A_1985 : vector<16xf32>
        %get3A_1987 = arith.index_cast %add3A_1977 : i32 to index
        %get3A_1988 = arith.constant 32 : index
        %get3A_1989 = tpu.vector_load %arg10[%get3A_1987, %get3A_1988] {strides = array<i32>} : memref<640x64xf32, #tpu.memory_space<vmem>>, vector<16xf32>,
        %mul3A_1990 = arith.mulf %get3A_1970, %get3A_1989 : vector<16xf32>
        %add3A_1991 = arith.addf %add3A_1986, %mul3A_1990 : vector<16xf32>
        %get3A_1992 = arith.index_cast %add3A_1977 : i32 to index
        %get3A_1993 = arith.constant 48 : index
        %get3A_1994 = tpu.vector_load %arg10[%get3A_1992, %get3A_1993] {strides = array<i32>} : memref<640x64xf32, #tpu.memory_space<vmem>>, vector<16xf32>,
        %mul3A_1995 = arith.mulf %get3A_1973, %get3A_1994 : vector<16xf32>
        %add3A_1996 = arith.addf %add3A_1991, %mul3A_1995 : vector<16xf32>
        %swap3A_1997 = arith.constant 1040 : index
        %swap3A_1998 = tpu.vector_load %arg11[%swap3A_1997] {strides = array<i32>} : memref<1280xf32, #tpu.memory_space<vmem>>, vector<16xf32>,
        tpu.vector_store %arg11[%swap3A_1997], %add3A_1996 {strides = array<i32>} : memref<1280xf32, #tpu.memory_space<vmem>>, vector<16xf32>,
        %mul3A_1999 = arith.constant 5 : i32
        %mul3A_2000 = arith.muli %add3A_1961, %mul3A_1999 : i32
        %add3A_2001 = arith.constant 1 : i32
        %add3A_2002 = arith.addi %mul3A_2000, %add3A_2001 : i32
        %get3A_2003 = arith.index_cast %add3A_2002 : i32 to index
        %get3A_2004 = arith.constant 0 : index
        %get3A_2005 = tpu.vector_load %arg10[%get3A_2003, %get3A_2004] {strides = array<i32>} : memref<640x64xf32, #tpu.memory_space<vmem>>, vector<16xf32>,
        %mul3A_2006 = arith.mulf %get3A_1964, %get3A_2005 : vector<16xf32>
        %get3A_2007 = arith.index_cast %add3A_2002 : i32 to index
        %get3A_2008 = arith.constant 16 : index
        %get3A_2009 = tpu.vector_load %arg10[%get3A_2007, %get3A_2008] {strides = array<i32>} : memref<640x64xf32, #tpu.memory_space<vmem>>, vector<16xf32>,
        %mul3A_2010 = arith.mulf %get3A_1967, %get3A_2009 : vector<16xf32>
        %add3A_2011 = arith.addf %mul3A_2006, %mul3A_2010 : vector<16xf32>
        %get3A_2012 = arith.index_cast %add3A_2002 : i32 to index
        %get3A_2013 = arith.constant 32 : index
        %get3A_2014 = tpu.vector_load %arg10[%get3A_2012, %get3A_2013] {strides = array<i32>} : memref<640x64xf32, #tpu.memory_space<vmem>>, vector<16xf32>,
        %mul3A_2015 = arith.mulf %get3A_1970, %get3A_2014 : vector<16xf32>
        %add3A_2016 = arith.addf %add3A_2011, %mul3A_2015 : vector<16xf32>
        %get3A_2017 = arith.index_cast %add3A_2002 : i32 to index
        %get3A_2018 = arith.constant 48 : index
        %get3A_2019 = tpu.vector_load %arg10[%get3A_2017, %get3A_2018] {strides = array<i32>} : memref<640x64xf32, #tpu.memory_space<vmem>>, vector<16xf32>,
        %mul3A_2020 = arith.mulf %get3A_1973, %get3A_2019 : vector<16xf32>
        %add3A_2021 = arith.addf %add3A_2016, %mul3A_2020 : vector<16xf32>
        %swap3A_2022 = arith.constant 1056 : index
        %swap3A_2023 = tpu.vector_load %arg11[%swap3A_2022] {strides = array<i32>} : memref<1280xf32, #tpu.memory_space<vmem>>, vector<16xf32>,
        tpu.vector_store %arg11[%swap3A_2022], %add3A_2021 {strides = array<i32>} : memref<1280xf32, #tpu.memory_space<vmem>>, vector<16xf32>,
        %mul3A_2024 = arith.constant 5 : i32
        %mul3A_2025 = arith.muli %add3A_1961, %mul3A_2024 : i32
        %add3A_2026 = arith.constant 2 : i32
        %add3A_2027 = arith.addi %mul3A_2025, %add3A_2026 : i32
        %get3A_2028 = arith.index_cast %add3A_2027 : i32 to index
        %get3A_2029 = arith.constant 0 : index
        %get3A_2030 = tpu.vector_load %arg10[%get3A_2028, %get3A_2029] {strides = array<i32>} : memref<640x64xf32, #tpu.memory_space<vmem>>, vector<16xf32>,
        %mul3A_2031 = arith.mulf %get3A_1964, %get3A_2030 : vector<16xf32>
        %get3A_2032 = arith.index_cast %add3A_2027 : i32 to index
        %get3A_2033 = arith.constant 16 : index
        %get3A_2034 = tpu.vector_load %arg10[%get3A_2032, %get3A_2033] {strides = array<i32>} : memref<640x64xf32, #tpu.memory_space<vmem>>, vector<16xf32>,
        %mul3A_2035 = arith.mulf %get3A_1967, %get3A_2034 : vector<16xf32>
        %add3A_2036 = arith.addf %mul3A_2031, %mul3A_2035 : vector<16xf32>
        %get3A_2037 = arith.index_cast %add3A_2027 : i32 to index
        %get3A_2038 = arith.constant 32 : index
        %get3A_2039 = tpu.vector_load %arg10[%get3A_2037, %get3A_2038] {strides = array<i32>} : memref<640x64xf32, #tpu.memory_space<vmem>>, vector<16xf32>,
        %mul3A_2040 = arith.mulf %get3A_1970, %get3A_2039 : vector<16xf32>
        %add3A_2041 = arith.addf %add3A_2036, %mul3A_2040 : vector<16xf32>
        %get3A_2042 = arith.index_cast %add3A_2027 : i32 to index
        %get3A_2043 = arith.constant 48 : index
        %get3A_2044 = tpu.vector_load %arg10[%get3A_2042, %get3A_2043] {strides = array<i32>} : memref<640x64xf32, #tpu.memory_space<vmem>>, vector<16xf32>,
        %mul3A_2045 = arith.mulf %get3A_1973, %get3A_2044 : vector<16xf32>
        %add3A_2046 = arith.addf %add3A_2041, %mul3A_2045 : vector<16xf32>
        %swap3A_2047 = arith.constant 1072 : index
        %swap3A_2048 = tpu.vector_load %arg11[%swap3A_2047] {strides = array<i32>} : memref<1280xf32, #tpu.memory_space<vmem>>, vector<16xf32>,
        tpu.vector_store %arg11[%swap3A_2047], %add3A_2046 {strides = array<i32>} : memref<1280xf32, #tpu.memory_space<vmem>>, vector<16xf32>,
        %mul3A_2049 = arith.constant 5 : i32
        %mul3A_2050 = arith.muli %add3A_1961, %mul3A_2049 : i32
        %add3A_2051 = arith.constant 3 : i32
        %add3A_2052 = arith.addi %mul3A_2050, %add3A_2051 : i32
        %get3A_2053 = arith.index_cast %add3A_2052 : i32 to index
        %get3A_2054 = arith.constant 0 : index
        %get3A_2055 = tpu.vector_load %arg10[%get3A_2053, %get3A_2054] {strides = array<i32>} : memref<640x64xf32, #tpu.memory_space<vmem>>, vector<16xf32>,
        %mul3A_2056 = arith.mulf %get3A_1964, %get3A_2055 : vector<16xf32>
        %get3A_2057 = arith.index_cast %add3A_2052 : i32 to index
        %get3A_2058 = arith.constant 16 : index
        %get3A_2059 = tpu.vector_load %arg10[%get3A_2057, %get3A_2058] {strides = array<i32>} : memref<640x64xf32, #tpu.memory_space<vmem>>, vector<16xf32>,
        %mul3A_2060 = arith.mulf %get3A_1967, %get3A_2059 : vector<16xf32>
        %add3A_2061 = arith.addf %mul3A_2056, %mul3A_2060 : vector<16xf32>
        %get3A_2062 = arith.index_cast %add3A_2052 : i32 to index
        %get3A_2063 = arith.constant 32 : index
        %get3A_2064 = tpu.vector_load %arg10[%get3A_2062, %get3A_2063] {strides = array<i32>} : memref<640x64xf32, #tpu.memory_space<vmem>>, vector<16xf32>,
        %mul3A_2065 = arith.mulf %get3A_1970, %get3A_2064 : vector<16xf32>
        %add3A_2066 = arith.addf %add3A_2061, %mul3A_2065 : vector<16xf32>
        %get3A_2067 = arith.index_cast %add3A_2052 : i32 to index
        %get3A_2068 = arith.constant 48 : index
        %get3A_2069 = tpu.vector_load %arg10[%get3A_2067, %get3A_2068] {strides = array<i32>} : memref<640x64xf32, #tpu.memory_space<vmem>>, vector<16xf32>,
        %mul3A_2070 = arith.mulf %get3A_1973, %get3A_2069 : vector<16xf32>
        %add3A_2071 = arith.addf %add3A_2066, %mul3A_2070 : vector<16xf32>
        %swap3A_2072 = arith.constant 1088 : index
        %swap3A_2073 = tpu.vector_load %arg11[%swap3A_2072] {strides = array<i32>} : memref<1280xf32, #tpu.memory_space<vmem>>, vector<16xf32>,
        tpu.vector_store %arg11[%swap3A_2072], %add3A_2071 {strides = array<i32>} : memref<1280xf32, #tpu.memory_space<vmem>>, vector<16xf32>,
        %mul3A_2074 = arith.constant 5 : i32
        %mul3A_2075 = arith.muli %add3A_1961, %mul3A_2074 : i32
        %add3A_2076 = arith.constant 4 : i32
        %add3A_2077 = arith.addi %mul3A_2075, %add3A_2076 : i32
        %get3A_2078 = arith.index_cast %add3A_2077 : i32 to index
        %get3A_2079 = arith.constant 0 : index
        %get3A_2080 = tpu.vector_load %arg10[%get3A_2078, %get3A_2079] {strides = array<i32>} : memref<640x64xf32, #tpu.memory_space<vmem>>, vector<16xf32>,
        %mul3A_2081 = arith.mulf %get3A_1964, %get3A_2080 : vector<16xf32>
        %get3A_2082 = arith.index_cast %add3A_2077 : i32 to index
        %get3A_2083 = arith.constant 16 : index
        %get3A_2084 = tpu.vector_load %arg10[%get3A_2082, %get3A_2083] {strides = array<i32>} : memref<640x64xf32, #tpu.memory_space<vmem>>, vector<16xf32>,
        %mul3A_2085 = arith.mulf %get3A_1967, %get3A_2084 : vector<16xf32>
        %add3A_2086 = arith.addf %mul3A_2081, %mul3A_2085 : vector<16xf32>
        %get3A_2087 = arith.index_cast %add3A_2077 : i32 to index
        %get3A_2088 = arith.constant 32 : index
        %get3A_2089 = tpu.vector_load %arg10[%get3A_2087, %get3A_2088] {strides = array<i32>} : memref<640x64xf32, #tpu.memory_space<vmem>>, vector<16xf32>,
        %mul3A_2090 = arith.mulf %get3A_1970, %get3A_2089 : vector<16xf32>
        %add3A_2091 = arith.addf %add3A_2086, %mul3A_2090 : vector<16xf32>
        %get3A_2092 = arith.index_cast %add3A_2077 : i32 to index
        %get3A_2093 = arith.constant 48 : index
        %get3A_2094 = tpu.vector_load %arg10[%get3A_2092, %get3A_2093] {strides = array<i32>} : memref<640x64xf32, #tpu.memory_space<vmem>>, vector<16xf32>,
        %mul3A_2095 = arith.mulf %get3A_1973, %get3A_2094 : vector<16xf32>
        %add3A_2096 = arith.addf %add3A_2091, %mul3A_2095 : vector<16xf32>
        %swap3A_2097 = arith.constant 1104 : index
        %swap3A_2098 = tpu.vector_load %arg11[%swap3A_2097] {strides = array<i32>} : memref<1280xf32, #tpu.memory_space<vmem>>, vector<16xf32>,
        tpu.vector_store %arg11[%swap3A_2097], %add3A_2096 {strides = array<i32>} : memref<1280xf32, #tpu.memory_space<vmem>>, vector<16xf32>,
        %mul3A_2099 = arith.constant 16 : i32
        %mul3A_2100 = arith.muli %add3A_126, %mul3A_2099 : i32
        %add3A_2101 = arith.constant 14 : i32
        %add3A_2102 = arith.addi %mul3A_2100, %add3A_2101 : i32
        %get3A_2103 = arith.index_cast %add3A_2102 : i32 to index
        %get3A_2104 = arith.constant 0 : index
        %get3A_2105 = tpu.vector_load %arg9[%get3A_2103, %get3A_2104] {strides = array<i32>} : memref<128x64xf32, #tpu.memory_space<vmem>>, vector<16xf32>,
        %get3A_2106 = arith.index_cast %add3A_2102 : i32 to index
        %get3A_2107 = arith.constant 16 : index
        %get3A_2108 = tpu.vector_load %arg9[%get3A_2106, %get3A_2107] {strides = array<i32>} : memref<128x64xf32, #tpu.memory_space<vmem>>, vector<16xf32>,
        %get3A_2109 = arith.index_cast %add3A_2102 : i32 to index
        %get3A_2110 = arith.constant 32 : index
        %get3A_2111 = tpu.vector_load %arg9[%get3A_2109, %get3A_2110] {strides = array<i32>} : memref<128x64xf32, #tpu.memory_space<vmem>>, vector<16xf32>,
        %get3A_2112 = arith.index_cast %add3A_2102 : i32 to index
        %get3A_2113 = arith.constant 48 : index
        %get3A_2114 = tpu.vector_load %arg9[%get3A_2112, %get3A_2113] {strides = array<i32>} : memref<128x64xf32, #tpu.memory_space<vmem>>, vector<16xf32>,
        %mul3A_2115 = arith.constant 5 : i32
        %mul3A_2116 = arith.muli %add3A_2102, %mul3A_2115 : i32
        %add3A_2117 = arith.constant 0 : i32
        %add3A_2118 = arith.addi %mul3A_2116, %add3A_2117 : i32
        %get3A_2119 = arith.index_cast %add3A_2118 : i32 to index
        %get3A_2120 = arith.constant 0 : index
        %get3A_2121 = tpu.vector_load %arg10[%get3A_2119, %get3A_2120] {strides = array<i32>} : memref<640x64xf32, #tpu.memory_space<vmem>>, vector<16xf32>,
        %mul3A_2122 = arith.mulf %get3A_2105, %get3A_2121 : vector<16xf32>
        %get3A_2123 = arith.index_cast %add3A_2118 : i32 to index
        %get3A_2124 = arith.constant 16 : index
        %get3A_2125 = tpu.vector_load %arg10[%get3A_2123, %get3A_2124] {strides = array<i32>} : memref<640x64xf32, #tpu.memory_space<vmem>>, vector<16xf32>,
        %mul3A_2126 = arith.mulf %get3A_2108, %get3A_2125 : vector<16xf32>
        %add3A_2127 = arith.addf %mul3A_2122, %mul3A_2126 : vector<16xf32>
        %get3A_2128 = arith.index_cast %add3A_2118 : i32 to index
        %get3A_2129 = arith.constant 32 : index
        %get3A_2130 = tpu.vector_load %arg10[%get3A_2128, %get3A_2129] {strides = array<i32>} : memref<640x64xf32, #tpu.memory_space<vmem>>, vector<16xf32>,
        %mul3A_2131 = arith.mulf %get3A_2111, %get3A_2130 : vector<16xf32>
        %add3A_2132 = arith.addf %add3A_2127, %mul3A_2131 : vector<16xf32>
        %get3A_2133 = arith.index_cast %add3A_2118 : i32 to index
        %get3A_2134 = arith.constant 48 : index
        %get3A_2135 = tpu.vector_load %arg10[%get3A_2133, %get3A_2134] {strides = array<i32>} : memref<640x64xf32, #tpu.memory_space<vmem>>, vector<16xf32>,
        %mul3A_2136 = arith.mulf %get3A_2114, %get3A_2135 : vector<16xf32>
        %add3A_2137 = arith.addf %add3A_2132, %mul3A_2136 : vector<16xf32>
        %swap3A_2138 = arith.constant 1120 : index
        %swap3A_2139 = tpu.vector_load %arg11[%swap3A_2138] {strides = array<i32>} : memref<1280xf32, #tpu.memory_space<vmem>>, vector<16xf32>,
        tpu.vector_store %arg11[%swap3A_2138], %add3A_2137 {strides = array<i32>} : memref<1280xf32, #tpu.memory_space<vmem>>, vector<16xf32>,
        %mul3A_2140 = arith.constant 5 : i32
        %mul3A_2141 = arith.muli %add3A_2102, %mul3A_2140 : i32
        %add3A_2142 = arith.constant 1 : i32
        %add3A_2143 = arith.addi %mul3A_2141, %add3A_2142 : i32
        %get3A_2144 = arith.index_cast %add3A_2143 : i32 to index
        %get3A_2145 = arith.constant 0 : index
        %get3A_2146 = tpu.vector_load %arg10[%get3A_2144, %get3A_2145] {strides = array<i32>} : memref<640x64xf32, #tpu.memory_space<vmem>>, vector<16xf32>,
        %mul3A_2147 = arith.mulf %get3A_2105, %get3A_2146 : vector<16xf32>
        %get3A_2148 = arith.index_cast %add3A_2143 : i32 to index
        %get3A_2149 = arith.constant 16 : index
        %get3A_2150 = tpu.vector_load %arg10[%get3A_2148, %get3A_2149] {strides = array<i32>} : memref<640x64xf32, #tpu.memory_space<vmem>>, vector<16xf32>,
        %mul3A_2151 = arith.mulf %get3A_2108, %get3A_2150 : vector<16xf32>
        %add3A_2152 = arith.addf %mul3A_2147, %mul3A_2151 : vector<16xf32>
        %get3A_2153 = arith.index_cast %add3A_2143 : i32 to index
        %get3A_2154 = arith.constant 32 : index
        %get3A_2155 = tpu.vector_load %arg10[%get3A_2153, %get3A_2154] {strides = array<i32>} : memref<640x64xf32, #tpu.memory_space<vmem>>, vector<16xf32>,
        %mul3A_2156 = arith.mulf %get3A_2111, %get3A_2155 : vector<16xf32>
        %add3A_2157 = arith.addf %add3A_2152, %mul3A_2156 : vector<16xf32>
        %get3A_2158 = arith.index_cast %add3A_2143 : i32 to index
        %get3A_2159 = arith.constant 48 : index
        %get3A_2160 = tpu.vector_load %arg10[%get3A_2158, %get3A_2159] {strides = array<i32>} : memref<640x64xf32, #tpu.memory_space<vmem>>, vector<16xf32>,
        %mul3A_2161 = arith.mulf %get3A_2114, %get3A_2160 : vector<16xf32>
        %add3A_2162 = arith.addf %add3A_2157, %mul3A_2161 : vector<16xf32>
        %swap3A_2163 = arith.constant 1136 : index
        %swap3A_2164 = tpu.vector_load %arg11[%swap3A_2163] {strides = array<i32>} : memref<1280xf32, #tpu.memory_space<vmem>>, vector<16xf32>,
        tpu.vector_store %arg11[%swap3A_2163], %add3A_2162 {strides = array<i32>} : memref<1280xf32, #tpu.memory_space<vmem>>, vector<16xf32>,
        %mul3A_2165 = arith.constant 5 : i32
        %mul3A_2166 = arith.muli %add3A_2102, %mul3A_2165 : i32
        %add3A_2167 = arith.constant 2 : i32
        %add3A_2168 = arith.addi %mul3A_2166, %add3A_2167 : i32
        %get3A_2169 = arith.index_cast %add3A_2168 : i32 to index
        %get3A_2170 = arith.constant 0 : index
        %get3A_2171 = tpu.vector_load %arg10[%get3A_2169, %get3A_2170] {strides = array<i32>} : memref<640x64xf32, #tpu.memory_space<vmem>>, vector<16xf32>,
        %mul3A_2172 = arith.mulf %get3A_2105, %get3A_2171 : vector<16xf32>
        %get3A_2173 = arith.index_cast %add3A_2168 : i32 to index
        %get3A_2174 = arith.constant 16 : index
        %get3A_2175 = tpu.vector_load %arg10[%get3A_2173, %get3A_2174] {strides = array<i32>} : memref<640x64xf32, #tpu.memory_space<vmem>>, vector<16xf32>,
        %mul3A_2176 = arith.mulf %get3A_2108, %get3A_2175 : vector<16xf32>
        %add3A_2177 = arith.addf %mul3A_2172, %mul3A_2176 : vector<16xf32>
        %get3A_2178 = arith.index_cast %add3A_2168 : i32 to index
        %get3A_2179 = arith.constant 32 : index
        %get3A_2180 = tpu.vector_load %arg10[%get3A_2178, %get3A_2179] {strides = array<i32>} : memref<640x64xf32, #tpu.memory_space<vmem>>, vector<16xf32>,
        %mul3A_2181 = arith.mulf %get3A_2111, %get3A_2180 : vector<16xf32>
        %add3A_2182 = arith.addf %add3A_2177, %mul3A_2181 : vector<16xf32>
        %get3A_2183 = arith.index_cast %add3A_2168 : i32 to index
        %get3A_2184 = arith.constant 48 : index
        %get3A_2185 = tpu.vector_load %arg10[%get3A_2183, %get3A_2184] {strides = array<i32>} : memref<640x64xf32, #tpu.memory_space<vmem>>, vector<16xf32>,
        %mul3A_2186 = arith.mulf %get3A_2114, %get3A_2185 : vector<16xf32>
        %add3A_2187 = arith.addf %add3A_2182, %mul3A_2186 : vector<16xf32>
        %swap3A_2188 = arith.constant 1152 : index
        %swap3A_2189 = tpu.vector_load %arg11[%swap3A_2188] {strides = array<i32>} : memref<1280xf32, #tpu.memory_space<vmem>>, vector<16xf32>,
        tpu.vector_store %arg11[%swap3A_2188], %add3A_2187 {strides = array<i32>} : memref<1280xf32, #tpu.memory_space<vmem>>, vector<16xf32>,
        %mul3A_2190 = arith.constant 5 : i32
        %mul3A_2191 = arith.muli %add3A_2102, %mul3A_2190 : i32
        %add3A_2192 = arith.constant 3 : i32
        %add3A_2193 = arith.addi %mul3A_2191, %add3A_2192 : i32
        %get3A_2194 = arith.index_cast %add3A_2193 : i32 to index
        %get3A_2195 = arith.constant 0 : index
        %get3A_2196 = tpu.vector_load %arg10[%get3A_2194, %get3A_2195] {strides = array<i32>} : memref<640x64xf32, #tpu.memory_space<vmem>>, vector<16xf32>,
        %mul3A_2197 = arith.mulf %get3A_2105, %get3A_2196 : vector<16xf32>
        %get3A_2198 = arith.index_cast %add3A_2193 : i32 to index
        %get3A_2199 = arith.constant 16 : index
        %get3A_2200 = tpu.vector_load %arg10[%get3A_2198, %get3A_2199] {strides = array<i32>} : memref<640x64xf32, #tpu.memory_space<vmem>>, vector<16xf32>,
        %mul3A_2201 = arith.mulf %get3A_2108, %get3A_2200 : vector<16xf32>
        %add3A_2202 = arith.addf %mul3A_2197, %mul3A_2201 : vector<16xf32>
        %get3A_2203 = arith.index_cast %add3A_2193 : i32 to index
        %get3A_2204 = arith.constant 32 : index
        %get3A_2205 = tpu.vector_load %arg10[%get3A_2203, %get3A_2204] {strides = array<i32>} : memref<640x64xf32, #tpu.memory_space<vmem>>, vector<16xf32>,
        %mul3A_2206 = arith.mulf %get3A_2111, %get3A_2205 : vector<16xf32>
        %add3A_2207 = arith.addf %add3A_2202, %mul3A_2206 : vector<16xf32>
        %get3A_2208 = arith.index_cast %add3A_2193 : i32 to index
        %get3A_2209 = arith.constant 48 : index
        %get3A_2210 = tpu.vector_load %arg10[%get3A_2208, %get3A_2209] {strides = array<i32>} : memref<640x64xf32, #tpu.memory_space<vmem>>, vector<16xf32>,
        %mul3A_2211 = arith.mulf %get3A_2114, %get3A_2210 : vector<16xf32>
        %add3A_2212 = arith.addf %add3A_2207, %mul3A_2211 : vector<16xf32>
        %swap3A_2213 = arith.constant 1168 : index
        %swap3A_2214 = tpu.vector_load %arg11[%swap3A_2213] {strides = array<i32>} : memref<1280xf32, #tpu.memory_space<vmem>>, vector<16xf32>,
        tpu.vector_store %arg11[%swap3A_2213], %add3A_2212 {strides = array<i32>} : memref<1280xf32, #tpu.memory_space<vmem>>, vector<16xf32>,
        %mul3A_2215 = arith.constant 5 : i32
        %mul3A_2216 = arith.muli %add3A_2102, %mul3A_2215 : i32
        %add3A_2217 = arith.constant 4 : i32
        %add3A_2218 = arith.addi %mul3A_2216, %add3A_2217 : i32
        %get3A_2219 = arith.index_cast %add3A_2218 : i32 to index
        %get3A_2220 = arith.constant 0 : index
        %get3A_2221 = tpu.vector_load %arg10[%get3A_2219, %get3A_2220] {strides = array<i32>} : memref<640x64xf32, #tpu.memory_space<vmem>>, vector<16xf32>,
        %mul3A_2222 = arith.mulf %get3A_2105, %get3A_2221 : vector<16xf32>
        %get3A_2223 = arith.index_cast %add3A_2218 : i32 to index
        %get3A_2224 = arith.constant 16 : index
        %get3A_2225 = tpu.vector_load %arg10[%get3A_2223, %get3A_2224] {strides = array<i32>} : memref<640x64xf32, #tpu.memory_space<vmem>>, vector<16xf32>,
        %mul3A_2226 = arith.mulf %get3A_2108, %get3A_2225 : vector<16xf32>
        %add3A_2227 = arith.addf %mul3A_2222, %mul3A_2226 : vector<16xf32>
        %get3A_2228 = arith.index_cast %add3A_2218 : i32 to index
        %get3A_2229 = arith.constant 32 : index
        %get3A_2230 = tpu.vector_load %arg10[%get3A_2228, %get3A_2229] {strides = array<i32>} : memref<640x64xf32, #tpu.memory_space<vmem>>, vector<16xf32>,
        %mul3A_2231 = arith.mulf %get3A_2111, %get3A_2230 : vector<16xf32>
        %add3A_2232 = arith.addf %add3A_2227, %mul3A_2231 : vector<16xf32>
        %get3A_2233 = arith.index_cast %add3A_2218 : i32 to index
        %get3A_2234 = arith.constant 48 : index
        %get3A_2235 = tpu.vector_load %arg10[%get3A_2233, %get3A_2234] {strides = array<i32>} : memref<640x64xf32, #tpu.memory_space<vmem>>, vector<16xf32>,
        %mul3A_2236 = arith.mulf %get3A_2114, %get3A_2235 : vector<16xf32>
        %add3A_2237 = arith.addf %add3A_2232, %mul3A_2236 : vector<16xf32>
        %swap3A_2238 = arith.constant 1184 : index
        %swap3A_2239 = tpu.vector_load %arg11[%swap3A_2238] {strides = array<i32>} : memref<1280xf32, #tpu.memory_space<vmem>>, vector<16xf32>,
        tpu.vector_store %arg11[%swap3A_2238], %add3A_2237 {strides = array<i32>} : memref<1280xf32, #tpu.memory_space<vmem>>, vector<16xf32>,
        %mul3A_2240 = arith.constant 16 : i32
        %mul3A_2241 = arith.muli %add3A_126, %mul3A_2240 : i32
        %add3A_2242 = arith.constant 15 : i32
        %add3A_2243 = arith.addi %mul3A_2241, %add3A_2242 : i32
        %get3A_2244 = arith.index_cast %add3A_2243 : i32 to index
        %get3A_2245 = arith.constant 0 : index
        %get3A_2246 = tpu.vector_load %arg9[%get3A_2244, %get3A_2245] {strides = array<i32>} : memref<128x64xf32, #tpu.memory_space<vmem>>, vector<16xf32>,
        %get3A_2247 = arith.index_cast %add3A_2243 : i32 to index
        %get3A_2248 = arith.constant 16 : index
        %get3A_2249 = tpu.vector_load %arg9[%get3A_2247, %get3A_2248] {strides = array<i32>} : memref<128x64xf32, #tpu.memory_space<vmem>>, vector<16xf32>,
        %get3A_2250 = arith.index_cast %add3A_2243 : i32 to index
        %get3A_2251 = arith.constant 32 : index
        %get3A_2252 = tpu.vector_load %arg9[%get3A_2250, %get3A_2251] {strides = array<i32>} : memref<128x64xf32, #tpu.memory_space<vmem>>, vector<16xf32>,
        %get3A_2253 = arith.index_cast %add3A_2243 : i32 to index
        %get3A_2254 = arith.constant 48 : index
        %get3A_2255 = tpu.vector_load %arg9[%get3A_2253, %get3A_2254] {strides = array<i32>} : memref<128x64xf32, #tpu.memory_space<vmem>>, vector<16xf32>,
        %mul3A_2256 = arith.constant 5 : i32
        %mul3A_2257 = arith.muli %add3A_2243, %mul3A_2256 : i32
        %add3A_2258 = arith.constant 0 : i32
        %add3A_2259 = arith.addi %mul3A_2257, %add3A_2258 : i32
        %get3A_2260 = arith.index_cast %add3A_2259 : i32 to index
        %get3A_2261 = arith.constant 0 : index
        %get3A_2262 = tpu.vector_load %arg10[%get3A_2260, %get3A_2261] {strides = array<i32>} : memref<640x64xf32, #tpu.memory_space<vmem>>, vector<16xf32>,
        %mul3A_2263 = arith.mulf %get3A_2246, %get3A_2262 : vector<16xf32>
        %get3A_2264 = arith.index_cast %add3A_2259 : i32 to index
        %get3A_2265 = arith.constant 16 : index
        %get3A_2266 = tpu.vector_load %arg10[%get3A_2264, %get3A_2265] {strides = array<i32>} : memref<640x64xf32, #tpu.memory_space<vmem>>, vector<16xf32>,
        %mul3A_2267 = arith.mulf %get3A_2249, %get3A_2266 : vector<16xf32>
        %add3A_2268 = arith.addf %mul3A_2263, %mul3A_2267 : vector<16xf32>
        %get3A_2269 = arith.index_cast %add3A_2259 : i32 to index
        %get3A_2270 = arith.constant 32 : index
        %get3A_2271 = tpu.vector_load %arg10[%get3A_2269, %get3A_2270] {strides = array<i32>} : memref<640x64xf32, #tpu.memory_space<vmem>>, vector<16xf32>,
        %mul3A_2272 = arith.mulf %get3A_2252, %get3A_2271 : vector<16xf32>
        %add3A_2273 = arith.addf %add3A_2268, %mul3A_2272 : vector<16xf32>
        %get3A_2274 = arith.index_cast %add3A_2259 : i32 to index
        %get3A_2275 = arith.constant 48 : index
        %get3A_2276 = tpu.vector_load %arg10[%get3A_2274, %get3A_2275] {strides = array<i32>} : memref<640x64xf32, #tpu.memory_space<vmem>>, vector<16xf32>,
        %mul3A_2277 = arith.mulf %get3A_2255, %get3A_2276 : vector<16xf32>
        %add3A_2278 = arith.addf %add3A_2273, %mul3A_2277 : vector<16xf32>
        %swap3A_2279 = arith.constant 1200 : index
        %swap3A_2280 = tpu.vector_load %arg11[%swap3A_2279] {strides = array<i32>} : memref<1280xf32, #tpu.memory_space<vmem>>, vector<16xf32>,
        tpu.vector_store %arg11[%swap3A_2279], %add3A_2278 {strides = array<i32>} : memref<1280xf32, #tpu.memory_space<vmem>>, vector<16xf32>,
        %mul3A_2281 = arith.constant 5 : i32
        %mul3A_2282 = arith.muli %add3A_2243, %mul3A_2281 : i32
        %add3A_2283 = arith.constant 1 : i32
        %add3A_2284 = arith.addi %mul3A_2282, %add3A_2283 : i32
        %get3A_2285 = arith.index_cast %add3A_2284 : i32 to index
        %get3A_2286 = arith.constant 0 : index
        %get3A_2287 = tpu.vector_load %arg10[%get3A_2285, %get3A_2286] {strides = array<i32>} : memref<640x64xf32, #tpu.memory_space<vmem>>, vector<16xf32>,
        %mul3A_2288 = arith.mulf %get3A_2246, %get3A_2287 : vector<16xf32>
        %get3A_2289 = arith.index_cast %add3A_2284 : i32 to index
        %get3A_2290 = arith.constant 16 : index
        %get3A_2291 = tpu.vector_load %arg10[%get3A_2289, %get3A_2290] {strides = array<i32>} : memref<640x64xf32, #tpu.memory_space<vmem>>, vector<16xf32>,
        %mul3A_2292 = arith.mulf %get3A_2249, %get3A_2291 : vector<16xf32>
        %add3A_2293 = arith.addf %mul3A_2288, %mul3A_2292 : vector<16xf32>
        %get3A_2294 = arith.index_cast %add3A_2284 : i32 to index
        %get3A_2295 = arith.constant 32 : index
        %get3A_2296 = tpu.vector_load %arg10[%get3A_2294, %get3A_2295] {strides = array<i32>} : memref<640x64xf32, #tpu.memory_space<vmem>>, vector<16xf32>,
        %mul3A_2297 = arith.mulf %get3A_2252, %get3A_2296 : vector<16xf32>
        %add3A_2298 = arith.addf %add3A_2293, %mul3A_2297 : vector<16xf32>
        %get3A_2299 = arith.index_cast %add3A_2284 : i32 to index
        %get3A_2300 = arith.constant 48 : index
        %get3A_2301 = tpu.vector_load %arg10[%get3A_2299, %get3A_2300] {strides = array<i32>} : memref<640x64xf32, #tpu.memory_space<vmem>>, vector<16xf32>,
        %mul3A_2302 = arith.mulf %get3A_2255, %get3A_2301 : vector<16xf32>
        %add3A_2303 = arith.addf %add3A_2298, %mul3A_2302 : vector<16xf32>
        %swap3A_2304 = arith.constant 1216 : index
        %swap3A_2305 = tpu.vector_load %arg11[%swap3A_2304] {strides = array<i32>} : memref<1280xf32, #tpu.memory_space<vmem>>, vector<16xf32>,
        tpu.vector_store %arg11[%swap3A_2304], %add3A_2303 {strides = array<i32>} : memref<1280xf32, #tpu.memory_space<vmem>>, vector<16xf32>,
        %mul3A_2306 = arith.constant 5 : i32
        %mul3A_2307 = arith.muli %add3A_2243, %mul3A_2306 : i32
        %add3A_2308 = arith.constant 2 : i32
        %add3A_2309 = arith.addi %mul3A_2307, %add3A_2308 : i32
        %get3A_2310 = arith.index_cast %add3A_2309 : i32 to index
        %get3A_2311 = arith.constant 0 : index
        %get3A_2312 = tpu.vector_load %arg10[%get3A_2310, %get3A_2311] {strides = array<i32>} : memref<640x64xf32, #tpu.memory_space<vmem>>, vector<16xf32>,
        %mul3A_2313 = arith.mulf %get3A_2246, %get3A_2312 : vector<16xf32>
        %get3A_2314 = arith.index_cast %add3A_2309 : i32 to index
        %get3A_2315 = arith.constant 16 : index
        %get3A_2316 = tpu.vector_load %arg10[%get3A_2314, %get3A_2315] {strides = array<i32>} : memref<640x64xf32, #tpu.memory_space<vmem>>, vector<16xf32>,
        %mul3A_2317 = arith.mulf %get3A_2249, %get3A_2316 : vector<16xf32>
        %add3A_2318 = arith.addf %mul3A_2313, %mul3A_2317 : vector<16xf32>
        %get3A_2319 = arith.index_cast %add3A_2309 : i32 to index
        %get3A_2320 = arith.constant 32 : index
        %get3A_2321 = tpu.vector_load %arg10[%get3A_2319, %get3A_2320] {strides = array<i32>} : memref<640x64xf32, #tpu.memory_space<vmem>>, vector<16xf32>,
        %mul3A_2322 = arith.mulf %get3A_2252, %get3A_2321 : vector<16xf32>
        %add3A_2323 = arith.addf %add3A_2318, %mul3A_2322 : vector<16xf32>
        %get3A_2324 = arith.index_cast %add3A_2309 : i32 to index
        %get3A_2325 = arith.constant 48 : index
        %get3A_2326 = tpu.vector_load %arg10[%get3A_2324, %get3A_2325] {strides = array<i32>} : memref<640x64xf32, #tpu.memory_space<vmem>>, vector<16xf32>,
        %mul3A_2327 = arith.mulf %get3A_2255, %get3A_2326 : vector<16xf32>
        %add3A_2328 = arith.addf %add3A_2323, %mul3A_2327 : vector<16xf32>
        %swap3A_2329 = arith.constant 1232 : index
        %swap3A_2330 = tpu.vector_load %arg11[%swap3A_2329] {strides = array<i32>} : memref<1280xf32, #tpu.memory_space<vmem>>, vector<16xf32>,
        tpu.vector_store %arg11[%swap3A_2329], %add3A_2328 {strides = array<i32>} : memref<1280xf32, #tpu.memory_space<vmem>>, vector<16xf32>,
        %mul3A_2331 = arith.constant 5 : i32
        %mul3A_2332 = arith.muli %add3A_2243, %mul3A_2331 : i32
        %add3A_2333 = arith.constant 3 : i32
        %add3A_2334 = arith.addi %mul3A_2332, %add3A_2333 : i32
        %get3A_2335 = arith.index_cast %add3A_2334 : i32 to index
        %get3A_2336 = arith.constant 0 : index
        %get3A_2337 = tpu.vector_load %arg10[%get3A_2335, %get3A_2336] {strides = array<i32>} : memref<640x64xf32, #tpu.memory_space<vmem>>, vector<16xf32>,
        %mul3A_2338 = arith.mulf %get3A_2246, %get3A_2337 : vector<16xf32>
        %get3A_2339 = arith.index_cast %add3A_2334 : i32 to index
        %get3A_2340 = arith.constant 16 : index
        %get3A_2341 = tpu.vector_load %arg10[%get3A_2339, %get3A_2340] {strides = array<i32>} : memref<640x64xf32, #tpu.memory_space<vmem>>, vector<16xf32>,
        %mul3A_2342 = arith.mulf %get3A_2249, %get3A_2341 : vector<16xf32>
        %add3A_2343 = arith.addf %mul3A_2338, %mul3A_2342 : vector<16xf32>
        %get3A_2344 = arith.index_cast %add3A_2334 : i32 to index
        %get3A_2345 = arith.constant 32 : index
        %get3A_2346 = tpu.vector_load %arg10[%get3A_2344, %get3A_2345] {strides = array<i32>} : memref<640x64xf32, #tpu.memory_space<vmem>>, vector<16xf32>,
        %mul3A_2347 = arith.mulf %get3A_2252, %get3A_2346 : vector<16xf32>
        %add3A_2348 = arith.addf %add3A_2343, %mul3A_2347 : vector<16xf32>
        %get3A_2349 = arith.index_cast %add3A_2334 : i32 to index
        %get3A_2350 = arith.constant 48 : index
        %get3A_2351 = tpu.vector_load %arg10[%get3A_2349, %get3A_2350] {strides = array<i32>} : memref<640x64xf32, #tpu.memory_space<vmem>>, vector<16xf32>,
        %mul3A_2352 = arith.mulf %get3A_2255, %get3A_2351 : vector<16xf32>
        %add3A_2353 = arith.addf %add3A_2348, %mul3A_2352 : vector<16xf32>
        %swap3A_2354 = arith.constant 1248 : index
        %swap3A_2355 = tpu.vector_load %arg11[%swap3A_2354] {strides = array<i32>} : memref<1280xf32, #tpu.memory_space<vmem>>, vector<16xf32>,
        tpu.vector_store %arg11[%swap3A_2354], %add3A_2353 {strides = array<i32>} : memref<1280xf32, #tpu.memory_space<vmem>>, vector<16xf32>,
        %mul3A_2356 = arith.constant 5 : i32
        %mul3A_2357 = arith.muli %add3A_2243, %mul3A_2356 : i32
        %add3A_2358 = arith.constant 4 : i32
        %add3A_2359 = arith.addi %mul3A_2357, %add3A_2358 : i32
        %get3A_2360 = arith.index_cast %add3A_2359 : i32 to index
        %get3A_2361 = arith.constant 0 : index
        %get3A_2362 = tpu.vector_load %arg10[%get3A_2360, %get3A_2361] {strides = array<i32>} : memref<640x64xf32, #tpu.memory_space<vmem>>, vector<16xf32>,
        %mul3A_2363 = arith.mulf %get3A_2246, %get3A_2362 : vector<16xf32>
        %get3A_2364 = arith.index_cast %add3A_2359 : i32 to index
        %get3A_2365 = arith.constant 16 : index
        %get3A_2366 = tpu.vector_load %arg10[%get3A_2364, %get3A_2365] {strides = array<i32>} : memref<640x64xf32, #tpu.memory_space<vmem>>, vector<16xf32>,
        %mul3A_2367 = arith.mulf %get3A_2249, %get3A_2366 : vector<16xf32>
        %add3A_2368 = arith.addf %mul3A_2363, %mul3A_2367 : vector<16xf32>
        %get3A_2369 = arith.index_cast %add3A_2359 : i32 to index
        %get3A_2370 = arith.constant 32 : index
        %get3A_2371 = tpu.vector_load %arg10[%get3A_2369, %get3A_2370] {strides = array<i32>} : memref<640x64xf32, #tpu.memory_space<vmem>>, vector<16xf32>,
        %mul3A_2372 = arith.mulf %get3A_2252, %get3A_2371 : vector<16xf32>
        %add3A_2373 = arith.addf %add3A_2368, %mul3A_2372 : vector<16xf32>
        %get3A_2374 = arith.index_cast %add3A_2359 : i32 to index
        %get3A_2375 = arith.constant 48 : index
        %get3A_2376 = tpu.vector_load %arg10[%get3A_2374, %get3A_2375] {strides = array<i32>} : memref<640x64xf32, #tpu.memory_space<vmem>>, vector<16xf32>,
        %mul3A_2377 = arith.mulf %get3A_2255, %get3A_2376 : vector<16xf32>
        %add3A_2378 = arith.addf %add3A_2373, %mul3A_2377 : vector<16xf32>
        %swap3A_2379 = arith.constant 1264 : index
        %swap3A_2380 = tpu.vector_load %arg11[%swap3A_2379] {strides = array<i32>} : memref<1280xf32, #tpu.memory_space<vmem>>, vector<16xf32>,
        tpu.vector_store %arg11[%swap3A_2379], %add3A_2378 {strides = array<i32>} : memref<1280xf32, #tpu.memory_space<vmem>>, vector<16xf32>,
        %mul3A_2381 = arith.constant 16 : i32
        %mul3A_2382 = vector.broadcast %mul3A_2381 : i32 to vector<16xi32>
        %mul3A_2383 = arith.muli %iota3A, %mul3A_2382 : vector<16xi32>
        %add3A_2384 = arith.constant 0 : i32
        %add3A_2385 = vector.broadcast %add3A_2384 : i32 to vector<16xi32>
        %add3A_2386 = arith.addi %mul3A_2383, %add3A_2385 : vector<16xi32>
        %gather3A = tpu.vector_load_idx %arg11[%add3A_2386] : memref<1280xf32, #tpu.memory_space<vmem>>[vector<16xi32>], vector<16xf32>,
        %add3A_2387 = arith.constant 1 : i32
        %add3A_2388 = vector.broadcast %add3A_2387 : i32 to vector<16xi32>
        %add3A_2389 = arith.addi %add3A_2386, %add3A_2388 : vector<16xi32>
        %gather3A_2390 = tpu.vector_load_idx %arg11[%add3A_2389] : memref<1280xf32, #tpu.memory_space<vmem>>[vector<16xi32>], vector<16xf32>,
        %add3A_2391 = arith.addf %gather3A, %gather3A_2390 : vector<16xf32>
        %add3A_2392 = arith.constant 2 : i32
        %add3A_2393 = vector.broadcast %add3A_2392 : i32 to vector<16xi32>
        %add3A_2394 = arith.addi %add3A_2386, %add3A_2393 : vector<16xi32>
        %gather3A_2395 = tpu.vector_load_idx %arg11[%add3A_2394] : memref<1280xf32, #tpu.memory_space<vmem>>[vector<16xi32>], vector<16xf32>,
        %add3A_2396 = arith.addf %add3A_2391, %gather3A_2395 : vector<16xf32>
        %add3A_2397 = arith.constant 3 : i32
        %add3A_2398 = vector.broadcast %add3A_2397 : i32 to vector<16xi32>
        %add3A_2399 = arith.addi %add3A_2386, %add3A_2398 : vector<16xi32>
        %gather3A_2400 = tpu.vector_load_idx %arg11[%add3A_2399] : memref<1280xf32, #tpu.memory_space<vmem>>[vector<16xi32>], vector<16xf32>,
        %add3A_2401 = arith.addf %add3A_2396, %gather3A_2400 : vector<16xf32>
        %add3A_2402 = arith.constant 4 : i32
        %add3A_2403 = vector.broadcast %add3A_2402 : i32 to vector<16xi32>
        %add3A_2404 = arith.addi %add3A_2386, %add3A_2403 : vector<16xi32>
        %gather3A_2405 = tpu.vector_load_idx %arg11[%add3A_2404] : memref<1280xf32, #tpu.memory_space<vmem>>[vector<16xi32>], vector<16xf32>,
        %add3A_2406 = arith.addf %add3A_2401, %gather3A_2405 : vector<16xf32>
        %add3A_2407 = arith.constant 5 : i32
        %add3A_2408 = vector.broadcast %add3A_2407 : i32 to vector<16xi32>
        %add3A_2409 = arith.addi %add3A_2386, %add3A_2408 : vector<16xi32>
        %gather3A_2410 = tpu.vector_load_idx %arg11[%add3A_2409] : memref<1280xf32, #tpu.memory_space<vmem>>[vector<16xi32>], vector<16xf32>,
        %add3A_2411 = arith.addf %add3A_2406, %gather3A_2410 : vector<16xf32>
        %add3A_2412 = arith.constant 6 : i32
        %add3A_2413 = vector.broadcast %add3A_2412 : i32 to vector<16xi32>
        %add3A_2414 = arith.addi %add3A_2386, %add3A_2413 : vector<16xi32>
        %gather3A_2415 = tpu.vector_load_idx %arg11[%add3A_2414] : memref<1280xf32, #tpu.memory_space<vmem>>[vector<16xi32>], vector<16xf32>,
        %add3A_2416 = arith.addf %add3A_2411, %gather3A_2415 : vector<16xf32>
        %add3A_2417 = arith.constant 7 : i32
        %add3A_2418 = vector.broadcast %add3A_2417 : i32 to vector<16xi32>
        %add3A_2419 = arith.addi %add3A_2386, %add3A_2418 : vector<16xi32>
        %gather3A_2420 = tpu.vector_load_idx %arg11[%add3A_2419] : memref<1280xf32, #tpu.memory_space<vmem>>[vector<16xi32>], vector<16xf32>,
        %add3A_2421 = arith.addf %add3A_2416, %gather3A_2420 : vector<16xf32>
        %add3A_2422 = arith.constant 8 : i32
        %add3A_2423 = vector.broadcast %add3A_2422 : i32 to vector<16xi32>
        %add3A_2424 = arith.addi %add3A_2386, %add3A_2423 : vector<16xi32>
        %gather3A_2425 = tpu.vector_load_idx %arg11[%add3A_2424] : memref<1280xf32, #tpu.memory_space<vmem>>[vector<16xi32>], vector<16xf32>,
        %add3A_2426 = arith.addf %add3A_2421, %gather3A_2425 : vector<16xf32>
        %add3A_2427 = arith.constant 9 : i32
        %add3A_2428 = vector.broadcast %add3A_2427 : i32 to vector<16xi32>
        %add3A_2429 = arith.addi %add3A_2386, %add3A_2428 : vector<16xi32>
        %gather3A_2430 = tpu.vector_load_idx %arg11[%add3A_2429] : memref<1280xf32, #tpu.memory_space<vmem>>[vector<16xi32>], vector<16xf32>,
        %add3A_2431 = arith.addf %add3A_2426, %gather3A_2430 : vector<16xf32>
        %add3A_2432 = arith.constant 10 : i32
        %add3A_2433 = vector.broadcast %add3A_2432 : i32 to vector<16xi32>
        %add3A_2434 = arith.addi %add3A_2386, %add3A_2433 : vector<16xi32>
        %gather3A_2435 = tpu.vector_load_idx %arg11[%add3A_2434] : memref<1280xf32, #tpu.memory_space<vmem>>[vector<16xi32>], vector<16xf32>,
        %add3A_2436 = arith.addf %add3A_2431, %gather3A_2435 : vector<16xf32>
        %add3A_2437 = arith.constant 11 : i32
        %add3A_2438 = vector.broadcast %add3A_2437 : i32 to vector<16xi32>
        %add3A_2439 = arith.addi %add3A_2386, %add3A_2438 : vector<16xi32>
        %gather3A_2440 = tpu.vector_load_idx %arg11[%add3A_2439] : memref<1280xf32, #tpu.memory_space<vmem>>[vector<16xi32>], vector<16xf32>,
        %add3A_2441 = arith.addf %add3A_2436, %gather3A_2440 : vector<16xf32>
        %add3A_2442 = arith.constant 12 : i32
        %add3A_2443 = vector.broadcast %add3A_2442 : i32 to vector<16xi32>
        %add3A_2444 = arith.addi %add3A_2386, %add3A_2443 : vector<16xi32>
        %gather3A_2445 = tpu.vector_load_idx %arg11[%add3A_2444] : memref<1280xf32, #tpu.memory_space<vmem>>[vector<16xi32>], vector<16xf32>,
        %add3A_2446 = arith.addf %add3A_2441, %gather3A_2445 : vector<16xf32>
        %add3A_2447 = arith.constant 13 : i32
        %add3A_2448 = vector.broadcast %add3A_2447 : i32 to vector<16xi32>
        %add3A_2449 = arith.addi %add3A_2386, %add3A_2448 : vector<16xi32>
        %gather3A_2450 = tpu.vector_load_idx %arg11[%add3A_2449] : memref<1280xf32, #tpu.memory_space<vmem>>[vector<16xi32>], vector<16xf32>,
        %add3A_2451 = arith.addf %add3A_2446, %gather3A_2450 : vector<16xf32>
        %add3A_2452 = arith.constant 14 : i32
        %add3A_2453 = vector.broadcast %add3A_2452 : i32 to vector<16xi32>
        %add3A_2454 = arith.addi %add3A_2386, %add3A_2453 : vector<16xi32>
        %gather3A_2455 = tpu.vector_load_idx %arg11[%add3A_2454] : memref<1280xf32, #tpu.memory_space<vmem>>[vector<16xi32>], vector<16xf32>,
        %add3A_2456 = arith.addf %add3A_2451, %gather3A_2455 : vector<16xf32>
        %add3A_2457 = arith.constant 15 : i32
        %add3A_2458 = vector.broadcast %add3A_2457 : i32 to vector<16xi32>
        %add3A_2459 = arith.addi %add3A_2386, %add3A_2458 : vector<16xi32>
        %gather3A_2460 = tpu.vector_load_idx %arg11[%add3A_2459] : memref<1280xf32, #tpu.memory_space<vmem>>[vector<16xi32>], vector<16xf32>,
        %add3A_2461 = arith.addf %add3A_2456, %gather3A_2460 : vector<16xf32>
        %mul3A_2462 = arith.constant 80 : i32
        %mul3A_2463 = arith.muli %add3A_126, %mul3A_2462 : i32
        %add3A_2464 = arith.constant 0 : i32
        %add3A_2465 = arith.addi %mul3A_2463, %add3A_2464 : i32
        %swap3A_2466 = arith.index_cast %add3A_2465 : i32 to index
        %swap3A_2467 = tpu.vector_load %arg12[%swap3A_2466] {strides = array<i32>} : memref<640xf32, #tpu.memory_space<vmem>>, vector<16xf32>,
        tpu.vector_store %arg12[%swap3A_2466], %add3A_2461 {strides = array<i32>} : memref<640xf32, #tpu.memory_space<vmem>>, vector<16xf32>,
        %mul3A_2468 = arith.constant 16 : i32
        %mul3A_2469 = vector.broadcast %mul3A_2468 : i32 to vector<16xi32>
        %mul3A_2470 = arith.muli %iota3A, %mul3A_2469 : vector<16xi32>
        %add3A_2471 = arith.constant 256 : i32
        %add3A_2472 = vector.broadcast %add3A_2471 : i32 to vector<16xi32>
        %add3A_2473 = arith.addi %mul3A_2470, %add3A_2472 : vector<16xi32>
        %gather3A_2474 = tpu.vector_load_idx %arg11[%add3A_2473] : memref<1280xf32, #tpu.memory_space<vmem>>[vector<16xi32>], vector<16xf32>,
        %add3A_2475 = arith.constant 1 : i32
        %add3A_2476 = vector.broadcast %add3A_2475 : i32 to vector<16xi32>
        %add3A_2477 = arith.addi %add3A_2473, %add3A_2476 : vector<16xi32>
        %gather3A_2478 = tpu.vector_load_idx %arg11[%add3A_2477] : memref<1280xf32, #tpu.memory_space<vmem>>[vector<16xi32>], vector<16xf32>,
        %add3A_2479 = arith.addf %gather3A_2474, %gather3A_2478 : vector<16xf32>
        %add3A_2480 = arith.constant 2 : i32
        %add3A_2481 = vector.broadcast %add3A_2480 : i32 to vector<16xi32>
        %add3A_2482 = arith.addi %add3A_2473, %add3A_2481 : vector<16xi32>
        %gather3A_2483 = tpu.vector_load_idx %arg11[%add3A_2482] : memref<1280xf32, #tpu.memory_space<vmem>>[vector<16xi32>], vector<16xf32>,
        %add3A_2484 = arith.addf %add3A_2479, %gather3A_2483 : vector<16xf32>
        %add3A_2485 = arith.constant 3 : i32
        %add3A_2486 = vector.broadcast %add3A_2485 : i32 to vector<16xi32>
        %add3A_2487 = arith.addi %add3A_2473, %add3A_2486 : vector<16xi32>
        %gather3A_2488 = tpu.vector_load_idx %arg11[%add3A_2487] : memref<1280xf32, #tpu.memory_space<vmem>>[vector<16xi32>], vector<16xf32>,
        %add3A_2489 = arith.addf %add3A_2484, %gather3A_2488 : vector<16xf32>
        %add3A_2490 = arith.constant 4 : i32
        %add3A_2491 = vector.broadcast %add3A_2490 : i32 to vector<16xi32>
        %add3A_2492 = arith.addi %add3A_2473, %add3A_2491 : vector<16xi32>
        %gather3A_2493 = tpu.vector_load_idx %arg11[%add3A_2492] : memref<1280xf32, #tpu.memory_space<vmem>>[vector<16xi32>], vector<16xf32>,
        %add3A_2494 = arith.addf %add3A_2489, %gather3A_2493 : vector<16xf32>
        %add3A_2495 = arith.constant 5 : i32
        %add3A_2496 = vector.broadcast %add3A_2495 : i32 to vector<16xi32>
        %add3A_2497 = arith.addi %add3A_2473, %add3A_2496 : vector<16xi32>
        %gather3A_2498 = tpu.vector_load_idx %arg11[%add3A_2497] : memref<1280xf32, #tpu.memory_space<vmem>>[vector<16xi32>], vector<16xf32>,
        %add3A_2499 = arith.addf %add3A_2494, %gather3A_2498 : vector<16xf32>
        %add3A_2500 = arith.constant 6 : i32
        %add3A_2501 = vector.broadcast %add3A_2500 : i32 to vector<16xi32>
        %add3A_2502 = arith.addi %add3A_2473, %add3A_2501 : vector<16xi32>
        %gather3A_2503 = tpu.vector_load_idx %arg11[%add3A_2502] : memref<1280xf32, #tpu.memory_space<vmem>>[vector<16xi32>], vector<16xf32>,
        %add3A_2504 = arith.addf %add3A_2499, %gather3A_2503 : vector<16xf32>
        %add3A_2505 = arith.constant 7 : i32
        %add3A_2506 = vector.broadcast %add3A_2505 : i32 to vector<16xi32>
        %add3A_2507 = arith.addi %add3A_2473, %add3A_2506 : vector<16xi32>
        %gather3A_2508 = tpu.vector_load_idx %arg11[%add3A_2507] : memref<1280xf32, #tpu.memory_space<vmem>>[vector<16xi32>], vector<16xf32>,
        %add3A_2509 = arith.addf %add3A_2504, %gather3A_2508 : vector<16xf32>
        %add3A_2510 = arith.constant 8 : i32
        %add3A_2511 = vector.broadcast %add3A_2510 : i32 to vector<16xi32>
        %add3A_2512 = arith.addi %add3A_2473, %add3A_2511 : vector<16xi32>
        %gather3A_2513 = tpu.vector_load_idx %arg11[%add3A_2512] : memref<1280xf32, #tpu.memory_space<vmem>>[vector<16xi32>], vector<16xf32>,
        %add3A_2514 = arith.addf %add3A_2509, %gather3A_2513 : vector<16xf32>
        %add3A_2515 = arith.constant 9 : i32
        %add3A_2516 = vector.broadcast %add3A_2515 : i32 to vector<16xi32>
        %add3A_2517 = arith.addi %add3A_2473, %add3A_2516 : vector<16xi32>
        %gather3A_2518 = tpu.vector_load_idx %arg11[%add3A_2517] : memref<1280xf32, #tpu.memory_space<vmem>>[vector<16xi32>], vector<16xf32>,
        %add3A_2519 = arith.addf %add3A_2514, %gather3A_2518 : vector<16xf32>
        %add3A_2520 = arith.constant 10 : i32
        %add3A_2521 = vector.broadcast %add3A_2520 : i32 to vector<16xi32>
        %add3A_2522 = arith.addi %add3A_2473, %add3A_2521 : vector<16xi32>
        %gather3A_2523 = tpu.vector_load_idx %arg11[%add3A_2522] : memref<1280xf32, #tpu.memory_space<vmem>>[vector<16xi32>], vector<16xf32>,
        %add3A_2524 = arith.addf %add3A_2519, %gather3A_2523 : vector<16xf32>
        %add3A_2525 = arith.constant 11 : i32
        %add3A_2526 = vector.broadcast %add3A_2525 : i32 to vector<16xi32>
        %add3A_2527 = arith.addi %add3A_2473, %add3A_2526 : vector<16xi32>
        %gather3A_2528 = tpu.vector_load_idx %arg11[%add3A_2527] : memref<1280xf32, #tpu.memory_space<vmem>>[vector<16xi32>], vector<16xf32>,
        %add3A_2529 = arith.addf %add3A_2524, %gather3A_2528 : vector<16xf32>
        %add3A_2530 = arith.constant 12 : i32
        %add3A_2531 = vector.broadcast %add3A_2530 : i32 to vector<16xi32>
        %add3A_2532 = arith.addi %add3A_2473, %add3A_2531 : vector<16xi32>
        %gather3A_2533 = tpu.vector_load_idx %arg11[%add3A_2532] : memref<1280xf32, #tpu.memory_space<vmem>>[vector<16xi32>], vector<16xf32>,
        %add3A_2534 = arith.addf %add3A_2529, %gather3A_2533 : vector<16xf32>
        %add3A_2535 = arith.constant 13 : i32
        %add3A_2536 = vector.broadcast %add3A_2535 : i32 to vector<16xi32>
        %add3A_2537 = arith.addi %add3A_2473, %add3A_2536 : vector<16xi32>
        %gather3A_2538 = tpu.vector_load_idx %arg11[%add3A_2537] : memref<1280xf32, #tpu.memory_space<vmem>>[vector<16xi32>], vector<16xf32>,
        %add3A_2539 = arith.addf %add3A_2534, %gather3A_2538 : vector<16xf32>
        %add3A_2540 = arith.constant 14 : i32
        %add3A_2541 = vector.broadcast %add3A_2540 : i32 to vector<16xi32>
        %add3A_2542 = arith.addi %add3A_2473, %add3A_2541 : vector<16xi32>
        %gather3A_2543 = tpu.vector_load_idx %arg11[%add3A_2542] : memref<1280xf32, #tpu.memory_space<vmem>>[vector<16xi32>], vector<16xf32>,
        %add3A_2544 = arith.addf %add3A_2539, %gather3A_2543 : vector<16xf32>
        %add3A_2545 = arith.constant 15 : i32
        %add3A_2546 = vector.broadcast %add3A_2545 : i32 to vector<16xi32>
        %add3A_2547 = arith.addi %add3A_2473, %add3A_2546 : vector<16xi32>
        %gather3A_2548 = tpu.vector_load_idx %arg11[%add3A_2547] : memref<1280xf32, #tpu.memory_space<vmem>>[vector<16xi32>], vector<16xf32>,
        %add3A_2549 = arith.addf %add3A_2544, %gather3A_2548 : vector<16xf32>
        %mul3A_2550 = arith.constant 80 : i32
        %mul3A_2551 = arith.muli %add3A_126, %mul3A_2550 : i32
        %add3A_2552 = arith.constant 16 : i32
        %add3A_2553 = arith.addi %mul3A_2551, %add3A_2552 : i32
        %swap3A_2554 = arith.index_cast %add3A_2553 : i32 to index
        %swap3A_2555 = tpu.vector_load %arg12[%swap3A_2554] {strides = array<i32>} : memref<640xf32, #tpu.memory_space<vmem>>, vector<16xf32>,
        tpu.vector_store %arg12[%swap3A_2554], %add3A_2549 {strides = array<i32>} : memref<640xf32, #tpu.memory_space<vmem>>, vector<16xf32>,
        %mul3A_2556 = arith.constant 16 : i32
        %mul3A_2557 = vector.broadcast %mul3A_2556 : i32 to vector<16xi32>
        %mul3A_2558 = arith.muli %iota3A, %mul3A_2557 : vector<16xi32>
        %add3A_2559 = arith.constant 512 : i32
        %add3A_2560 = vector.broadcast %add3A_2559 : i32 to vector<16xi32>
        %add3A_2561 = arith.addi %mul3A_2558, %add3A_2560 : vector<16xi32>
        %gather3A_2562 = tpu.vector_load_idx %arg11[%add3A_2561] : memref<1280xf32, #tpu.memory_space<vmem>>[vector<16xi32>], vector<16xf32>,
        %add3A_2563 = arith.constant 1 : i32
        %add3A_2564 = vector.broadcast %add3A_2563 : i32 to vector<16xi32>
        %add3A_2565 = arith.addi %add3A_2561, %add3A_2564 : vector<16xi32>
        %gather3A_2566 = tpu.vector_load_idx %arg11[%add3A_2565] : memref<1280xf32, #tpu.memory_space<vmem>>[vector<16xi32>], vector<16xf32>,
        %add3A_2567 = arith.addf %gather3A_2562, %gather3A_2566 : vector<16xf32>
        %add3A_2568 = arith.constant 2 : i32
        %add3A_2569 = vector.broadcast %add3A_2568 : i32 to vector<16xi32>
        %add3A_2570 = arith.addi %add3A_2561, %add3A_2569 : vector<16xi32>
        %gather3A_2571 = tpu.vector_load_idx %arg11[%add3A_2570] : memref<1280xf32, #tpu.memory_space<vmem>>[vector<16xi32>], vector<16xf32>,
        %add3A_2572 = arith.addf %add3A_2567, %gather3A_2571 : vector<16xf32>
        %add3A_2573 = arith.constant 3 : i32
        %add3A_2574 = vector.broadcast %add3A_2573 : i32 to vector<16xi32>
        %add3A_2575 = arith.addi %add3A_2561, %add3A_2574 : vector<16xi32>
        %gather3A_2576 = tpu.vector_load_idx %arg11[%add3A_2575] : memref<1280xf32, #tpu.memory_space<vmem>>[vector<16xi32>], vector<16xf32>,
        %add3A_2577 = arith.addf %add3A_2572, %gather3A_2576 : vector<16xf32>
        %add3A_2578 = arith.constant 4 : i32
        %add3A_2579 = vector.broadcast %add3A_2578 : i32 to vector<16xi32>
        %add3A_2580 = arith.addi %add3A_2561, %add3A_2579 : vector<16xi32>
        %gather3A_2581 = tpu.vector_load_idx %arg11[%add3A_2580] : memref<1280xf32, #tpu.memory_space<vmem>>[vector<16xi32>], vector<16xf32>,
        %add3A_2582 = arith.addf %add3A_2577, %gather3A_2581 : vector<16xf32>
        %add3A_2583 = arith.constant 5 : i32
        %add3A_2584 = vector.broadcast %add3A_2583 : i32 to vector<16xi32>
        %add3A_2585 = arith.addi %add3A_2561, %add3A_2584 : vector<16xi32>
        %gather3A_2586 = tpu.vector_load_idx %arg11[%add3A_2585] : memref<1280xf32, #tpu.memory_space<vmem>>[vector<16xi32>], vector<16xf32>,
        %add3A_2587 = arith.addf %add3A_2582, %gather3A_2586 : vector<16xf32>
        %add3A_2588 = arith.constant 6 : i32
        %add3A_2589 = vector.broadcast %add3A_2588 : i32 to vector<16xi32>
        %add3A_2590 = arith.addi %add3A_2561, %add3A_2589 : vector<16xi32>
        %gather3A_2591 = tpu.vector_load_idx %arg11[%add3A_2590] : memref<1280xf32, #tpu.memory_space<vmem>>[vector<16xi32>], vector<16xf32>,
        %add3A_2592 = arith.addf %add3A_2587, %gather3A_2591 : vector<16xf32>
        %add3A_2593 = arith.constant 7 : i32
        %add3A_2594 = vector.broadcast %add3A_2593 : i32 to vector<16xi32>
        %add3A_2595 = arith.addi %add3A_2561, %add3A_2594 : vector<16xi32>
        %gather3A_2596 = tpu.vector_load_idx %arg11[%add3A_2595] : memref<1280xf32, #tpu.memory_space<vmem>>[vector<16xi32>], vector<16xf32>,
        %add3A_2597 = arith.addf %add3A_2592, %gather3A_2596 : vector<16xf32>
        %add3A_2598 = arith.constant 8 : i32
        %add3A_2599 = vector.broadcast %add3A_2598 : i32 to vector<16xi32>
        %add3A_2600 = arith.addi %add3A_2561, %add3A_2599 : vector<16xi32>
        %gather3A_2601 = tpu.vector_load_idx %arg11[%add3A_2600] : memref<1280xf32, #tpu.memory_space<vmem>>[vector<16xi32>], vector<16xf32>,
        %add3A_2602 = arith.addf %add3A_2597, %gather3A_2601 : vector<16xf32>
        %add3A_2603 = arith.constant 9 : i32
        %add3A_2604 = vector.broadcast %add3A_2603 : i32 to vector<16xi32>
        %add3A_2605 = arith.addi %add3A_2561, %add3A_2604 : vector<16xi32>
        %gather3A_2606 = tpu.vector_load_idx %arg11[%add3A_2605] : memref<1280xf32, #tpu.memory_space<vmem>>[vector<16xi32>], vector<16xf32>,
        %add3A_2607 = arith.addf %add3A_2602, %gather3A_2606 : vector<16xf32>
        %add3A_2608 = arith.constant 10 : i32
        %add3A_2609 = vector.broadcast %add3A_2608 : i32 to vector<16xi32>
        %add3A_2610 = arith.addi %add3A_2561, %add3A_2609 : vector<16xi32>
        %gather3A_2611 = tpu.vector_load_idx %arg11[%add3A_2610] : memref<1280xf32, #tpu.memory_space<vmem>>[vector<16xi32>], vector<16xf32>,
        %add3A_2612 = arith.addf %add3A_2607, %gather3A_2611 : vector<16xf32>
        %add3A_2613 = arith.constant 11 : i32
        %add3A_2614 = vector.broadcast %add3A_2613 : i32 to vector<16xi32>
        %add3A_2615 = arith.addi %add3A_2561, %add3A_2614 : vector<16xi32>
        %gather3A_2616 = tpu.vector_load_idx %arg11[%add3A_2615] : memref<1280xf32, #tpu.memory_space<vmem>>[vector<16xi32>], vector<16xf32>,
        %add3A_2617 = arith.addf %add3A_2612, %gather3A_2616 : vector<16xf32>
        %add3A_2618 = arith.constant 12 : i32
        %add3A_2619 = vector.broadcast %add3A_2618 : i32 to vector<16xi32>
        %add3A_2620 = arith.addi %add3A_2561, %add3A_2619 : vector<16xi32>
        %gather3A_2621 = tpu.vector_load_idx %arg11[%add3A_2620] : memref<1280xf32, #tpu.memory_space<vmem>>[vector<16xi32>], vector<16xf32>,
        %add3A_2622 = arith.addf %add3A_2617, %gather3A_2621 : vector<16xf32>
        %add3A_2623 = arith.constant 13 : i32
        %add3A_2624 = vector.broadcast %add3A_2623 : i32 to vector<16xi32>
        %add3A_2625 = arith.addi %add3A_2561, %add3A_2624 : vector<16xi32>
        %gather3A_2626 = tpu.vector_load_idx %arg11[%add3A_2625] : memref<1280xf32, #tpu.memory_space<vmem>>[vector<16xi32>], vector<16xf32>,
        %add3A_2627 = arith.addf %add3A_2622, %gather3A_2626 : vector<16xf32>
        %add3A_2628 = arith.constant 14 : i32
        %add3A_2629 = vector.broadcast %add3A_2628 : i32 to vector<16xi32>
        %add3A_2630 = arith.addi %add3A_2561, %add3A_2629 : vector<16xi32>
        %gather3A_2631 = tpu.vector_load_idx %arg11[%add3A_2630] : memref<1280xf32, #tpu.memory_space<vmem>>[vector<16xi32>], vector<16xf32>,
        %add3A_2632 = arith.addf %add3A_2627, %gather3A_2631 : vector<16xf32>
        %add3A_2633 = arith.constant 15 : i32
        %add3A_2634 = vector.broadcast %add3A_2633 : i32 to vector<16xi32>
        %add3A_2635 = arith.addi %add3A_2561, %add3A_2634 : vector<16xi32>
        %gather3A_2636 = tpu.vector_load_idx %arg11[%add3A_2635] : memref<1280xf32, #tpu.memory_space<vmem>>[vector<16xi32>], vector<16xf32>,
        %add3A_2637 = arith.addf %add3A_2632, %gather3A_2636 : vector<16xf32>
        %mul3A_2638 = arith.constant 80 : i32
        %mul3A_2639 = arith.muli %add3A_126, %mul3A_2638 : i32
        %add3A_2640 = arith.constant 32 : i32
        %add3A_2641 = arith.addi %mul3A_2639, %add3A_2640 : i32
        %swap3A_2642 = arith.index_cast %add3A_2641 : i32 to index
        %swap3A_2643 = tpu.vector_load %arg12[%swap3A_2642] {strides = array<i32>} : memref<640xf32, #tpu.memory_space<vmem>>, vector<16xf32>,
        tpu.vector_store %arg12[%swap3A_2642], %add3A_2637 {strides = array<i32>} : memref<640xf32, #tpu.memory_space<vmem>>, vector<16xf32>,
        %mul3A_2644 = arith.constant 16 : i32
        %mul3A_2645 = vector.broadcast %mul3A_2644 : i32 to vector<16xi32>
        %mul3A_2646 = arith.muli %iota3A, %mul3A_2645 : vector<16xi32>
        %add3A_2647 = arith.constant 768 : i32
        %add3A_2648 = vector.broadcast %add3A_2647 : i32 to vector<16xi32>
        %add3A_2649 = arith.addi %mul3A_2646, %add3A_2648 : vector<16xi32>
        %gather3A_2650 = tpu.vector_load_idx %arg11[%add3A_2649] : memref<1280xf32, #tpu.memory_space<vmem>>[vector<16xi32>], vector<16xf32>,
        %add3A_2651 = arith.constant 1 : i32
        %add3A_2652 = vector.broadcast %add3A_2651 : i32 to vector<16xi32>
        %add3A_2653 = arith.addi %add3A_2649, %add3A_2652 : vector<16xi32>
        %gather3A_2654 = tpu.vector_load_idx %arg11[%add3A_2653] : memref<1280xf32, #tpu.memory_space<vmem>>[vector<16xi32>], vector<16xf32>,
        %add3A_2655 = arith.addf %gather3A_2650, %gather3A_2654 : vector<16xf32>
        %add3A_2656 = arith.constant 2 : i32
        %add3A_2657 = vector.broadcast %add3A_2656 : i32 to vector<16xi32>
        %add3A_2658 = arith.addi %add3A_2649, %add3A_2657 : vector<16xi32>
        %gather3A_2659 = tpu.vector_load_idx %arg11[%add3A_2658] : memref<1280xf32, #tpu.memory_space<vmem>>[vector<16xi32>], vector<16xf32>,
        %add3A_2660 = arith.addf %add3A_2655, %gather3A_2659 : vector<16xf32>
        %add3A_2661 = arith.constant 3 : i32
        %add3A_2662 = vector.broadcast %add3A_2661 : i32 to vector<16xi32>
        %add3A_2663 = arith.addi %add3A_2649, %add3A_2662 : vector<16xi32>
        %gather3A_2664 = tpu.vector_load_idx %arg11[%add3A_2663] : memref<1280xf32, #tpu.memory_space<vmem>>[vector<16xi32>], vector<16xf32>,
        %add3A_2665 = arith.addf %add3A_2660, %gather3A_2664 : vector<16xf32>
        %add3A_2666 = arith.constant 4 : i32
        %add3A_2667 = vector.broadcast %add3A_2666 : i32 to vector<16xi32>
        %add3A_2668 = arith.addi %add3A_2649, %add3A_2667 : vector<16xi32>
        %gather3A_2669 = tpu.vector_load_idx %arg11[%add3A_2668] : memref<1280xf32, #tpu.memory_space<vmem>>[vector<16xi32>], vector<16xf32>,
        %add3A_2670 = arith.addf %add3A_2665, %gather3A_2669 : vector<16xf32>
        %add3A_2671 = arith.constant 5 : i32
        %add3A_2672 = vector.broadcast %add3A_2671 : i32 to vector<16xi32>
        %add3A_2673 = arith.addi %add3A_2649, %add3A_2672 : vector<16xi32>
        %gather3A_2674 = tpu.vector_load_idx %arg11[%add3A_2673] : memref<1280xf32, #tpu.memory_space<vmem>>[vector<16xi32>], vector<16xf32>,
        %add3A_2675 = arith.addf %add3A_2670, %gather3A_2674 : vector<16xf32>
        %add3A_2676 = arith.constant 6 : i32
        %add3A_2677 = vector.broadcast %add3A_2676 : i32 to vector<16xi32>
        %add3A_2678 = arith.addi %add3A_2649, %add3A_2677 : vector<16xi32>
        %gather3A_2679 = tpu.vector_load_idx %arg11[%add3A_2678] : memref<1280xf32, #tpu.memory_space<vmem>>[vector<16xi32>], vector<16xf32>,
        %add3A_2680 = arith.addf %add3A_2675, %gather3A_2679 : vector<16xf32>
        %add3A_2681 = arith.constant 7 : i32
        %add3A_2682 = vector.broadcast %add3A_2681 : i32 to vector<16xi32>
        %add3A_2683 = arith.addi %add3A_2649, %add3A_2682 : vector<16xi32>
        %gather3A_2684 = tpu.vector_load_idx %arg11[%add3A_2683] : memref<1280xf32, #tpu.memory_space<vmem>>[vector<16xi32>], vector<16xf32>,
        %add3A_2685 = arith.addf %add3A_2680, %gather3A_2684 : vector<16xf32>
        %add3A_2686 = arith.constant 8 : i32
        %add3A_2687 = vector.broadcast %add3A_2686 : i32 to vector<16xi32>
        %add3A_2688 = arith.addi %add3A_2649, %add3A_2687 : vector<16xi32>
        %gather3A_2689 = tpu.vector_load_idx %arg11[%add3A_2688] : memref<1280xf32, #tpu.memory_space<vmem>>[vector<16xi32>], vector<16xf32>,
        %add3A_2690 = arith.addf %add3A_2685, %gather3A_2689 : vector<16xf32>
        %add3A_2691 = arith.constant 9 : i32
        %add3A_2692 = vector.broadcast %add3A_2691 : i32 to vector<16xi32>
        %add3A_2693 = arith.addi %add3A_2649, %add3A_2692 : vector<16xi32>
        %gather3A_2694 = tpu.vector_load_idx %arg11[%add3A_2693] : memref<1280xf32, #tpu.memory_space<vmem>>[vector<16xi32>], vector<16xf32>,
        %add3A_2695 = arith.addf %add3A_2690, %gather3A_2694 : vector<16xf32>
        %add3A_2696 = arith.constant 10 : i32
        %add3A_2697 = vector.broadcast %add3A_2696 : i32 to vector<16xi32>
        %add3A_2698 = arith.addi %add3A_2649, %add3A_2697 : vector<16xi32>
        %gather3A_2699 = tpu.vector_load_idx %arg11[%add3A_2698] : memref<1280xf32, #tpu.memory_space<vmem>>[vector<16xi32>], vector<16xf32>,
        %add3A_2700 = arith.addf %add3A_2695, %gather3A_2699 : vector<16xf32>
        %add3A_2701 = arith.constant 11 : i32
        %add3A_2702 = vector.broadcast %add3A_2701 : i32 to vector<16xi32>
        %add3A_2703 = arith.addi %add3A_2649, %add3A_2702 : vector<16xi32>
        %gather3A_2704 = tpu.vector_load_idx %arg11[%add3A_2703] : memref<1280xf32, #tpu.memory_space<vmem>>[vector<16xi32>], vector<16xf32>,
        %add3A_2705 = arith.addf %add3A_2700, %gather3A_2704 : vector<16xf32>
        %add3A_2706 = arith.constant 12 : i32
        %add3A_2707 = vector.broadcast %add3A_2706 : i32 to vector<16xi32>
        %add3A_2708 = arith.addi %add3A_2649, %add3A_2707 : vector<16xi32>
        %gather3A_2709 = tpu.vector_load_idx %arg11[%add3A_2708] : memref<1280xf32, #tpu.memory_space<vmem>>[vector<16xi32>], vector<16xf32>,
        %add3A_2710 = arith.addf %add3A_2705, %gather3A_2709 : vector<16xf32>
        %add3A_2711 = arith.constant 13 : i32
        %add3A_2712 = vector.broadcast %add3A_2711 : i32 to vector<16xi32>
        %add3A_2713 = arith.addi %add3A_2649, %add3A_2712 : vector<16xi32>
        %gather3A_2714 = tpu.vector_load_idx %arg11[%add3A_2713] : memref<1280xf32, #tpu.memory_space<vmem>>[vector<16xi32>], vector<16xf32>,
        %add3A_2715 = arith.addf %add3A_2710, %gather3A_2714 : vector<16xf32>
        %add3A_2716 = arith.constant 14 : i32
        %add3A_2717 = vector.broadcast %add3A_2716 : i32 to vector<16xi32>
        %add3A_2718 = arith.addi %add3A_2649, %add3A_2717 : vector<16xi32>
        %gather3A_2719 = tpu.vector_load_idx %arg11[%add3A_2718] : memref<1280xf32, #tpu.memory_space<vmem>>[vector<16xi32>], vector<16xf32>,
        %add3A_2720 = arith.addf %add3A_2715, %gather3A_2719 : vector<16xf32>
        %add3A_2721 = arith.constant 15 : i32
        %add3A_2722 = vector.broadcast %add3A_2721 : i32 to vector<16xi32>
        %add3A_2723 = arith.addi %add3A_2649, %add3A_2722 : vector<16xi32>
        %gather3A_2724 = tpu.vector_load_idx %arg11[%add3A_2723] : memref<1280xf32, #tpu.memory_space<vmem>>[vector<16xi32>], vector<16xf32>,
        %add3A_2725 = arith.addf %add3A_2720, %gather3A_2724 : vector<16xf32>
        %mul3A_2726 = arith.constant 80 : i32
        %mul3A_2727 = arith.muli %add3A_126, %mul3A_2726 : i32
        %add3A_2728 = arith.constant 48 : i32
        %add3A_2729 = arith.addi %mul3A_2727, %add3A_2728 : i32
        %swap3A_2730 = arith.index_cast %add3A_2729 : i32 to index
        %swap3A_2731 = tpu.vector_load %arg12[%swap3A_2730] {strides = array<i32>} : memref<640xf32, #tpu.memory_space<vmem>>, vector<16xf32>,
        tpu.vector_store %arg12[%swap3A_2730], %add3A_2725 {strides = array<i32>} : memref<640xf32, #tpu.memory_space<vmem>>, vector<16xf32>,
        %mul3A_2732 = arith.constant 16 : i32
        %mul3A_2733 = vector.broadcast %mul3A_2732 : i32 to vector<16xi32>
        %mul3A_2734 = arith.muli %iota3A, %mul3A_2733 : vector<16xi32>
        %add3A_2735 = arith.constant 1024 : i32
        %add3A_2736 = vector.broadcast %add3A_2735 : i32 to vector<16xi32>
        %add3A_2737 = arith.addi %mul3A_2734, %add3A_2736 : vector<16xi32>
        %gather3A_2738 = tpu.vector_load_idx %arg11[%add3A_2737] : memref<1280xf32, #tpu.memory_space<vmem>>[vector<16xi32>], vector<16xf32>,
        %add3A_2739 = arith.constant 1 : i32
        %add3A_2740 = vector.broadcast %add3A_2739 : i32 to vector<16xi32>
        %add3A_2741 = arith.addi %add3A_2737, %add3A_2740 : vector<16xi32>
        %gather3A_2742 = tpu.vector_load_idx %arg11[%add3A_2741] : memref<1280xf32, #tpu.memory_space<vmem>>[vector<16xi32>], vector<16xf32>,
        %add3A_2743 = arith.addf %gather3A_2738, %gather3A_2742 : vector<16xf32>
        %add3A_2744 = arith.constant 2 : i32
        %add3A_2745 = vector.broadcast %add3A_2744 : i32 to vector<16xi32>
        %add3A_2746 = arith.addi %add3A_2737, %add3A_2745 : vector<16xi32>
        %gather3A_2747 = tpu.vector_load_idx %arg11[%add3A_2746] : memref<1280xf32, #tpu.memory_space<vmem>>[vector<16xi32>], vector<16xf32>,
        %add3A_2748 = arith.addf %add3A_2743, %gather3A_2747 : vector<16xf32>
        %add3A_2749 = arith.constant 3 : i32
        %add3A_2750 = vector.broadcast %add3A_2749 : i32 to vector<16xi32>
        %add3A_2751 = arith.addi %add3A_2737, %add3A_2750 : vector<16xi32>
        %gather3A_2752 = tpu.vector_load_idx %arg11[%add3A_2751] : memref<1280xf32, #tpu.memory_space<vmem>>[vector<16xi32>], vector<16xf32>,
        %add3A_2753 = arith.addf %add3A_2748, %gather3A_2752 : vector<16xf32>
        %add3A_2754 = arith.constant 4 : i32
        %add3A_2755 = vector.broadcast %add3A_2754 : i32 to vector<16xi32>
        %add3A_2756 = arith.addi %add3A_2737, %add3A_2755 : vector<16xi32>
        %gather3A_2757 = tpu.vector_load_idx %arg11[%add3A_2756] : memref<1280xf32, #tpu.memory_space<vmem>>[vector<16xi32>], vector<16xf32>,
        %add3A_2758 = arith.addf %add3A_2753, %gather3A_2757 : vector<16xf32>
        %add3A_2759 = arith.constant 5 : i32
        %add3A_2760 = vector.broadcast %add3A_2759 : i32 to vector<16xi32>
        %add3A_2761 = arith.addi %add3A_2737, %add3A_2760 : vector<16xi32>
        %gather3A_2762 = tpu.vector_load_idx %arg11[%add3A_2761] : memref<1280xf32, #tpu.memory_space<vmem>>[vector<16xi32>], vector<16xf32>,
        %add3A_2763 = arith.addf %add3A_2758, %gather3A_2762 : vector<16xf32>
        %add3A_2764 = arith.constant 6 : i32
        %add3A_2765 = vector.broadcast %add3A_2764 : i32 to vector<16xi32>
        %add3A_2766 = arith.addi %add3A_2737, %add3A_2765 : vector<16xi32>
        %gather3A_2767 = tpu.vector_load_idx %arg11[%add3A_2766] : memref<1280xf32, #tpu.memory_space<vmem>>[vector<16xi32>], vector<16xf32>,
        %add3A_2768 = arith.addf %add3A_2763, %gather3A_2767 : vector<16xf32>
        %add3A_2769 = arith.constant 7 : i32
        %add3A_2770 = vector.broadcast %add3A_2769 : i32 to vector<16xi32>
        %add3A_2771 = arith.addi %add3A_2737, %add3A_2770 : vector<16xi32>
        %gather3A_2772 = tpu.vector_load_idx %arg11[%add3A_2771] : memref<1280xf32, #tpu.memory_space<vmem>>[vector<16xi32>], vector<16xf32>,
        %add3A_2773 = arith.addf %add3A_2768, %gather3A_2772 : vector<16xf32>
        %add3A_2774 = arith.constant 8 : i32
        %add3A_2775 = vector.broadcast %add3A_2774 : i32 to vector<16xi32>
        %add3A_2776 = arith.addi %add3A_2737, %add3A_2775 : vector<16xi32>
        %gather3A_2777 = tpu.vector_load_idx %arg11[%add3A_2776] : memref<1280xf32, #tpu.memory_space<vmem>>[vector<16xi32>], vector<16xf32>,
        %add3A_2778 = arith.addf %add3A_2773, %gather3A_2777 : vector<16xf32>
        %add3A_2779 = arith.constant 9 : i32
        %add3A_2780 = vector.broadcast %add3A_2779 : i32 to vector<16xi32>
        %add3A_2781 = arith.addi %add3A_2737, %add3A_2780 : vector<16xi32>
        %gather3A_2782 = tpu.vector_load_idx %arg11[%add3A_2781] : memref<1280xf32, #tpu.memory_space<vmem>>[vector<16xi32>], vector<16xf32>,
        %add3A_2783 = arith.addf %add3A_2778, %gather3A_2782 : vector<16xf32>
        %add3A_2784 = arith.constant 10 : i32
        %add3A_2785 = vector.broadcast %add3A_2784 : i32 to vector<16xi32>
        %add3A_2786 = arith.addi %add3A_2737, %add3A_2785 : vector<16xi32>
        %gather3A_2787 = tpu.vector_load_idx %arg11[%add3A_2786] : memref<1280xf32, #tpu.memory_space<vmem>>[vector<16xi32>], vector<16xf32>,
        %add3A_2788 = arith.addf %add3A_2783, %gather3A_2787 : vector<16xf32>
        %add3A_2789 = arith.constant 11 : i32
        %add3A_2790 = vector.broadcast %add3A_2789 : i32 to vector<16xi32>
        %add3A_2791 = arith.addi %add3A_2737, %add3A_2790 : vector<16xi32>
        %gather3A_2792 = tpu.vector_load_idx %arg11[%add3A_2791] : memref<1280xf32, #tpu.memory_space<vmem>>[vector<16xi32>], vector<16xf32>,
        %add3A_2793 = arith.addf %add3A_2788, %gather3A_2792 : vector<16xf32>
        %add3A_2794 = arith.constant 12 : i32
        %add3A_2795 = vector.broadcast %add3A_2794 : i32 to vector<16xi32>
        %add3A_2796 = arith.addi %add3A_2737, %add3A_2795 : vector<16xi32>
        %gather3A_2797 = tpu.vector_load_idx %arg11[%add3A_2796] : memref<1280xf32, #tpu.memory_space<vmem>>[vector<16xi32>], vector<16xf32>,
        %add3A_2798 = arith.addf %add3A_2793, %gather3A_2797 : vector<16xf32>
        %add3A_2799 = arith.constant 13 : i32
        %add3A_2800 = vector.broadcast %add3A_2799 : i32 to vector<16xi32>
        %add3A_2801 = arith.addi %add3A_2737, %add3A_2800 : vector<16xi32>
        %gather3A_2802 = tpu.vector_load_idx %arg11[%add3A_2801] : memref<1280xf32, #tpu.memory_space<vmem>>[vector<16xi32>], vector<16xf32>,
        %add3A_2803 = arith.addf %add3A_2798, %gather3A_2802 : vector<16xf32>
        %add3A_2804 = arith.constant 14 : i32
        %add3A_2805 = vector.broadcast %add3A_2804 : i32 to vector<16xi32>
        %add3A_2806 = arith.addi %add3A_2737, %add3A_2805 : vector<16xi32>
        %gather3A_2807 = tpu.vector_load_idx %arg11[%add3A_2806] : memref<1280xf32, #tpu.memory_space<vmem>>[vector<16xi32>], vector<16xf32>,
        %add3A_2808 = arith.addf %add3A_2803, %gather3A_2807 : vector<16xf32>
        %add3A_2809 = arith.constant 15 : i32
        %add3A_2810 = vector.broadcast %add3A_2809 : i32 to vector<16xi32>
        %add3A_2811 = arith.addi %add3A_2737, %add3A_2810 : vector<16xi32>
        %gather3A_2812 = tpu.vector_load_idx %arg11[%add3A_2811] : memref<1280xf32, #tpu.memory_space<vmem>>[vector<16xi32>], vector<16xf32>,
        %add3A_2813 = arith.addf %add3A_2808, %gather3A_2812 : vector<16xf32>
        %mul3A_2814 = arith.constant 80 : i32
        %mul3A_2815 = arith.muli %add3A_126, %mul3A_2814 : i32
        %add3A_2816 = arith.constant 64 : i32
        %add3A_2817 = arith.addi %mul3A_2815, %add3A_2816 : i32
        %swap3A_2818 = arith.index_cast %add3A_2817 : i32 to index
        %swap3A_2819 = tpu.vector_load %arg12[%swap3A_2818] {strides = array<i32>} : memref<640xf32, #tpu.memory_space<vmem>>, vector<16xf32>,
        tpu.vector_store %arg12[%swap3A_2818], %add3A_2813 {strides = array<i32>} : memref<640xf32, #tpu.memory_space<vmem>>, vector<16xf32>,
      }
      %scan3A_116 = arith.constant 8 : i32
      %mul3A_117 = arith.constant 128 : i32
      %mul3A_118 = arith.muli %add3A_13, %mul3A_117 : i32
      %add3A_119 = arith.addi %mul3A_2, %mul3A_118 : i32
      %mul3A_120 = arith.constant 5 : i32
      %mul3A_121 = arith.muli %add3A_119, %mul3A_120 : i32
      "tpu.region"() ({
        %run_scoped3A = tpu.sem_alloc : memref<!tpu.dma_semaphore, #tpu.memory_space<semaphore_mem>>
        %dma_start3A_122 = tpu.memref_slice %arg6[%mul3A_121] : memref<81920xf32, #tpu.memory_space<hbm>> -> memref<640xf32, #tpu.memory_space<hbm>>
        %dma_start3A_123 = tpu.memref_slice %arg6[%mul3A_121] : memref<81920xf32, #tpu.memory_space<hbm>> -> memref<640xf32, #tpu.memory_space<hbm>>
        tpu.enqueue_dma source(%arg12 : memref<640xf32, #tpu.memory_space<vmem>>) target(%dma_start3A_123 : memref<640xf32, #tpu.memory_space<hbm>>) target_semaphore(%run_scoped3A : memref<!tpu.dma_semaphore, #tpu.memory_space<semaphore_mem>>)
        %dma_wait3A_124 = tpu.memref_slice %arg6[%mul3A_121] : memref<81920xf32, #tpu.memory_space<hbm>> -> memref<640xf32, #tpu.memory_space<hbm>>
        %dma_wait3A_125 = tpu.memref_slice %arg6[%mul3A_121] : memref<81920xf32, #tpu.memory_space<hbm>> -> memref<640xf32, #tpu.memory_space<hbm>>
        tpu.wait_dma2 semaphore(%run_scoped3A : memref<!tpu.dma_semaphore, #tpu.memory_space<semaphore_mem>>) src(%arg12 : memref<640xf32, #tpu.memory_space<vmem>>) dst(%dma_wait3A_125 : memref<640xf32, #tpu.memory_space<hbm>>)
        tpu.yield
      }) : () -> ()
    }
    %scan3A_8 = arith.constant 4 : i32
    return
  }
}

</mosaic_0001>

<sc_bundles>
// kernel: _w2v.3.cloned.1.call-start
scs
__scs_entry_jumppad:
0x0: {  	(pc) =	sbr.rel $0x88, $3  }
0x1: {  	(tag) =	ssettag $0x0;
	lr =	simm.s32 $0x1  }
0x2: {  	[smem:$0x3F9D] =	sst lr;
	_ =	strace $0xD0000000  }
0x3: {  	_ = 	snop  }
0x4: {  	_ = 	snop  }
0x5: {  	_ = 	snop  }
0x6: {  	_ = 	snop  }
0x7: {  	_ = 	snop  }
__scs_overlays_trampoline_lowered:
0x8: {  	[smem:$0x3FAC] =	sst s0  }
0x9: {  	[smem:$0x3FAD] =	sst s1  }
0xa: {  	[smem:$0x3FAE] =	sst s2  }
0xb: {  	[smem:$0x3FAF] =	sst s3  }
0xc: {  	[smem:$0x3FB0] =	sst s4  }
0xd: {  	[smem:$0x3FB1] =	sst s5  }
0xe: {  	[smem:$0x3FB2] =	sst s6  }
0xf: {  	[smem:$0x3FB3] =	sst s7  }
0x10: {  	[smem:$0x3FB4] =	sst s8  }
0x11: {  	[smem:$0x3FB5] =	sst s9;
	s0 =	simm.s32 @!p0 $0x0  }
0x12: {  	s1 =	sld [smem:$0x3F9B];
	s0 =	simm.s32 @p0 $0x1  }
0x13: {  	[smem:$0x3FB6] =	sst s0;
	s0 =	simm.s32 @!p1 $0x0  }
0x14: {  	s2 =	sld [smem:$0x3F9A];
	s0 =	simm.s32 @p1 $0x1  }
0x15: {  	[smem:$0x3FB7] =	sst s0;
	s0 =	simm.s32 @!p2 $0x0  }
0x16: {  	s3 =	sld [smem:$0x3FDB];
	s0 =	simm.s32 @p2 $0x1  }
0x17: {  	s4 =	simm.s32 $0x1BF5;
	[smem:$0x3FB9] =	sst s0  }
0x18: {  	s0 =	sld [smem:$0x3F9C];
	_ =	swait.ge [sflag:s4], $0x0  }
0x19: {  	s7 =	sld [smem:$0x3F9D]  }
0x1a: {  	s8 =	sadd.s32 $0xFFFFE003, lr  }
0x1b: {  	s9 =	sadd.s32 $0xFFFFFEF7, lr;
	s5 =	simm.s32 $0xFFFFFFFF;
	p2 =	slt.u32 s8, $0xFFFFF086  }
0x1c: {  	p1 =	slt.u32 s9, $0xF7A;
	s5 =	simm.s32 @!p2 $0x0  }
0x1d: {  	s5 =	simm.s32 @p1 $0x1;
	p0 =	seq.s32 s7, s2  }
0x1e: {  	s7 =	smul.u32 @!p0 $0xF7A, s2;
	p2 =	seq.s32 @!p0 s5, $0x0  }
0x1f: {  	s9 =	smul.u32 $0xF7A, s1;
	s8 =	simm.s32 @!p0 $0x1BF5;
	p2 =	por !p2, p0  }
0x20: {  	[sflag:s8] =	ssyncset.s32 @!p0 $0xFFFFF086;
	s6 =	sadd.s32 @!p0 s3, s7;
	s7 =	simm.s32 @!p0 $0x108  }
0x21: {  	s3 =	sadd.s32 s3, s9;
	s6 =	sadd.s32 @!p0 $0x88, s6;
	s7 =	simm.s32 @p2 $0x1082  }
0x22: {  	[simem:s7], [sflag:s8] =	dma.local @!p0 [hbm:s6], $0xF7A  }
0x23: {  	s9 =	sor.u32 $0xD0000000, s2;
	s6 =	simm.s32 $0x108;
	_ =	swait.ge @!p0 [sflag:s8], $0x0  }
0x24: {  	s3 =	sadd.s32 $0x88, s3;
	s6 =	simm.s32 @!p1 $0x1082;
	[sflag:s4] =	ssyncset.s32 $0xFFFFF086  }
0x25: {  	[simem:s6], [sflag:s4] =	dma.local [hbm:s3], $0xF7A  }
0x26: {  	[smem:$0x3F9D] =	sst s1;
	(tag) =	ssettag s2;
	_ =	strace s9  }
0x27: {  	s1 =	sld [smem:$0x3FAD]  }
0x28: {  	s2 =	sld [smem:$0x3FAE]  }
0x29: {  	s4 =	sld [smem:$0x3FB0]  }
0x2a: {  	p0 =	seq.s32 s5, $0x0;
	s5 =	sld [smem:$0x3FB1]  }
0x2b: {  	s6 =	sld [smem:$0x3FB2]  }
0x2c: {  	s7 =	sld [smem:$0x3FB3]  }
0x2d: {  	s3 =	simm.s32 $0x108;
	s8 =	sld [smem:$0x3FB4]  }
0x2e: {  	s3 =	simm.s32 @!p0 $0x1082;
	s9 =	sld [smem:$0x3FB5]  }
0x2f: {  	lr =	sadd.s32 s0, s3;
	s0 =	sld [smem:$0x3FAC]  }
0x30: {  	s3 =	sld [smem:$0x3FAF]  }
0x31: {  	[smem:$0x3FB8] =	sst s10  }
0x32: {  	s10 =	sld [smem:$0x3FB6];
	_ =	sdelay $0x3  }
0x33: {  	p0 =	seq.s32 s10, $0x1;
	s10 =	sld [smem:$0x3FB8];
	_ =	sdelay $0x3  }
0x34: {  	[smem:$0x3FB8] =	sst s10  }
0x35: {  	s10 =	sld [smem:$0x3FB7];
	_ =	sdelay $0x3  }
0x36: {  	p1 =	seq.s32 s10, $0x1;
	s10 =	sld [smem:$0x3FB8];
	_ =	sdelay $0x3  }
0x37: {  	[smem:$0x3FB8] =	sst s10  }
0x38: {  	s10 =	sld [smem:$0x3FB9]  }
0x39: {  	_ = 	snop;
	(pc) =	sbr.ind lr, $3  }
0x3a: {  	_ = 	snop  }
0x3b: {  	_ = 	snop  }
0x3c: {  	p2 =	seq.s32 s10, $0x1;
	s10 =	sld [smem:$0x3FB8]  }
0x3d: {  	_ =	shalt  }
0x3e: {  	_ =	shalt  }
0x3f: {  	_ =	shalt  }
0x40: {  	_ =	shalt  }
0x41: {  	_ =	shalt  }
0x42: {  	_ =	shalt  }
0x43: {  	_ =	shalt  }
0x44: {  	_ =	shalt  }
0x45: {  	_ =	shalt  }
0x46: {  	_ =	shalt  }
0x47: {  	_ =	shalt  }
0x48: {  	_ =	shalt  }
0x49: {  	_ =	shalt  }
0x4a: {  	_ =	shalt  }
0x4b: {  	_ =	shalt  }
0x4c: {  	_ =	shalt  }
0x4d: {  	_ =	shalt  }
0x4e: {  	_ =	shalt  }
0x4f: {  	_ =	shalt  }
0x50: {  	_ =	shalt  }
0x51: {  	_ =	shalt  }
0x52: {  	_ =	shalt  }
0x53: {  	_ =	shalt  }
0x54: {  	_ =	shalt  }
0x55: {  	_ =	shalt  }
0x56: {  	_ =	shalt  }
0x57: {  	_ =	shalt  }
0x58: {  	_ =	shalt  }
0x59: {  	_ =	shalt  }
0x5a: {  	_ =	shalt  }
0x5b: {  	_ =	shalt  }
0x5c: {  	_ =	shalt  }
0x5d: {  	_ =	shalt  }
0x5e: {  	_ =	shalt  }
0x5f: {  	_ =	shalt  }
0x60: {  	_ =	shalt  }
0x61: {  	_ =	shalt  }
0x62: {  	_ =	shalt  }
0x63: {  	_ =	shalt  }
0x64: {  	_ =	shalt  }
0x65: {  	_ =	shalt  }
0x66: {  	_ =	shalt  }
0x67: {  	_ =	shalt  }
0x68: {  	_ =	shalt  }
0x69: {  	_ =	shalt  }
0x6a: {  	_ =	shalt  }
0x6b: {  	_ =	shalt  }
0x6c: {  	_ =	shalt  }
0x6d: {  	_ =	shalt  }
0x6e: {  	_ =	shalt  }
0x6f: {  	_ =	shalt  }
0x70: {  	_ =	shalt  }
0x71: {  	_ =	shalt  }
0x72: {  	_ =	shalt  }
0x73: {  	_ =	shalt  }
0x74: {  	_ =	shalt  }
0x75: {  	_ =	shalt  }
0x76: {  	_ =	shalt  }
0x77: {  	_ =	shalt  }
0x78: {  	_ =	shalt  }
0x79: {  	_ =	shalt  }
0x7a: {  	_ =	shalt  }
0x7b: {  	_ =	shalt  }
0x7c: {  	_ =	shalt  }
0x7d: {  	_ =	shalt  }
0x7e: {  	_ =	shalt  }
0x7f: {  	_ =	shalt  }
0x80: {  	_ =	shalt  }
0x81: {  	_ =	shalt  }
0x82: {  	_ =	shalt  }
0x83: {  	_ =	shalt  }
0x84: {  	_ =	shalt  }
0x85: {  	_ =	shalt  }
0x86: {  	_ =	shalt  }
0x87: {  	_ =	shalt  }
.Lfunc_end0:
.L_simem_size_0:
called_computation_lowered:
.L_overlay_start_0:
0x88: {  	s2 =	sld [smem:$0x3FD9]  }
0x89: {  	s3 =	sld [smem:$0x3FFE];
	_ =	sdelay $0x1  }
0x8a: {  	s1 =	srdreg.scid  }
0x8b: {  	s0 =	sand.u32 $0x1, s1  }
0x8c: {  	s17 =	sshll.u32 s0, $0xA;
	s2 =	sadd.s32 s3, s2  }
0x8d: {  	s2 =	sadd.s32 s2, s17  }
0x8e: {  	[smem:$0x3FC4] =	sst s2  }
0x8f: {  	_ = 	snop  }
0x90: {  	s2 =	sld [smem:$0x3FC9]  }
0x91: {  	s18 =	sld [smem:$0x3FC8]  }
0x92: {  	s4 =	sld [smem:$0x3FD0];
	(tm) =	ssettm $0x1  }
0x93: {  	s5 =	sld [smem:$0x3FFB];
	_ =	sdelay $0x3  }
0x94: {  	_ =	strace s5  }
0x95: {  	s5 =	sld [smem:$0x3FFC];
	_ =	sdelay $0x3  }
0x96: {  	_ =	strace s5  }
0x97: {  	s5 =	sld [smem:$0x3FFD];
	_ =	sdelay $0x3  }
0x98: {  	_ =	strace s5  }
0x99: {  	_ =	strace $0x8FFFFFFF  }
0x9a: {  	s19 =	sld [smem:$0x3FDB];
	_ =	sdelay $0x1  }
0x9b: {  	s6 =	simm.s32 $_scs_section_size  }
0x9c: {  	s7 =	simm.s32 $_size__tile_overlayer_lowered;
	s8 =	simm.s32 $_tile_overlayer_lowered  }
0x9d: {  	s22 =	simm.s32 $0x1BFF;
	s21 =	sshll.u32 s8, $0x1;
	s5 =	sadd.s32 s6, s19  }
0x9e: {  	s9 =	simm.s32 $0x0;
	s20 =	sshll.u32 s7, $0x1;
	s7 =	sadd.s32 s21, s5  }
0x9f: {  	[timem:s9], [sflag:s22] =	dma.local [hbm:s7], s20  }
0xa0: {  	_ =	swait.ge [sflag:s22], s20  }
0xa1: {  	s6 =	ssub.s32 $0x0, s20;
	[sflag:s22] =	ssyncset.done $0x0  }
0xa2: {  	[sflag:s22] =	ssyncadd.s32 s6;
	_ =	sdelay $0x1  }
0xa3: {  	s23 =	simm.s32 $0x1B8B  }
0xa4: {  	_ =	swait.ge [sflag:s23], $0x1  }
0xa5: {  	[sflag:s23] =	ssyncset.done $0x0  }
0xa6: {  	s25 =	simm.s32 $0x1B8E;
	s24 =	sld [smem:$0x3FFE];
	[sflag:s23] =	ssyncadd.s32 $0xFFFFFFFF  }
0xa7: {  	s26 =	simm.s32 $execute0_lowered;
	[smem:$0x3FD2] =	sst s25  }
0xa8: {  	s7 =	sshll.u32 s26, $0x1;
	_ =	strace $0x80000046;
	[dreg:$0x1] =	wrdreg $0xFFFFFFFF  }
0xa9: {  	s28 =	simm.s32 $_size_execute0_lowered;
	s5 =	sadd.s32 s5, s7;
	[dreg:$0x0] =	wrdreg $0x0  }
0xaa: {  	s7 =	sshll.u32 s28, $0x1;
	[dreg:$0x2] =	wrdreg s5  }
0xab: {  	[dreg:$0x3] =	wrdreg s7  }
0xac: {  	[dreg:$0x4] =	wrdreg $0xC0  }
0xad: {  	_ =	task [dreg:s9], $0x5FFFF  }
0xae: {  	[dreg:$0x1] =	wrdreg $0xFFFFFFFF  }
0xaf: {  	[dreg:$0x0] =	wrdreg $0x60  }
0xb0: {  	[dreg:$0x2] =	wrdreg s2  }
0xb1: {  	[dreg:$0x3] =	wrdreg s18  }
0xb2: {  	[dreg:$0x4] =	wrdreg s24  }
0xb3: {  	[dreg:$0x5] =	wrdreg s4  }
0xb4: {  	[dreg:$0x6] =	wrdreg $0x9  }
0xb5: {  	_ =	task.clear_ibuf [dreg:s9], $0x7FFFF;
	_ =	strace $0x90000046  }
0xb6: {  	s29 =	simm.s32 $0x9;
	_ =	strace $0x80000048  }
0xb7: {  	_ =	swait.ge [sflag:s29], $0x1  }
0xb8: {  	[sflag:s29] =	ssyncadd.s32 $0xFFFFFFFF  }
0xb9: {  	_ =	strace $0x90000048  }
0xba: {  	_ =	sfence  }
0xbb: {  	s30 =	sld [smem:$0x0];
	_ =	sdelay $0x2  }
0xbc: {  	s31 =	sshll.u32 s1, $0xD;
	s1 =	sshrl.u32 s1, $0x2  }
0xbd: {  	s3 =	sand.u32 $0x4000, s31;
	s1 =	sadd.s32 s1, s30  }
0xbe: {  	s0 =	sor.u32 s3, s0;
	s1 =	sshll.u32 s1, $0x11  }
0xbf: {  	s0 =	sor.u32 s1, s0  }
0xc0: {  	s0 =	sadd.s32 $0x8F2B, s0  }
0xc1: {  	[sflag:s0] =	ssyncadd.remote.s32 $0x1  }
0xc2: {  	_ =	sfence.sel $0xFFFF  }
0xc3: {  	[dreg:$0x0] =	wrdreg $0xFFFFFFFF;
	(pc) =	sbr.abs _section_cstart, $3  }
0xc4: {  	[dreg:$0x1] =	wrdreg $0xFFFFFFFF  }
0xc5: {  	_ =	task.clear_ibuf [dreg:s9], $0x2FFFF;
	_ =	strace $0x9FFFFFFF  }
0xc6: {  	(tm) =	ssettm $0x7FFFFFFF  }
0xc7: {  	_ =	shalt  }
tec
execute0_lowered:
.L_overlay_start_1:
0x0: {  	(tag) =	ssettag $0x1  }
0x1: {  	v0 =	vlaneseq.u32  }
0x2: {  	v0 =	vmul.u32 $0x10, v0;
	_ =	sdelay $0x1  }
0x3: {  	v7 =	vor.u32 $0x1, v0;
	v8 =	vor.u32 $0x2, v0;
	v11 =	vor.u32 $0x3, v0  }
0x4: {  	v12 =	vor.u32 $0x4, v0;
	v13 =	vor.u32 $0x5, v0;
	v14 =	vor.u32 $0x6, v0  }
0x5: {  	v15 =	vor.u32 $0x7, v0;
	v16 =	vor.u32 $0x8, v0;
	v17 =	vor.u32 $0x9, v0  }
0x6: {  	v18 =	vor.u32 $0xA, v0;
	v19 =	vor.u32 $0xB, v0;
	v20 =	vor.u32 $0xC, v0  }
0x7: {  	v21 =	vor.u32 $0xD, v0;
	v22 =	vor.u32 $0xE, v0;
	v23 =	vor.u32 $0xF, v0  }
0x8: {  	v24 =	vor.u32 $0x100, v0;
	v25 =	vor.u32 $0x101, v0;
	v26 =	vor.u32 $0x102, v0  }
0x9: {  	s7 =	rddreg [dreg:$0x0];
	v27 =	vor.u32 $0x103, v0;
	v28 =	vor.u32 $0x104, v0;
	v29 =	vor.u32 $0x105, v0  }
0xa: {  	s8 =	rddreg [dreg:$0x1];
	v30 =	vor.u32 $0x106, v0;
	v31 =	vor.u32 $0x107, v0;
	v32 =	vor.u32 $0x108, v0  }
0xb: {  	s5 =	rddreg [dreg:$0x2];
	v33 =	vor.u32 $0x109, v0;
	v34 =	vor.u32 $0x10A, v0;
	v35 =	vor.u32 $0x10B, v0  }
0xc: {  	s1 =	rddreg [dreg:$0x3];
	v36 =	vor.u32 $0x10C, v0;
	v37 =	vor.u32 $0x10D, v0;
	v38 =	vor.u32 $0x10E, v0  }
0xd: {  	s0 =	rddreg [dreg:$0x4];
	s2 =	simm.s32 $0x0;
	s13 =	simm.s32 $0xC00;
	v39 =	vor.u32 $0x10F, v0;
	v40 =	vor.u32 $0x200, v0;
	v41 =	vor.u32 $0x201, v0  }
0xe: {  	s14 =	simm.s32 $0x2C00;
	s15 =	simm.s32 $0x4C00;
	s16 =	simm.s32 $0x6C00;
	v42 =	vor.u32 $0x202, v0;
	v43 =	vor.u32 $0x203, v0;
	v44 =	vor.u32 $0x204, v0  }
0xf: {  	s17 =	simm.s32 $0x8C00;
	s18 =	simm.s32 $0xAC00;
	[smem:$0x7FF] =	sst s2;
	v45 =	vor.u32 $0x205, v0;
	v46 =	vor.u32 $0x206, v0;
	v1 =	vor.u32 $0x30A, v0  }
0x10: {  	s6 =	srdreg.scid;
	s3 =	stileid.u32;
	_ =	strace $0x80000047;
	v47 =	vor.u32 $0x207, v0;
	v48 =	vor.u32 $0x208, v0;
	v49 =	vor.u32 $0x209, v0;
	[tilespmem:$0x1FF80] =	vst v1  }
0x11: {  	s19 =	simm.s32 $0x1;
	s20 =	simm.s32 $0xCC00;
	s21 =	simm.s32 $0xD100;
	v50 =	vor.u32 $0x20A, v0;
	v51 =	vor.u32 $0x20B, v0;
	v52 =	vor.u32 $0x20C, v0;
	[tilespmem:$0x1FFE0] =	vst v7  }
0x12: {  	s22 =	simm.s32 $0x0;
	s6 =	sand.u32 $0x1, s6;
	s9 =	sshll.u32 s3, $0x1;
	v53 =	vor.u32 $0x20D, v0;
	v54 =	vor.u32 $0x20E, v0;
	v1 =	vor.u32 $0x30B, v0;
	[tilespmem:$0x1FFF0] =	vst v8  }
0x13: {  	s4 =	sadd.s32 $0xF80400, s5;
	s10 =	ssub.s32 $0x2, s6;
	s6 =	sor.u32 s6, s9;
	v55 =	vor.u32 $0x20F, v0;
	v56 =	vor.u32 $0x300, v0;
	[tilespmem:$0x1FF90] =	vst v1;
	v1 =	vor.u32 $0x30C, v0  }
0x14: {  	s5 =	sadd.s32 $0x1740400, s5;
	s31 =	sshrl.u32 s10, $0x1;
	s11 =	sshll.u32 s6, $0x6;
	v57 =	vor.u32 $0x301, v0;
	v58 =	vor.u32 $0x302, v0;
	[tilespmem:$0x1FFA0] =	vst v1;
	v1 =	vor.u32 $0x30D, v0  }
0x15: {  	s12 =	smul.u32 $0x140, s6;
	s6 =	sshll.u32 s6, $0x9;
	v59 =	vor.u32 $0x303, v0;
	v60 =	vor.u32 $0x304, v0;
	s9 =	ssub.s32 s10, s31;
	[tilespmem:$0x1FFB0] =	vst v1;
	v1 =	vor.u32 $0x30E, v0  }
0x16: {  	v61 =	vor.u32 $0x305, v0;
	v62 =	vor.u32 $0x306, v0;
	s7 =	sadd.s32 s7, s11;
	s10 =	simm.s32 $0x2;
	s11 =	simm.s32 $0x200;
	[tilespmem:$0x1FFC0] =	vst v1;
	v1 =	vor.u32 $0x30F, v0  }
0x17: {  	v63 =	vor.u32 $0x307, v0;
	v10 =	vor.u32 $0x308, v0;
	v9 =	vor.u32 $0x309, v0;
	s8 =	sadd.s32 s8, s12;
	s9 =	smax.u32 s9, $0x1;
	s12 =	simm.s32 $0x80;
	[tilespmem:$0x1FFD0] =	vst v1  }
.LBB2_1:
0x18: {  	[tilespmem:s2], [sflag:$0x2] =	stream.linear.gather [hbm4b:s7+s2], $0x200, $0x38;
	[tilespmem:$0xD380] =	vst v63  }
0x19: {  	_ =	swait.ge [sflag:s10], $0x200  }
0x1a: {  	[sflag:s10] =	ssyncset.done $0x0  }
0x1b: {  	[sflag:s10] =	ssyncadd.s32 $0xFFFFFE00  }
0x1c: {  	[tilespmem:s11], [sflag:$0x2] =	stream.linear.gather [hbm4b:s8+s2], $0xA00, $0x38;
	[tilespmem:$0xD380] =	vst v63  }
0x1d: {  	_ =	swait.ge [sflag:s10], $0xA00  }
0x1e: {  	[sflag:s10] =	ssyncset.done $0x0  }
0x1f: {  	s23 =	simm.s32 $0x0;
	[sflag:s10] =	ssyncadd.s32 $0xFFFFF600  }
.LBB2_2:
0x20: {  	s24 =	sshll.u32 s23, $0x7;
	s25 =	smul.u32 $0xA00, s23  }
0x21: {  	[tilespmem:s13], [sflag:$0x1] =	stream.indirect.gather [hbm4b:s4+s12], $0x40, s24, s12, $0xb8;
	[tilespmem:$0xD380] =	vst v63  }
0x22: {  	s25 =	sshra.s32 s25, $0x2  }
0x23: {  	s26 =	sadd.s32 $0x200, s25  }
0x24: {  	[tilespmem:s14], [sflag:$0x1] =	stream.indirect.gather [hbm4b:s5+s12], $0x40, s26, s12, $0xb8;
	[tilespmem:$0xD380] =	vst v63  }
0x25: {  	s29 =	sadd.s32 $0x280, s25  }
0x26: {  	[tilespmem:s15], [sflag:$0x1] =	stream.indirect.gather [hbm4b:s5+s12], $0x40, s29, s12, $0xb8;
	[tilespmem:$0xD380] =	vst v63  }
0x27: {  	s30 =	sadd.s32 $0x300, s25  }
0x28: {  	[tilespmem:s16], [sflag:$0x1] =	stream.indirect.gather [hbm4b:s5+s12], $0x40, s30, s12, $0xb8;
	[tilespmem:$0xD380] =	vst v63  }
0x29: {  	s31 =	sadd.s32 $0x380, s25  }
0x2a: {  	[tilespmem:s17], [sflag:$0x1] =	stream.indirect.gather [hbm4b:s5+s12], $0x40, s31, s12, $0xb8;
	[tilespmem:$0xD380] =	vst v63  }
0x2b: {  	s25 =	sadd.s32 $0x400, s25  }
0x2c: {  	[tilespmem:s18], [sflag:$0x1] =	stream.indirect.gather [hbm4b:s5+s12], $0x40, s25, s12, $0xb8;
	[tilespmem:$0xD380] =	vst v63  }
0x2d: {  	_ =	swait.ge [sflag:s19], $0x2000  }
0x2e: {  	[sflag:s19] =	ssyncset.done $0x0  }
0x2f: {  	[sflag:s19] =	ssyncadd.s32 $0xFFFFE000  }
0x30: {  	_ =	swait.ge [sflag:s19], $0x2000  }
0x31: {  	[sflag:s19] =	ssyncset.done $0x0  }
0x32: {  	[sflag:s19] =	ssyncadd.s32 $0xFFFFE000  }
0x33: {  	_ =	swait.ge [sflag:s19], $0x2000  }
0x34: {  	[sflag:s19] =	ssyncset.done $0x0  }
0x35: {  	[sflag:s19] =	ssyncadd.s32 $0xFFFFE000  }
0x36: {  	_ =	swait.ge [sflag:s19], $0x2000  }
0x37: {  	[sflag:s19] =	ssyncset.done $0x0  }
0x38: {  	[sflag:s19] =	ssyncadd.s32 $0xFFFFE000  }
0x39: {  	_ =	swait.ge [sflag:s19], $0x2000  }
0x3a: {  	[sflag:s19] =	ssyncset.done $0x0  }
0x3b: {  	[sflag:s19] =	ssyncadd.s32 $0xFFFFE000  }
0x3c: {  	_ =	swait.ge [sflag:s19], $0x2000  }
0x3d: {  	[sflag:s19] =	ssyncset.done $0x0  }
0x3e: {  	s25 =	simm.s32 $0x0;
	[sflag:s19] =	ssyncadd.s32 $0xFFFFE000  }
.LBB2_3:
0x3f: {  	s26 =	sshll.u32 s25, $0xA  }
0x40: {  	s28 =	smul.u32 $0x5000, s25;
	s26 =	sand.u32 $0x3FFFFC00, s26  }
0x41: {  	v1 =	vld [tilespmem:s26+$0xC00]  }
0x42: {  	v2 =	vld [tilespmem:s26+$0xC10];
	s28 =	sshra.s32 s28, $0x2  }
0x43: {  	v3 =	vld [tilespmem:s28+$0x2C00]  }
0x44: {  	v4 =	vld [tilespmem:s28+$0x2C10]  }
0x45: {  	v5 =	vld [tilespmem:s26+$0xC20]  }
0x46: {  	v6 =	vld [tilespmem:s28+$0x2C20]  }
0x47: {  	v7 =	vld [tilespmem:s26+$0xC30]  }
0x48: {  	v8 =	vld [tilespmem:s28+$0x2C30]  }
0x49: {  	v3 =	vmul.f32 v3, v1;
	v4 =	vmul.f32 v4, v2;
	_ =	sdelay $0x1  }
0x4a: {  	v3 =	vadd.f32 v4, v3;
	v4 =	vmul.f32 v6, v5;
	_ =	sdelay $0x1  }
0x4b: {  	v3 =	vadd.f32 v4, v3;
	v4 =	vmul.f32 v8, v7;
	_ =	sdelay $0x1  }
0x4c: {  	v3 =	vadd.f32 v4, v3;
	_ =	sdelay $0x1  }
0x4d: {  	[tilespmem:$0xCC00] =	vst v3  }
0x4e: {  	v3 =	vld [tilespmem:s28+$0x2C40]  }
0x4f: {  	v4 =	vld [tilespmem:s28+$0x2C50];
	_ =	sdelay $0x1  }
0x50: {  	v6 =	vld [tilespmem:s28+$0x2C60];
	_ =	sdelay $0x1  }
0x51: {  	v8 =	vld [tilespmem:s28+$0x2C70]  }
0x52: {  	v3 =	vmul.f32 v3, v1;
	v4 =	vmul.f32 v4, v2;
	_ =	sdelay $0x1  }
0x53: {  	v3 =	vadd.f32 v4, v3;
	v4 =	vmul.f32 v6, v5;
	_ =	sdelay $0x1  }
0x54: {  	v3 =	vadd.f32 v4, v3;
	v4 =	vmul.f32 v8, v7;
	_ =	sdelay $0x1  }
0x55: {  	v3 =	vadd.f32 v4, v3;
	_ =	sdelay $0x1  }
0x56: {  	[tilespmem:$0xCC10] =	vst v3  }
0x57: {  	v3 =	vld [tilespmem:s28+$0x2C80]  }
0x58: {  	v4 =	vld [tilespmem:s28+$0x2C90];
	_ =	sdelay $0x1  }
0x59: {  	v6 =	vld [tilespmem:s28+$0x2CA0];
	_ =	sdelay $0x1  }
0x5a: {  	v8 =	vld [tilespmem:s28+$0x2CB0]  }
0x5b: {  	v3 =	vmul.f32 v3, v1;
	v4 =	vmul.f32 v4, v2;
	_ =	sdelay $0x1  }
0x5c: {  	v3 =	vadd.f32 v4, v3;
	v4 =	vmul.f32 v6, v5;
	_ =	sdelay $0x1  }
0x5d: {  	v3 =	vadd.f32 v4, v3;
	v4 =	vmul.f32 v8, v7;
	_ =	sdelay $0x1  }
0x5e: {  	v3 =	vadd.f32 v4, v3;
	_ =	sdelay $0x1  }
0x5f: {  	[tilespmem:$0xCC20] =	vst v3  }
0x60: {  	v3 =	vld [tilespmem:s28+$0x2CC0]  }
0x61: {  	v4 =	vld [tilespmem:s28+$0x2CD0];
	_ =	sdelay $0x1  }
0x62: {  	v6 =	vld [tilespmem:s28+$0x2CE0];
	_ =	sdelay $0x1  }
0x63: {  	v8 =	vld [tilespmem:s28+$0x2CF0]  }
0x64: {  	v3 =	vmul.f32 v3, v1;
	v4 =	vmul.f32 v4, v2;
	_ =	sdelay $0x1  }
0x65: {  	v3 =	vadd.f32 v4, v3;
	v4 =	vmul.f32 v6, v5;
	_ =	sdelay $0x1  }
0x66: {  	v3 =	vadd.f32 v4, v3;
	v4 =	vmul.f32 v8, v7;
	_ =	sdelay $0x1  }
0x67: {  	v3 =	vadd.f32 v4, v3;
	_ =	sdelay $0x1  }
0x68: {  	[tilespmem:$0xCC30] =	vst v3  }
0x69: {  	v3 =	vld [tilespmem:s28+$0x2D00]  }
0x6a: {  	v4 =	vld [tilespmem:s28+$0x2D10];
	_ =	sdelay $0x1  }
0x6b: {  	v6 =	vld [tilespmem:s28+$0x2D20];
	_ =	sdelay $0x1  }
0x6c: {  	v8 =	vld [tilespmem:s28+$0x2D30]  }
0x6d: {  	v1 =	vmul.f32 v3, v1;
	v2 =	vmul.f32 v4, v2;
	_ =	sdelay $0x1  }
0x6e: {  	v1 =	vadd.f32 v2, v1;
	v2 =	vmul.f32 v6, v5;
	_ =	sdelay $0x1  }
0x6f: {  	v1 =	vadd.f32 v2, v1;
	v2 =	vmul.f32 v8, v7  }
0x70: {  	s26 =	sshll.u32 s25, $0x4  }
0x71: {  	s30 =	sor.u32 $0x1, s26;
	v1 =	vadd.f32 v2, v1  }
0x72: {  	s29 =	sshll.u32 s30, $0x6  }
0x73: {  	s29 =	sand.u32 $0x3FFFFC40, s29;
	s28 =	smul.u32 $0x500, s30;
	[tilespmem:$0xCC40] =	vst v1  }
0x74: {  	v1 =	vld [tilespmem:s29+$0xC00]  }
0x75: {  	s28 =	sshra.s32 s28, $0x2;
	v2 =	vld [tilespmem:s29+$0xC10]  }
0x76: {  	v3 =	vld [tilespmem:s28+$0x2C00]  }
0x77: {  	v4 =	vld [tilespmem:s28+$0x2C10]  }
0x78: {  	v5 =	vld [tilespmem:s29+$0xC20]  }
0x79: {  	v6 =	vld [tilespmem:s28+$0x2C20]  }
0x7a: {  	v7 =	vld [tilespmem:s29+$0xC30]  }
0x7b: {  	v8 =	vld [tilespmem:s28+$0x2C30]  }
0x7c: {  	v3 =	vmul.f32 v3, v1;
	v4 =	vmul.f32 v4, v2;
	_ =	sdelay $0x1  }
0x7d: {  	v3 =	vadd.f32 v4, v3;
	v4 =	vmul.f32 v6, v5;
	_ =	sdelay $0x1  }
0x7e: {  	v3 =	vadd.f32 v4, v3;
	v4 =	vmul.f32 v8, v7;
	_ =	sdelay $0x1  }
0x7f: {  	v3 =	vadd.f32 v4, v3;
	_ =	sdelay $0x1  }
0x80: {  	[tilespmem:$0xCC50] =	vst v3  }
0x81: {  	v3 =	vld [tilespmem:s28+$0x2C40]  }
0x82: {  	v4 =	vld [tilespmem:s28+$0x2C50];
	_ =	sdelay $0x1  }
0x83: {  	v6 =	vld [tilespmem:s28+$0x2C60];
	_ =	sdelay $0x1  }
0x84: {  	v8 =	vld [tilespmem:s28+$0x2C70]  }
0x85: {  	v3 =	vmul.f32 v3, v1;
	v4 =	vmul.f32 v4, v2;
	_ =	sdelay $0x1  }
0x86: {  	v3 =	vadd.f32 v4, v3;
	v4 =	vmul.f32 v6, v5;
	_ =	sdelay $0x1  }
0x87: {  	v3 =	vadd.f32 v4, v3;
	v4 =	vmul.f32 v8, v7;
	_ =	sdelay $0x1  }
0x88: {  	v3 =	vadd.f32 v4, v3;
	_ =	sdelay $0x1  }
0x89: {  	[tilespmem:$0xCC60] =	vst v3  }
0x8a: {  	v3 =	vld [tilespmem:s28+$0x2C80]  }
0x8b: {  	v4 =	vld [tilespmem:s28+$0x2C90];
	_ =	sdelay $0x1  }
0x8c: {  	v6 =	vld [tilespmem:s28+$0x2CA0];
	_ =	sdelay $0x1  }
0x8d: {  	v8 =	vld [tilespmem:s28+$0x2CB0]  }
0x8e: {  	v3 =	vmul.f32 v3, v1;
	v4 =	vmul.f32 v4, v2;
	_ =	sdelay $0x1  }
0x8f: {  	v3 =	vadd.f32 v4, v3;
	v4 =	vmul.f32 v6, v5;
	_ =	sdelay $0x1  }
0x90: {  	v3 =	vadd.f32 v4, v3;
	v4 =	vmul.f32 v8, v7;
	_ =	sdelay $0x1  }
0x91: {  	v3 =	vadd.f32 v4, v3;
	_ =	sdelay $0x1  }
0x92: {  	[tilespmem:$0xCC70] =	vst v3  }
0x93: {  	v3 =	vld [tilespmem:s28+$0x2CC0]  }
0x94: {  	v4 =	vld [tilespmem:s28+$0x2CD0];
	_ =	sdelay $0x1  }
0x95: {  	v6 =	vld [tilespmem:s28+$0x2CE0];
	_ =	sdelay $0x1  }
0x96: {  	v8 =	vld [tilespmem:s28+$0x2CF0]  }
0x97: {  	v3 =	vmul.f32 v3, v1;
	v4 =	vmul.f32 v4, v2;
	_ =	sdelay $0x1  }
0x98: {  	v3 =	vadd.f32 v4, v3;
	v4 =	vmul.f32 v6, v5;
	_ =	sdelay $0x1  }
0x99: {  	v3 =	vadd.f32 v4, v3;
	v4 =	vmul.f32 v8, v7;
	_ =	sdelay $0x1  }
0x9a: {  	v3 =	vadd.f32 v4, v3;
	_ =	sdelay $0x1  }
0x9b: {  	[tilespmem:$0xCC80] =	vst v3  }
0x9c: {  	v3 =	vld [tilespmem:s28+$0x2D00]  }
0x9d: {  	v4 =	vld [tilespmem:s28+$0x2D10];
	_ =	sdelay $0x1  }
0x9e: {  	v6 =	vld [tilespmem:s28+$0x2D20];
	_ =	sdelay $0x1  }
0x9f: {  	v8 =	vld [tilespmem:s28+$0x2D30]  }
0xa0: {  	v1 =	vmul.f32 v3, v1;
	v2 =	vmul.f32 v4, v2;
	_ =	sdelay $0x1  }
0xa1: {  	v1 =	vadd.f32 v2, v1;
	v2 =	vmul.f32 v6, v5;
	_ =	sdelay $0x1  }
0xa2: {  	v1 =	vadd.f32 v2, v1;
	v2 =	vmul.f32 v8, v7;
	_ =	sdelay $0x1  }
0xa3: {  	s31 =	sor.u32 $0x2, s26;
	v1 =	vadd.f32 v2, v1  }
0xa4: {  	s30 =	sshll.u32 s31, $0x6  }
0xa5: {  	s29 =	sand.u32 $0x3FFFFC80, s30;
	s28 =	smul.u32 $0x500, s31;
	[tilespmem:$0xCC90] =	vst v1  }
0xa6: {  	v1 =	vld [tilespmem:s29+$0xC00]  }
0xa7: {  	s28 =	sshra.s32 s28, $0x2;
	v2 =	vld [tilespmem:s29+$0xC10]  }
0xa8: {  	v3 =	vld [tilespmem:s28+$0x2C00]  }
0xa9: {  	v4 =	vld [tilespmem:s28+$0x2C10]  }
0xaa: {  	v5 =	vld [tilespmem:s29+$0xC20]  }
0xab: {  	v6 =	vld [tilespmem:s28+$0x2C20]  }
0xac: {  	v7 =	vld [tilespmem:s29+$0xC30]  }
0xad: {  	v8 =	vld [tilespmem:s28+$0x2C30]  }
0xae: {  	v3 =	vmul.f32 v3, v1;
	v4 =	vmul.f32 v4, v2;
	_ =	sdelay $0x1  }
0xaf: {  	v3 =	vadd.f32 v4, v3;
	v4 =	vmul.f32 v6, v5;
	_ =	sdelay $0x1  }
0xb0: {  	v3 =	vadd.f32 v4, v3;
	v4 =	vmul.f32 v8, v7;
	_ =	sdelay $0x1  }
0xb1: {  	v3 =	vadd.f32 v4, v3;
	_ =	sdelay $0x1  }
0xb2: {  	[tilespmem:$0xCCA0] =	vst v3  }
0xb3: {  	v3 =	vld [tilespmem:s28+$0x2C40]  }
0xb4: {  	v4 =	vld [tilespmem:s28+$0x2C50];
	_ =	sdelay $0x1  }
0xb5: {  	v6 =	vld [tilespmem:s28+$0x2C60];
	_ =	sdelay $0x1  }
0xb6: {  	v8 =	vld [tilespmem:s28+$0x2C70]  }
0xb7: {  	v3 =	vmul.f32 v3, v1;
	v4 =	vmul.f32 v4, v2;
	_ =	sdelay $0x1  }
0xb8: {  	v3 =	vadd.f32 v4, v3;
	v4 =	vmul.f32 v6, v5;
	_ =	sdelay $0x1  }
0xb9: {  	v3 =	vadd.f32 v4, v3;
	v4 =	vmul.f32 v8, v7;
	_ =	sdelay $0x1  }
0xba: {  	v3 =	vadd.f32 v4, v3;
	_ =	sdelay $0x1  }
0xbb: {  	[tilespmem:$0xCCB0] =	vst v3  }
0xbc: {  	v3 =	vld [tilespmem:s28+$0x2C80]  }
0xbd: {  	v4 =	vld [tilespmem:s28+$0x2C90];
	_ =	sdelay $0x1  }
0xbe: {  	v6 =	vld [tilespmem:s28+$0x2CA0];
	_ =	sdelay $0x1  }
0xbf: {  	v8 =	vld [tilespmem:s28+$0x2CB0]  }
0xc0: {  	v3 =	vmul.f32 v3, v1;
	v4 =	vmul.f32 v4, v2;
	_ =	sdelay $0x1  }
0xc1: {  	v3 =	vadd.f32 v4, v3;
	v4 =	vmul.f32 v6, v5;
	_ =	sdelay $0x1  }
0xc2: {  	v3 =	vadd.f32 v4, v3;
	v4 =	vmul.f32 v8, v7;
	_ =	sdelay $0x1  }
0xc3: {  	v3 =	vadd.f32 v4, v3;
	_ =	sdelay $0x1  }
0xc4: {  	[tilespmem:$0xCCC0] =	vst v3  }
0xc5: {  	v3 =	vld [tilespmem:s28+$0x2CC0]  }
0xc6: {  	v4 =	vld [tilespmem:s28+$0x2CD0];
	_ =	sdelay $0x1  }
0xc7: {  	v6 =	vld [tilespmem:s28+$0x2CE0];
	_ =	sdelay $0x1  }
0xc8: {  	v8 =	vld [tilespmem:s28+$0x2CF0]  }
0xc9: {  	v3 =	vmul.f32 v3, v1;
	v4 =	vmul.f32 v4, v2;
	_ =	sdelay $0x1  }
0xca: {  	v3 =	vadd.f32 v4, v3;
	v4 =	vmul.f32 v6, v5;
	_ =	sdelay $0x1  }
0xcb: {  	v3 =	vadd.f32 v4, v3;
	v4 =	vmul.f32 v8, v7;
	_ =	sdelay $0x1  }
0xcc: {  	v3 =	vadd.f32 v4, v3;
	_ =	sdelay $0x1  }
0xcd: {  	[tilespmem:$0xCCD0] =	vst v3  }
0xce: {  	v3 =	vld [tilespmem:s28+$0x2D00]  }
0xcf: {  	v4 =	vld [tilespmem:s28+$0x2D10];
	_ =	sdelay $0x1  }
0xd0: {  	v6 =	vld [tilespmem:s28+$0x2D20];
	_ =	sdelay $0x1  }
0xd1: {  	v8 =	vld [tilespmem:s28+$0x2D30]  }
0xd2: {  	v1 =	vmul.f32 v3, v1;
	v2 =	vmul.f32 v4, v2;
	_ =	sdelay $0x1  }
0xd3: {  	v1 =	vadd.f32 v2, v1;
	v2 =	vmul.f32 v6, v5;
	_ =	sdelay $0x1  }
0xd4: {  	v1 =	vadd.f32 v2, v1;
	v2 =	vmul.f32 v8, v7;
	_ =	sdelay $0x1  }
0xd5: {  	s31 =	sor.u32 $0x3, s26;
	v1 =	vadd.f32 v2, v1  }
0xd6: {  	s30 =	sshll.u32 s31, $0x6  }
0xd7: {  	s29 =	sand.u32 $0x3FFFFCC0, s30;
	s28 =	smul.u32 $0x500, s31;
	[tilespmem:$0xCCE0] =	vst v1  }
0xd8: {  	v1 =	vld [tilespmem:s29+$0xC00]  }
0xd9: {  	s28 =	sshra.s32 s28, $0x2;
	v2 =	vld [tilespmem:s29+$0xC10]  }
0xda: {  	v3 =	vld [tilespmem:s28+$0x2C00]  }
0xdb: {  	v4 =	vld [tilespmem:s28+$0x2C10]  }
0xdc: {  	v5 =	vld [tilespmem:s29+$0xC20]  }
0xdd: {  	v6 =	vld [tilespmem:s28+$0x2C20]  }
0xde: {  	v7 =	vld [tilespmem:s29+$0xC30]  }
0xdf: {  	v8 =	vld [tilespmem:s28+$0x2C30]  }
0xe0: {  	v3 =	vmul.f32 v3, v1;
	v4 =	vmul.f32 v4, v2;
	_ =	sdelay $0x1  }
0xe1: {  	v3 =	vadd.f32 v4, v3;
	v4 =	vmul.f32 v6, v5;
	_ =	sdelay $0x1  }
0xe2: {  	v3 =	vadd.f32 v4, v3;
	v4 =	vmul.f32 v8, v7;
	_ =	sdelay $0x1  }
0xe3: {  	v3 =	vadd.f32 v4, v3;
	_ =	sdelay $0x1  }
0xe4: {  	[tilespmem:$0xCCF0] =	vst v3  }
0xe5: {  	v3 =	vld [tilespmem:s28+$0x2C40]  }
0xe6: {  	v4 =	vld [tilespmem:s28+$0x2C50];
	_ =	sdelay $0x1  }
0xe7: {  	v6 =	vld [tilespmem:s28+$0x2C60];
	_ =	sdelay $0x1  }
0xe8: {  	v8 =	vld [tilespmem:s28+$0x2C70]  }
0xe9: {  	v3 =	vmul.f32 v3, v1;
	v4 =	vmul.f32 v4, v2;
	_ =	sdelay $0x1  }
0xea: {  	v3 =	vadd.f32 v4, v3;
	v4 =	vmul.f32 v6, v5;
	_ =	sdelay $0x1  }
0xeb: {  	v3 =	vadd.f32 v4, v3;
	v4 =	vmul.f32 v8, v7;
	_ =	sdelay $0x1  }
0xec: {  	v3 =	vadd.f32 v4, v3;
	_ =	sdelay $0x1  }
0xed: {  	[tilespmem:$0xCD00] =	vst v3  }
0xee: {  	v3 =	vld [tilespmem:s28+$0x2C80]  }
0xef: {  	v4 =	vld [tilespmem:s28+$0x2C90];
	_ =	sdelay $0x1  }
0xf0: {  	v6 =	vld [tilespmem:s28+$0x2CA0];
	_ =	sdelay $0x1  }
0xf1: {  	v8 =	vld [tilespmem:s28+$0x2CB0]  }
0xf2: {  	v3 =	vmul.f32 v3, v1;
	v4 =	vmul.f32 v4, v2;
	_ =	sdelay $0x1  }
0xf3: {  	v3 =	vadd.f32 v4, v3;
	v4 =	vmul.f32 v6, v5;
	_ =	sdelay $0x1  }
0xf4: {  	v3 =	vadd.f32 v4, v3;
	v4 =	vmul.f32 v8, v7;
	_ =	sdelay $0x1  }
0xf5: {  	v3 =	vadd.f32 v4, v3;
	_ =	sdelay $0x1  }
0xf6: {  	[tilespmem:$0xCD10] =	vst v3  }
0xf7: {  	v3 =	vld [tilespmem:s28+$0x2CC0]  }
0xf8: {  	v4 =	vld [tilespmem:s28+$0x2CD0];
	_ =	sdelay $0x1  }
0xf9: {  	v6 =	vld [tilespmem:s28+$0x2CE0];
	_ =	sdelay $0x1  }
0xfa: {  	v8 =	vld [tilespmem:s28+$0x2CF0]  }
0xfb: {  	v3 =	vmul.f32 v3, v1;
	v4 =	vmul.f32 v4, v2;
	_ =	sdelay $0x1  }
0xfc: {  	v3 =	vadd.f32 v4, v3;
	v4 =	vmul.f32 v6, v5;
	_ =	sdelay $0x1  }
0xfd: {  	v3 =	vadd.f32 v4, v3;
	v4 =	vmul.f32 v8, v7;
	_ =	sdelay $0x1  }
0xfe: {  	v3 =	vadd.f32 v4, v3;
	_ =	sdelay $0x1  }
0xff: {  	[tilespmem:$0xCD20] =	vst v3  }
0x100: {  	v3 =	vld [tilespmem:s28+$0x2D00]  }
0x101: {  	v4 =	vld [tilespmem:s28+$0x2D10];
	_ =	sdelay $0x1  }
0x102: {  	v6 =	vld [tilespmem:s28+$0x2D20];
	_ =	sdelay $0x1  }
0x103: {  	v8 =	vld [tilespmem:s28+$0x2D30]  }
0x104: {  	v1 =	vmul.f32 v3, v1;
	v2 =	vmul.f32 v4, v2;
	_ =	sdelay $0x1  }
0x105: {  	v1 =	vadd.f32 v2, v1;
	v2 =	vmul.f32 v6, v5;
	_ =	sdelay $0x1  }
0x106: {  	v1 =	vadd.f32 v2, v1;
	v2 =	vmul.f32 v8, v7;
	_ =	sdelay $0x1  }
0x107: {  	s31 =	sor.u32 $0x4, s26;
	v1 =	vadd.f32 v2, v1  }
0x108: {  	s30 =	sshll.u32 s31, $0x6  }
0x109: {  	s29 =	sand.u32 $0x3FFFFD00, s30;
	s28 =	smul.u32 $0x500, s31;
	[tilespmem:$0xCD30] =	vst v1  }
0x10a: {  	v1 =	vld [tilespmem:s29+$0xC00]  }
0x10b: {  	s28 =	sshra.s32 s28, $0x2;
	v2 =	vld [tilespmem:s29+$0xC10]  }
0x10c: {  	v3 =	vld [tilespmem:s28+$0x2C00]  }
0x10d: {  	v4 =	vld [tilespmem:s28+$0x2C10]  }
0x10e: {  	v5 =	vld [tilespmem:s29+$0xC20]  }
0x10f: {  	v6 =	vld [tilespmem:s28+$0x2C20]  }
0x110: {  	v7 =	vld [tilespmem:s29+$0xC30]  }
0x111: {  	v8 =	vld [tilespmem:s28+$0x2C30]  }
0x112: {  	v3 =	vmul.f32 v3, v1;
	v4 =	vmul.f32 v4, v2;
	_ =	sdelay $0x1  }
0x113: {  	v3 =	vadd.f32 v4, v3;
	v4 =	vmul.f32 v6, v5;
	_ =	sdelay $0x1  }
0x114: {  	v3 =	vadd.f32 v4, v3;
	v4 =	vmul.f32 v8, v7;
	_ =	sdelay $0x1  }
0x115: {  	v3 =	vadd.f32 v4, v3;
	_ =	sdelay $0x1  }
0x116: {  	[tilespmem:$0xCD40] =	vst v3  }
0x117: {  	v3 =	vld [tilespmem:s28+$0x2C40]  }
0x118: {  	v4 =	vld [tilespmem:s28+$0x2C50];
	_ =	sdelay $0x1  }
0x119: {  	v6 =	vld [tilespmem:s28+$0x2C60];
	_ =	sdelay $0x1  }
0x11a: {  	v8 =	vld [tilespmem:s28+$0x2C70]  }
0x11b: {  	v3 =	vmul.f32 v3, v1;
	v4 =	vmul.f32 v4, v2;
	_ =	sdelay $0x1  }
0x11c: {  	v3 =	vadd.f32 v4, v3;
	v4 =	vmul.f32 v6, v5;
	_ =	sdelay $0x1  }
0x11d: {  	v3 =	vadd.f32 v4, v3;
	v4 =	vmul.f32 v8, v7;
	_ =	sdelay $0x1  }
0x11e: {  	v3 =	vadd.f32 v4, v3;
	_ =	sdelay $0x1  }
0x11f: {  	[tilespmem:$0xCD50] =	vst v3  }
0x120: {  	v3 =	vld [tilespmem:s28+$0x2C80]  }
0x121: {  	v4 =	vld [tilespmem:s28+$0x2C90];
	_ =	sdelay $0x1  }
0x122: {  	v6 =	vld [tilespmem:s28+$0x2CA0];
	_ =	sdelay $0x1  }
0x123: {  	v8 =	vld [tilespmem:s28+$0x2CB0]  }
0x124: {  	v3 =	vmul.f32 v3, v1;
	v4 =	vmul.f32 v4, v2;
	_ =	sdelay $0x1  }
0x125: {  	v3 =	vadd.f32 v4, v3;
	v4 =	vmul.f32 v6, v5;
	_ =	sdelay $0x1  }
0x126: {  	v3 =	vadd.f32 v4, v3;
	v4 =	vmul.f32 v8, v7;
	_ =	sdelay $0x1  }
0x127: {  	v3 =	vadd.f32 v4, v3;
	_ =	sdelay $0x1  }
0x128: {  	[tilespmem:$0xCD60] =	vst v3  }
0x129: {  	v3 =	vld [tilespmem:s28+$0x2CC0]  }
0x12a: {  	v4 =	vld [tilespmem:s28+$0x2CD0];
	_ =	sdelay $0x1  }
0x12b: {  	v6 =	vld [tilespmem:s28+$0x2CE0];
	_ =	sdelay $0x1  }
0x12c: {  	v8 =	vld [tilespmem:s28+$0x2CF0]  }
0x12d: {  	v3 =	vmul.f32 v3, v1;
	v4 =	vmul.f32 v4, v2;
	_ =	sdelay $0x1  }
0x12e: {  	v3 =	vadd.f32 v4, v3;
	v4 =	vmul.f32 v6, v5;
	_ =	sdelay $0x1  }
0x12f: {  	v3 =	vadd.f32 v4, v3;
	v4 =	vmul.f32 v8, v7;
	_ =	sdelay $0x1  }
0x130: {  	v3 =	vadd.f32 v4, v3;
	_ =	sdelay $0x1  }
0x131: {  	[tilespmem:$0xCD70] =	vst v3  }
0x132: {  	v3 =	vld [tilespmem:s28+$0x2D00]  }
0x133: {  	v4 =	vld [tilespmem:s28+$0x2D10];
	_ =	sdelay $0x1  }
0x134: {  	v6 =	vld [tilespmem:s28+$0x2D20];
	_ =	sdelay $0x1  }
0x135: {  	v8 =	vld [tilespmem:s28+$0x2D30]  }
0x136: {  	v1 =	vmul.f32 v3, v1;
	v2 =	vmul.f32 v4, v2;
	_ =	sdelay $0x1  }
0x137: {  	v1 =	vadd.f32 v2, v1;
	v2 =	vmul.f32 v6, v5;
	_ =	sdelay $0x1  }
0x138: {  	v1 =	vadd.f32 v2, v1;
	v2 =	vmul.f32 v8, v7;
	_ =	sdelay $0x1  }
0x139: {  	s31 =	sor.u32 $0x5, s26;
	v1 =	vadd.f32 v2, v1  }
0x13a: {  	s30 =	sshll.u32 s31, $0x6  }
0x13b: {  	s29 =	sand.u32 $0x3FFFFD40, s30;
	s28 =	smul.u32 $0x500, s31;
	[tilespmem:$0xCD80] =	vst v1  }
0x13c: {  	v1 =	vld [tilespmem:s29+$0xC00]  }
0x13d: {  	s28 =	sshra.s32 s28, $0x2;
	v2 =	vld [tilespmem:s29+$0xC10]  }
0x13e: {  	v3 =	vld [tilespmem:s28+$0x2C00]  }
0x13f: {  	v4 =	vld [tilespmem:s28+$0x2C10]  }
0x140: {  	v5 =	vld [tilespmem:s29+$0xC20]  }
0x141: {  	v6 =	vld [tilespmem:s28+$0x2C20]  }
0x142: {  	v7 =	vld [tilespmem:s29+$0xC30]  }
0x143: {  	v8 =	vld [tilespmem:s28+$0x2C30]  }
0x144: {  	v3 =	vmul.f32 v3, v1;
	v4 =	vmul.f32 v4, v2;
	_ =	sdelay $0x1  }
0x145: {  	v3 =	vadd.f32 v4, v3;
	v4 =	vmul.f32 v6, v5;
	_ =	sdelay $0x1  }
0x146: {  	v3 =	vadd.f32 v4, v3;
	v4 =	vmul.f32 v8, v7;
	_ =	sdelay $0x1  }
0x147: {  	v3 =	vadd.f32 v4, v3;
	_ =	sdelay $0x1  }
0x148: {  	[tilespmem:$0xCD90] =	vst v3  }
0x149: {  	v3 =	vld [tilespmem:s28+$0x2C40]  }
0x14a: {  	v4 =	vld [tilespmem:s28+$0x2C50];
	_ =	sdelay $0x1  }
0x14b: {  	v6 =	vld [tilespmem:s28+$0x2C60];
	_ =	sdelay $0x1  }
0x14c: {  	v8 =	vld [tilespmem:s28+$0x2C70]  }
0x14d: {  	v3 =	vmul.f32 v3, v1;
	v4 =	vmul.f32 v4, v2;
	_ =	sdelay $0x1  }
0x14e: {  	v3 =	vadd.f32 v4, v3;
	v4 =	vmul.f32 v6, v5;
	_ =	sdelay $0x1  }
0x14f: {  	v3 =	vadd.f32 v4, v3;
	v4 =	vmul.f32 v8, v7;
	_ =	sdelay $0x1  }
0x150: {  	v3 =	vadd.f32 v4, v3;
	_ =	sdelay $0x1  }
0x151: {  	[tilespmem:$0xCDA0] =	vst v3  }
0x152: {  	v3 =	vld [tilespmem:s28+$0x2C80]  }
0x153: {  	v4 =	vld [tilespmem:s28+$0x2C90];
	_ =	sdelay $0x1  }
0x154: {  	v6 =	vld [tilespmem:s28+$0x2CA0];
	_ =	sdelay $0x1  }
0x155: {  	v8 =	vld [tilespmem:s28+$0x2CB0]  }
0x156: {  	v3 =	vmul.f32 v3, v1;
	v4 =	vmul.f32 v4, v2;
	_ =	sdelay $0x1  }
0x157: {  	v3 =	vadd.f32 v4, v3;
	v4 =	vmul.f32 v6, v5;
	_ =	sdelay $0x1  }
0x158: {  	v3 =	vadd.f32 v4, v3;
	v4 =	vmul.f32 v8, v7;
	_ =	sdelay $0x1  }
0x159: {  	v3 =	vadd.f32 v4, v3;
	_ =	sdelay $0x1  }
0x15a: {  	[tilespmem:$0xCDB0] =	vst v3  }
0x15b: {  	v3 =	vld [tilespmem:s28+$0x2CC0]  }
0x15c: {  	v4 =	vld [tilespmem:s28+$0x2CD0];
	_ =	sdelay $0x1  }
0x15d: {  	v6 =	vld [tilespmem:s28+$0x2CE0];
	_ =	sdelay $0x1  }
0x15e: {  	v8 =	vld [tilespmem:s28+$0x2CF0]  }
0x15f: {  	v3 =	vmul.f32 v3, v1;
	v4 =	vmul.f32 v4, v2;
	_ =	sdelay $0x1  }
0x160: {  	v3 =	vadd.f32 v4, v3;
	v4 =	vmul.f32 v6, v5;
	_ =	sdelay $0x1  }
0x161: {  	v3 =	vadd.f32 v4, v3;
	v4 =	vmul.f32 v8, v7;
	_ =	sdelay $0x1  }
0x162: {  	v3 =	vadd.f32 v4, v3;
	_ =	sdelay $0x1  }
0x163: {  	[tilespmem:$0xCDC0] =	vst v3  }
0x164: {  	v3 =	vld [tilespmem:s28+$0x2D00]  }
0x165: {  	v4 =	vld [tilespmem:s28+$0x2D10];
	_ =	sdelay $0x1  }
0x166: {  	v6 =	vld [tilespmem:s28+$0x2D20];
	_ =	sdelay $0x1  }
0x167: {  	v8 =	vld [tilespmem:s28+$0x2D30]  }
0x168: {  	v1 =	vmul.f32 v3, v1;
	v2 =	vmul.f32 v4, v2;
	_ =	sdelay $0x1  }
0x169: {  	v1 =	vadd.f32 v2, v1;
	v2 =	vmul.f32 v6, v5;
	_ =	sdelay $0x1  }
0x16a: {  	v1 =	vadd.f32 v2, v1;
	v2 =	vmul.f32 v8, v7;
	_ =	sdelay $0x1  }
0x16b: {  	s31 =	sor.u32 $0x6, s26;
	v1 =	vadd.f32 v2, v1  }
0x16c: {  	s30 =	sshll.u32 s31, $0x6  }
0x16d: {  	s29 =	sand.u32 $0x3FFFFD80, s30;
	s28 =	smul.u32 $0x500, s31;
	[tilespmem:$0xCDD0] =	vst v1  }
0x16e: {  	v1 =	vld [tilespmem:s29+$0xC00]  }
0x16f: {  	s28 =	sshra.s32 s28, $0x2;
	v2 =	vld [tilespmem:s29+$0xC10]  }
0x170: {  	v3 =	vld [tilespmem:s28+$0x2C00]  }
0x171: {  	v4 =	vld [tilespmem:s28+$0x2C10]  }
0x172: {  	v5 =	vld [tilespmem:s29+$0xC20]  }
0x173: {  	v6 =	vld [tilespmem:s28+$0x2C20]  }
0x174: {  	v7 =	vld [tilespmem:s29+$0xC30]  }
0x175: {  	v8 =	vld [tilespmem:s28+$0x2C30]  }
0x176: {  	v3 =	vmul.f32 v3, v1;
	v4 =	vmul.f32 v4, v2;
	_ =	sdelay $0x1  }
0x177: {  	v3 =	vadd.f32 v4, v3;
	v4 =	vmul.f32 v6, v5;
	_ =	sdelay $0x1  }
0x178: {  	v3 =	vadd.f32 v4, v3;
	v4 =	vmul.f32 v8, v7;
	_ =	sdelay $0x1  }
0x179: {  	v3 =	vadd.f32 v4, v3;
	_ =	sdelay $0x1  }
0x17a: {  	[tilespmem:$0xCDE0] =	vst v3  }
0x17b: {  	v3 =	vld [tilespmem:s28+$0x2C40]  }
0x17c: {  	v4 =	vld [tilespmem:s28+$0x2C50];
	_ =	sdelay $0x1  }
0x17d: {  	v6 =	vld [tilespmem:s28+$0x2C60];
	_ =	sdelay $0x1  }
0x17e: {  	v8 =	vld [tilespmem:s28+$0x2C70]  }
0x17f: {  	v3 =	vmul.f32 v3, v1;
	v4 =	vmul.f32 v4, v2;
	_ =	sdelay $0x1  }
0x180: {  	v3 =	vadd.f32 v4, v3;
	v4 =	vmul.f32 v6, v5;
	_ =	sdelay $0x1  }
0x181: {  	v3 =	vadd.f32 v4, v3;
	v4 =	vmul.f32 v8, v7;
	_ =	sdelay $0x1  }
0x182: {  	v3 =	vadd.f32 v4, v3;
	_ =	sdelay $0x1  }
0x183: {  	[tilespmem:$0xCDF0] =	vst v3  }
0x184: {  	v3 =	vld [tilespmem:s28+$0x2C80]  }
0x185: {  	v4 =	vld [tilespmem:s28+$0x2C90];
	_ =	sdelay $0x1  }
0x186: {  	v6 =	vld [tilespmem:s28+$0x2CA0];
	_ =	sdelay $0x1  }
0x187: {  	v8 =	vld [tilespmem:s28+$0x2CB0]  }
0x188: {  	v3 =	vmul.f32 v3, v1;
	v4 =	vmul.f32 v4, v2;
	_ =	sdelay $0x1  }
0x189: {  	v3 =	vadd.f32 v4, v3;
	v4 =	vmul.f32 v6, v5;
	_ =	sdelay $0x1  }
0x18a: {  	v3 =	vadd.f32 v4, v3;
	v4 =	vmul.f32 v8, v7;
	_ =	sdelay $0x1  }
0x18b: {  	v3 =	vadd.f32 v4, v3;
	_ =	sdelay $0x1  }
0x18c: {  	[tilespmem:$0xCE00] =	vst v3  }
0x18d: {  	v3 =	vld [tilespmem:s28+$0x2CC0]  }
0x18e: {  	v4 =	vld [tilespmem:s28+$0x2CD0];
	_ =	sdelay $0x1  }
0x18f: {  	v6 =	vld [tilespmem:s28+$0x2CE0];
	_ =	sdelay $0x1  }
0x190: {  	v8 =	vld [tilespmem:s28+$0x2CF0]  }
0x191: {  	v3 =	vmul.f32 v3, v1;
	v4 =	vmul.f32 v4, v2;
	_ =	sdelay $0x1  }
0x192: {  	v3 =	vadd.f32 v4, v3;
	v4 =	vmul.f32 v6, v5;
	_ =	sdelay $0x1  }
0x193: {  	v3 =	vadd.f32 v4, v3;
	v4 =	vmul.f32 v8, v7;
	_ =	sdelay $0x1  }
0x194: {  	v3 =	vadd.f32 v4, v3;
	_ =	sdelay $0x1  }
0x195: {  	[tilespmem:$0xCE10] =	vst v3  }
0x196: {  	v3 =	vld [tilespmem:s28+$0x2D00]  }
0x197: {  	v4 =	vld [tilespmem:s28+$0x2D10];
	_ =	sdelay $0x1  }
0x198: {  	v6 =	vld [tilespmem:s28+$0x2D20];
	_ =	sdelay $0x1  }
0x199: {  	v8 =	vld [tilespmem:s28+$0x2D30]  }
0x19a: {  	v1 =	vmul.f32 v3, v1;
	v2 =	vmul.f32 v4, v2;
	_ =	sdelay $0x1  }
0x19b: {  	v1 =	vadd.f32 v2, v1;
	v2 =	vmul.f32 v6, v5;
	_ =	sdelay $0x1  }
0x19c: {  	v1 =	vadd.f32 v2, v1;
	v2 =	vmul.f32 v8, v7;
	_ =	sdelay $0x1  }
0x19d: {  	s31 =	sor.u32 $0x7, s26;
	v1 =	vadd.f32 v2, v1  }
0x19e: {  	s30 =	sshll.u32 s31, $0x6  }
0x19f: {  	s29 =	sand.u32 $0x3FFFFDC0, s30;
	s28 =	smul.u32 $0x500, s31;
	[tilespmem:$0xCE20] =	vst v1  }
0x1a0: {  	v1 =	vld [tilespmem:s29+$0xC00]  }
0x1a1: {  	s28 =	sshra.s32 s28, $0x2;
	v2 =	vld [tilespmem:s29+$0xC10]  }
0x1a2: {  	v3 =	vld [tilespmem:s28+$0x2C00]  }
0x1a3: {  	v4 =	vld [tilespmem:s28+$0x2C10]  }
0x1a4: {  	v5 =	vld [tilespmem:s29+$0xC20]  }
0x1a5: {  	v6 =	vld [tilespmem:s28+$0x2C20]  }
0x1a6: {  	v7 =	vld [tilespmem:s29+$0xC30]  }
0x1a7: {  	v8 =	vld [tilespmem:s28+$0x2C30]  }
0x1a8: {  	v3 =	vmul.f32 v3, v1;
	v4 =	vmul.f32 v4, v2;
	_ =	sdelay $0x1  }
0x1a9: {  	v3 =	vadd.f32 v4, v3;
	v4 =	vmul.f32 v6, v5;
	_ =	sdelay $0x1  }
0x1aa: {  	v3 =	vadd.f32 v4, v3;
	v4 =	vmul.f32 v8, v7;
	_ =	sdelay $0x1  }
0x1ab: {  	v3 =	vadd.f32 v4, v3;
	_ =	sdelay $0x1  }
0x1ac: {  	[tilespmem:$0xCE30] =	vst v3  }
0x1ad: {  	v3 =	vld [tilespmem:s28+$0x2C40]  }
0x1ae: {  	v4 =	vld [tilespmem:s28+$0x2C50];
	_ =	sdelay $0x1  }
0x1af: {  	v6 =	vld [tilespmem:s28+$0x2C60];
	_ =	sdelay $0x1  }
0x1b0: {  	v8 =	vld [tilespmem:s28+$0x2C70]  }
0x1b1: {  	v3 =	vmul.f32 v3, v1;
	v4 =	vmul.f32 v4, v2;
	_ =	sdelay $0x1  }
0x1b2: {  	v3 =	vadd.f32 v4, v3;
	v4 =	vmul.f32 v6, v5;
	_ =	sdelay $0x1  }
0x1b3: {  	v3 =	vadd.f32 v4, v3;
	v4 =	vmul.f32 v8, v7;
	_ =	sdelay $0x1  }
0x1b4: {  	v3 =	vadd.f32 v4, v3;
	_ =	sdelay $0x1  }
0x1b5: {  	[tilespmem:$0xCE40] =	vst v3  }
0x1b6: {  	v3 =	vld [tilespmem:s28+$0x2C80]  }
0x1b7: {  	v4 =	vld [tilespmem:s28+$0x2C90];
	_ =	sdelay $0x1  }
0x1b8: {  	v6 =	vld [tilespmem:s28+$0x2CA0];
	_ =	sdelay $0x1  }
0x1b9: {  	v8 =	vld [tilespmem:s28+$0x2CB0]  }
0x1ba: {  	v3 =	vmul.f32 v3, v1;
	v4 =	vmul.f32 v4, v2;
	_ =	sdelay $0x1  }
0x1bb: {  	v3 =	vadd.f32 v4, v3;
	v4 =	vmul.f32 v6, v5;
	_ =	sdelay $0x1  }
0x1bc: {  	v3 =	vadd.f32 v4, v3;
	v4 =	vmul.f32 v8, v7;
	_ =	sdelay $0x1  }
0x1bd: {  	v3 =	vadd.f32 v4, v3;
	_ =	sdelay $0x1  }
0x1be: {  	[tilespmem:$0xCE50] =	vst v3  }
0x1bf: {  	v3 =	vld [tilespmem:s28+$0x2CC0]  }
0x1c0: {  	v4 =	vld [tilespmem:s28+$0x2CD0];
	_ =	sdelay $0x1  }
0x1c1: {  	v6 =	vld [tilespmem:s28+$0x2CE0];
	_ =	sdelay $0x1  }
0x1c2: {  	v8 =	vld [tilespmem:s28+$0x2CF0]  }
0x1c3: {  	v3 =	vmul.f32 v3, v1;
	v4 =	vmul.f32 v4, v2;
	_ =	sdelay $0x1  }
0x1c4: {  	v3 =	vadd.f32 v4, v3;
	v4 =	vmul.f32 v6, v5;
	_ =	sdelay $0x1  }
0x1c5: {  	v3 =	vadd.f32 v4, v3;
	v4 =	vmul.f32 v8, v7;
	_ =	sdelay $0x1  }
0x1c6: {  	v3 =	vadd.f32 v4, v3;
	_ =	sdelay $0x1  }
0x1c7: {  	[tilespmem:$0xCE60] =	vst v3  }
0x1c8: {  	v3 =	vld [tilespmem:s28+$0x2D00]  }
0x1c9: {  	v4 =	vld [tilespmem:s28+$0x2D10];
	_ =	sdelay $0x1  }
0x1ca: {  	v6 =	vld [tilespmem:s28+$0x2D20];
	_ =	sdelay $0x1  }
0x1cb: {  	v8 =	vld [tilespmem:s28+$0x2D30]  }
0x1cc: {  	v1 =	vmul.f32 v3, v1;
	v2 =	vmul.f32 v4, v2;
	_ =	sdelay $0x1  }
0x1cd: {  	v1 =	vadd.f32 v2, v1;
	v2 =	vmul.f32 v6, v5;
	_ =	sdelay $0x1  }
0x1ce: {  	v1 =	vadd.f32 v2, v1;
	v2 =	vmul.f32 v8, v7;
	_ =	sdelay $0x1  }
0x1cf: {  	s31 =	sor.u32 $0x8, s26;
	v1 =	vadd.f32 v2, v1  }
0x1d0: {  	s30 =	sshll.u32 s31, $0x6  }
0x1d1: {  	s29 =	sand.u32 $0x3FFFFE00, s30;
	s28 =	smul.u32 $0x500, s31;
	[tilespmem:$0xCE70] =	vst v1  }
0x1d2: {  	v1 =	vld [tilespmem:s29+$0xC00]  }
0x1d3: {  	s28 =	sshra.s32 s28, $0x2;
	v2 =	vld [tilespmem:s29+$0xC10]  }
0x1d4: {  	v3 =	vld [tilespmem:s28+$0x2C00]  }
0x1d5: {  	v4 =	vld [tilespmem:s28+$0x2C10]  }
0x1d6: {  	v5 =	vld [tilespmem:s29+$0xC20]  }
0x1d7: {  	v6 =	vld [tilespmem:s28+$0x2C20]  }
0x1d8: {  	v7 =	vld [tilespmem:s29+$0xC30]  }
0x1d9: {  	v8 =	vld [tilespmem:s28+$0x2C30]  }
0x1da: {  	v3 =	vmul.f32 v3, v1;
	v4 =	vmul.f32 v4, v2;
	_ =	sdelay $0x1  }
0x1db: {  	v3 =	vadd.f32 v4, v3;
	v4 =	vmul.f32 v6, v5;
	_ =	sdelay $0x1  }
0x1dc: {  	v3 =	vadd.f32 v4, v3;
	v4 =	vmul.f32 v8, v7;
	_ =	sdelay $0x1  }
0x1dd: {  	v3 =	vadd.f32 v4, v3;
	_ =	sdelay $0x1  }
0x1de: {  	[tilespmem:$0xCE80] =	vst v3  }
0x1df: {  	v3 =	vld [tilespmem:s28+$0x2C40]  }
0x1e0: {  	v4 =	vld [tilespmem:s28+$0x2C50];
	_ =	sdelay $0x1  }
0x1e1: {  	v6 =	vld [tilespmem:s28+$0x2C60];
	_ =	sdelay $0x1  }
0x1e2: {  	v8 =	vld [tilespmem:s28+$0x2C70]  }
0x1e3: {  	v3 =	vmul.f32 v3, v1;
	v4 =	vmul.f32 v4, v2;
	_ =	sdelay $0x1  }
0x1e4: {  	v3 =	vadd.f32 v4, v3;
	v4 =	vmul.f32 v6, v5;
	_ =	sdelay $0x1  }
0x1e5: {  	v3 =	vadd.f32 v4, v3;
	v4 =	vmul.f32 v8, v7;
	_ =	sdelay $0x1  }
0x1e6: {  	v3 =	vadd.f32 v4, v3;
	_ =	sdelay $0x1  }
0x1e7: {  	[tilespmem:$0xCE90] =	vst v3  }
0x1e8: {  	v3 =	vld [tilespmem:s28+$0x2C80]  }
0x1e9: {  	v4 =	vld [tilespmem:s28+$0x2C90];
	_ =	sdelay $0x1  }
0x1ea: {  	v6 =	vld [tilespmem:s28+$0x2CA0];
	_ =	sdelay $0x1  }
0x1eb: {  	v8 =	vld [tilespmem:s28+$0x2CB0]  }
0x1ec: {  	v3 =	vmul.f32 v3, v1;
	v4 =	vmul.f32 v4, v2;
	_ =	sdelay $0x1  }
0x1ed: {  	v3 =	vadd.f32 v4, v3;
	v4 =	vmul.f32 v6, v5;
	_ =	sdelay $0x1  }
0x1ee: {  	v3 =	vadd.f32 v4, v3;
	v4 =	vmul.f32 v8, v7;
	_ =	sdelay $0x1  }
0x1ef: {  	v3 =	vadd.f32 v4, v3;
	_ =	sdelay $0x1  }
0x1f0: {  	[tilespmem:$0xCEA0] =	vst v3  }
0x1f1: {  	v3 =	vld [tilespmem:s28+$0x2CC0]  }
0x1f2: {  	v4 =	vld [tilespmem:s28+$0x2CD0];
	_ =	sdelay $0x1  }
0x1f3: {  	v6 =	vld [tilespmem:s28+$0x2CE0];
	_ =	sdelay $0x1  }
0x1f4: {  	v8 =	vld [tilespmem:s28+$0x2CF0]  }
0x1f5: {  	v3 =	vmul.f32 v3, v1;
	v4 =	vmul.f32 v4, v2;
	_ =	sdelay $0x1  }
0x1f6: {  	v3 =	vadd.f32 v4, v3;
	v4 =	vmul.f32 v6, v5;
	_ =	sdelay $0x1  }
0x1f7: {  	v3 =	vadd.f32 v4, v3;
	v4 =	vmul.f32 v8, v7;
	_ =	sdelay $0x1  }
0x1f8: {  	v3 =	vadd.f32 v4, v3;
	_ =	sdelay $0x1  }
0x1f9: {  	[tilespmem:$0xCEB0] =	vst v3  }
0x1fa: {  	v3 =	vld [tilespmem:s28+$0x2D00]  }
0x1fb: {  	v4 =	vld [tilespmem:s28+$0x2D10];
	_ =	sdelay $0x1  }
0x1fc: {  	v6 =	vld [tilespmem:s28+$0x2D20];
	_ =	sdelay $0x1  }
0x1fd: {  	v8 =	vld [tilespmem:s28+$0x2D30]  }
0x1fe: {  	v1 =	vmul.f32 v3, v1;
	v2 =	vmul.f32 v4, v2;
	_ =	sdelay $0x1  }
0x1ff: {  	v1 =	vadd.f32 v2, v1;
	v2 =	vmul.f32 v6, v5;
	_ =	sdelay $0x1  }
0x200: {  	v1 =	vadd.f32 v2, v1;
	v2 =	vmul.f32 v8, v7;
	_ =	sdelay $0x1  }
0x201: {  	s31 =	sor.u32 $0x9, s26;
	v1 =	vadd.f32 v2, v1  }
0x202: {  	s30 =	sshll.u32 s31, $0x6  }
0x203: {  	s29 =	sand.u32 $0x3FFFFE40, s30;
	s28 =	smul.u32 $0x500, s31;
	[tilespmem:$0xCEC0] =	vst v1  }
0x204: {  	v1 =	vld [tilespmem:s29+$0xC00]  }
0x205: {  	s28 =	sshra.s32 s28, $0x2;
	v2 =	vld [tilespmem:s29+$0xC10]  }
0x206: {  	v3 =	vld [tilespmem:s28+$0x2C00]  }
0x207: {  	v4 =	vld [tilespmem:s28+$0x2C10]  }
0x208: {  	v5 =	vld [tilespmem:s29+$0xC20]  }
0x209: {  	v6 =	vld [tilespmem:s28+$0x2C20]  }
0x20a: {  	v7 =	vld [tilespmem:s29+$0xC30]  }
0x20b: {  	v8 =	vld [tilespmem:s28+$0x2C30]  }
0x20c: {  	v3 =	vmul.f32 v3, v1;
	v4 =	vmul.f32 v4, v2;
	_ =	sdelay $0x1  }
0x20d: {  	v3 =	vadd.f32 v4, v3;
	v4 =	vmul.f32 v6, v5;
	_ =	sdelay $0x1  }
0x20e: {  	v3 =	vadd.f32 v4, v3;
	v4 =	vmul.f32 v8, v7;
	_ =	sdelay $0x1  }
0x20f: {  	v3 =	vadd.f32 v4, v3;
	_ =	sdelay $0x1  }
0x210: {  	[tilespmem:$0xCED0] =	vst v3  }
0x211: {  	v3 =	vld [tilespmem:s28+$0x2C40]  }
0x212: {  	v4 =	vld [tilespmem:s28+$0x2C50];
	_ =	sdelay $0x1  }
0x213: {  	v6 =	vld [tilespmem:s28+$0x2C60];
	_ =	sdelay $0x1  }
0x214: {  	v8 =	vld [tilespmem:s28+$0x2C70]  }
0x215: {  	v3 =	vmul.f32 v3, v1;
	v4 =	vmul.f32 v4, v2;
	_ =	sdelay $0x1  }
0x216: {  	v3 =	vadd.f32 v4, v3;
	v4 =	vmul.f32 v6, v5;
	_ =	sdelay $0x1  }
0x217: {  	v3 =	vadd.f32 v4, v3;
	v4 =	vmul.f32 v8, v7;
	_ =	sdelay $0x1  }
0x218: {  	v3 =	vadd.f32 v4, v3;
	_ =	sdelay $0x1  }
0x219: {  	[tilespmem:$0xCEE0] =	vst v3  }
0x21a: {  	v3 =	vld [tilespmem:s28+$0x2C80]  }
0x21b: {  	v4 =	vld [tilespmem:s28+$0x2C90];
	_ =	sdelay $0x1  }
0x21c: {  	v6 =	vld [tilespmem:s28+$0x2CA0];
	_ =	sdelay $0x1  }
0x21d: {  	v8 =	vld [tilespmem:s28+$0x2CB0]  }
0x21e: {  	v3 =	vmul.f32 v3, v1;
	v4 =	vmul.f32 v4, v2;
	_ =	sdelay $0x1  }
0x21f: {  	v3 =	vadd.f32 v4, v3;
	v4 =	vmul.f32 v6, v5;
	_ =	sdelay $0x1  }
0x220: {  	v3 =	vadd.f32 v4, v3;
	v4 =	vmul.f32 v8, v7;
	_ =	sdelay $0x1  }
0x221: {  	v3 =	vadd.f32 v4, v3;
	_ =	sdelay $0x1  }
0x222: {  	[tilespmem:$0xCEF0] =	vst v3  }
0x223: {  	v3 =	vld [tilespmem:s28+$0x2CC0]  }
0x224: {  	v4 =	vld [tilespmem:s28+$0x2CD0];
	_ =	sdelay $0x1  }
0x225: {  	v6 =	vld [tilespmem:s28+$0x2CE0];
	_ =	sdelay $0x1  }
0x226: {  	v8 =	vld [tilespmem:s28+$0x2CF0]  }
0x227: {  	v3 =	vmul.f32 v3, v1;
	v4 =	vmul.f32 v4, v2;
	_ =	sdelay $0x1  }
0x228: {  	v3 =	vadd.f32 v4, v3;
	v4 =	vmul.f32 v6, v5;
	_ =	sdelay $0x1  }
0x229: {  	v3 =	vadd.f32 v4, v3;
	v4 =	vmul.f32 v8, v7;
	_ =	sdelay $0x1  }
0x22a: {  	v3 =	vadd.f32 v4, v3;
	_ =	sdelay $0x1  }
0x22b: {  	[tilespmem:$0xCF00] =	vst v3  }
0x22c: {  	v3 =	vld [tilespmem:s28+$0x2D00]  }
0x22d: {  	v4 =	vld [tilespmem:s28+$0x2D10];
	_ =	sdelay $0x1  }
0x22e: {  	v6 =	vld [tilespmem:s28+$0x2D20];
	_ =	sdelay $0x1  }
0x22f: {  	v8 =	vld [tilespmem:s28+$0x2D30]  }
0x230: {  	v1 =	vmul.f32 v3, v1;
	v2 =	vmul.f32 v4, v2;
	_ =	sdelay $0x1  }
0x231: {  	v1 =	vadd.f32 v2, v1;
	v2 =	vmul.f32 v6, v5;
	_ =	sdelay $0x1  }
0x232: {  	v1 =	vadd.f32 v2, v1;
	v2 =	vmul.f32 v8, v7;
	_ =	sdelay $0x1  }
0x233: {  	s31 =	sor.u32 $0xA, s26;
	v1 =	vadd.f32 v2, v1  }
0x234: {  	s30 =	sshll.u32 s31, $0x6  }
0x235: {  	s29 =	sand.u32 $0x3FFFFE80, s30;
	s28 =	smul.u32 $0x500, s31;
	[tilespmem:$0xCF10] =	vst v1  }
0x236: {  	v1 =	vld [tilespmem:s29+$0xC00]  }
0x237: {  	s28 =	sshra.s32 s28, $0x2;
	v2 =	vld [tilespmem:s29+$0xC10]  }
0x238: {  	v3 =	vld [tilespmem:s28+$0x2C00]  }
0x239: {  	v4 =	vld [tilespmem:s28+$0x2C10]  }
0x23a: {  	v5 =	vld [tilespmem:s29+$0xC20]  }
0x23b: {  	v6 =	vld [tilespmem:s28+$0x2C20]  }
0x23c: {  	v7 =	vld [tilespmem:s29+$0xC30]  }
0x23d: {  	v8 =	vld [tilespmem:s28+$0x2C30]  }
0x23e: {  	v3 =	vmul.f32 v3, v1;
	v4 =	vmul.f32 v4, v2;
	_ =	sdelay $0x1  }
0x23f: {  	v3 =	vadd.f32 v4, v3;
	v4 =	vmul.f32 v6, v5;
	_ =	sdelay $0x1  }
0x240: {  	v3 =	vadd.f32 v4, v3;
	v4 =	vmul.f32 v8, v7;
	_ =	sdelay $0x1  }
0x241: {  	v3 =	vadd.f32 v4, v3;
	_ =	sdelay $0x1  }
0x242: {  	[tilespmem:$0xCF20] =	vst v3  }
0x243: {  	v3 =	vld [tilespmem:s28+$0x2C40]  }
0x244: {  	v4 =	vld [tilespmem:s28+$0x2C50];
	_ =	sdelay $0x1  }
0x245: {  	v6 =	vld [tilespmem:s28+$0x2C60];
	_ =	sdelay $0x1  }
0x246: {  	v8 =	vld [tilespmem:s28+$0x2C70]  }
0x247: {  	v3 =	vmul.f32 v3, v1;
	v4 =	vmul.f32 v4, v2;
	_ =	sdelay $0x1  }
0x248: {  	v3 =	vadd.f32 v4, v3;
	v4 =	vmul.f32 v6, v5;
	_ =	sdelay $0x1  }
0x249: {  	v3 =	vadd.f32 v4, v3;
	v4 =	vmul.f32 v8, v7;
	_ =	sdelay $0x1  }
0x24a: {  	v3 =	vadd.f32 v4, v3;
	_ =	sdelay $0x1  }
0x24b: {  	[tilespmem:$0xCF30] =	vst v3  }
0x24c: {  	v3 =	vld [tilespmem:s28+$0x2C80]  }
0x24d: {  	v4 =	vld [tilespmem:s28+$0x2C90];
	_ =	sdelay $0x1  }
0x24e: {  	v6 =	vld [tilespmem:s28+$0x2CA0];
	_ =	sdelay $0x1  }
0x24f: {  	v8 =	vld [tilespmem:s28+$0x2CB0]  }
0x250: {  	v3 =	vmul.f32 v3, v1;
	v4 =	vmul.f32 v4, v2;
	_ =	sdelay $0x1  }
0x251: {  	v3 =	vadd.f32 v4, v3;
	v4 =	vmul.f32 v6, v5;
	_ =	sdelay $0x1  }
0x252: {  	v3 =	vadd.f32 v4, v3;
	v4 =	vmul.f32 v8, v7;
	_ =	sdelay $0x1  }
0x253: {  	v3 =	vadd.f32 v4, v3;
	_ =	sdelay $0x1  }
0x254: {  	[tilespmem:$0xCF40] =	vst v3  }
0x255: {  	v3 =	vld [tilespmem:s28+$0x2CC0]  }
0x256: {  	v4 =	vld [tilespmem:s28+$0x2CD0];
	_ =	sdelay $0x1  }
0x257: {  	v6 =	vld [tilespmem:s28+$0x2CE0];
	_ =	sdelay $0x1  }
0x258: {  	v8 =	vld [tilespmem:s28+$0x2CF0]  }
0x259: {  	v3 =	vmul.f32 v3, v1;
	v4 =	vmul.f32 v4, v2;
	_ =	sdelay $0x1  }
0x25a: {  	v3 =	vadd.f32 v4, v3;
	v4 =	vmul.f32 v6, v5;
	_ =	sdelay $0x1  }
0x25b: {  	v3 =	vadd.f32 v4, v3;
	v4 =	vmul.f32 v8, v7;
	_ =	sdelay $0x1  }
0x25c: {  	v3 =	vadd.f32 v4, v3;
	_ =	sdelay $0x1  }
0x25d: {  	[tilespmem:$0xCF50] =	vst v3  }
0x25e: {  	v3 =	vld [tilespmem:s28+$0x2D00]  }
0x25f: {  	v4 =	vld [tilespmem:s28+$0x2D10];
	_ =	sdelay $0x1  }
0x260: {  	v6 =	vld [tilespmem:s28+$0x2D20];
	_ =	sdelay $0x1  }
0x261: {  	v8 =	vld [tilespmem:s28+$0x2D30]  }
0x262: {  	v1 =	vmul.f32 v3, v1;
	v2 =	vmul.f32 v4, v2;
	_ =	sdelay $0x1  }
0x263: {  	v1 =	vadd.f32 v2, v1;
	v2 =	vmul.f32 v6, v5;
	_ =	sdelay $0x1  }
0x264: {  	v1 =	vadd.f32 v2, v1;
	v2 =	vmul.f32 v8, v7;
	_ =	sdelay $0x1  }
0x265: {  	s31 =	sor.u32 $0xB, s26;
	v1 =	vadd.f32 v2, v1  }
0x266: {  	s30 =	sshll.u32 s31, $0x6  }
0x267: {  	s29 =	sand.u32 $0x3FFFFEC0, s30;
	s28 =	smul.u32 $0x500, s31;
	[tilespmem:$0xCF60] =	vst v1  }
0x268: {  	v1 =	vld [tilespmem:s29+$0xC00]  }
0x269: {  	s28 =	sshra.s32 s28, $0x2;
	v2 =	vld [tilespmem:s29+$0xC10]  }
0x26a: {  	v3 =	vld [tilespmem:s28+$0x2C00]  }
0x26b: {  	v4 =	vld [tilespmem:s28+$0x2C10]  }
0x26c: {  	v5 =	vld [tilespmem:s29+$0xC20]  }
0x26d: {  	v6 =	vld [tilespmem:s28+$0x2C20]  }
0x26e: {  	v7 =	vld [tilespmem:s29+$0xC30]  }
0x26f: {  	v8 =	vld [tilespmem:s28+$0x2C30]  }
0x270: {  	v3 =	vmul.f32 v3, v1;
	v4 =	vmul.f32 v4, v2;
	_ =	sdelay $0x1  }
0x271: {  	v3 =	vadd.f32 v4, v3;
	v4 =	vmul.f32 v6, v5;
	_ =	sdelay $0x1  }
0x272: {  	v3 =	vadd.f32 v4, v3;
	v4 =	vmul.f32 v8, v7;
	_ =	sdelay $0x1  }
0x273: {  	v3 =	vadd.f32 v4, v3;
	_ =	sdelay $0x1  }
0x274: {  	[tilespmem:$0xCF70] =	vst v3  }
0x275: {  	v3 =	vld [tilespmem:s28+$0x2C40]  }
0x276: {  	v4 =	vld [tilespmem:s28+$0x2C50];
	_ =	sdelay $0x1  }
0x277: {  	v6 =	vld [tilespmem:s28+$0x2C60];
	_ =	sdelay $0x1  }
0x278: {  	v8 =	vld [tilespmem:s28+$0x2C70]  }
0x279: {  	v3 =	vmul.f32 v3, v1;
	v4 =	vmul.f32 v4, v2;
	_ =	sdelay $0x1  }
0x27a: {  	v3 =	vadd.f32 v4, v3;
	v4 =	vmul.f32 v6, v5;
	_ =	sdelay $0x1  }
0x27b: {  	v3 =	vadd.f32 v4, v3;
	v4 =	vmul.f32 v8, v7;
	_ =	sdelay $0x1  }
0x27c: {  	v3 =	vadd.f32 v4, v3;
	_ =	sdelay $0x1  }
0x27d: {  	[tilespmem:$0xCF80] =	vst v3  }
0x27e: {  	v3 =	vld [tilespmem:s28+$0x2C80]  }
0x27f: {  	v4 =	vld [tilespmem:s28+$0x2C90];
	_ =	sdelay $0x1  }
0x280: {  	v6 =	vld [tilespmem:s28+$0x2CA0];
	_ =	sdelay $0x1  }
0x281: {  	v8 =	vld [tilespmem:s28+$0x2CB0]  }
0x282: {  	v3 =	vmul.f32 v3, v1;
	v4 =	vmul.f32 v4, v2;
	_ =	sdelay $0x1  }
0x283: {  	v3 =	vadd.f32 v4, v3;
	v4 =	vmul.f32 v6, v5;
	_ =	sdelay $0x1  }
0x284: {  	v3 =	vadd.f32 v4, v3;
	v4 =	vmul.f32 v8, v7;
	_ =	sdelay $0x1  }
0x285: {  	v3 =	vadd.f32 v4, v3;
	_ =	sdelay $0x1  }
0x286: {  	[tilespmem:$0xCF90] =	vst v3  }
0x287: {  	v3 =	vld [tilespmem:s28+$0x2CC0]  }
0x288: {  	v4 =	vld [tilespmem:s28+$0x2CD0];
	_ =	sdelay $0x1  }
0x289: {  	v6 =	vld [tilespmem:s28+$0x2CE0];
	_ =	sdelay $0x1  }
0x28a: {  	v8 =	vld [tilespmem:s28+$0x2CF0]  }
0x28b: {  	v3 =	vmul.f32 v3, v1;
	v4 =	vmul.f32 v4, v2;
	_ =	sdelay $0x1  }
0x28c: {  	v3 =	vadd.f32 v4, v3;
	v4 =	vmul.f32 v6, v5;
	_ =	sdelay $0x1  }
0x28d: {  	v3 =	vadd.f32 v4, v3;
	v4 =	vmul.f32 v8, v7;
	_ =	sdelay $0x1  }
0x28e: {  	v3 =	vadd.f32 v4, v3;
	_ =	sdelay $0x1  }
0x28f: {  	[tilespmem:$0xCFA0] =	vst v3  }
0x290: {  	v3 =	vld [tilespmem:s28+$0x2D00]  }
0x291: {  	v4 =	vld [tilespmem:s28+$0x2D10];
	_ =	sdelay $0x1  }
0x292: {  	v6 =	vld [tilespmem:s28+$0x2D20];
	_ =	sdelay $0x1  }
0x293: {  	v8 =	vld [tilespmem:s28+$0x2D30]  }
0x294: {  	v1 =	vmul.f32 v3, v1;
	v2 =	vmul.f32 v4, v2;
	_ =	sdelay $0x1  }
0x295: {  	v1 =	vadd.f32 v2, v1;
	v2 =	vmul.f32 v6, v5;
	_ =	sdelay $0x1  }
0x296: {  	v1 =	vadd.f32 v2, v1;
	v2 =	vmul.f32 v8, v7;
	_ =	sdelay $0x1  }
0x297: {  	s31 =	sor.u32 $0xC, s26;
	v1 =	vadd.f32 v2, v1  }
0x298: {  	s30 =	sshll.u32 s31, $0x6  }
0x299: {  	s29 =	sand.u32 $0x3FFFFF00, s30;
	s28 =	smul.u32 $0x500, s31;
	[tilespmem:$0xCFB0] =	vst v1  }
0x29a: {  	v1 =	vld [tilespmem:s29+$0xC00]  }
0x29b: {  	s28 =	sshra.s32 s28, $0x2;
	v2 =	vld [tilespmem:s29+$0xC10]  }
0x29c: {  	v3 =	vld [tilespmem:s28+$0x2C00]  }
0x29d: {  	v4 =	vld [tilespmem:s28+$0x2C10]  }
0x29e: {  	v5 =	vld [tilespmem:s29+$0xC20]  }
0x29f: {  	v6 =	vld [tilespmem:s28+$0x2C20]  }
0x2a0: {  	v7 =	vld [tilespmem:s29+$0xC30]  }
0x2a1: {  	v8 =	vld [tilespmem:s28+$0x2C30]  }
0x2a2: {  	v3 =	vmul.f32 v3, v1;
	v4 =	vmul.f32 v4, v2;
	_ =	sdelay $0x1  }
0x2a3: {  	v3 =	vadd.f32 v4, v3;
	v4 =	vmul.f32 v6, v5;
	_ =	sdelay $0x1  }
0x2a4: {  	v3 =	vadd.f32 v4, v3;
	v4 =	vmul.f32 v8, v7;
	_ =	sdelay $0x1  }
0x2a5: {  	v3 =	vadd.f32 v4, v3;
	_ =	sdelay $0x1  }
0x2a6: {  	[tilespmem:$0xCFC0] =	vst v3  }
0x2a7: {  	v3 =	vld [tilespmem:s28+$0x2C40]  }
0x2a8: {  	v4 =	vld [tilespmem:s28+$0x2C50];
	_ =	sdelay $0x1  }
0x2a9: {  	v6 =	vld [tilespmem:s28+$0x2C60];
	_ =	sdelay $0x1  }
0x2aa: {  	v8 =	vld [tilespmem:s28+$0x2C70]  }
0x2ab: {  	v3 =	vmul.f32 v3, v1;
	v4 =	vmul.f32 v4, v2;
	_ =	sdelay $0x1  }
0x2ac: {  	v3 =	vadd.f32 v4, v3;
	v4 =	vmul.f32 v6, v5;
	_ =	sdelay $0x1  }
0x2ad: {  	v3 =	vadd.f32 v4, v3;
	v4 =	vmul.f32 v8, v7;
	_ =	sdelay $0x1  }
0x2ae: {  	v3 =	vadd.f32 v4, v3;
	_ =	sdelay $0x1  }
0x2af: {  	[tilespmem:$0xCFD0] =	vst v3  }
0x2b0: {  	v3 =	vld [tilespmem:s28+$0x2C80]  }
0x2b1: {  	v4 =	vld [tilespmem:s28+$0x2C90];
	_ =	sdelay $0x1  }
0x2b2: {  	v6 =	vld [tilespmem:s28+$0x2CA0];
	_ =	sdelay $0x1  }
0x2b3: {  	v8 =	vld [tilespmem:s28+$0x2CB0]  }
0x2b4: {  	v3 =	vmul.f32 v3, v1;
	v4 =	vmul.f32 v4, v2;
	_ =	sdelay $0x1  }
0x2b5: {  	v3 =	vadd.f32 v4, v3;
	v4 =	vmul.f32 v6, v5;
	_ =	sdelay $0x1  }
0x2b6: {  	v3 =	vadd.f32 v4, v3;
	v4 =	vmul.f32 v8, v7;
	_ =	sdelay $0x1  }
0x2b7: {  	v3 =	vadd.f32 v4, v3;
	_ =	sdelay $0x1  }
0x2b8: {  	[tilespmem:$0xCFE0] =	vst v3  }
0x2b9: {  	v3 =	vld [tilespmem:s28+$0x2CC0]  }
0x2ba: {  	v4 =	vld [tilespmem:s28+$0x2CD0];
	_ =	sdelay $0x1  }
0x2bb: {  	v6 =	vld [tilespmem:s28+$0x2CE0];
	_ =	sdelay $0x1  }
0x2bc: {  	v8 =	vld [tilespmem:s28+$0x2CF0]  }
0x2bd: {  	v3 =	vmul.f32 v3, v1;
	v4 =	vmul.f32 v4, v2;
	_ =	sdelay $0x1  }
0x2be: {  	v3 =	vadd.f32 v4, v3;
	v4 =	vmul.f32 v6, v5;
	_ =	sdelay $0x1  }
0x2bf: {  	v3 =	vadd.f32 v4, v3;
	v4 =	vmul.f32 v8, v7;
	_ =	sdelay $0x1  }
0x2c0: {  	v3 =	vadd.f32 v4, v3;
	_ =	sdelay $0x1  }
0x2c1: {  	[tilespmem:$0xCFF0] =	vst v3  }
0x2c2: {  	v3 =	vld [tilespmem:s28+$0x2D00]  }
0x2c3: {  	v4 =	vld [tilespmem:s28+$0x2D10];
	_ =	sdelay $0x1  }
0x2c4: {  	v6 =	vld [tilespmem:s28+$0x2D20];
	_ =	sdelay $0x1  }
0x2c5: {  	v8 =	vld [tilespmem:s28+$0x2D30]  }
0x2c6: {  	v1 =	vmul.f32 v3, v1;
	v2 =	vmul.f32 v4, v2;
	_ =	sdelay $0x1  }
0x2c7: {  	v1 =	vadd.f32 v2, v1;
	v2 =	vmul.f32 v6, v5;
	_ =	sdelay $0x1  }
0x2c8: {  	v1 =	vadd.f32 v2, v1;
	v2 =	vmul.f32 v8, v7;
	_ =	sdelay $0x1  }
0x2c9: {  	s31 =	sor.u32 $0xD, s26;
	v1 =	vadd.f32 v2, v1  }
0x2ca: {  	s30 =	sshll.u32 s31, $0x6  }
0x2cb: {  	s29 =	sand.u32 $0x3FFFFF40, s30;
	s28 =	smul.u32 $0x500, s31;
	[tilespmem:$0xD000] =	vst v1  }
0x2cc: {  	v1 =	vld [tilespmem:s29+$0xC00]  }
0x2cd: {  	s28 =	sshra.s32 s28, $0x2;
	v2 =	vld [tilespmem:s29+$0xC10]  }
0x2ce: {  	v3 =	vld [tilespmem:s28+$0x2C00]  }
0x2cf: {  	v4 =	vld [tilespmem:s28+$0x2C10]  }
0x2d0: {  	v5 =	vld [tilespmem:s29+$0xC20]  }
0x2d1: {  	v6 =	vld [tilespmem:s28+$0x2C20]  }
0x2d2: {  	v7 =	vld [tilespmem:s29+$0xC30]  }
0x2d3: {  	v8 =	vld [tilespmem:s28+$0x2C30]  }
0x2d4: {  	v3 =	vmul.f32 v3, v1;
	v4 =	vmul.f32 v4, v2;
	_ =	sdelay $0x1  }
0x2d5: {  	v3 =	vadd.f32 v4, v3;
	v4 =	vmul.f32 v6, v5;
	_ =	sdelay $0x1  }
0x2d6: {  	v3 =	vadd.f32 v4, v3;
	v4 =	vmul.f32 v8, v7;
	_ =	sdelay $0x1  }
0x2d7: {  	v3 =	vadd.f32 v4, v3;
	_ =	sdelay $0x1  }
0x2d8: {  	[tilespmem:$0xD010] =	vst v3  }
0x2d9: {  	v3 =	vld [tilespmem:s28+$0x2C40]  }
0x2da: {  	v4 =	vld [tilespmem:s28+$0x2C50];
	_ =	sdelay $0x1  }
0x2db: {  	v6 =	vld [tilespmem:s28+$0x2C60];
	_ =	sdelay $0x1  }
0x2dc: {  	v8 =	vld [tilespmem:s28+$0x2C70]  }
0x2dd: {  	v3 =	vmul.f32 v3, v1;
	v4 =	vmul.f32 v4, v2;
	_ =	sdelay $0x1  }
0x2de: {  	v3 =	vadd.f32 v4, v3;
	v4 =	vmul.f32 v6, v5;
	_ =	sdelay $0x1  }
0x2df: {  	v3 =	vadd.f32 v4, v3;
	v4 =	vmul.f32 v8, v7;
	_ =	sdelay $0x1  }
0x2e0: {  	v3 =	vadd.f32 v4, v3;
	_ =	sdelay $0x1  }
0x2e1: {  	[tilespmem:$0xD020] =	vst v3  }
0x2e2: {  	v3 =	vld [tilespmem:s28+$0x2C80]  }
0x2e3: {  	v4 =	vld [tilespmem:s28+$0x2C90];
	_ =	sdelay $0x1  }
0x2e4: {  	v6 =	vld [tilespmem:s28+$0x2CA0];
	_ =	sdelay $0x1  }
0x2e5: {  	v8 =	vld [tilespmem:s28+$0x2CB0]  }
0x2e6: {  	v3 =	vmul.f32 v3, v1;
	v4 =	vmul.f32 v4, v2;
	_ =	sdelay $0x1  }
0x2e7: {  	v3 =	vadd.f32 v4, v3;
	v4 =	vmul.f32 v6, v5;
	_ =	sdelay $0x1  }
0x2e8: {  	v3 =	vadd.f32 v4, v3;
	v4 =	vmul.f32 v8, v7;
	_ =	sdelay $0x1  }
0x2e9: {  	v3 =	vadd.f32 v4, v3;
	_ =	sdelay $0x1  }
0x2ea: {  	[tilespmem:$0xD030] =	vst v3  }
0x2eb: {  	v3 =	vld [tilespmem:s28+$0x2CC0]  }
0x2ec: {  	v4 =	vld [tilespmem:s28+$0x2CD0];
	_ =	sdelay $0x1  }
0x2ed: {  	v6 =	vld [tilespmem:s28+$0x2CE0];
	_ =	sdelay $0x1  }
0x2ee: {  	v8 =	vld [tilespmem:s28+$0x2CF0]  }
0x2ef: {  	v3 =	vmul.f32 v3, v1;
	v4 =	vmul.f32 v4, v2;
	_ =	sdelay $0x1  }
0x2f0: {  	v3 =	vadd.f32 v4, v3;
	v4 =	vmul.f32 v6, v5;
	_ =	sdelay $0x1  }
0x2f1: {  	v3 =	vadd.f32 v4, v3;
	v4 =	vmul.f32 v8, v7;
	_ =	sdelay $0x1  }
0x2f2: {  	v3 =	vadd.f32 v4, v3;
	_ =	sdelay $0x1  }
0x2f3: {  	[tilespmem:$0xD040] =	vst v3  }
0x2f4: {  	v3 =	vld [tilespmem:s28+$0x2D00]  }
0x2f5: {  	v4 =	vld [tilespmem:s28+$0x2D10];
	_ =	sdelay $0x1  }
0x2f6: {  	v6 =	vld [tilespmem:s28+$0x2D20];
	_ =	sdelay $0x1  }
0x2f7: {  	v8 =	vld [tilespmem:s28+$0x2D30]  }
0x2f8: {  	v1 =	vmul.f32 v3, v1;
	v2 =	vmul.f32 v4, v2;
	_ =	sdelay $0x1  }
0x2f9: {  	v1 =	vadd.f32 v2, v1;
	v2 =	vmul.f32 v6, v5;
	_ =	sdelay $0x1  }
0x2fa: {  	v1 =	vadd.f32 v2, v1;
	v2 =	vmul.f32 v8, v7;
	_ =	sdelay $0x1  }
0x2fb: {  	s26 =	sor.u32 $0xE, s26;
	v1 =	vadd.f32 v2, v1  }
0x2fc: {  	s31 =	sshll.u32 s26, $0x6  }
0x2fd: {  	s26 =	smul.u32 $0x500, s26;
	s28 =	sand.u32 $0x3FFFFF80, s31;
	[tilespmem:$0xD050] =	vst v1  }
0x2fe: {  	v1 =	vld [tilespmem:s28+$0xC00]  }
0x2ff: {  	s26 =	sshra.s32 s26, $0x2;
	v2 =	vld [tilespmem:s28+$0xC10]  }
0x300: {  	v3 =	vld [tilespmem:s26+$0x2C00]  }
0x301: {  	v4 =	vld [tilespmem:s26+$0x2C10]  }
0x302: {  	v5 =	vld [tilespmem:s28+$0xC20]  }
0x303: {  	v6 =	vld [tilespmem:s26+$0x2C20]  }
0x304: {  	v7 =	vld [tilespmem:s28+$0xC30]  }
0x305: {  	v8 =	vld [tilespmem:s26+$0x2C30]  }
0x306: {  	v3 =	vmul.f32 v3, v1;
	v4 =	vmul.f32 v4, v2;
	_ =	sdelay $0x1  }
0x307: {  	v3 =	vadd.f32 v4, v3;
	v4 =	vmul.f32 v6, v5;
	_ =	sdelay $0x1  }
0x308: {  	v3 =	vadd.f32 v4, v3;
	v4 =	vmul.f32 v8, v7;
	_ =	sdelay $0x1  }
0x309: {  	v3 =	vadd.f32 v4, v3;
	_ =	sdelay $0x1  }
0x30a: {  	[tilespmem:$0xD060] =	vst v3  }
0x30b: {  	v3 =	vld [tilespmem:s26+$0x2C40]  }
0x30c: {  	v4 =	vld [tilespmem:s26+$0x2C50];
	_ =	sdelay $0x1  }
0x30d: {  	v6 =	vld [tilespmem:s26+$0x2C60];
	_ =	sdelay $0x1  }
0x30e: {  	v8 =	vld [tilespmem:s26+$0x2C70]  }
0x30f: {  	v3 =	vmul.f32 v3, v1;
	v4 =	vmul.f32 v4, v2;
	_ =	sdelay $0x1  }
0x310: {  	v3 =	vadd.f32 v4, v3;
	v4 =	vmul.f32 v6, v5;
	_ =	sdelay $0x1  }
0x311: {  	v3 =	vadd.f32 v4, v3;
	v4 =	vmul.f32 v8, v7;
	_ =	sdelay $0x1  }
0x312: {  	v3 =	vadd.f32 v4, v3;
	_ =	sdelay $0x1  }
0x313: {  	[tilespmem:$0xD070] =	vst v3  }
0x314: {  	v3 =	vld [tilespmem:s26+$0x2C80]  }
0x315: {  	v4 =	vld [tilespmem:s26+$0x2C90];
	_ =	sdelay $0x1  }
0x316: {  	v6 =	vld [tilespmem:s26+$0x2CA0];
	_ =	sdelay $0x1  }
0x317: {  	v8 =	vld [tilespmem:s26+$0x2CB0]  }
0x318: {  	v3 =	vmul.f32 v3, v1;
	v4 =	vmul.f32 v4, v2;
	_ =	sdelay $0x1  }
0x319: {  	v3 =	vadd.f32 v4, v3;
	v4 =	vmul.f32 v6, v5;
	_ =	sdelay $0x1  }
0x31a: {  	v3 =	vadd.f32 v4, v3;
	v4 =	vmul.f32 v8, v7;
	_ =	sdelay $0x1  }
0x31b: {  	v3 =	vadd.f32 v4, v3;
	_ =	sdelay $0x1  }
0x31c: {  	[tilespmem:$0xD080] =	vst v3  }
0x31d: {  	v3 =	vld [tilespmem:s26+$0x2CC0]  }
0x31e: {  	v4 =	vld [tilespmem:s26+$0x2CD0];
	_ =	sdelay $0x1  }
0x31f: {  	v6 =	vld [tilespmem:s26+$0x2CE0];
	_ =	sdelay $0x1  }
0x320: {  	v8 =	vld [tilespmem:s26+$0x2CF0]  }
0x321: {  	v3 =	vmul.f32 v3, v1;
	v4 =	vmul.f32 v4, v2;
	_ =	sdelay $0x1  }
0x322: {  	v3 =	vadd.f32 v4, v3;
	v4 =	vmul.f32 v6, v5;
	_ =	sdelay $0x1  }
0x323: {  	v3 =	vadd.f32 v4, v3;
	v4 =	vmul.f32 v8, v7;
	_ =	sdelay $0x1  }
0x324: {  	v3 =	vadd.f32 v4, v3;
	_ =	sdelay $0x1  }
0x325: {  	[tilespmem:$0xD090] =	vst v3  }
0x326: {  	v3 =	vld [tilespmem:s26+$0x2D00]  }
0x327: {  	v4 =	vld [tilespmem:s26+$0x2D10];
	_ =	sdelay $0x1  }
0x328: {  	v6 =	vld [tilespmem:s26+$0x2D20];
	_ =	sdelay $0x1  }
0x329: {  	v8 =	vld [tilespmem:s26+$0x2D30]  }
0x32a: {  	v1 =	vmul.f32 v3, v1;
	v2 =	vmul.f32 v4, v2;
	_ =	sdelay $0x1  }
0x32b: {  	v1 =	vadd.f32 v2, v1;
	v2 =	vmul.f32 v6, v5;
	_ =	sdelay $0x1  }
0x32c: {  	v1 =	vadd.f32 v2, v1;
	v2 =	vmul.f32 v8, v7;
	_ =	sdelay $0x1  }
0x32d: {  	s29 =	sshllo.u32 s25, $0x4;
	v1 =	vadd.f32 v2, v1  }
0x32e: {  	s30 =	sshll.u32 s29, $0x6  }
0x32f: {  	s28 =	sand.u32 $0x3FFFFFC0, s30;
	s26 =	smul.u32 $0x500, s29;
	[tilespmem:$0xD0A0] =	vst v1  }
0x330: {  	v1 =	vld [tilespmem:s28+$0xC00]  }
0x331: {  	s26 =	sshra.s32 s26, $0x2;
	v2 =	vld [tilespmem:s28+$0xC10]  }
0x332: {  	v3 =	vld [tilespmem:s26+$0x2C00]  }
0x333: {  	v4 =	vld [tilespmem:s26+$0x2C10]  }
0x334: {  	v5 =	vld [tilespmem:s28+$0xC20]  }
0x335: {  	v6 =	vld [tilespmem:s26+$0x2C20]  }
0x336: {  	v7 =	vld [tilespmem:s28+$0xC30]  }
0x337: {  	v8 =	vld [tilespmem:s26+$0x2C30]  }
0x338: {  	v3 =	vmul.f32 v3, v1;
	v4 =	vmul.f32 v4, v2;
	_ =	sdelay $0x1  }
0x339: {  	v3 =	vadd.f32 v4, v3;
	v4 =	vmul.f32 v6, v5;
	_ =	sdelay $0x1  }
0x33a: {  	v3 =	vadd.f32 v4, v3;
	v4 =	vmul.f32 v8, v7;
	_ =	sdelay $0x1  }
0x33b: {  	v3 =	vadd.f32 v4, v3;
	_ =	sdelay $0x1  }
0x33c: {  	[tilespmem:$0xD0B0] =	vst v3  }
0x33d: {  	v3 =	vld [tilespmem:s26+$0x2C40]  }
0x33e: {  	v4 =	vld [tilespmem:s26+$0x2C50];
	_ =	sdelay $0x1  }
0x33f: {  	v6 =	vld [tilespmem:s26+$0x2C60];
	_ =	sdelay $0x1  }
0x340: {  	v8 =	vld [tilespmem:s26+$0x2C70]  }
0x341: {  	v3 =	vmul.f32 v3, v1;
	v4 =	vmul.f32 v4, v2;
	_ =	sdelay $0x1  }
0x342: {  	v3 =	vadd.f32 v4, v3;
	v4 =	vmul.f32 v6, v5;
	_ =	sdelay $0x1  }
0x343: {  	v3 =	vadd.f32 v4, v3;
	v4 =	vmul.f32 v8, v7;
	_ =	sdelay $0x1  }
0x344: {  	v3 =	vadd.f32 v4, v3;
	_ =	sdelay $0x1  }
0x345: {  	[tilespmem:$0xD0C0] =	vst v3  }
0x346: {  	v3 =	vld [tilespmem:s26+$0x2C80]  }
0x347: {  	v4 =	vld [tilespmem:s26+$0x2C90];
	_ =	sdelay $0x1  }
0x348: {  	v6 =	vld [tilespmem:s26+$0x2CA0];
	_ =	sdelay $0x1  }
0x349: {  	v8 =	vld [tilespmem:s26+$0x2CB0]  }
0x34a: {  	v3 =	vmul.f32 v3, v1;
	v4 =	vmul.f32 v4, v2;
	_ =	sdelay $0x1  }
0x34b: {  	v3 =	vadd.f32 v4, v3;
	v4 =	vmul.f32 v6, v5;
	_ =	sdelay $0x1  }
0x34c: {  	v3 =	vadd.f32 v4, v3;
	v4 =	vmul.f32 v8, v7;
	_ =	sdelay $0x1  }
0x34d: {  	v3 =	vadd.f32 v4, v3;
	_ =	sdelay $0x1  }
0x34e: {  	[tilespmem:$0xD0D0] =	vst v3  }
0x34f: {  	v3 =	vld [tilespmem:s26+$0x2CC0]  }
0x350: {  	v4 =	vld [tilespmem:s26+$0x2CD0];
	_ =	sdelay $0x1  }
0x351: {  	v6 =	vld [tilespmem:s26+$0x2CE0];
	_ =	sdelay $0x1  }
0x352: {  	v8 =	vld [tilespmem:s26+$0x2CF0]  }
0x353: {  	v3 =	vmul.f32 v3, v1;
	v4 =	vmul.f32 v4, v2;
	_ =	sdelay $0x1  }
0x354: {  	v3 =	vadd.f32 v4, v3;
	v4 =	vmul.f32 v6, v5;
	_ =	sdelay $0x1  }
0x355: {  	v3 =	vadd.f32 v4, v3;
	v4 =	vmul.f32 v8, v7;
	_ =	sdelay $0x1  }
0x356: {  	v3 =	vadd.f32 v4, v3;
	_ =	sdelay $0x1  }
0x357: {  	[tilespmem:$0xD0E0] =	vst v3  }
0x358: {  	v3 =	vld [tilespmem:s26+$0x2D00]  }
0x359: {  	v4 =	vld [tilespmem:s26+$0x2D10];
	_ =	sdelay $0x1  }
0x35a: {  	v6 =	vld [tilespmem:s26+$0x2D20];
	_ =	sdelay $0x1  }
0x35b: {  	v8 =	vld [tilespmem:s26+$0x2D30]  }
0x35c: {  	v1 =	vmul.f32 v3, v1;
	v2 =	vmul.f32 v4, v2;
	_ =	sdelay $0x1  }
0x35d: {  	v1 =	vadd.f32 v2, v1;
	v2 =	vmul.f32 v6, v5;
	_ =	sdelay $0x1  }
0x35e: {  	v1 =	vadd.f32 v2, v1;
	v2 =	vmul.f32 v8, v7;
	v7 =	vld [tilespmem:$0x1FFE0];
	_ =	sdelay $0x1  }
0x35f: {  	v8 =	vld [tilespmem:$0x1FFF0];
	_ =	sdelay $0x1  }
0x360: {  	v1 =	vadd.f32 v2, v1;
	_ =	sdelay $0x1  }
0x361: {  	[tilespmem:$0xD0F0] =	vst v1  }
0x362: {  	v1 =	vld.idx.msk [tilespmem:v0+s20+$0x0], $0xffff  }
0x363: {  	v2 =	vld.idx.msk [tilespmem:v7+s20+$0x0], $0xffff;
	_ =	sdelay $0x1  }
0x364: {  	v3 =	vld.idx.msk [tilespmem:v8+s20+$0x0], $0xffff;
	_ =	sdelay $0x1  }
0x365: {  	v4 =	vld.idx.msk [tilespmem:v11+s20+$0x0], $0xffff  }
0x366: {  	v1 =	vadd.f32 v2, v1  }
0x367: {  	v2 =	vld.idx.msk [tilespmem:v12+s20+$0x0], $0xffff  }
0x368: {  	v1 =	vadd.f32 v3, v1  }
0x369: {  	v3 =	vld.idx.msk [tilespmem:v13+s20+$0x0], $0xffff  }
0x36a: {  	v1 =	vadd.f32 v4, v1  }
0x36b: {  	v4 =	vld.idx.msk [tilespmem:v14+s20+$0x0], $0xffff  }
0x36c: {  	v1 =	vadd.f32 v2, v1  }
0x36d: {  	v2 =	vld.idx.msk [tilespmem:v15+s20+$0x0], $0xffff  }
0x36e: {  	v1 =	vadd.f32 v3, v1  }
0x36f: {  	v3 =	vld.idx.msk [tilespmem:v16+s20+$0x0], $0xffff  }
0x370: {  	v1 =	vadd.f32 v4, v1  }
0x371: {  	v4 =	vld.idx.msk [tilespmem:v17+s20+$0x0], $0xffff  }
0x372: {  	v1 =	vadd.f32 v2, v1  }
0x373: {  	v2 =	vld.idx.msk [tilespmem:v18+s20+$0x0], $0xffff  }
0x374: {  	v1 =	vadd.f32 v3, v1  }
0x375: {  	v3 =	vld.idx.msk [tilespmem:v19+s20+$0x0], $0xffff  }
0x376: {  	v1 =	vadd.f32 v4, v1  }
0x377: {  	v4 =	vld.idx.msk [tilespmem:v20+s20+$0x0], $0xffff  }
0x378: {  	v1 =	vadd.f32 v2, v1  }
0x379: {  	v2 =	vld.idx.msk [tilespmem:v21+s20+$0x0], $0xffff  }
0x37a: {  	v1 =	vadd.f32 v3, v1  }
0x37b: {  	v3 =	vld.idx.msk [tilespmem:v22+s20+$0x0], $0xffff  }
0x37c: {  	v1 =	vadd.f32 v4, v1  }
0x37d: {  	v4 =	vld.idx.msk [tilespmem:v23+s20+$0x0], $0xffff  }
0x37e: {  	v1 =	vadd.f32 v2, v1;
	_ =	sdelay $0x1  }
0x37f: {  	v1 =	vadd.f32 v3, v1  }
0x380: {  	s31 =	smul.u32 $0x140, s25  }
0x381: {  	v1 =	vadd.f32 v4, v1  }
0x382: {  	s26 =	sshra.s32 s31, $0x2  }
0x383: {  	[tilespmem:s26+$0xD100] =	vst v1  }
0x384: {  	v1 =	vld.idx.msk [tilespmem:v24+s20+$0x0], $0xffff  }
0x385: {  	v2 =	vld.idx.msk [tilespmem:v25+s20+$0x0], $0xffff;
	_ =	sdelay $0x1  }
0x386: {  	v3 =	vld.idx.msk [tilespmem:v26+s20+$0x0], $0xffff;
	_ =	sdelay $0x1  }
0x387: {  	v4 =	vld.idx.msk [tilespmem:v27+s20+$0x0], $0xffff  }
0x388: {  	v1 =	vadd.f32 v2, v1  }
0x389: {  	v2 =	vld.idx.msk [tilespmem:v28+s20+$0x0], $0xffff  }
0x38a: {  	v1 =	vadd.f32 v3, v1  }
0x38b: {  	v3 =	vld.idx.msk [tilespmem:v29+s20+$0x0], $0xffff  }
0x38c: {  	v1 =	vadd.f32 v4, v1  }
0x38d: {  	v4 =	vld.idx.msk [tilespmem:v30+s20+$0x0], $0xffff  }
0x38e: {  	v1 =	vadd.f32 v2, v1  }
0x38f: {  	v2 =	vld.idx.msk [tilespmem:v31+s20+$0x0], $0xffff  }
0x390: {  	v1 =	vadd.f32 v3, v1  }
0x391: {  	v3 =	vld.idx.msk [tilespmem:v32+s20+$0x0], $0xffff  }
0x392: {  	v1 =	vadd.f32 v4, v1  }
0x393: {  	v4 =	vld.idx.msk [tilespmem:v33+s20+$0x0], $0xffff  }
0x394: {  	v1 =	vadd.f32 v2, v1  }
0x395: {  	v2 =	vld.idx.msk [tilespmem:v34+s20+$0x0], $0xffff  }
0x396: {  	v1 =	vadd.f32 v3, v1  }
0x397: {  	v3 =	vld.idx.msk [tilespmem:v35+s20+$0x0], $0xffff  }
0x398: {  	v1 =	vadd.f32 v4, v1  }
0x399: {  	v4 =	vld.idx.msk [tilespmem:v36+s20+$0x0], $0xffff  }
0x39a: {  	v1 =	vadd.f32 v2, v1  }
0x39b: {  	v2 =	vld.idx.msk [tilespmem:v37+s20+$0x0], $0xffff  }
0x39c: {  	v1 =	vadd.f32 v3, v1  }
0x39d: {  	v3 =	vld.idx.msk [tilespmem:v38+s20+$0x0], $0xffff  }
0x39e: {  	v1 =	vadd.f32 v4, v1  }
0x39f: {  	v4 =	vld.idx.msk [tilespmem:v39+s20+$0x0], $0xffff  }
0x3a0: {  	v1 =	vadd.f32 v2, v1;
	_ =	sdelay $0x1  }
0x3a1: {  	v1 =	vadd.f32 v3, v1;
	_ =	sdelay $0x1  }
0x3a2: {  	v1 =	vadd.f32 v4, v1;
	_ =	sdelay $0x1  }
0x3a3: {  	[tilespmem:s26+$0xD110] =	vst v1  }
0x3a4: {  	v1 =	vld.idx.msk [tilespmem:v40+s20+$0x0], $0xffff  }
0x3a5: {  	v2 =	vld.idx.msk [tilespmem:v41+s20+$0x0], $0xffff;
	_ =	sdelay $0x1  }
0x3a6: {  	v3 =	vld.idx.msk [tilespmem:v42+s20+$0x0], $0xffff;
	_ =	sdelay $0x1  }
0x3a7: {  	v4 =	vld.idx.msk [tilespmem:v43+s20+$0x0], $0xffff  }
0x3a8: {  	v1 =	vadd.f32 v2, v1  }
0x3a9: {  	v2 =	vld.idx.msk [tilespmem:v44+s20+$0x0], $0xffff  }
0x3aa: {  	v1 =	vadd.f32 v3, v1  }
0x3ab: {  	v3 =	vld.idx.msk [tilespmem:v45+s20+$0x0], $0xffff  }
0x3ac: {  	v1 =	vadd.f32 v4, v1  }
0x3ad: {  	v4 =	vld.idx.msk [tilespmem:v46+s20+$0x0], $0xffff  }
0x3ae: {  	v1 =	vadd.f32 v2, v1  }
0x3af: {  	v2 =	vld.idx.msk [tilespmem:v47+s20+$0x0], $0xffff  }
0x3b0: {  	v1 =	vadd.f32 v3, v1  }
0x3b1: {  	v3 =	vld.idx.msk [tilespmem:v48+s20+$0x0], $0xffff  }
0x3b2: {  	v1 =	vadd.f32 v4, v1  }
0x3b3: {  	v4 =	vld.idx.msk [tilespmem:v49+s20+$0x0], $0xffff  }
0x3b4: {  	v1 =	vadd.f32 v2, v1  }
0x3b5: {  	v2 =	vld.idx.msk [tilespmem:v50+s20+$0x0], $0xffff  }
0x3b6: {  	v1 =	vadd.f32 v3, v1  }
0x3b7: {  	v3 =	vld.idx.msk [tilespmem:v51+s20+$0x0], $0xffff  }
0x3b8: {  	v1 =	vadd.f32 v4, v1  }
0x3b9: {  	v4 =	vld.idx.msk [tilespmem:v52+s20+$0x0], $0xffff  }
0x3ba: {  	v1 =	vadd.f32 v2, v1  }
0x3bb: {  	v2 =	vld.idx.msk [tilespmem:v53+s20+$0x0], $0xffff  }
0x3bc: {  	v1 =	vadd.f32 v3, v1  }
0x3bd: {  	v3 =	vld.idx.msk [tilespmem:v54+s20+$0x0], $0xffff  }
0x3be: {  	v1 =	vadd.f32 v4, v1  }
0x3bf: {  	v4 =	vld.idx.msk [tilespmem:v55+s20+$0x0], $0xffff  }
0x3c0: {  	v1 =	vadd.f32 v2, v1;
	_ =	sdelay $0x1  }
0x3c1: {  	v1 =	vadd.f32 v3, v1;
	_ =	sdelay $0x1  }
0x3c2: {  	v1 =	vadd.f32 v4, v1;
	_ =	sdelay $0x1  }
0x3c3: {  	[tilespmem:s26+$0xD120] =	vst v1  }
0x3c4: {  	v1 =	vld.idx.msk [tilespmem:v56+s20+$0x0], $0xffff  }
0x3c5: {  	v2 =	vld.idx.msk [tilespmem:v57+s20+$0x0], $0xffff;
	_ =	sdelay $0x1  }
0x3c6: {  	v3 =	vld.idx.msk [tilespmem:v58+s20+$0x0], $0xffff;
	_ =	sdelay $0x1  }
0x3c7: {  	v4 =	vld.idx.msk [tilespmem:v59+s20+$0x0], $0xffff  }
0x3c8: {  	v1 =	vadd.f32 v2, v1  }
0x3c9: {  	v2 =	vld.idx.msk [tilespmem:v60+s20+$0x0], $0xffff  }
0x3ca: {  	v1 =	vadd.f32 v3, v1  }
0x3cb: {  	v3 =	vld.idx.msk [tilespmem:v61+s20+$0x0], $0xffff  }
0x3cc: {  	v1 =	vadd.f32 v4, v1  }
0x3cd: {  	v4 =	vld.idx.msk [tilespmem:v62+s20+$0x0], $0xffff  }
0x3ce: {  	v1 =	vadd.f32 v2, v1  }
0x3cf: {  	v2 =	vld.idx.msk [tilespmem:v63+s20+$0x0], $0xffff  }
0x3d0: {  	v1 =	vadd.f32 v3, v1  }
0x3d1: {  	v3 =	vld.idx.msk [tilespmem:v10+s20+$0x0], $0xffff  }
0x3d2: {  	v1 =	vadd.f32 v4, v1  }
0x3d3: {  	v4 =	vld.idx.msk [tilespmem:v9+s20+$0x0], $0xffff  }
0x3d4: {  	v1 =	vadd.f32 v2, v1;
	v2 =	vld [tilespmem:$0x1FF80];
	_ =	sdelay $0x1  }
0x3d5: {  	v1 =	vadd.f32 v3, v1;
	v3 =	vld [tilespmem:$0x1FF90];
	_ =	sdelay $0x1  }
0x3d6: {  	v1 =	vadd.f32 v4, v1;
	v4 =	vld [tilespmem:$0x1FFA0];
	_ =	sdelay $0x3  }
0x3d7: {  	v2 =	vld.idx.msk [tilespmem:v2+s20+$0x0], $0xffff;
	_ =	sdelay $0x1  }
0x3d8: {  	v3 =	vld.idx.msk [tilespmem:v3+s20+$0x0], $0xffff;
	_ =	sdelay $0x1  }
0x3d9: {  	v4 =	vld.idx.msk [tilespmem:v4+s20+$0x0], $0xffff  }
0x3da: {  	v1 =	vadd.f32 v2, v1;
	v2 =	vld [tilespmem:$0x1FFB0];
	_ =	sdelay $0x1  }
0x3db: {  	v1 =	vadd.f32 v3, v1;
	v3 =	vld [tilespmem:$0x1FFC0];
	_ =	sdelay $0x1  }
0x3dc: {  	v1 =	vadd.f32 v4, v1;
	v4 =	vld [tilespmem:$0x1FFD0];
	_ =	sdelay $0x3  }
0x3dd: {  	v2 =	vld.idx.msk [tilespmem:v2+s20+$0x0], $0xffff;
	_ =	sdelay $0x1  }
0x3de: {  	v3 =	vld.idx.msk [tilespmem:v3+s20+$0x0], $0xffff;
	_ =	sdelay $0x1  }
0x3df: {  	v4 =	vld.idx.msk [tilespmem:v4+s20+$0x0], $0xffff  }
0x3e0: {  	v1 =	vadd.f32 v2, v1;
	_ =	sdelay $0x1  }
0x3e1: {  	v2 =	vor.u32 $0x400, v0;
	v1 =	vadd.f32 v3, v1  }
0x3e2: {  	v3 =	vor.u32 $0x401, v0  }
0x3e3: {  	v1 =	vadd.f32 v4, v1  }
0x3e4: {  	v4 =	vor.u32 $0x402, v0  }
0x3e5: {  	[tilespmem:s26+$0xD130] =	vst v1  }
0x3e6: {  	v1 =	vld.idx.msk [tilespmem:v2+s20+$0x0], $0xffff;
	v2 =	vor.u32 $0x403, v0  }
0x3e7: {  	v3 =	vld.idx.msk [tilespmem:v3+s20+$0x0], $0xffff  }
0x3e8: {  	v5 =	vor.u32 $0x404, v0  }
0x3e9: {  	v4 =	vld.idx.msk [tilespmem:v4+s20+$0x0], $0xffff  }
0x3ea: {  	v6 =	vor.u32 $0x405, v0  }
0x3eb: {  	v2 =	vld.idx.msk [tilespmem:v2+s20+$0x0], $0xffff  }
0x3ec: {  	v1 =	vadd.f32 v3, v1;
	v3 =	vor.u32 $0x406, v0  }
0x3ed: {  	v5 =	vld.idx.msk [tilespmem:v5+s20+$0x0], $0xffff  }
0x3ee: {  	v1 =	vadd.f32 v4, v1;
	v4 =	vor.u32 $0x407, v0  }
0x3ef: {  	v6 =	vld.idx.msk [tilespmem:v6+s20+$0x0], $0xffff  }
0x3f0: {  	v1 =	vadd.f32 v2, v1;
	v2 =	vor.u32 $0x408, v0  }
0x3f1: {  	v3 =	vld.idx.msk [tilespmem:v3+s20+$0x0], $0xffff  }
0x3f2: {  	v1 =	vadd.f32 v5, v1;
	v5 =	vor.u32 $0x409, v0  }
0x3f3: {  	v4 =	vld.idx.msk [tilespmem:v4+s20+$0x0], $0xffff  }
0x3f4: {  	v1 =	vadd.f32 v6, v1;
	v6 =	vor.u32 $0x40A, v0  }
0x3f5: {  	v2 =	vld.idx.msk [tilespmem:v2+s20+$0x0], $0xffff  }
0x3f6: {  	v1 =	vadd.f32 v3, v1;
	v3 =	vor.u32 $0x40B, v0  }
0x3f7: {  	v5 =	vld.idx.msk [tilespmem:v5+s20+$0x0], $0xffff  }
0x3f8: {  	v1 =	vadd.f32 v4, v1;
	v4 =	vor.u32 $0x40C, v0  }
0x3f9: {  	v6 =	vld.idx.msk [tilespmem:v6+s20+$0x0], $0xffff  }
0x3fa: {  	v1 =	vadd.f32 v2, v1;
	v2 =	vor.u32 $0x40D, v0  }
0x3fb: {  	v3 =	vld.idx.msk [tilespmem:v3+s20+$0x0], $0xffff  }
0x3fc: {  	v1 =	vadd.f32 v5, v1;
	v5 =	vor.u32 $0x40E, v0  }
0x3fd: {  	v4 =	vld.idx.msk [tilespmem:v4+s20+$0x0], $0xffff  }
0x3fe: {  	v1 =	vadd.f32 v6, v1;
	v6 =	vor.u32 $0x40F, v0  }
0x3ff: {  	v2 =	vld.idx.msk [tilespmem:v2+s20+$0x0], $0xffff  }
0x400: {  	v1 =	vadd.f32 v3, v1  }
0x401: {  	v3 =	vld.idx.msk [tilespmem:v5+s20+$0x0], $0xffff  }
0x402: {  	v1 =	vadd.f32 v4, v1  }
0x403: {  	v4 =	vld.idx.msk [tilespmem:v6+s20+$0x0], $0xffff  }
0x404: {  	v1 =	vadd.f32 v2, v1  }
0x405: {  	p0 =	sne.s32 s25, $0x7  }
.Ltmp0:
0x406: {  	v1 =	vadd.f32 v3, v1;
	(pc) =	sbr.rel @p0 .LBB2_3-.Ltmp0, $3  }
0x407: {  	_ = 	snop  }
0x408: {  	v1 =	vadd.f32 v4, v1;
	_ =	sdelay $0x1  }
0x409: {  	s25 =	sadd.s32 $0x1, s25;
	[tilespmem:s26+$0xD140] =	vst v1  }
0x40a: {  	s24 =	sadd.s32 s6, s24  }
0x40b: {  	s24 =	smul.u32 $0x5, s24  }
0x40c: {  	s23 =	sadd.s32 $0x1, s23  }
0x40d: {  	p0 =	sne.s32 s23, $0x4;
	s24 =	sshrl.u32 s24, $0x3  }
.Ltmp1:
0x40e: {  	s24 =	sadd.s32 s1, s24;
	(pc) =	sbr.rel @p0 .LBB2_2-.Ltmp1, $4  }
0x40f: {  	[hbm4b:s24+s2] =	stream.linear.scatter [tilespmem:s21], [sflag:$0x2], $0x280, $0x38;
	[tilespmem:$0xD380] =	vst v63  }
0x410: {  	_ =	swait.ge [sflag:s10], $0x280  }
0x411: {  	[sflag:s10] =	ssyncset.done $0x0  }
0x412: {  	[sflag:s10] =	ssyncadd.s32 $0xFFFFFD80  }
0x413: {  	s22 =	sadd.s32 $0x1, s22  }
0x414: {  	p0 =	sne.s32 s22, s9  }
.Ltmp2:
0x415: {  	_ = 	snop;
	(pc) =	sbr.rel @p0 .LBB2_1-.Ltmp2, $1  }
0x416: {  	_ =	sdelay $0x3  }
0x417: {  	_ =	sfence.sel $0x180000  }
0x418: {  	[bflag:$0x0] =	sbarrier.arrive $0xFFFF  }
0x419: {  	p0 =	sne.s32 s3, $0x0;
	_ =	strace $0x90000047  }
0x41a: {  	s0 =	sadd.s32 @!p0 $0x100000, s0;
	[bflag:$0x2] =	sbarrier.arrive $0xFFFF  }
0x41b: {  	[sflag:s0] =	ssyncadd.tile.s32 @!p0 $0x1;
	_ =	shalt  }
.Lfunc_end2:
_tile_overlayer_lowered:
.L_overlay_start_2:
0x41c: {  	(tag) =	ssettag $0x2  }
0x41d: {  	s0 =	rddreg [dreg:$0x0];
	s2 =	stileid.u32  }
0x41e: {  	s1 =	rddreg [dreg:$0x1];
	p0 =	sne.s32 s2, $0x0  }
0x41f: {  	s3 =	rddreg [dreg:$0x2];
	[bflag:$0x3] =	sbarrier.arrive $0xFFFF;
	s2 =	simm.s32 @!p0 $0x1C02  }
0x420: {  	[timem:s3], [sflag:s2] =	dma.local @!p0 [hbm:s0], s1  }
0x421: {  	s0 =	simm.s32 @!p0 $0x2  }
0x422: {  	_ =	swait.ge @!p0 [sflag:s0], s1  }
0x423: {  	s1 =	ssub.s32 @!p0 $0x0, s1;
	[sflag:s0] =	ssyncset.done @!p0 $0x0  }
0x424: {  	[sflag:s0] =	ssyncadd.s32 @!p0 s1  }
0x425: {  	[bflag:$0x3] =	sbarrier.arrive $0xFFFF  }
0x426: {  	_ =	shalt  }

</sc_bundles>
